<compile_context>
chip_gen: v7x
topology: tpu7x:2x2x1
jax: 0.10.2.dev20260603
libtpu: 0.0.44.dev20260713+nightly
codegen_flags: <defaults>
</compile_context>

<pallas_src>
import jax
import jax.numpy as jnp
from jax import lax
from jax.experimental import pallas as pl
from jax.experimental.pallas import tpu as pltpu
from jax.experimental.pallas import tpu_sc as plsc

_N = 10000
_E = 320000
_H = 128
_LATENT = 256
_NRBF = 16
_MAXZ = 100
_CUTOFF = 6.0
_LANES = 16

_NC, _NS = 2, 16
_NW = _NC * _NS
_EW = _E // _NW
_K = 80
_NCHUNK = _EW // _K
_RPT = _N // _NS

_BN = 2000
_BE = 2560

_f32 = jnp.float32
_bf16 = jnp.bfloat16


def _dot_bf16(a, b):
    return jnp.dot(a.astype(_bf16), b.astype(_bf16), preferred_element_type=_f32)


def _cart_body(pf_ref, ln_ref, an_ref, out_ref):
    pf = pf_ref[...]
    f = pf - jnp.floor(pf)
    ln = ln_ref[...]
    rad = an_ref[...] * (jnp.pi / 180.0)
    ca = jnp.cos(rad[:, 0:1])
    cb = jnp.cos(rad[:, 1:2])
    cg = jnp.cos(rad[:, 2:3])
    sg = jnp.sin(rad[:, 2:3])
    a = ln[:, 0:1]
    b = ln[:, 1:2]
    c = ln[:, 2:3]
    cx = cb
    cy = (ca - cb * cg) / sg
    cz = jnp.sqrt(jnp.maximum(1.0 - cx * cx - cy * cy, 1e-6))
    tb = lambda x: x.astype(_bf16).astype(_f32)
    f0, f1, f2 = tb(f[:, 0:1]), tb(f[:, 1:2]), tb(f[:, 2:3])
    l00, l10, l20 = tb(a), tb(b * cg), tb(c * cx)
    l11, l21 = tb(b * sg), tb(c * cy)
    l22 = tb(c * cz)
    cartx = (f0 * l00 + f1 * l10) + f2 * l20
    carty = f1 * l11 + f2 * l21
    cartz = f2 * l22
    pad = jnp.zeros((pf.shape[0], _LANES - 3), _f32)
    out_ref[...] = jnp.concatenate([cartx, carty, cartz, pad], axis=1)


_cart_call = pl.pallas_call(
    _cart_body,
    grid=(_N // _BN,),
    in_specs=[pl.BlockSpec((_BN, 3), lambda i: (i, 0))] * 3,
    out_specs=pl.BlockSpec((_BN, _LANES), lambda i: (i, 0)),
    out_shape=jax.ShapeDtypeStruct((_N, _LANES), _f32),
)


def _geom_body(v_ref, wr_ref, bm_ref, cen_ref, u_ref, r_ref):
    v = v_ref[...]
    d2 = jnp.sum(v * v, axis=1, keepdims=True)
    dist = jnp.sqrt(d2) + 1e-8
    u_ref[...] = v / dist
    rbf = jnp.exp(-2.0 * (dist - cen_ref[...]) ** 2)
    r_ref[...] = _dot_bf16(rbf, wr_ref[...]) + bm_ref[...]


_geom_call = pl.pallas_call(
    _geom_body,
    grid=(_E // _BE,),
    in_specs=[
        pl.BlockSpec((_BE, _LANES), lambda i: (i, 0)),
        pl.BlockSpec((_NRBF, _H), lambda i: (0, 0)),
        pl.BlockSpec((1, _H), lambda i: (0, 0)),
        pl.BlockSpec((1, _NRBF), lambda i: (0, 0)),
    ],
    out_specs=[
        pl.BlockSpec((_BE, _LANES), lambda i: (i, 0)),
        pl.BlockSpec((_BE, _H), lambda i: (i, 0)),
    ],
    out_shape=[
        jax.ShapeDtypeStruct((_E, _LANES), _f32),
        jax.ShapeDtypeStruct((_E, _H), _f32),
    ],
)


def _proj_body(h_ref, ws_ref, wd_ref, hs_ref, hd_ref):
    h = h_ref[...]
    hs_ref[...] = _dot_bf16(h, ws_ref[...])
    hd_ref[...] = _dot_bf16(h, wd_ref[...])


_proj_call = pl.pallas_call(
    _proj_body,
    grid=(_N // _BN,),
    in_specs=[
        pl.BlockSpec((_BN, _H), lambda i: (i, 0)),
        pl.BlockSpec((_H, _H), lambda i: (0, 0)),
        pl.BlockSpec((_H, _H), lambda i: (0, 0)),
    ],
    out_specs=[pl.BlockSpec((_BN, _H), lambda i: (i, 0))] * 2,
    out_shape=[jax.ShapeDtypeStruct((_N, _H), _f32)] * 2,
)


def _update_body(h_ref, a0_ref, a1_ref, wu_ref, bu_ref, ws_ref, wd_ref,
                 hn_ref, hs_ref, hd_ref):
    agg = a0_ref[...] + a1_ref[...]
    hn = h_ref[...] + jnp.maximum(_dot_bf16(agg, wu_ref[...]) + bu_ref[...], 0.0)
    hn_ref[...] = hn
    hs_ref[...] = _dot_bf16(hn, ws_ref[...])
    hd_ref[...] = _dot_bf16(hn, wd_ref[...])


_update_call = pl.pallas_call(
    _update_body,
    grid=(_N // _BN,),
    in_specs=[
        pl.BlockSpec((_BN, _H), lambda i: (i, 0)),
        pl.BlockSpec((_BN, _H), lambda i: (i, 0)),
        pl.BlockSpec((_BN, _H), lambda i: (i, 0)),
        pl.BlockSpec((_H, _H), lambda i: (0, 0)),
        pl.BlockSpec((1, _H), lambda i: (0, 0)),
        pl.BlockSpec((_H, _H), lambda i: (0, 0)),
        pl.BlockSpec((_H, _H), lambda i: (0, 0)),
    ],
    out_specs=[pl.BlockSpec((_BN, _H), lambda i: (i, 0))] * 3,
    out_shape=[jax.ShapeDtypeStruct((_N, _H), _f32)] * 3,
)


def _force_body(m_ref, u_ref, wf_ref, fu_ref):
    mm = m_ref[...].astype(_bf16).astype(_f32)
    ww = wf_ref[...].astype(_bf16).astype(_f32)
    f = jnp.sum(mm * ww, axis=1, keepdims=True)
    fu_ref[...] = f * u_ref[...]


_force_call = pl.pallas_call(
    _force_body,
    grid=(_E // _BE,),
    in_specs=[
        pl.BlockSpec((_BE, _H), lambda i: (i, 0)),
        pl.BlockSpec((_BE, _LANES), lambda i: (i, 0)),
        pl.BlockSpec((1, _H), lambda i: (0, 0)),
    ],
    out_specs=pl.BlockSpec((_BE, _LANES), lambda i: (i, 0)),
    out_shape=jax.ShapeDtypeStruct((_E, _LANES), _f32),
)


def _final_body(h_ref, z_ref, wh_ref, wz_ref, b_ref, f0_ref, f1_ref,
                log_ref, d_ref):
    zz = z_ref[...]
    log_ref[...] = (
        (_dot_bf16(h_ref[...], wh_ref[...]) + _dot_bf16(zz[:, :_H], wz_ref[:_H, :]))
        + _dot_bf16(zz[:, _H:], wz_ref[_H:, :])
    ) + b_ref[...]
    d_ref[...] = f0_ref[...] + f1_ref[...]


_final_call = pl.pallas_call(
    _final_body,
    grid=(_N // _BN,),
    in_specs=[
        pl.BlockSpec((_BN, _H), lambda i: (i, 0)),
        pl.BlockSpec((_BN, _LATENT), lambda i: (i, 0)),
        pl.BlockSpec((_H, _MAXZ), lambda i: (0, 0)),
        pl.BlockSpec((_LATENT, _MAXZ), lambda i: (0, 0)),
        pl.BlockSpec((1, _MAXZ), lambda i: (0, 0)),
        pl.BlockSpec((_BN, _LANES), lambda i: (i, 0)),
        pl.BlockSpec((_BN, _LANES), lambda i: (i, 0)),
    ],
    out_specs=[
        pl.BlockSpec((_BN, _MAXZ), lambda i: (i, 0)),
        pl.BlockSpec((_BN, _LANES), lambda i: (i, 0)),
    ],
    out_shape=[
        jax.ShapeDtypeStruct((_N, _MAXZ), _f32),
        jax.ShapeDtypeStruct((_N, _LANES), _f32),
    ],
)


def _vec_body(cart_hbm, sd_hbm, out_hbm, sd0, sd1, a0, b0, a1, b1,
              sa0, sb0, sa1, sb1, ss0, ss1):
    cid = lax.axis_index("c")
    sid = lax.axis_index("s")
    wid = sid * _NC + cid
    ebase = wid * _EW
    bufs = ((sd0, a0, b0, sa0, sb0, ss0), (sd1, a1, b1, sa1, sb1, ss1))

    def issue(ci, p, drain):
        sd, a, b, sa, sb, ss = bufs[p]

        def _drain():
            pltpu.make_async_copy(a, out_hbm.at[pl.ds(ebase + (ci - 2) * _K2, _K2)], ss).wait()

        if drain is True:
            _drain()
        elif drain is not False:
            pl.when(drain)(_drain)
        pltpu.sync_copy(sd_hbm.at[wid, ci], sd)
        pltpu.async_copy(cart_hbm.at[sd.at[0]], a, sa)
        pltpu.async_copy(cart_hbm.at[sd.at[1]], b, sb)

    def finish(ci, p):
        sd, a, b, sa, sb, ss = bufs[p]
        pltpu.make_async_copy(cart_hbm.at[sd.at[0]], a, sa).wait()
        pltpu.make_async_copy(cart_hbm.at[sd.at[1]], b, sb).wait()

        def row(i, cr):
            a[i, :] = a[i, :] - b[i, :]
            return cr

        lax.fori_loop(0, _K2, row, 0)
        pltpu.async_copy(a, out_hbm.at[pl.ds(ebase + ci * _K2, _K2)], ss)

    issue(0, 0, False)

    def pair(g, carry):
        ci0 = 2 * g
        issue(ci0 + 1, 1, g > 0)
        finish(ci0, 0)

        @pl.when(g < _NCHUNK2 // 2 - 1)
        def _():
            issue(ci0 + 2, 0, True)

        finish(ci0 + 1, 1)
        return carry

    lax.fori_loop(0, _NCHUNK2 // 2, pair, 0)
    for p, ci in ((0, _NCHUNK2 - 2), (1, _NCHUNK2 - 1)):
        sd, a, b, sa, sb, ss = bufs[p]
        pltpu.make_async_copy(a, out_hbm.at[pl.ds(ebase + ci * _K2, _K2)], ss).wait()


def _vec_call_build():
  return pl.kernel(
    _vec_body,
    out_type=jax.ShapeDtypeStruct((_E, _LANES), _f32),
    mesh=plsc.VectorSubcoreMesh(core_axis_name="c", subcore_axis_name="s", num_cores=_NC, num_subcores=_NS),
    compiler_params=pltpu.CompilerParams(use_tc_tiling_on_sc=False),
    scratch_types=[
        pltpu.VMEM((2, _K2), jnp.int32),
        pltpu.VMEM((2, _K2), jnp.int32),
        pltpu.VMEM((_K2, _LANES), _f32),
        pltpu.VMEM((_K2, _LANES), _f32),
        pltpu.VMEM((_K2, _LANES), _f32),
        pltpu.VMEM((_K2, _LANES), _f32),
        pltpu.SemaphoreType.DMA,
        pltpu.SemaphoreType.DMA,
        pltpu.SemaphoreType.DMA,
        pltpu.SemaphoreType.DMA,
        pltpu.SemaphoreType.DMA,
        pltpu.SemaphoreType.DMA,
    ],
  )


_AW = 25
_AK = 80


def _embg_body(emb_hbm, t_hbm, out_hbm, tidx, rbuf, sg):
    cid = lax.axis_index("c")
    sid = lax.axis_index("s")
    wid = sid * _NC + cid
    base = wid * (_AK * 5)

    @pl.when(wid < _AW)
    def _():
        def chunk(ci, carry):
            off = base + ci * _AK
            pltpu.sync_copy(t_hbm.at[pl.ds(off, _AK)], tidx)
            pltpu.async_copy(emb_hbm.at[tidx], rbuf, sg).wait()
            pltpu.sync_copy(rbuf, out_hbm.at[pl.ds(off, _AK)])
            return carry

        lax.fori_loop(0, 5, chunk, 0)


def _embg_call_build():
    return pl.kernel(
        _embg_body,
        out_type=jax.ShapeDtypeStruct((_N, _H), _f32),
        mesh=plsc.VectorSubcoreMesh(core_axis_name="c", subcore_axis_name="s", num_cores=_NC, num_subcores=_NS),
        compiler_params=pltpu.CompilerParams(use_tc_tiling_on_sc=False),
        scratch_types=[
            pltpu.VMEM((_AK,), jnp.int32),
            pltpu.VMEM((_AK, _H), _f32),
            pltpu.SemaphoreType.DMA,
        ],
    )


_K2 = 40
_NCHUNK2 = _EW // _K2


def _make_msgpass(write_m):

    def body(hs_hbm, hd_hbm, rbf_hbm, sd_hbm, zeros_hbm, out_hbm,
             sd0, sd1, a0, b0, c0, a1, b1, c1, sA0, sB0, sC0, sA1,
             sB1, sC1, sS0, sS1, *rest):
        cid = lax.axis_index("c")
        sid = lax.axis_index("s")
        wid = sid * _NC + cid
        if not write_m:
            acc = rest[0]
            pltpu.sync_copy(zeros_hbm.at[pl.ds(sid * _RPT, _RPT)],
                            acc.at[pl.ds(sid * _RPT, _RPT)])
            plsc.subcore_barrier()
        ebase = wid * _EW
        bufs = ((sd0, a0, b0, c0, sA0, sB0, sC0, sS0),
                (sd1, a1, b1, c1, sA1, sB1, sC1, sS1))

        def outdst(a, sd, ci):
            off = ebase + ci * _K2
            if write_m:
                return out_hbm.at[pl.ds(off, _K2)]
            return acc.at[sd.at[1]]

        def issue(ci, p, drain):
            sd, a, b, c, sa, sb, sc_, ss = bufs[p]
            off = ebase + ci * _K2

            def _drain():
                pltpu.make_async_copy(a, outdst(a, sd, ci - 2), ss).wait()

            if drain is True:
                _drain()
            elif drain is not False:
                pl.when(drain)(_drain)

            pltpu.sync_copy(sd_hbm.at[wid, ci], sd)
            pltpu.async_copy(hs_hbm.at[sd.at[0]], a, sa)
            pltpu.async_copy(hd_hbm.at[sd.at[1]], b, sb)
            pltpu.async_copy(rbf_hbm.at[pl.ds(off, _K2)], c, sc_)

        def finish(ci, p):
            sd, a, b, c, sa, sb, sc_, ss = bufs[p]
            off = ebase + ci * _K2
            pltpu.make_async_copy(hs_hbm.at[sd.at[0]], a, sa).wait()
            pltpu.make_async_copy(hd_hbm.at[sd.at[1]], b, sb).wait()
            pltpu.make_async_copy(rbf_hbm.at[pl.ds(off, _K2)], c, sc_).wait()

            def row(i, cr):
                for j in range(_H // _LANES):
                    sl = pl.ds(j * _LANES, _LANES)
                    x = a[i, sl] + b[i, sl] + c[i, sl]
                    a[i, sl] = jnp.maximum(x, 0.0)
                return cr

            lax.fori_loop(0, _K2, row, 0)
            if write_m:
                pltpu.async_copy(a, out_hbm.at[pl.ds(off, _K2)], ss)
            else:
                pltpu.async_copy(a, acc.at[sd.at[1]], ss, add=True)

        issue(0, 0, False)

        def pair(g, carry):
            ci0 = 2 * g
            issue(ci0 + 1, 1, g > 0)
            finish(ci0, 0)

            @pl.when(g < _NCHUNK2 // 2 - 1)
            def _():
                issue(ci0 + 2, 0, True)

            finish(ci0 + 1, 1)
            return carry

        lax.fori_loop(0, _NCHUNK2 // 2, pair, 0)
        for p, ci in ((0, _NCHUNK2 - 2), (1, _NCHUNK2 - 1)):
            sd, a, b, c, sa, sb, sc_, ss = bufs[p]
            pltpu.make_async_copy(a, outdst(a, sd, ci), ss).wait()
        if not write_m:
            plsc.subcore_barrier()
            pltpu.sync_copy(acc.at[pl.ds(sid * _RPT, _RPT)],
                            out_hbm.at[cid, pl.ds(sid * _RPT, _RPT)])

    if write_m:
        out_type = jax.ShapeDtypeStruct((_E, _H), _f32)
    else:
        out_type = jax.ShapeDtypeStruct((_NC, _N, _H), _f32)
    scratch = [
        pltpu.VMEM((2, _K2), jnp.int32),
        pltpu.VMEM((2, _K2), jnp.int32),
        pltpu.VMEM((_K2, _H), _f32),
        pltpu.VMEM((_K2, _H), _f32),
        pltpu.VMEM((_K2, _H), _f32),
        pltpu.VMEM((_K2, _H), _f32),
        pltpu.VMEM((_K2, _H), _f32),
        pltpu.VMEM((_K2, _H), _f32),
        pltpu.SemaphoreType.DMA,
        pltpu.SemaphoreType.DMA,
        pltpu.SemaphoreType.DMA,
        pltpu.SemaphoreType.DMA,
        pltpu.SemaphoreType.DMA,
        pltpu.SemaphoreType.DMA,
        pltpu.SemaphoreType.DMA,
        pltpu.SemaphoreType.DMA,
    ]
    if not write_m:
        scratch.append(pltpu.VMEM_SHARED((_N, _H), _f32))
    return pl.kernel(
        body,
        out_type=out_type,
        mesh=plsc.VectorSubcoreMesh(core_axis_name="c", subcore_axis_name="s", num_cores=_NC, num_subcores=_NS),
        compiler_params=pltpu.CompilerParams(use_tc_tiling_on_sc=False),
        scratch_types=scratch,
    )


def _fuscat_body(fu_hbm, sd_hbm, zeros_hbm, out_hbm, sd0, sd1, f0, f1,
                 sf0, sf1, ss0, ss1, acc):
    cid = lax.axis_index("c")
    sid = lax.axis_index("s")
    wid = sid * _NC + cid
    pltpu.sync_copy(zeros_hbm.at[pl.ds(sid * _RPT, _RPT)],
                    acc.at[pl.ds(sid * _RPT, _RPT)])
    plsc.subcore_barrier()
    ebase = wid * _EW
    bufs = ((sd0, f0, sf0, ss0), (sd1, f1, sf1, ss1))

    def issue(ci, p, drain):
        sd, f, sf, ss = bufs[p]

        def _drain():
            pltpu.make_async_copy(f, acc.at[sd.at[1]], ss).wait()

        if drain is True:
            _drain()
        elif drain is not False:
            pl.when(drain)(_drain)
        pltpu.sync_copy(sd_hbm.at[wid, ci], sd)
        pltpu.async_copy(fu_hbm.at[pl.ds(ebase + ci * _K2, _K2)], f, sf)

    def finish(ci, p):
        sd, f, sf, ss = bufs[p]
        pltpu.make_async_copy(fu_hbm.at[pl.ds(ebase + ci * _K2, _K2)], f, sf).wait()
        pltpu.async_copy(f, acc.at[sd.at[1]], ss, add=True)

    issue(0, 0, False)

    def pair(g, carry):
        ci0 = 2 * g
        issue(ci0 + 1, 1, g > 0)
        finish(ci0, 0)

        @pl.when(g < _NCHUNK2 // 2 - 1)
        def _():
            issue(ci0 + 2, 0, True)

        finish(ci0 + 1, 1)
        return carry

    lax.fori_loop(0, _NCHUNK2 // 2, pair, 0)
    for p in (0, 1):
        sd, f, sf, ss = bufs[p]
        pltpu.make_async_copy(f, acc.at[sd.at[1]], ss).wait()
    plsc.subcore_barrier()
    pltpu.sync_copy(acc.at[pl.ds(sid * _RPT, _RPT)],
                    out_hbm.at[cid, pl.ds(sid * _RPT, _RPT)])


def _fuscat_call_build():
  return pl.kernel(
    _fuscat_body,
    out_type=jax.ShapeDtypeStruct((_NC, _N, _LANES), _f32),
    mesh=plsc.VectorSubcoreMesh(core_axis_name="c", subcore_axis_name="s", num_cores=_NC, num_subcores=_NS),
    compiler_params=pltpu.CompilerParams(use_tc_tiling_on_sc=False),
    scratch_types=[
        pltpu.VMEM((2, _K2), jnp.int32),
        pltpu.VMEM((2, _K2), jnp.int32),
        pltpu.VMEM((_K2, _LANES), _f32),
        pltpu.VMEM((_K2, _LANES), _f32),
        pltpu.SemaphoreType.DMA,
        pltpu.SemaphoreType.DMA,
        pltpu.SemaphoreType.DMA,
        pltpu.SemaphoreType.DMA,
        pltpu.VMEM_SHARED((_N, _LANES), _f32),
    ],
  )


import functools as _functools


@_functools.lru_cache(maxsize=None)
def _sc_kernels():
    return (_vec_call_build(), _make_msgpass(False), _make_msgpass(True),
            _fuscat_call_build(), _embg_call_build())


def kernel(z, t, pred_frac_coords, pred_atom_types, num_atoms, lengths,
           angles, edge_index, emb_table, W_msg, b_msg, W_upd, b_upd, W_F,
           fc_atom_W, fc_atom_b):
    src = edge_index[0].astype(jnp.int32)
    dst = edge_index[1].astype(jnp.int32)
    Ws = W_msg[:_H]
    Wd = W_msg[_H:2 * _H]
    Wr = W_msg[2 * _H:]
    bm = b_msg.reshape(1, _H)
    bu = b_upd.reshape(1, _H)
    wf = W_F.reshape(1, _H)
    Wh = fc_atom_W[:_H]
    Wz = fc_atom_W[_H:]
    fb = fc_atom_b.reshape(1, _MAXZ)
    centers = jnp.linspace(0.0, _CUTOFF, _NRBF, dtype=_f32).reshape(1, _NRBF)
    types1 = pred_atom_types.astype(jnp.int32)
    zerosNH = jnp.zeros((_N, _H), _f32)
    sd2 = jnp.stack([src.reshape(_NW, _NCHUNK2, _K2),
                     dst.reshape(_NW, _NCHUNK2, _K2)], axis=2)
    zerosN16 = jnp.zeros((_N, _LANES), _f32)

    _vec_call, _msgpass_agg, _msgpass_m, _fuscat_call, _embg_call = _sc_kernels()
    cart16 = _cart_call(pred_frac_coords, lengths, angles)
    vec16 = _vec_call(cart16, sd2)
    unit16, rbfWb = _geom_call(vec16, Wr, bm, centers)
    h = _embg_call(emb_table, types1)
    hs, hd = _proj_call(h, Ws, Wd)
    for _ in range(2):
        agg2 = _msgpass_agg(hs, hd, rbfWb, sd2, zerosNH)
        h, hs, hd = _update_call(h, agg2[0], agg2[1], W_upd, bu, Ws, Wd)
    m = _msgpass_m(hs, hd, rbfWb, sd2, zerosNH)
    fu16 = _force_call(m, unit16, wf)
    fu2 = _fuscat_call(fu16, sd2, zerosN16)
    logits, diff16 = _final_call(h, z, Wh, Wz, fb, fu2[0], fu2[1])
    return diff16[:, :3], logits

# --- scband reference (transcript-rebuilt; emitter-appended) ---
"""Pipeline reference for scband-gem-net-tdecoder-78898549227820 (READ-ONLY COPY).

The authoritative reference and input builder live on the scoring server;
editing this copy changes nothing except your own understanding.
"""

import jax, jax.numpy as jnp
import numpy as np

N_CRYST = 10000
N_ATOMS = 10000
E = 320000
HIDDEN = 128
LATENT = 256
NUM_RBF = 16
MAX_ATOMIC_NUM = 100
CUTOFF = 6.0

def lattice_from_params(lengths, angles):
    a, b, c = lengths[:, 0], lengths[:, 1], lengths[:, 2]
    ang = jnp.deg2rad(angles)
    ca, cb, cg = jnp.cos(ang[:, 0]), jnp.cos(ang[:, 1]), jnp.cos(ang[:, 2])
    sg = jnp.sin(ang[:, 2])
    zeros = jnp.zeros_like(a)
    v1 = jnp.stack([a, zeros, zeros], -1)
    v2 = jnp.stack([b * cg, b * sg, zeros], -1)
    cx = cb
    cy = (ca - cb * cg) / sg
    cz = jnp.sqrt(jnp.clip(1.0 - cx ** 2 - cy ** 2, 1e-6, None))
    v3 = jnp.stack([c * cx, c * cy, c * cz], -1)
    return jnp.stack([v1, v2, v3], 1)

def setup_inputs(seed: int = 0):
    key = jax.random.key(seed)
    ks = jax.random.split(key, 16)
    z = jax.random.normal(ks[0], (N_CRYST, LATENT), jnp.float32)
    t = jax.random.uniform(ks[1], (N_CRYST, 1), jnp.float32)
    pred_frac_coords = jax.random.uniform(ks[2], (N_ATOMS, 3), jnp.float32)
    pred_atom_types = jax.random.randint(ks[3], (N_ATOMS,), 0, MAX_ATOMIC_NUM)
    num_atoms = jnp.ones((N_CRYST,), jnp.int32)
    lengths = 2.0 + 8.0 * jax.random.uniform(ks[4], (N_CRYST, 3), jnp.float32)
    angles = 60.0 + 60.0 * jax.random.uniform(ks[5], (N_CRYST, 3), jnp.float32)
    edge_index = jax.random.randint(ks[6], (2, E), 0, N_ATOMS)
    emb_table = 0.1 * jax.random.normal(ks[7], (MAX_ATOMIC_NUM, HIDDEN), jnp.float32)
    W_msg = 0.05 * jax.random.normal(ks[8], (2 * HIDDEN + NUM_RBF, HIDDEN), jnp.float32)
    b_msg = jnp.zeros((HIDDEN,), jnp.float32)
    W_upd = 0.05 * jax.random.normal(ks[9], (HIDDEN, HIDDEN), jnp.float32)
    b_upd = jnp.zeros((HIDDEN,), jnp.float32)
    W_F = 0.05 * jax.random.normal(ks[10], (HIDDEN, 1), jnp.float32)
    fc_atom_W = 0.05 * jax.random.normal(ks[11], (HIDDEN + LATENT, MAX_ATOMIC_NUM), jnp.float32)
    fc_atom_b = jnp.zeros((MAX_ATOMIC_NUM,), jnp.float32)
    return {"z": z, "t": t, "pred_frac_coords": pred_frac_coords, "pred_atom_types": pred_atom_types,
            "num_atoms": num_atoms, "lengths": lengths, "angles": angles, "edge_index": edge_index,
            "emb_table": emb_table, "W_msg": W_msg, "b_msg": b_msg, "W_upd": W_upd, "b_upd": b_upd,
            "W_F": W_F, "fc_atom_W": fc_atom_W, "fc_atom_b": fc_atom_b}

def reference(z, t, pred_frac_coords, pred_atom_types, num_atoms, lengths, angles, edge_index,
              emb_table, W_msg, b_msg, W_upd, b_upd, W_F, fc_atom_W, fc_atom_b):
    # bound_frac
    frac = pred_frac_coords - jnp.floor(pred_frac_coords)
    lat = lattice_from_params(lengths, angles)
    batch = jnp.repeat(jnp.arange(N_CRYST), num_atoms, total_repeat_length=N_ATOMS)
    cart = jnp.einsum('ni,nij->nj', frac, lat[batch])
    src = edge_index[0]
    dst = edge_index[1]
    vec = cart[src] - cart[dst]
    dist = jnp.linalg.norm(vec, axis=-1, keepdims=True) + 1e-8
    unit = vec / dist
    centers = jnp.linspace(0.0, CUTOFF, NUM_RBF)
    rbf = jnp.exp(-((dist - centers) ** 2) / 0.5)
    # atom embedding (gather)
    h = emb_table[pred_atom_types]
    # GemNet-style interaction blocks: edge gather -> MLP -> scatter-add
    for _ in range(2):
        m = jax.nn.relu(jnp.concatenate([h[src], h[dst], rbf], -1) @ W_msg + b_msg)
        agg = jax.ops.segment_sum(m, dst, num_segments=N_ATOMS)
        h = h + jax.nn.relu(agg @ W_upd + b_upd)
    # per-edge force head, scattered to atoms (pred_cart_coord_diff)
    m = jax.nn.relu(jnp.concatenate([h[src], h[dst], rbf], -1) @ W_msg + b_msg)
    f_edge = (m @ W_F) * unit
    pred_cart_coord_diff = jax.ops.segment_sum(f_edge, dst, num_segments=N_ATOMS)
    # concat latent z per atom, fc_atom head
    h_cat = jnp.concatenate([h, z[batch]], -1)
    pred_atom_logits = h_cat @ fc_atom_W + fc_atom_b
    return (pred_cart_coord_diff, pred_atom_logits)

if __name__ == "__main__":
    import jax
    _d = setup_inputs()
    print(jax.jit(kernel)(*tuple(_d.values())))

</pallas_src>

<mosaic_0001>
#map = affine_map<(d0, d1) -> (0, 0)>
#map1 = affine_map<(d0, d1) -> (0, 0, 0, 0)>
module attributes {stable_mosaic.version = 14 : i64} {
  func.func @_vec_body(%arg0: i32, %arg1: i32, %arg2: memref<10000x16xf32, #tpu.memory_space<hbm>>, %arg3: memref<32x250x2x40xi32, #tpu.memory_space<hbm>>, %arg4: memref<320000x16xf32, #tpu.memory_space<hbm>>, %arg5: memref<2x40xi32, #tpu.memory_space<vmem>>, %arg6: memref<2x40xi32, #tpu.memory_space<vmem>>, %arg7: memref<40x16xf32, #tpu.memory_space<vmem>>, %arg8: memref<40x16xf32, #tpu.memory_space<vmem>>, %arg9: memref<40x16xf32, #tpu.memory_space<vmem>>, %arg10: memref<40x16xf32, #tpu.memory_space<vmem>>, %arg11: memref<!tpu.dma_semaphore, #tpu.memory_space<semaphore_mem>>, %arg12: memref<!tpu.dma_semaphore, #tpu.memory_space<semaphore_mem>>, %arg13: memref<!tpu.dma_semaphore, #tpu.memory_space<semaphore_mem>>, %arg14: memref<!tpu.dma_semaphore, #tpu.memory_space<semaphore_mem>>, %arg15: memref<!tpu.dma_semaphore, #tpu.memory_space<semaphore_mem>>, %arg16: memref<!tpu.dma_semaphore, #tpu.memory_space<semaphore_mem>>) attributes {dimension_semantics = [#tpu.dimension_semantics<core_parallel>, #tpu.dimension_semantics<subcore_parallel>], iteration_bounds = array<i64: 2, 16>, scalar_prefetch = 0 : i64, scratch_operands = 12 : i64, tpu.core_type = #tpu.core_type<sc_vector_subcore>, window_params = [{transform_indices = #map}, {transform_indices = #map1}, {transform_indices = #map}]} {
    %mul3A = arith.constant 2 : i32
    %mul3A_0 = arith.muli %arg1, %mul3A : i32
    %add3A = arith.addi %mul3A_0, %arg0 : i32
    %mul3A_1 = arith.constant 10000 : i32
    %mul3A_2 = arith.muli %add3A, %mul3A_1 : i32
    %run_scoped3A = arith.constant 0 : i32
    "tpu.region"() ({
      %run_scoped3A_32 = tpu.sem_alloc : memref<!tpu.dma_semaphore, #tpu.memory_space<semaphore_mem>>
      %dma_start3A_33 = arith.constant 0 : i32
      %dma_start3A_34 = arith.constant 0 : i32
      %dma_start3A_35 = tpu.memref_slice %arg3[%add3A, %run_scoped3A, %dma_start3A_33, %dma_start3A_34] : memref<32x250x2x40xi32, #tpu.memory_space<hbm>> -> memref<1x1x2x40xi32, #tpu.memory_space<hbm>>
      %dma_start3A_36 = tpu.memref_squeeze %dma_start3A_35 : memref<1x1x2x40xi32, #tpu.memory_space<hbm>> -> memref<2x40xi32, #tpu.memory_space<hbm>>
      %dma_start3A_37 = arith.constant 0 : i32
      %dma_start3A_38 = arith.constant 0 : i32
      %dma_start3A_39 = tpu.memref_slice %arg3[%add3A, %run_scoped3A, %dma_start3A_37, %dma_start3A_38] : memref<32x250x2x40xi32, #tpu.memory_space<hbm>> -> memref<1x1x2x40xi32, #tpu.memory_space<hbm>>
      %dma_start3A_40 = tpu.memref_squeeze %dma_start3A_39 : memref<1x1x2x40xi32, #tpu.memory_space<hbm>> -> memref<2x40xi32, #tpu.memory_space<hbm>>
      tpu.enqueue_dma source(%dma_start3A_40 : memref<2x40xi32, #tpu.memory_space<hbm>>) target(%arg5 : memref<2x40xi32, #tpu.memory_space<vmem>>) target_semaphore(%run_scoped3A_32 : memref<!tpu.dma_semaphore, #tpu.memory_space<semaphore_mem>>)
      %dma_wait3A_41 = arith.constant 0 : i32
      %dma_wait3A_42 = arith.constant 0 : i32
      %dma_wait3A_43 = tpu.memref_slice %arg3[%add3A, %run_scoped3A, %dma_wait3A_41, %dma_wait3A_42] : memref<32x250x2x40xi32, #tpu.memory_space<hbm>> -> memref<1x1x2x40xi32, #tpu.memory_space<hbm>>
      %dma_wait3A_44 = tpu.memref_squeeze %dma_wait3A_43 : memref<1x1x2x40xi32, #tpu.memory_space<hbm>> -> memref<2x40xi32, #tpu.memory_space<hbm>>
      %dma_wait3A_45 = arith.constant 0 : i32
      %dma_wait3A_46 = arith.constant 0 : i32
      %dma_wait3A_47 = tpu.memref_slice %arg3[%add3A, %run_scoped3A, %dma_wait3A_45, %dma_wait3A_46] : memref<32x250x2x40xi32, #tpu.memory_space<hbm>> -> memref<1x1x2x40xi32, #tpu.memory_space<hbm>>
      %dma_wait3A_48 = tpu.memref_squeeze %dma_wait3A_47 : memref<1x1x2x40xi32, #tpu.memory_space<hbm>> -> memref<2x40xi32, #tpu.memory_space<hbm>>
      tpu.wait_dma2 semaphore(%run_scoped3A_32 : memref<!tpu.dma_semaphore, #tpu.memory_space<semaphore_mem>>) src(%dma_wait3A_48 : memref<2x40xi32, #tpu.memory_space<hbm>>) dst(%arg5 : memref<2x40xi32, #tpu.memory_space<vmem>>)
      tpu.yield
    }) : () -> ()
    %dma_start3A = arith.constant 0 : i32
    %dma_start3A_3 = arith.constant 0 : i32
    %dma_start3A_4 = tpu.memref_slice %arg5[%dma_start3A, %dma_start3A_3] : memref<2x40xi32, #tpu.memory_space<vmem>> -> memref<1x40xi32, #tpu.memory_space<vmem>>
    %dma_start3A_5 = tpu.memref_squeeze %dma_start3A_4 : memref<1x40xi32, #tpu.memory_space<vmem>> -> memref<40xi32, #tpu.memory_space<vmem>>
    %dma_start3A_6 = arith.constant 0 : i32
    %dma_start3A_7 = arith.constant 0 : i32
    %dma_start3A_8 = tpu.memref_slice %arg2[%dma_start3A_6, %dma_start3A_7] : memref<10000x16xf32, #tpu.memory_space<hbm>> -> memref<10000x16xf32, #tpu.memory_space<hbm>>
    tpu.enqueue_indirect_dma source(%dma_start3A_8 : memref<10000x16xf32, #tpu.memory_space<hbm>>) target(%arg7 : memref<40x16xf32, #tpu.memory_space<vmem>>) offsets(%dma_start3A_5 : memref<40xi32, #tpu.memory_space<vmem>>) semaphore(%arg11 : memref<!tpu.dma_semaphore, #tpu.memory_space<semaphore_mem>>)
    %dma_start3A_9 = arith.constant 1 : i32
    %dma_start3A_10 = arith.constant 0 : i32
    %dma_start3A_11 = tpu.memref_slice %arg5[%dma_start3A_9, %dma_start3A_10] : memref<2x40xi32, #tpu.memory_space<vmem>> -> memref<1x40xi32, #tpu.memory_space<vmem>>
    %dma_start3A_12 = tpu.memref_squeeze %dma_start3A_11 : memref<1x40xi32, #tpu.memory_space<vmem>> -> memref<40xi32, #tpu.memory_space<vmem>>
    %dma_start3A_13 = arith.constant 0 : i32
    %dma_start3A_14 = arith.constant 0 : i32
    %dma_start3A_15 = tpu.memref_slice %arg2[%dma_start3A_13, %dma_start3A_14] : memref<10000x16xf32, #tpu.memory_space<hbm>> -> memref<10000x16xf32, #tpu.memory_space<hbm>>
    tpu.enqueue_indirect_dma source(%dma_start3A_15 : memref<10000x16xf32, #tpu.memory_space<hbm>>) target(%arg8 : memref<40x16xf32, #tpu.memory_space<vmem>>) offsets(%dma_start3A_12 : memref<40xi32, #tpu.memory_space<vmem>>) semaphore(%arg12 : memref<!tpu.dma_semaphore, #tpu.memory_space<semaphore_mem>>)
    %scan3A = arith.constant 0 : i32
    %scan3A_16 = arith.constant 0 : i32
    %scan3A_17 = arith.constant 125 : i32
    %scan3A_18 = arith.addi %scan3A_16, %scan3A_17 : i32
    %scan3A_19 = arith.constant 1 : i32
    scf.for %scan3A_32 = %scan3A_16 to %scan3A_18 step %scan3A_19  : i32 {
      %mul3A_33 = arith.constant 2 : i32
      %mul3A_34 = arith.muli %mul3A_33, %scan3A_32 : i32
      %add3A_35 = arith.constant 1 : i32
      %add3A_36 = arith.addi %mul3A_34, %add3A_35 : i32
      %gt3A = arith.constant 0 : i32
      %gt3A_37 = arith.cmpi sgt, %scan3A_32, %gt3A : i32
      %convert_element_type3A = arith.extui %gt3A_37 : i1 to i32
      %cond3A = arith.constant 0 : i32
      %cond3A_38 = arith.cmpi ne, %convert_element_type3A, %cond3A : i32
      scf.if %cond3A_38 {
        %sub3A = arith.constant 2 : i32
        %sub3A_113 = arith.subi %add3A_36, %sub3A : i32
        %mul3A_114 = arith.constant 40 : i32
        %mul3A_115 = arith.muli %sub3A_113, %mul3A_114 : i32
        %add3A_116 = arith.addi %mul3A_2, %mul3A_115 : i32
        %dma_wait3A_117 = arith.constant 0 : i32
        %dma_wait3A_118 = tpu.memref_slice %arg4[%add3A_116, %dma_wait3A_117] : memref<320000x16xf32, #tpu.memory_space<hbm>> -> memref<40x16xf32, #tpu.memory_space<hbm>>
        %dma_wait3A_119 = arith.constant 0 : i32
        %dma_wait3A_120 = tpu.memref_slice %arg4[%add3A_116, %dma_wait3A_119] : memref<320000x16xf32, #tpu.memory_space<hbm>> -> memref<40x16xf32, #tpu.memory_space<hbm>>
        tpu.wait_dma2 semaphore(%arg16 : memref<!tpu.dma_semaphore, #tpu.memory_space<semaphore_mem>>) src(%arg9 : memref<40x16xf32, #tpu.memory_space<vmem>>) dst(%dma_wait3A_120 : memref<40x16xf32, #tpu.memory_space<hbm>>)
      } else {
      }
      "tpu.region"() ({
        %run_scoped3A_113 = tpu.sem_alloc : memref<!tpu.dma_semaphore, #tpu.memory_space<semaphore_mem>>
        %dma_start3A_114 = arith.constant 0 : i32
        %dma_start3A_115 = arith.constant 0 : i32
        %dma_start3A_116 = tpu.memref_slice %arg3[%add3A, %add3A_36, %dma_start3A_114, %dma_start3A_115] : memref<32x250x2x40xi32, #tpu.memory_space<hbm>> -> memref<1x1x2x40xi32, #tpu.memory_space<hbm>>
        %dma_start3A_117 = tpu.memref_squeeze %dma_start3A_116 : memref<1x1x2x40xi32, #tpu.memory_space<hbm>> -> memref<2x40xi32, #tpu.memory_space<hbm>>
        %dma_start3A_118 = arith.constant 0 : i32
        %dma_start3A_119 = arith.constant 0 : i32
        %dma_start3A_120 = tpu.memref_slice %arg3[%add3A, %add3A_36, %dma_start3A_118, %dma_start3A_119] : memref<32x250x2x40xi32, #tpu.memory_space<hbm>> -> memref<1x1x2x40xi32, #tpu.memory_space<hbm>>
        %dma_start3A_121 = tpu.memref_squeeze %dma_start3A_120 : memref<1x1x2x40xi32, #tpu.memory_space<hbm>> -> memref<2x40xi32, #tpu.memory_space<hbm>>
        tpu.enqueue_dma source(%dma_start3A_121 : memref<2x40xi32, #tpu.memory_space<hbm>>) target(%arg6 : memref<2x40xi32, #tpu.memory_space<vmem>>) target_semaphore(%run_scoped3A_113 : memref<!tpu.dma_semaphore, #tpu.memory_space<semaphore_mem>>)
        %dma_wait3A_122 = arith.constant 0 : i32
        %dma_wait3A_123 = arith.constant 0 : i32
        %dma_wait3A_124 = tpu.memref_slice %arg3[%add3A, %add3A_36, %dma_wait3A_122, %dma_wait3A_123] : memref<32x250x2x40xi32, #tpu.memory_space<hbm>> -> memref<1x1x2x40xi32, #tpu.memory_space<hbm>>
        %dma_wait3A_125 = tpu.memref_squeeze %dma_wait3A_124 : memref<1x1x2x40xi32, #tpu.memory_space<hbm>> -> memref<2x40xi32, #tpu.memory_space<hbm>>
        %dma_wait3A_126 = arith.constant 0 : i32
        %dma_wait3A_127 = arith.constant 0 : i32
        %dma_wait3A_128 = tpu.memref_slice %arg3[%add3A, %add3A_36, %dma_wait3A_126, %dma_wait3A_127] : memref<32x250x2x40xi32, #tpu.memory_space<hbm>> -> memref<1x1x2x40xi32, #tpu.memory_space<hbm>>
        %dma_wait3A_129 = tpu.memref_squeeze %dma_wait3A_128 : memref<1x1x2x40xi32, #tpu.memory_space<hbm>> -> memref<2x40xi32, #tpu.memory_space<hbm>>
        tpu.wait_dma2 semaphore(%run_scoped3A_113 : memref<!tpu.dma_semaphore, #tpu.memory_space<semaphore_mem>>) src(%dma_wait3A_129 : memref<2x40xi32, #tpu.memory_space<hbm>>) dst(%arg6 : memref<2x40xi32, #tpu.memory_space<vmem>>)
        tpu.yield
      }) : () -> ()
      %dma_start3A_39 = arith.constant 0 : i32
      %dma_start3A_40 = arith.constant 0 : i32
      %dma_start3A_41 = tpu.memref_slice %arg6[%dma_start3A_39, %dma_start3A_40] : memref<2x40xi32, #tpu.memory_space<vmem>> -> memref<1x40xi32, #tpu.memory_space<vmem>>
      %dma_start3A_42 = tpu.memref_squeeze %dma_start3A_41 : memref<1x40xi32, #tpu.memory_space<vmem>> -> memref<40xi32, #tpu.memory_space<vmem>>
      %dma_start3A_43 = arith.constant 0 : i32
      %dma_start3A_44 = arith.constant 0 : i32
      %dma_start3A_45 = tpu.memref_slice %arg2[%dma_start3A_43, %dma_start3A_44] : memref<10000x16xf32, #tpu.memory_space<hbm>> -> memref<10000x16xf32, #tpu.memory_space<hbm>>
      tpu.enqueue_indirect_dma source(%dma_start3A_45 : memref<10000x16xf32, #tpu.memory_space<hbm>>) target(%arg9 : memref<40x16xf32, #tpu.memory_space<vmem>>) offsets(%dma_start3A_42 : memref<40xi32, #tpu.memory_space<vmem>>) semaphore(%arg13 : memref<!tpu.dma_semaphore, #tpu.memory_space<semaphore_mem>>)
      %dma_start3A_46 = arith.constant 1 : i32
      %dma_start3A_47 = arith.constant 0 : i32
      %dma_start3A_48 = tpu.memref_slice %arg6[%dma_start3A_46, %dma_start3A_47] : memref<2x40xi32, #tpu.memory_space<vmem>> -> memref<1x40xi32, #tpu.memory_space<vmem>>
      %dma_start3A_49 = tpu.memref_squeeze %dma_start3A_48 : memref<1x40xi32, #tpu.memory_space<vmem>> -> memref<40xi32, #tpu.memory_space<vmem>>
      %dma_start3A_50 = arith.constant 0 : i32
      %dma_start3A_51 = arith.constant 0 : i32
      %dma_start3A_52 = tpu.memref_slice %arg2[%dma_start3A_50, %dma_start3A_51] : memref<10000x16xf32, #tpu.memory_space<hbm>> -> memref<10000x16xf32, #tpu.memory_space<hbm>>
      tpu.enqueue_indirect_dma source(%dma_start3A_52 : memref<10000x16xf32, #tpu.memory_space<hbm>>) target(%arg10 : memref<40x16xf32, #tpu.memory_space<vmem>>) offsets(%dma_start3A_49 : memref<40xi32, #tpu.memory_space<vmem>>) semaphore(%arg14 : memref<!tpu.dma_semaphore, #tpu.memory_space<semaphore_mem>>)
      %dma_wait3A_53 = arith.constant 0 : i32
      %dma_wait3A_54 = arith.constant 0 : i32
      %dma_wait3A_55 = tpu.memref_slice %arg5[%dma_wait3A_53, %dma_wait3A_54] : memref<2x40xi32, #tpu.memory_space<vmem>> -> memref<1x40xi32, #tpu.memory_space<vmem>>
      %dma_wait3A_56 = tpu.memref_squeeze %dma_wait3A_55 : memref<1x40xi32, #tpu.memory_space<vmem>> -> memref<40xi32, #tpu.memory_space<vmem>>
      %dma_wait3A_57 = arith.constant 0 : i32
      %dma_wait3A_58 = arith.constant 0 : i32
      %dma_wait3A_59 = tpu.memref_slice %arg2[%dma_wait3A_57, %dma_wait3A_58] : memref<10000x16xf32, #tpu.memory_space<hbm>> -> memref<10000x16xf32, #tpu.memory_space<hbm>>
      tpu.wait_indirect_dma semaphore(%arg11 : memref<!tpu.dma_semaphore, #tpu.memory_space<semaphore_mem>>) src(%dma_wait3A_59 : memref<10000x16xf32, #tpu.memory_space<hbm>>) dst(%arg7 : memref<40x16xf32, #tpu.memory_space<vmem>>)
      %dma_wait3A_60 = arith.constant 1 : i32
      %dma_wait3A_61 = arith.constant 0 : i32
      %dma_wait3A_62 = tpu.memref_slice %arg5[%dma_wait3A_60, %dma_wait3A_61] : memref<2x40xi32, #tpu.memory_space<vmem>> -> memref<1x40xi32, #tpu.memory_space<vmem>>
      %dma_wait3A_63 = tpu.memref_squeeze %dma_wait3A_62 : memref<1x40xi32, #tpu.memory_space<vmem>> -> memref<40xi32, #tpu.memory_space<vmem>>
      %dma_wait3A_64 = arith.constant 0 : i32
      %dma_wait3A_65 = arith.constant 0 : i32
      %dma_wait3A_66 = tpu.memref_slice %arg2[%dma_wait3A_64, %dma_wait3A_65] : memref<10000x16xf32, #tpu.memory_space<hbm>> -> memref<10000x16xf32, #tpu.memory_space<hbm>>
      tpu.wait_indirect_dma semaphore(%arg12 : memref<!tpu.dma_semaphore, #tpu.memory_space<semaphore_mem>>) src(%dma_wait3A_66 : memref<10000x16xf32, #tpu.memory_space<hbm>>) dst(%arg8 : memref<40x16xf32, #tpu.memory_space<vmem>>)
      %scan3A_67 = arith.constant 0 : i32
      %scan3A_68 = arith.constant 0 : i32
      %scan3A_69 = arith.constant 40 : i32
      %scan3A_70 = arith.addi %scan3A_68, %scan3A_69 : i32
      %scan3A_71 = arith.constant 1 : i32
      scf.for %scan3A_113 = %scan3A_68 to %scan3A_70 step %scan3A_71  : i32 {
        %get3A = arith.index_cast %scan3A_113 : i32 to index
        %get3A_114 = arith.constant 0 : index
        %get3A_115 = tpu.vector_load %arg7[%get3A, %get3A_114] {strides = array<i32>} : memref<40x16xf32, #tpu.memory_space<vmem>>, vector<1x16xf32>,
        %get3A_116 = vector.shape_cast %get3A_115 : vector<1x16xf32> to vector<16xf32>
        %get3A_117 = arith.index_cast %scan3A_113 : i32 to index
        %get3A_118 = arith.constant 0 : index
        %get3A_119 = tpu.vector_load %arg8[%get3A_117, %get3A_118] {strides = array<i32>} : memref<40x16xf32, #tpu.memory_space<vmem>>, vector<1x16xf32>,
        %get3A_120 = vector.shape_cast %get3A_119 : vector<1x16xf32> to vector<16xf32>
        %sub3A = arith.subf %get3A_116, %get3A_120 : vector<16xf32>
        %swap3A = arith.index_cast %scan3A_113 : i32 to index
        %swap3A_121 = arith.constant 0 : index
        %swap3A_122 = tpu.vector_load %arg7[%swap3A, %swap3A_121] {strides = array<i32>} : memref<40x16xf32, #tpu.memory_space<vmem>>, vector<1x16xf32>,
        %swap3A_123 = vector.shape_cast %swap3A_122 : vector<1x16xf32> to vector<16xf32>
        %swap3A_124 = vector.shape_cast %sub3A : vector<16xf32> to vector<1x16xf32>
        tpu.vector_store %arg7[%swap3A, %swap3A_121], %swap3A_124 {strides = array<i32>} : memref<40x16xf32, #tpu.memory_space<vmem>>, vector<1x16xf32>,
      }
      %scan3A_72 = arith.constant 40 : i32
      %mul3A_73 = arith.constant 40 : i32
      %mul3A_74 = arith.muli %mul3A_34, %mul3A_73 : i32
      %add3A_75 = arith.addi %mul3A_2, %mul3A_74 : i32
      %dma_start3A_76 = arith.constant 0 : i32
      %dma_start3A_77 = tpu.memref_slice %arg4[%add3A_75, %dma_start3A_76] : memref<320000x16xf32, #tpu.memory_space<hbm>> -> memref<40x16xf32, #tpu.memory_space<hbm>>
      %dma_start3A_78 = arith.constant 0 : i32
      %dma_start3A_79 = tpu.memref_slice %arg4[%add3A_75, %dma_start3A_78] : memref<320000x16xf32, #tpu.memory_space<hbm>> -> memref<40x16xf32, #tpu.memory_space<hbm>>
      tpu.enqueue_dma source(%arg7 : memref<40x16xf32, #tpu.memory_space<vmem>>) target(%dma_start3A_79 : memref<40x16xf32, #tpu.memory_space<hbm>>) target_semaphore(%arg15 : memref<!tpu.dma_semaphore, #tpu.memory_space<semaphore_mem>>)
      %lt3A = arith.constant 124 : i32
      %lt3A_80 = arith.cmpi slt, %scan3A_32, %lt3A : i32
      %convert_element_type3A_81 = arith.extui %lt3A_80 : i1 to i32
      %cond3A_82 = arith.constant 0 : i32
      %cond3A_83 = arith.cmpi ne, %convert_element_type3A_81, %cond3A_82 : i32
      scf.if %cond3A_83 {
        %add3A_113 = arith.constant 2 : i32
        %add3A_114 = arith.addi %mul3A_34, %add3A_113 : i32
        %sub3A = arith.constant 2 : i32
        %sub3A_115 = arith.subi %add3A_114, %sub3A : i32
        %mul3A_116 = arith.constant 40 : i32
        %mul3A_117 = arith.muli %sub3A_115, %mul3A_116 : i32
        %add3A_118 = arith.addi %mul3A_2, %mul3A_117 : i32
        %dma_wait3A_119 = arith.constant 0 : i32
        %dma_wait3A_120 = tpu.memref_slice %arg4[%add3A_118, %dma_wait3A_119] : memref<320000x16xf32, #tpu.memory_space<hbm>> -> memref<40x16xf32, #tpu.memory_space<hbm>>
        %dma_wait3A_121 = arith.constant 0 : i32
        %dma_wait3A_122 = tpu.memref_slice %arg4[%add3A_118, %dma_wait3A_121] : memref<320000x16xf32, #tpu.memory_space<hbm>> -> memref<40x16xf32, #tpu.memory_space<hbm>>
        tpu.wait_dma2 semaphore(%arg15 : memref<!tpu.dma_semaphore, #tpu.memory_space<semaphore_mem>>) src(%arg7 : memref<40x16xf32, #tpu.memory_space<vmem>>) dst(%dma_wait3A_122 : memref<40x16xf32, #tpu.memory_space<hbm>>)
        "tpu.region"() ({
          %run_scoped3A_137 = tpu.sem_alloc : memref<!tpu.dma_semaphore, #tpu.memory_space<semaphore_mem>>
          %dma_start3A_138 = arith.constant 0 : i32
          %dma_start3A_139 = arith.constant 0 : i32
          %dma_start3A_140 = tpu.memref_slice %arg3[%add3A, %add3A_114, %dma_start3A_138, %dma_start3A_139] : memref<32x250x2x40xi32, #tpu.memory_space<hbm>> -> memref<1x1x2x40xi32, #tpu.memory_space<hbm>>
          %dma_start3A_141 = tpu.memref_squeeze %dma_start3A_140 : memref<1x1x2x40xi32, #tpu.memory_space<hbm>> -> memref<2x40xi32, #tpu.memory_space<hbm>>
          %dma_start3A_142 = arith.constant 0 : i32
          %dma_start3A_143 = arith.constant 0 : i32
          %dma_start3A_144 = tpu.memref_slice %arg3[%add3A, %add3A_114, %dma_start3A_142, %dma_start3A_143] : memref<32x250x2x40xi32, #tpu.memory_space<hbm>> -> memref<1x1x2x40xi32, #tpu.memory_space<hbm>>
          %dma_start3A_145 = tpu.memref_squeeze %dma_start3A_144 : memref<1x1x2x40xi32, #tpu.memory_space<hbm>> -> memref<2x40xi32, #tpu.memory_space<hbm>>
          tpu.enqueue_dma source(%dma_start3A_145 : memref<2x40xi32, #tpu.memory_space<hbm>>) target(%arg5 : memref<2x40xi32, #tpu.memory_space<vmem>>) target_semaphore(%run_scoped3A_137 : memref<!tpu.dma_semaphore, #tpu.memory_space<semaphore_mem>>)
          %dma_wait3A_146 = arith.constant 0 : i32
          %dma_wait3A_147 = arith.constant 0 : i32
          %dma_wait3A_148 = tpu.memref_slice %arg3[%add3A, %add3A_114, %dma_wait3A_146, %dma_wait3A_147] : memref<32x250x2x40xi32, #tpu.memory_space<hbm>> -> memref<1x1x2x40xi32, #tpu.memory_space<hbm>>
          %dma_wait3A_149 = tpu.memref_squeeze %dma_wait3A_148 : memref<1x1x2x40xi32, #tpu.memory_space<hbm>> -> memref<2x40xi32, #tpu.memory_space<hbm>>
          %dma_wait3A_150 = arith.constant 0 : i32
          %dma_wait3A_151 = arith.constant 0 : i32
          %dma_wait3A_152 = tpu.memref_slice %arg3[%add3A, %add3A_114, %dma_wait3A_150, %dma_wait3A_151] : memref<32x250x2x40xi32, #tpu.memory_space<hbm>> -> memref<1x1x2x40xi32, #tpu.memory_space<hbm>>
          %dma_wait3A_153 = tpu.memref_squeeze %dma_wait3A_152 : memref<1x1x2x40xi32, #tpu.memory_space<hbm>> -> memref<2x40xi32, #tpu.memory_space<hbm>>
          tpu.wait_dma2 semaphore(%run_scoped3A_137 : memref<!tpu.dma_semaphore, #tpu.memory_space<semaphore_mem>>) src(%dma_wait3A_153 : memref<2x40xi32, #tpu.memory_space<hbm>>) dst(%arg5 : memref<2x40xi32, #tpu.memory_space<vmem>>)
          tpu.yield
        }) : () -> ()
        %dma_start3A_123 = arith.constant 0 : i32
        %dma_start3A_124 = arith.constant 0 : i32
        %dma_start3A_125 = tpu.memref_slice %arg5[%dma_start3A_123, %dma_start3A_124] : memref<2x40xi32, #tpu.memory_space<vmem>> -> memref<1x40xi32, #tpu.memory_space<vmem>>
        %dma_start3A_126 = tpu.memref_squeeze %dma_start3A_125 : memref<1x40xi32, #tpu.memory_space<vmem>> -> memref<40xi32, #tpu.memory_space<vmem>>
        %dma_start3A_127 = arith.constant 0 : i32
        %dma_start3A_128 = arith.constant 0 : i32
        %dma_start3A_129 = tpu.memref_slice %arg2[%dma_start3A_127, %dma_start3A_128] : memref<10000x16xf32, #tpu.memory_space<hbm>> -> memref<10000x16xf32, #tpu.memory_space<hbm>>
        tpu.enqueue_indirect_dma source(%dma_start3A_129 : memref<10000x16xf32, #tpu.memory_space<hbm>>) target(%arg7 : memref<40x16xf32, #tpu.memory_space<vmem>>) offsets(%dma_start3A_126 : memref<40xi32, #tpu.memory_space<vmem>>) semaphore(%arg11 : memref<!tpu.dma_semaphore, #tpu.memory_space<semaphore_mem>>)
        %dma_start3A_130 = arith.constant 1 : i32
        %dma_start3A_131 = arith.constant 0 : i32
        %dma_start3A_132 = tpu.memref_slice %arg5[%dma_start3A_130, %dma_start3A_131] : memref<2x40xi32, #tpu.memory_space<vmem>> -> memref<1x40xi32, #tpu.memory_space<vmem>>
        %dma_start3A_133 = tpu.memref_squeeze %dma_start3A_132 : memref<1x40xi32, #tpu.memory_space<vmem>> -> memref<40xi32, #tpu.memory_space<vmem>>
        %dma_start3A_134 = arith.constant 0 : i32
        %dma_start3A_135 = arith.constant 0 : i32
        %dma_start3A_136 = tpu.memref_slice %arg2[%dma_start3A_134, %dma_start3A_135] : memref<10000x16xf32, #tpu.memory_space<hbm>> -> memref<10000x16xf32, #tpu.memory_space<hbm>>
        tpu.enqueue_indirect_dma source(%dma_start3A_136 : memref<10000x16xf32, #tpu.memory_space<hbm>>) target(%arg8 : memref<40x16xf32, #tpu.memory_space<vmem>>) offsets(%dma_start3A_133 : memref<40xi32, #tpu.memory_space<vmem>>) semaphore(%arg12 : memref<!tpu.dma_semaphore, #tpu.memory_space<semaphore_mem>>)
      } else {
      }
      %add3A_84 = arith.constant 1 : i32
      %add3A_85 = arith.addi %mul3A_34, %add3A_84 : i32
      %dma_wait3A_86 = arith.constant 0 : i32
      %dma_wait3A_87 = arith.constant 0 : i32
      %dma_wait3A_88 = tpu.memref_slice %arg6[%dma_wait3A_86, %dma_wait3A_87] : memref<2x40xi32, #tpu.memory_space<vmem>> -> memref<1x40xi32, #tpu.memory_space<vmem>>
      %dma_wait3A_89 = tpu.memref_squeeze %dma_wait3A_88 : memref<1x40xi32, #tpu.memory_space<vmem>> -> memref<40xi32, #tpu.memory_space<vmem>>
      %dma_wait3A_90 = arith.constant 0 : i32
      %dma_wait3A_91 = arith.constant 0 : i32
      %dma_wait3A_92 = tpu.memref_slice %arg2[%dma_wait3A_90, %dma_wait3A_91] : memref<10000x16xf32, #tpu.memory_space<hbm>> -> memref<10000x16xf32, #tpu.memory_space<hbm>>
      tpu.wait_indirect_dma semaphore(%arg13 : memref<!tpu.dma_semaphore, #tpu.memory_space<semaphore_mem>>) src(%dma_wait3A_92 : memref<10000x16xf32, #tpu.memory_space<hbm>>) dst(%arg9 : memref<40x16xf32, #tpu.memory_space<vmem>>)
      %dma_wait3A_93 = arith.constant 1 : i32
      %dma_wait3A_94 = arith.constant 0 : i32
      %dma_wait3A_95 = tpu.memref_slice %arg6[%dma_wait3A_93, %dma_wait3A_94] : memref<2x40xi32, #tpu.memory_space<vmem>> -> memref<1x40xi32, #tpu.memory_space<vmem>>
      %dma_wait3A_96 = tpu.memref_squeeze %dma_wait3A_95 : memref<1x40xi32, #tpu.memory_space<vmem>> -> memref<40xi32, #tpu.memory_space<vmem>>
      %dma_wait3A_97 = arith.constant 0 : i32
      %dma_wait3A_98 = arith.constant 0 : i32
      %dma_wait3A_99 = tpu.memref_slice %arg2[%dma_wait3A_97, %dma_wait3A_98] : memref<10000x16xf32, #tpu.memory_space<hbm>> -> memref<10000x16xf32, #tpu.memory_space<hbm>>
      tpu.wait_indirect_dma semaphore(%arg14 : memref<!tpu.dma_semaphore, #tpu.memory_space<semaphore_mem>>) src(%dma_wait3A_99 : memref<10000x16xf32, #tpu.memory_space<hbm>>) dst(%arg10 : memref<40x16xf32, #tpu.memory_space<vmem>>)
      %scan3A_100 = arith.constant 0 : i32
      %scan3A_101 = arith.constant 0 : i32
      %scan3A_102 = arith.constant 40 : i32
      %scan3A_103 = arith.addi %scan3A_101, %scan3A_102 : i32
      %scan3A_104 = arith.constant 1 : i32
      scf.for %scan3A_113 = %scan3A_101 to %scan3A_103 step %scan3A_104  : i32 {
        %get3A = arith.index_cast %scan3A_113 : i32 to index
        %get3A_114 = arith.constant 0 : index
        %get3A_115 = tpu.vector_load %arg9[%get3A, %get3A_114] {strides = array<i32>} : memref<40x16xf32, #tpu.memory_space<vmem>>, vector<1x16xf32>,
        %get3A_116 = vector.shape_cast %get3A_115 : vector<1x16xf32> to vector<16xf32>
        %get3A_117 = arith.index_cast %scan3A_113 : i32 to index
        %get3A_118 = arith.constant 0 : index
        %get3A_119 = tpu.vector_load %arg10[%get3A_117, %get3A_118] {strides = array<i32>} : memref<40x16xf32, #tpu.memory_space<vmem>>, vector<1x16xf32>,
        %get3A_120 = vector.shape_cast %get3A_119 : vector<1x16xf32> to vector<16xf32>
        %sub3A = arith.subf %get3A_116, %get3A_120 : vector<16xf32>
        %swap3A = arith.index_cast %scan3A_113 : i32 to index
        %swap3A_121 = arith.constant 0 : index
        %swap3A_122 = tpu.vector_load %arg9[%swap3A, %swap3A_121] {strides = array<i32>} : memref<40x16xf32, #tpu.memory_space<vmem>>, vector<1x16xf32>,
        %swap3A_123 = vector.shape_cast %swap3A_122 : vector<1x16xf32> to vector<16xf32>
        %swap3A_124 = vector.shape_cast %sub3A : vector<16xf32> to vector<1x16xf32>
        tpu.vector_store %arg9[%swap3A, %swap3A_121], %swap3A_124 {strides = array<i32>} : memref<40x16xf32, #tpu.memory_space<vmem>>, vector<1x16xf32>,
      }
      %scan3A_105 = arith.constant 40 : i32
      %mul3A_106 = arith.constant 40 : i32
      %mul3A_107 = arith.muli %add3A_85, %mul3A_106 : i32
      %add3A_108 = arith.addi %mul3A_2, %mul3A_107 : i32
      %dma_start3A_109 = arith.constant 0 : i32
      %dma_start3A_110 = tpu.memref_slice %arg4[%add3A_108, %dma_start3A_109] : memref<320000x16xf32, #tpu.memory_space<hbm>> -> memref<40x16xf32, #tpu.memory_space<hbm>>
      %dma_start3A_111 = arith.constant 0 : i32
      %dma_start3A_112 = tpu.memref_slice %arg4[%add3A_108, %dma_start3A_111] : memref<320000x16xf32, #tpu.memory_space<hbm>> -> memref<40x16xf32, #tpu.memory_space<hbm>>
      tpu.enqueue_dma source(%arg9 : memref<40x16xf32, #tpu.memory_space<vmem>>) target(%dma_start3A_112 : memref<40x16xf32, #tpu.memory_space<hbm>>) target_semaphore(%arg16 : memref<!tpu.dma_semaphore, #tpu.memory_space<semaphore_mem>>)
    }
    %scan3A_20 = arith.constant 125 : i32
    %add3A_21 = arith.constant 9920 : i32
    %add3A_22 = arith.addi %mul3A_2, %add3A_21 : i32
    %dma_wait3A = arith.constant 0 : i32
    %dma_wait3A_23 = tpu.memref_slice %arg4[%add3A_22, %dma_wait3A] : memref<320000x16xf32, #tpu.memory_space<hbm>> -> memref<40x16xf32, #tpu.memory_space<hbm>>
    %dma_wait3A_24 = arith.constant 0 : i32
    %dma_wait3A_25 = tpu.memref_slice %arg4[%add3A_22, %dma_wait3A_24] : memref<320000x16xf32, #tpu.memory_space<hbm>> -> memref<40x16xf32, #tpu.memory_space<hbm>>
    tpu.wait_dma2 semaphore(%arg15 : memref<!tpu.dma_semaphore, #tpu.memory_space<semaphore_mem>>) src(%arg7 : memref<40x16xf32, #tpu.memory_space<vmem>>) dst(%dma_wait3A_25 : memref<40x16xf32, #tpu.memory_space<hbm>>)
    %add3A_26 = arith.constant 9960 : i32
    %add3A_27 = arith.addi %mul3A_2, %add3A_26 : i32
    %dma_wait3A_28 = arith.constant 0 : i32
    %dma_wait3A_29 = tpu.memref_slice %arg4[%add3A_27, %dma_wait3A_28] : memref<320000x16xf32, #tpu.memory_space<hbm>> -> memref<40x16xf32, #tpu.memory_space<hbm>>
    %dma_wait3A_30 = arith.constant 0 : i32
    %dma_wait3A_31 = tpu.memref_slice %arg4[%add3A_27, %dma_wait3A_30] : memref<320000x16xf32, #tpu.memory_space<hbm>> -> memref<40x16xf32, #tpu.memory_space<hbm>>
    tpu.wait_dma2 semaphore(%arg16 : memref<!tpu.dma_semaphore, #tpu.memory_space<semaphore_mem>>) src(%arg9 : memref<40x16xf32, #tpu.memory_space<vmem>>) dst(%dma_wait3A_31 : memref<40x16xf32, #tpu.memory_space<hbm>>)
    return
  }
}

#map = affine_map<(d0, d1) -> (0, 0)>
#map1 = affine_map<(d0, d1) -> (0, 0, 0, 0)>
#map2 = affine_map<(d0, d1) -> (0, 0, 0)>
module attributes {stable_mosaic.version = 14 : i64} {
  func.func @body(%arg0: i32, %arg1: i32, %arg2: memref<10000x128xf32, #tpu.memory_space<hbm>>, %arg3: memref<10000x128xf32, #tpu.memory_space<hbm>>, %arg4: memref<320000x128xf32, #tpu.memory_space<hbm>>, %arg5: memref<32x250x2x40xi32, #tpu.memory_space<hbm>>, %arg6: memref<10000x128xf32, #tpu.memory_space<hbm>>, %arg7: memref<2x10000x128xf32, #tpu.memory_space<hbm>>, %arg8: memref<2x40xi32, #tpu.memory_space<vmem>>, %arg9: memref<2x40xi32, #tpu.memory_space<vmem>>, %arg10: memref<40x128xf32, #tpu.memory_space<vmem>>, %arg11: memref<40x128xf32, #tpu.memory_space<vmem>>, %arg12: memref<40x128xf32, #tpu.memory_space<vmem>>, %arg13: memref<40x128xf32, #tpu.memory_space<vmem>>, %arg14: memref<40x128xf32, #tpu.memory_space<vmem>>, %arg15: memref<40x128xf32, #tpu.memory_space<vmem>>, %arg16: memref<!tpu.dma_semaphore, #tpu.memory_space<semaphore_mem>>, %arg17: memref<!tpu.dma_semaphore, #tpu.memory_space<semaphore_mem>>, %arg18: memref<!tpu.dma_semaphore, #tpu.memory_space<semaphore_mem>>, %arg19: memref<!tpu.dma_semaphore, #tpu.memory_space<semaphore_mem>>, %arg20: memref<!tpu.dma_semaphore, #tpu.memory_space<semaphore_mem>>, %arg21: memref<!tpu.dma_semaphore, #tpu.memory_space<semaphore_mem>>, %arg22: memref<!tpu.dma_semaphore, #tpu.memory_space<semaphore_mem>>, %arg23: memref<!tpu.dma_semaphore, #tpu.memory_space<semaphore_mem>>, %arg24: memref<10000x128xf32, #tpu.memory_space<vmem_shared>>) attributes {dimension_semantics = [#tpu.dimension_semantics<core_parallel>, #tpu.dimension_semantics<subcore_parallel>], iteration_bounds = array<i64: 2, 16>, scalar_prefetch = 0 : i64, scratch_operands = 17 : i64, tpu.core_type = #tpu.core_type<sc_vector_subcore>, window_params = [{transform_indices = #map}, {transform_indices = #map}, {transform_indices = #map}, {transform_indices = #map1}, {transform_indices = #map}, {transform_indices = #map2}]} {
    %mul3A = arith.constant 2 : i32
    %mul3A_0 = arith.muli %arg1, %mul3A : i32
    %add3A = arith.addi %mul3A_0, %arg0 : i32
    %mul3A_1 = arith.constant 625 : i32
    %mul3A_2 = arith.muli %arg1, %mul3A_1 : i32
    %mul3A_3 = arith.constant 625 : i32
    %mul3A_4 = arith.muli %arg1, %mul3A_3 : i32
    "tpu.region"() ({
      %run_scoped3A_53 = tpu.sem_alloc : memref<!tpu.dma_semaphore, #tpu.memory_space<semaphore_mem>>
      %dma_start3A_54 = arith.constant 0 : i32
      %dma_start3A_55 = tpu.memref_slice %arg24[%mul3A_4, %dma_start3A_54] : memref<10000x128xf32, #tpu.memory_space<vmem_shared>> -> memref<625x128xf32, #tpu.memory_space<vmem_shared>>
      %dma_start3A_56 = arith.constant 0 : i32
      %dma_start3A_57 = tpu.memref_slice %arg6[%mul3A_2, %dma_start3A_56] : memref<10000x128xf32, #tpu.memory_space<hbm>> -> memref<625x128xf32, #tpu.memory_space<hbm>>
      tpu.enqueue_dma source(%dma_start3A_57 : memref<625x128xf32, #tpu.memory_space<hbm>>) target(%dma_start3A_55 : memref<625x128xf32, #tpu.memory_space<vmem_shared>>) target_semaphore(%run_scoped3A_53 : memref<!tpu.dma_semaphore, #tpu.memory_space<semaphore_mem>>)
      %dma_wait3A_58 = arith.constant 0 : i32
      %dma_wait3A_59 = tpu.memref_slice %arg24[%mul3A_4, %dma_wait3A_58] : memref<10000x128xf32, #tpu.memory_space<vmem_shared>> -> memref<625x128xf32, #tpu.memory_space<vmem_shared>>
      %dma_wait3A_60 = arith.constant 0 : i32
      %dma_wait3A_61 = tpu.memref_slice %arg6[%mul3A_2, %dma_wait3A_60] : memref<10000x128xf32, #tpu.memory_space<hbm>> -> memref<625x128xf32, #tpu.memory_space<hbm>>
      tpu.wait_dma2 semaphore(%run_scoped3A_53 : memref<!tpu.dma_semaphore, #tpu.memory_space<semaphore_mem>>) src(%dma_wait3A_61 : memref<625x128xf32, #tpu.memory_space<hbm>>) dst(%dma_wait3A_59 : memref<625x128xf32, #tpu.memory_space<vmem_shared>>)
      tpu.yield
    }) : () -> ()
    %barrier3A = arith.constant 0 : index
    tpu.barrier barrier_id(%barrier3A)
    %mul3A_5 = arith.constant 10000 : i32
    %mul3A_6 = arith.muli %add3A, %mul3A_5 : i32
    %add3A_7 = arith.constant 0 : i32
    %add3A_8 = arith.addi %mul3A_6, %add3A_7 : i32
    %run_scoped3A = arith.constant 0 : i32
    "tpu.region"() ({
      %run_scoped3A_53 = tpu.sem_alloc : memref<!tpu.dma_semaphore, #tpu.memory_space<semaphore_mem>>
      %dma_start3A_54 = arith.constant 0 : i32
      %dma_start3A_55 = arith.constant 0 : i32
      %dma_start3A_56 = tpu.memref_slice %arg5[%add3A, %run_scoped3A, %dma_start3A_54, %dma_start3A_55] : memref<32x250x2x40xi32, #tpu.memory_space<hbm>> -> memref<1x1x2x40xi32, #tpu.memory_space<hbm>>
      %dma_start3A_57 = tpu.memref_squeeze %dma_start3A_56 : memref<1x1x2x40xi32, #tpu.memory_space<hbm>> -> memref<2x40xi32, #tpu.memory_space<hbm>>
      %dma_start3A_58 = arith.constant 0 : i32
      %dma_start3A_59 = arith.constant 0 : i32
      %dma_start3A_60 = tpu.memref_slice %arg5[%add3A, %run_scoped3A, %dma_start3A_58, %dma_start3A_59] : memref<32x250x2x40xi32, #tpu.memory_space<hbm>> -> memref<1x1x2x40xi32, #tpu.memory_space<hbm>>
      %dma_start3A_61 = tpu.memref_squeeze %dma_start3A_60 : memref<1x1x2x40xi32, #tpu.memory_space<hbm>> -> memref<2x40xi32, #tpu.memory_space<hbm>>
      tpu.enqueue_dma source(%dma_start3A_61 : memref<2x40xi32, #tpu.memory_space<hbm>>) target(%arg8 : memref<2x40xi32, #tpu.memory_space<vmem>>) target_semaphore(%run_scoped3A_53 : memref<!tpu.dma_semaphore, #tpu.memory_space<semaphore_mem>>)
      %dma_wait3A_62 = arith.constant 0 : i32
      %dma_wait3A_63 = arith.constant 0 : i32
      %dma_wait3A_64 = tpu.memref_slice %arg5[%add3A, %run_scoped3A, %dma_wait3A_62, %dma_wait3A_63] : memref<32x250x2x40xi32, #tpu.memory_space<hbm>> -> memref<1x1x2x40xi32, #tpu.memory_space<hbm>>
      %dma_wait3A_65 = tpu.memref_squeeze %dma_wait3A_64 : memref<1x1x2x40xi32, #tpu.memory_space<hbm>> -> memref<2x40xi32, #tpu.memory_space<hbm>>
      %dma_wait3A_66 = arith.constant 0 : i32
      %dma_wait3A_67 = arith.constant 0 : i32
      %dma_wait3A_68 = tpu.memref_slice %arg5[%add3A, %run_scoped3A, %dma_wait3A_66, %dma_wait3A_67] : memref<32x250x2x40xi32, #tpu.memory_space<hbm>> -> memref<1x1x2x40xi32, #tpu.memory_space<hbm>>
      %dma_wait3A_69 = tpu.memref_squeeze %dma_wait3A_68 : memref<1x1x2x40xi32, #tpu.memory_space<hbm>> -> memref<2x40xi32, #tpu.memory_space<hbm>>
      tpu.wait_dma2 semaphore(%run_scoped3A_53 : memref<!tpu.dma_semaphore, #tpu.memory_space<semaphore_mem>>) src(%dma_wait3A_69 : memref<2x40xi32, #tpu.memory_space<hbm>>) dst(%arg8 : memref<2x40xi32, #tpu.memory_space<vmem>>)
      tpu.yield
    }) : () -> ()
    %dma_start3A = arith.constant 0 : i32
    %dma_start3A_9 = arith.constant 0 : i32
    %dma_start3A_10 = tpu.memref_slice %arg8[%dma_start3A, %dma_start3A_9] : memref<2x40xi32, #tpu.memory_space<vmem>> -> memref<1x40xi32, #tpu.memory_space<vmem>>
    %dma_start3A_11 = tpu.memref_squeeze %dma_start3A_10 : memref<1x40xi32, #tpu.memory_space<vmem>> -> memref<40xi32, #tpu.memory_space<vmem>>
    %dma_start3A_12 = arith.constant 0 : i32
    %dma_start3A_13 = arith.constant 0 : i32
    %dma_start3A_14 = tpu.memref_slice %arg2[%dma_start3A_12, %dma_start3A_13] : memref<10000x128xf32, #tpu.memory_space<hbm>> -> memref<10000x128xf32, #tpu.memory_space<hbm>>
    tpu.enqueue_indirect_dma source(%dma_start3A_14 : memref<10000x128xf32, #tpu.memory_space<hbm>>) target(%arg10 : memref<40x128xf32, #tpu.memory_space<vmem>>) offsets(%dma_start3A_11 : memref<40xi32, #tpu.memory_space<vmem>>) semaphore(%arg16 : memref<!tpu.dma_semaphore, #tpu.memory_space<semaphore_mem>>)
    %dma_start3A_15 = arith.constant 1 : i32
    %dma_start3A_16 = arith.constant 0 : i32
    %dma_start3A_17 = tpu.memref_slice %arg8[%dma_start3A_15, %dma_start3A_16] : memref<2x40xi32, #tpu.memory_space<vmem>> -> memref<1x40xi32, #tpu.memory_space<vmem>>
    %dma_start3A_18 = tpu.memref_squeeze %dma_start3A_17 : memref<1x40xi32, #tpu.memory_space<vmem>> -> memref<40xi32, #tpu.memory_space<vmem>>
    %dma_start3A_19 = arith.constant 0 : i32
    %dma_start3A_20 = arith.constant 0 : i32
    %dma_start3A_21 = tpu.memref_slice %arg3[%dma_start3A_19, %dma_start3A_20] : memref<10000x128xf32, #tpu.memory_space<hbm>> -> memref<10000x128xf32, #tpu.memory_space<hbm>>
    tpu.enqueue_indirect_dma source(%dma_start3A_21 : memref<10000x128xf32, #tpu.memory_space<hbm>>) target(%arg11 : memref<40x128xf32, #tpu.memory_space<vmem>>) offsets(%dma_start3A_18 : memref<40xi32, #tpu.memory_space<vmem>>) semaphore(%arg17 : memref<!tpu.dma_semaphore, #tpu.memory_space<semaphore_mem>>)
    %dma_start3A_22 = arith.constant 0 : i32
    %dma_start3A_23 = tpu.memref_slice %arg4[%add3A_8, %dma_start3A_22] : memref<320000x128xf32, #tpu.memory_space<hbm>> -> memref<40x128xf32, #tpu.memory_space<hbm>>
    %dma_start3A_24 = arith.constant 0 : i32
    %dma_start3A_25 = tpu.memref_slice %arg4[%add3A_8, %dma_start3A_24] : memref<320000x128xf32, #tpu.memory_space<hbm>> -> memref<40x128xf32, #tpu.memory_space<hbm>>
    tpu.enqueue_dma source(%dma_start3A_25 : memref<40x128xf32, #tpu.memory_space<hbm>>) target(%arg12 : memref<40x128xf32, #tpu.memory_space<vmem>>) target_semaphore(%arg18 : memref<!tpu.dma_semaphore, #tpu.memory_space<semaphore_mem>>)
    %scan3A = arith.constant 0 : i32
    %scan3A_26 = arith.constant 0 : i32
    %scan3A_27 = arith.constant 125 : i32
    %scan3A_28 = arith.addi %scan3A_26, %scan3A_27 : i32
    %scan3A_29 = arith.constant 1 : i32
    scf.for %scan3A_53 = %scan3A_26 to %scan3A_28 step %scan3A_29  : i32 {
      %mul3A_54 = arith.constant 2 : i32
      %mul3A_55 = arith.muli %mul3A_54, %scan3A_53 : i32
      %add3A_56 = arith.constant 1 : i32
      %add3A_57 = arith.addi %mul3A_55, %add3A_56 : i32
      %gt3A = arith.constant 0 : i32
      %gt3A_58 = arith.cmpi sgt, %scan3A_53, %gt3A : i32
      %mul3A_59 = arith.constant 40 : i32
      %mul3A_60 = arith.muli %add3A_57, %mul3A_59 : i32
      %add3A_61 = arith.addi %mul3A_6, %mul3A_60 : i32
      %convert_element_type3A = arith.extui %gt3A_58 : i1 to i32
      %cond3A = arith.constant 0 : i32
      %cond3A_62 = arith.cmpi ne, %convert_element_type3A, %cond3A : i32
      scf.if %cond3A_62 {
        %sub3A = arith.constant 2 : i32
        %sub3A_155 = arith.subi %add3A_57, %sub3A : i32
        %mul3A_156 = arith.constant 40 : i32
        %mul3A_157 = arith.muli %sub3A_155, %mul3A_156 : i32
        %add3A_158 = arith.addi %mul3A_6, %mul3A_157 : i32
        %dma_wait3A_159 = arith.constant 1 : i32
        %dma_wait3A_160 = arith.constant 0 : i32
        %dma_wait3A_161 = tpu.memref_slice %arg9[%dma_wait3A_159, %dma_wait3A_160] : memref<2x40xi32, #tpu.memory_space<vmem>> -> memref<1x40xi32, #tpu.memory_space<vmem>>
        %dma_wait3A_162 = tpu.memref_squeeze %dma_wait3A_161 : memref<1x40xi32, #tpu.memory_space<vmem>> -> memref<40xi32, #tpu.memory_space<vmem>>
        %dma_wait3A_163 = arith.constant 0 : i32
        %dma_wait3A_164 = arith.constant 0 : i32
        %dma_wait3A_165 = tpu.memref_slice %arg24[%dma_wait3A_163, %dma_wait3A_164] : memref<10000x128xf32, #tpu.memory_space<vmem_shared>> -> memref<10000x128xf32, #tpu.memory_space<vmem_shared>>
        tpu.wait_indirect_dma semaphore(%arg23 : memref<!tpu.dma_semaphore, #tpu.memory_space<semaphore_mem>>) src(%arg13 : memref<40x128xf32, #tpu.memory_space<vmem>>) dst(%dma_wait3A_165 : memref<10000x128xf32, #tpu.memory_space<vmem_shared>>)
      } else {
      }
      "tpu.region"() ({
        %run_scoped3A_155 = tpu.sem_alloc : memref<!tpu.dma_semaphore, #tpu.memory_space<semaphore_mem>>
        %dma_start3A_156 = arith.constant 0 : i32
        %dma_start3A_157 = arith.constant 0 : i32
        %dma_start3A_158 = tpu.memref_slice %arg5[%add3A, %add3A_57, %dma_start3A_156, %dma_start3A_157] : memref<32x250x2x40xi32, #tpu.memory_space<hbm>> -> memref<1x1x2x40xi32, #tpu.memory_space<hbm>>
        %dma_start3A_159 = tpu.memref_squeeze %dma_start3A_158 : memref<1x1x2x40xi32, #tpu.memory_space<hbm>> -> memref<2x40xi32, #tpu.memory_space<hbm>>
        %dma_start3A_160 = arith.constant 0 : i32
        %dma_start3A_161 = arith.constant 0 : i32
        %dma_start3A_162 = tpu.memref_slice %arg5[%add3A, %add3A_57, %dma_start3A_160, %dma_start3A_161] : memref<32x250x2x40xi32, #tpu.memory_space<hbm>> -> memref<1x1x2x40xi32, #tpu.memory_space<hbm>>
        %dma_start3A_163 = tpu.memref_squeeze %dma_start3A_162 : memref<1x1x2x40xi32, #tpu.memory_space<hbm>> -> memref<2x40xi32, #tpu.memory_space<hbm>>
        tpu.enqueue_dma source(%dma_start3A_163 : memref<2x40xi32, #tpu.memory_space<hbm>>) target(%arg9 : memref<2x40xi32, #tpu.memory_space<vmem>>) target_semaphore(%run_scoped3A_155 : memref<!tpu.dma_semaphore, #tpu.memory_space<semaphore_mem>>)
        %dma_wait3A_164 = arith.constant 0 : i32
        %dma_wait3A_165 = arith.constant 0 : i32
        %dma_wait3A_166 = tpu.memref_slice %arg5[%add3A, %add3A_57, %dma_wait3A_164, %dma_wait3A_165] : memref<32x250x2x40xi32, #tpu.memory_space<hbm>> -> memref<1x1x2x40xi32, #tpu.memory_space<hbm>>
        %dma_wait3A_167 = tpu.memref_squeeze %dma_wait3A_166 : memref<1x1x2x40xi32, #tpu.memory_space<hbm>> -> memref<2x40xi32, #tpu.memory_space<hbm>>
        %dma_wait3A_168 = arith.constant 0 : i32
        %dma_wait3A_169 = arith.constant 0 : i32
        %dma_wait3A_170 = tpu.memref_slice %arg5[%add3A, %add3A_57, %dma_wait3A_168, %dma_wait3A_169] : memref<32x250x2x40xi32, #tpu.memory_space<hbm>> -> memref<1x1x2x40xi32, #tpu.memory_space<hbm>>
        %dma_wait3A_171 = tpu.memref_squeeze %dma_wait3A_170 : memref<1x1x2x40xi32, #tpu.memory_space<hbm>> -> memref<2x40xi32, #tpu.memory_space<hbm>>
        tpu.wait_dma2 semaphore(%run_scoped3A_155 : memref<!tpu.dma_semaphore, #tpu.memory_space<semaphore_mem>>) src(%dma_wait3A_171 : memref<2x40xi32, #tpu.memory_space<hbm>>) dst(%arg9 : memref<2x40xi32, #tpu.memory_space<vmem>>)
        tpu.yield
      }) : () -> ()
      %dma_start3A_63 = arith.constant 0 : i32
      %dma_start3A_64 = arith.constant 0 : i32
      %dma_start3A_65 = tpu.memref_slice %arg9[%dma_start3A_63, %dma_start3A_64] : memref<2x40xi32, #tpu.memory_space<vmem>> -> memref<1x40xi32, #tpu.memory_space<vmem>>
      %dma_start3A_66 = tpu.memref_squeeze %dma_start3A_65 : memref<1x40xi32, #tpu.memory_space<vmem>> -> memref<40xi32, #tpu.memory_space<vmem>>
      %dma_start3A_67 = arith.constant 0 : i32
      %dma_start3A_68 = arith.constant 0 : i32
      %dma_start3A_69 = tpu.memref_slice %arg2[%dma_start3A_67, %dma_start3A_68] : memref<10000x128xf32, #tpu.memory_space<hbm>> -> memref<10000x128xf32, #tpu.memory_space<hbm>>
      tpu.enqueue_indirect_dma source(%dma_start3A_69 : memref<10000x128xf32, #tpu.memory_space<hbm>>) target(%arg13 : memref<40x128xf32, #tpu.memory_space<vmem>>) offsets(%dma_start3A_66 : memref<40xi32, #tpu.memory_space<vmem>>) semaphore(%arg19 : memref<!tpu.dma_semaphore, #tpu.memory_space<semaphore_mem>>)
      %dma_start3A_70 = arith.constant 1 : i32
      %dma_start3A_71 = arith.constant 0 : i32
      %dma_start3A_72 = tpu.memref_slice %arg9[%dma_start3A_70, %dma_start3A_71] : memref<2x40xi32, #tpu.memory_space<vmem>> -> memref<1x40xi32, #tpu.memory_space<vmem>>
      %dma_start3A_73 = tpu.memref_squeeze %dma_start3A_72 : memref<1x40xi32, #tpu.memory_space<vmem>> -> memref<40xi32, #tpu.memory_space<vmem>>
      %dma_start3A_74 = arith.constant 0 : i32
      %dma_start3A_75 = arith.constant 0 : i32
      %dma_start3A_76 = tpu.memref_slice %arg3[%dma_start3A_74, %dma_start3A_75] : memref<10000x128xf32, #tpu.memory_space<hbm>> -> memref<10000x128xf32, #tpu.memory_space<hbm>>
      tpu.enqueue_indirect_dma source(%dma_start3A_76 : memref<10000x128xf32, #tpu.memory_space<hbm>>) target(%arg14 : memref<40x128xf32, #tpu.memory_space<vmem>>) offsets(%dma_start3A_73 : memref<40xi32, #tpu.memory_space<vmem>>) semaphore(%arg20 : memref<!tpu.dma_semaphore, #tpu.memory_space<semaphore_mem>>)
      %dma_start3A_77 = arith.constant 0 : i32
      %dma_start3A_78 = tpu.memref_slice %arg4[%add3A_61, %dma_start3A_77] : memref<320000x128xf32, #tpu.memory_space<hbm>> -> memref<40x128xf32, #tpu.memory_space<hbm>>
      %dma_start3A_79 = arith.constant 0 : i32
      %dma_start3A_80 = tpu.memref_slice %arg4[%add3A_61, %dma_start3A_79] : memref<320000x128xf32, #tpu.memory_space<hbm>> -> memref<40x128xf32, #tpu.memory_space<hbm>>
      tpu.enqueue_dma source(%dma_start3A_80 : memref<40x128xf32, #tpu.memory_space<hbm>>) target(%arg15 : memref<40x128xf32, #tpu.memory_space<vmem>>) target_semaphore(%arg21 : memref<!tpu.dma_semaphore, #tpu.memory_space<semaphore_mem>>)
      %mul3A_81 = arith.constant 40 : i32
      %mul3A_82 = arith.muli %mul3A_55, %mul3A_81 : i32
      %add3A_83 = arith.addi %mul3A_6, %mul3A_82 : i32
      %dma_wait3A_84 = arith.constant 0 : i32
      %dma_wait3A_85 = arith.constant 0 : i32
      %dma_wait3A_86 = tpu.memref_slice %arg8[%dma_wait3A_84, %dma_wait3A_85] : memref<2x40xi32, #tpu.memory_space<vmem>> -> memref<1x40xi32, #tpu.memory_space<vmem>>
      %dma_wait3A_87 = tpu.memref_squeeze %dma_wait3A_86 : memref<1x40xi32, #tpu.memory_space<vmem>> -> memref<40xi32, #tpu.memory_space<vmem>>
      %dma_wait3A_88 = arith.constant 0 : i32
      %dma_wait3A_89 = arith.constant 0 : i32
      %dma_wait3A_90 = tpu.memref_slice %arg2[%dma_wait3A_88, %dma_wait3A_89] : memref<10000x128xf32, #tpu.memory_space<hbm>> -> memref<10000x128xf32, #tpu.memory_space<hbm>>
      tpu.wait_indirect_dma semaphore(%arg16 : memref<!tpu.dma_semaphore, #tpu.memory_space<semaphore_mem>>) src(%dma_wait3A_90 : memref<10000x128xf32, #tpu.memory_space<hbm>>) dst(%arg10 : memref<40x128xf32, #tpu.memory_space<vmem>>)
      %dma_wait3A_91 = arith.constant 1 : i32
      %dma_wait3A_92 = arith.constant 0 : i32
      %dma_wait3A_93 = tpu.memref_slice %arg8[%dma_wait3A_91, %dma_wait3A_92] : memref<2x40xi32, #tpu.memory_space<vmem>> -> memref<1x40xi32, #tpu.memory_space<vmem>>
      %dma_wait3A_94 = tpu.memref_squeeze %dma_wait3A_93 : memref<1x40xi32, #tpu.memory_space<vmem>> -> memref<40xi32, #tpu.memory_space<vmem>>
      %dma_wait3A_95 = arith.constant 0 : i32
      %dma_wait3A_96 = arith.constant 0 : i32
      %dma_wait3A_97 = tpu.memref_slice %arg3[%dma_wait3A_95, %dma_wait3A_96] : memref<10000x128xf32, #tpu.memory_space<hbm>> -> memref<10000x128xf32, #tpu.memory_space<hbm>>
      tpu.wait_indirect_dma semaphore(%arg17 : memref<!tpu.dma_semaphore, #tpu.memory_space<semaphore_mem>>) src(%dma_wait3A_97 : memref<10000x128xf32, #tpu.memory_space<hbm>>) dst(%arg11 : memref<40x128xf32, #tpu.memory_space<vmem>>)
      %dma_wait3A_98 = arith.constant 0 : i32
      %dma_wait3A_99 = tpu.memref_slice %arg4[%add3A_83, %dma_wait3A_98] : memref<320000x128xf32, #tpu.memory_space<hbm>> -> memref<40x128xf32, #tpu.memory_space<hbm>>
      %dma_wait3A_100 = arith.constant 0 : i32
      %dma_wait3A_101 = tpu.memref_slice %arg4[%add3A_83, %dma_wait3A_100] : memref<320000x128xf32, #tpu.memory_space<hbm>> -> memref<40x128xf32, #tpu.memory_space<hbm>>
      tpu.wait_dma2 semaphore(%arg18 : memref<!tpu.dma_semaphore, #tpu.memory_space<semaphore_mem>>) src(%dma_wait3A_101 : memref<40x128xf32, #tpu.memory_space<hbm>>) dst(%arg12 : memref<40x128xf32, #tpu.memory_space<vmem>>)
      %scan3A_102 = arith.constant 0 : i32
      %scan3A_103 = arith.constant 0 : i32
      %scan3A_104 = arith.constant 40 : i32
      %scan3A_105 = arith.addi %scan3A_103, %scan3A_104 : i32
      %scan3A_106 = arith.constant 1 : i32
      scf.for %scan3A_155 = %scan3A_103 to %scan3A_105 step %scan3A_106  : i32 {
        %get3A = arith.index_cast %scan3A_155 : i32 to index
        %get3A_156 = arith.constant 0 : index
        %get3A_157 = tpu.vector_load %arg10[%get3A, %get3A_156] {strides = array<i32>} : memref<40x128xf32, #tpu.memory_space<vmem>>, vector<1x16xf32>,
        %get3A_158 = vector.shape_cast %get3A_157 : vector<1x16xf32> to vector<16xf32>
        %get3A_159 = arith.index_cast %scan3A_155 : i32 to index
        %get3A_160 = arith.constant 0 : index
        %get3A_161 = tpu.vector_load %arg11[%get3A_159, %get3A_160] {strides = array<i32>} : memref<40x128xf32, #tpu.memory_space<vmem>>, vector<1x16xf32>,
        %get3A_162 = vector.shape_cast %get3A_161 : vector<1x16xf32> to vector<16xf32>
        %add3A_163 = arith.addf %get3A_158, %get3A_162 : vector<16xf32>
        %get3A_164 = arith.index_cast %scan3A_155 : i32 to index
        %get3A_165 = arith.constant 0 : index
        %get3A_166 = tpu.vector_load %arg12[%get3A_164, %get3A_165] {strides = array<i32>} : memref<40x128xf32, #tpu.memory_space<vmem>>, vector<1x16xf32>,
        %get3A_167 = vector.shape_cast %get3A_166 : vector<1x16xf32> to vector<16xf32>
        %add3A_168 = arith.addf %add3A_163, %get3A_167 : vector<16xf32>
        %max3A = arith.constant 0.000000e+00 : f32
        %max3A_169 = vector.broadcast %max3A : f32 to vector<16xf32>
        %max3A_170 = arith.maximumf %add3A_168, %max3A_169 : vector<16xf32>
        %swap3A = arith.index_cast %scan3A_155 : i32 to index
        %swap3A_171 = arith.constant 0 : index
        %swap3A_172 = tpu.vector_load %arg10[%swap3A, %swap3A_171] {strides = array<i32>} : memref<40x128xf32, #tpu.memory_space<vmem>>, vector<1x16xf32>,
        %swap3A_173 = vector.shape_cast %swap3A_172 : vector<1x16xf32> to vector<16xf32>
        %swap3A_174 = vector.shape_cast %max3A_170 : vector<16xf32> to vector<1x16xf32>
        tpu.vector_store %arg10[%swap3A, %swap3A_171], %swap3A_174 {strides = array<i32>} : memref<40x128xf32, #tpu.memory_space<vmem>>, vector<1x16xf32>,
        %get3A_175 = arith.index_cast %scan3A_155 : i32 to index
        %get3A_176 = arith.constant 16 : index
        %get3A_177 = tpu.vector_load %arg10[%get3A_175, %get3A_176] {strides = array<i32>} : memref<40x128xf32, #tpu.memory_space<vmem>>, vector<1x16xf32>,
        %get3A_178 = vector.shape_cast %get3A_177 : vector<1x16xf32> to vector<16xf32>
        %get3A_179 = arith.index_cast %scan3A_155 : i32 to index
        %get3A_180 = arith.constant 16 : index
        %get3A_181 = tpu.vector_load %arg11[%get3A_179, %get3A_180] {strides = array<i32>} : memref<40x128xf32, #tpu.memory_space<vmem>>, vector<1x16xf32>,
        %get3A_182 = vector.shape_cast %get3A_181 : vector<1x16xf32> to vector<16xf32>
        %add3A_183 = arith.addf %get3A_178, %get3A_182 : vector<16xf32>
        %get3A_184 = arith.index_cast %scan3A_155 : i32 to index
        %get3A_185 = arith.constant 16 : index
        %get3A_186 = tpu.vector_load %arg12[%get3A_184, %get3A_185] {strides = array<i32>} : memref<40x128xf32, #tpu.memory_space<vmem>>, vector<1x16xf32>,
        %get3A_187 = vector.shape_cast %get3A_186 : vector<1x16xf32> to vector<16xf32>
        %add3A_188 = arith.addf %add3A_183, %get3A_187 : vector<16xf32>
        %max3A_189 = arith.constant 0.000000e+00 : f32
        %max3A_190 = vector.broadcast %max3A_189 : f32 to vector<16xf32>
        %max3A_191 = arith.maximumf %add3A_188, %max3A_190 : vector<16xf32>
        %swap3A_192 = arith.index_cast %scan3A_155 : i32 to index
        %swap3A_193 = arith.constant 16 : index
        %swap3A_194 = tpu.vector_load %arg10[%swap3A_192, %swap3A_193] {strides = array<i32>} : memref<40x128xf32, #tpu.memory_space<vmem>>, vector<1x16xf32>,
        %swap3A_195 = vector.shape_cast %swap3A_194 : vector<1x16xf32> to vector<16xf32>
        %swap3A_196 = vector.shape_cast %max3A_191 : vector<16xf32> to vector<1x16xf32>
        tpu.vector_store %arg10[%swap3A_192, %swap3A_193], %swap3A_196 {strides = array<i32>} : memref<40x128xf32, #tpu.memory_space<vmem>>, vector<1x16xf32>,
        %get3A_197 = arith.index_cast %scan3A_155 : i32 to index
        %get3A_198 = arith.constant 32 : index
        %get3A_199 = tpu.vector_load %arg10[%get3A_197, %get3A_198] {strides = array<i32>} : memref<40x128xf32, #tpu.memory_space<vmem>>, vector<1x16xf32>,
        %get3A_200 = vector.shape_cast %get3A_199 : vector<1x16xf32> to vector<16xf32>
        %get3A_201 = arith.index_cast %scan3A_155 : i32 to index
        %get3A_202 = arith.constant 32 : index
        %get3A_203 = tpu.vector_load %arg11[%get3A_201, %get3A_202] {strides = array<i32>} : memref<40x128xf32, #tpu.memory_space<vmem>>, vector<1x16xf32>,
        %get3A_204 = vector.shape_cast %get3A_203 : vector<1x16xf32> to vector<16xf32>
        %add3A_205 = arith.addf %get3A_200, %get3A_204 : vector<16xf32>
        %get3A_206 = arith.index_cast %scan3A_155 : i32 to index
        %get3A_207 = arith.constant 32 : index
        %get3A_208 = tpu.vector_load %arg12[%get3A_206, %get3A_207] {strides = array<i32>} : memref<40x128xf32, #tpu.memory_space<vmem>>, vector<1x16xf32>,
        %get3A_209 = vector.shape_cast %get3A_208 : vector<1x16xf32> to vector<16xf32>
        %add3A_210 = arith.addf %add3A_205, %get3A_209 : vector<16xf32>
        %max3A_211 = arith.constant 0.000000e+00 : f32
        %max3A_212 = vector.broadcast %max3A_211 : f32 to vector<16xf32>
        %max3A_213 = arith.maximumf %add3A_210, %max3A_212 : vector<16xf32>
        %swap3A_214 = arith.index_cast %scan3A_155 : i32 to index
        %swap3A_215 = arith.constant 32 : index
        %swap3A_216 = tpu.vector_load %arg10[%swap3A_214, %swap3A_215] {strides = array<i32>} : memref<40x128xf32, #tpu.memory_space<vmem>>, vector<1x16xf32>,
        %swap3A_217 = vector.shape_cast %swap3A_216 : vector<1x16xf32> to vector<16xf32>
        %swap3A_218 = vector.shape_cast %max3A_213 : vector<16xf32> to vector<1x16xf32>
        tpu.vector_store %arg10[%swap3A_214, %swap3A_215], %swap3A_218 {strides = array<i32>} : memref<40x128xf32, #tpu.memory_space<vmem>>, vector<1x16xf32>,
        %get3A_219 = arith.index_cast %scan3A_155 : i32 to index
        %get3A_220 = arith.constant 48 : index
        %get3A_221 = tpu.vector_load %arg10[%get3A_219, %get3A_220] {strides = array<i32>} : memref<40x128xf32, #tpu.memory_space<vmem>>, vector<1x16xf32>,
        %get3A_222 = vector.shape_cast %get3A_221 : vector<1x16xf32> to vector<16xf32>
        %get3A_223 = arith.index_cast %scan3A_155 : i32 to index
        %get3A_224 = arith.constant 48 : index
        %get3A_225 = tpu.vector_load %arg11[%get3A_223, %get3A_224] {strides = array<i32>} : memref<40x128xf32, #tpu.memory_space<vmem>>, vector<1x16xf32>,
        %get3A_226 = vector.shape_cast %get3A_225 : vector<1x16xf32> to vector<16xf32>
        %add3A_227 = arith.addf %get3A_222, %get3A_226 : vector<16xf32>
        %get3A_228 = arith.index_cast %scan3A_155 : i32 to index
        %get3A_229 = arith.constant 48 : index
        %get3A_230 = tpu.vector_load %arg12[%get3A_228, %get3A_229] {strides = array<i32>} : memref<40x128xf32, #tpu.memory_space<vmem>>, vector<1x16xf32>,
        %get3A_231 = vector.shape_cast %get3A_230 : vector<1x16xf32> to vector<16xf32>
        %add3A_232 = arith.addf %add3A_227, %get3A_231 : vector<16xf32>
        %max3A_233 = arith.constant 0.000000e+00 : f32
        %max3A_234 = vector.broadcast %max3A_233 : f32 to vector<16xf32>
        %max3A_235 = arith.maximumf %add3A_232, %max3A_234 : vector<16xf32>
        %swap3A_236 = arith.index_cast %scan3A_155 : i32 to index
        %swap3A_237 = arith.constant 48 : index
        %swap3A_238 = tpu.vector_load %arg10[%swap3A_236, %swap3A_237] {strides = array<i32>} : memref<40x128xf32, #tpu.memory_space<vmem>>, vector<1x16xf32>,
        %swap3A_239 = vector.shape_cast %swap3A_238 : vector<1x16xf32> to vector<16xf32>
        %swap3A_240 = vector.shape_cast %max3A_235 : vector<16xf32> to vector<1x16xf32>
        tpu.vector_store %arg10[%swap3A_236, %swap3A_237], %swap3A_240 {strides = array<i32>} : memref<40x128xf32, #tpu.memory_space<vmem>>, vector<1x16xf32>,
        %get3A_241 = arith.index_cast %scan3A_155 : i32 to index
        %get3A_242 = arith.constant 64 : index
        %get3A_243 = tpu.vector_load %arg10[%get3A_241, %get3A_242] {strides = array<i32>} : memref<40x128xf32, #tpu.memory_space<vmem>>, vector<1x16xf32>,
        %get3A_244 = vector.shape_cast %get3A_243 : vector<1x16xf32> to vector<16xf32>
        %get3A_245 = arith.index_cast %scan3A_155 : i32 to index
        %get3A_246 = arith.constant 64 : index
        %get3A_247 = tpu.vector_load %arg11[%get3A_245, %get3A_246] {strides = array<i32>} : memref<40x128xf32, #tpu.memory_space<vmem>>, vector<1x16xf32>,
        %get3A_248 = vector.shape_cast %get3A_247 : vector<1x16xf32> to vector<16xf32>
        %add3A_249 = arith.addf %get3A_244, %get3A_248 : vector<16xf32>
        %get3A_250 = arith.index_cast %scan3A_155 : i32 to index
        %get3A_251 = arith.constant 64 : index
        %get3A_252 = tpu.vector_load %arg12[%get3A_250, %get3A_251] {strides = array<i32>} : memref<40x128xf32, #tpu.memory_space<vmem>>, vector<1x16xf32>,
        %get3A_253 = vector.shape_cast %get3A_252 : vector<1x16xf32> to vector<16xf32>
        %add3A_254 = arith.addf %add3A_249, %get3A_253 : vector<16xf32>
        %max3A_255 = arith.constant 0.000000e+00 : f32
        %max3A_256 = vector.broadcast %max3A_255 : f32 to vector<16xf32>
        %max3A_257 = arith.maximumf %add3A_254, %max3A_256 : vector<16xf32>
        %swap3A_258 = arith.index_cast %scan3A_155 : i32 to index
        %swap3A_259 = arith.constant 64 : index
        %swap3A_260 = tpu.vector_load %arg10[%swap3A_258, %swap3A_259] {strides = array<i32>} : memref<40x128xf32, #tpu.memory_space<vmem>>, vector<1x16xf32>,
        %swap3A_261 = vector.shape_cast %swap3A_260 : vector<1x16xf32> to vector<16xf32>
        %swap3A_262 = vector.shape_cast %max3A_257 : vector<16xf32> to vector<1x16xf32>
        tpu.vector_store %arg10[%swap3A_258, %swap3A_259], %swap3A_262 {strides = array<i32>} : memref<40x128xf32, #tpu.memory_space<vmem>>, vector<1x16xf32>,
        %get3A_263 = arith.index_cast %scan3A_155 : i32 to index
        %get3A_264 = arith.constant 80 : index
        %get3A_265 = tpu.vector_load %arg10[%get3A_263, %get3A_264] {strides = array<i32>} : memref<40x128xf32, #tpu.memory_space<vmem>>, vector<1x16xf32>,
        %get3A_266 = vector.shape_cast %get3A_265 : vector<1x16xf32> to vector<16xf32>
        %get3A_267 = arith.index_cast %scan3A_155 : i32 to index
        %get3A_268 = arith.constant 80 : index
        %get3A_269 = tpu.vector_load %arg11[%get3A_267, %get3A_268] {strides = array<i32>} : memref<40x128xf32, #tpu.memory_space<vmem>>, vector<1x16xf32>,
        %get3A_270 = vector.shape_cast %get3A_269 : vector<1x16xf32> to vector<16xf32>
        %add3A_271 = arith.addf %get3A_266, %get3A_270 : vector<16xf32>
        %get3A_272 = arith.index_cast %scan3A_155 : i32 to index
        %get3A_273 = arith.constant 80 : index
        %get3A_274 = tpu.vector_load %arg12[%get3A_272, %get3A_273] {strides = array<i32>} : memref<40x128xf32, #tpu.memory_space<vmem>>, vector<1x16xf32>,
        %get3A_275 = vector.shape_cast %get3A_274 : vector<1x16xf32> to vector<16xf32>
        %add3A_276 = arith.addf %add3A_271, %get3A_275 : vector<16xf32>
        %max3A_277 = arith.constant 0.000000e+00 : f32
        %max3A_278 = vector.broadcast %max3A_277 : f32 to vector<16xf32>
        %max3A_279 = arith.maximumf %add3A_276, %max3A_278 : vector<16xf32>
        %swap3A_280 = arith.index_cast %scan3A_155 : i32 to index
        %swap3A_281 = arith.constant 80 : index
        %swap3A_282 = tpu.vector_load %arg10[%swap3A_280, %swap3A_281] {strides = array<i32>} : memref<40x128xf32, #tpu.memory_space<vmem>>, vector<1x16xf32>,
        %swap3A_283 = vector.shape_cast %swap3A_282 : vector<1x16xf32> to vector<16xf32>
        %swap3A_284 = vector.shape_cast %max3A_279 : vector<16xf32> to vector<1x16xf32>
        tpu.vector_store %arg10[%swap3A_280, %swap3A_281], %swap3A_284 {strides = array<i32>} : memref<40x128xf32, #tpu.memory_space<vmem>>, vector<1x16xf32>,
        %get3A_285 = arith.index_cast %scan3A_155 : i32 to index
        %get3A_286 = arith.constant 96 : index
        %get3A_287 = tpu.vector_load %arg10[%get3A_285, %get3A_286] {strides = array<i32>} : memref<40x128xf32, #tpu.memory_space<vmem>>, vector<1x16xf32>,
        %get3A_288 = vector.shape_cast %get3A_287 : vector<1x16xf32> to vector<16xf32>
        %get3A_289 = arith.index_cast %scan3A_155 : i32 to index
        %get3A_290 = arith.constant 96 : index
        %get3A_291 = tpu.vector_load %arg11[%get3A_289, %get3A_290] {strides = array<i32>} : memref<40x128xf32, #tpu.memory_space<vmem>>, vector<1x16xf32>,
        %get3A_292 = vector.shape_cast %get3A_291 : vector<1x16xf32> to vector<16xf32>
        %add3A_293 = arith.addf %get3A_288, %get3A_292 : vector<16xf32>
        %get3A_294 = arith.index_cast %scan3A_155 : i32 to index
        %get3A_295 = arith.constant 96 : index
        %get3A_296 = tpu.vector_load %arg12[%get3A_294, %get3A_295] {strides = array<i32>} : memref<40x128xf32, #tpu.memory_space<vmem>>, vector<1x16xf32>,
        %get3A_297 = vector.shape_cast %get3A_296 : vector<1x16xf32> to vector<16xf32>
        %add3A_298 = arith.addf %add3A_293, %get3A_297 : vector<16xf32>
        %max3A_299 = arith.constant 0.000000e+00 : f32
        %max3A_300 = vector.broadcast %max3A_299 : f32 to vector<16xf32>
        %max3A_301 = arith.maximumf %add3A_298, %max3A_300 : vector<16xf32>
        %swap3A_302 = arith.index_cast %scan3A_155 : i32 to index
        %swap3A_303 = arith.constant 96 : index
        %swap3A_304 = tpu.vector_load %arg10[%swap3A_302, %swap3A_303] {strides = array<i32>} : memref<40x128xf32, #tpu.memory_space<vmem>>, vector<1x16xf32>,
        %swap3A_305 = vector.shape_cast %swap3A_304 : vector<1x16xf32> to vector<16xf32>
        %swap3A_306 = vector.shape_cast %max3A_301 : vector<16xf32> to vector<1x16xf32>
        tpu.vector_store %arg10[%swap3A_302, %swap3A_303], %swap3A_306 {strides = array<i32>} : memref<40x128xf32, #tpu.memory_space<vmem>>, vector<1x16xf32>,
        %get3A_307 = arith.index_cast %scan3A_155 : i32 to index
        %get3A_308 = arith.constant 112 : index
        %get3A_309 = tpu.vector_load %arg10[%get3A_307, %get3A_308] {strides = array<i32>} : memref<40x128xf32, #tpu.memory_space<vmem>>, vector<1x16xf32>,
        %get3A_310 = vector.shape_cast %get3A_309 : vector<1x16xf32> to vector<16xf32>
        %get3A_311 = arith.index_cast %scan3A_155 : i32 to index
        %get3A_312 = arith.constant 112 : index
        %get3A_313 = tpu.vector_load %arg11[%get3A_311, %get3A_312] {strides = array<i32>} : memref<40x128xf32, #tpu.memory_space<vmem>>, vector<1x16xf32>,
        %get3A_314 = vector.shape_cast %get3A_313 : vector<1x16xf32> to vector<16xf32>
        %add3A_315 = arith.addf %get3A_310, %get3A_314 : vector<16xf32>
        %get3A_316 = arith.index_cast %scan3A_155 : i32 to index
        %get3A_317 = arith.constant 112 : index
        %get3A_318 = tpu.vector_load %arg12[%get3A_316, %get3A_317] {strides = array<i32>} : memref<40x128xf32, #tpu.memory_space<vmem>>, vector<1x16xf32>,
        %get3A_319 = vector.shape_cast %get3A_318 : vector<1x16xf32> to vector<16xf32>
        %add3A_320 = arith.addf %add3A_315, %get3A_319 : vector<16xf32>
        %max3A_321 = arith.constant 0.000000e+00 : f32
        %max3A_322 = vector.broadcast %max3A_321 : f32 to vector<16xf32>
        %max3A_323 = arith.maximumf %add3A_320, %max3A_322 : vector<16xf32>
        %swap3A_324 = arith.index_cast %scan3A_155 : i32 to index
        %swap3A_325 = arith.constant 112 : index
        %swap3A_326 = tpu.vector_load %arg10[%swap3A_324, %swap3A_325] {strides = array<i32>} : memref<40x128xf32, #tpu.memory_space<vmem>>, vector<1x16xf32>,
        %swap3A_327 = vector.shape_cast %swap3A_326 : vector<1x16xf32> to vector<16xf32>
        %swap3A_328 = vector.shape_cast %max3A_323 : vector<16xf32> to vector<1x16xf32>
        tpu.vector_store %arg10[%swap3A_324, %swap3A_325], %swap3A_328 {strides = array<i32>} : memref<40x128xf32, #tpu.memory_space<vmem>>, vector<1x16xf32>,
      }
      %scan3A_107 = arith.constant 40 : i32
      %dma_start3A_108 = arith.constant 1 : i32
      %dma_start3A_109 = arith.constant 0 : i32
      %dma_start3A_110 = tpu.memref_slice %arg8[%dma_start3A_108, %dma_start3A_109] : memref<2x40xi32, #tpu.memory_space<vmem>> -> memref<1x40xi32, #tpu.memory_space<vmem>>
      %dma_start3A_111 = tpu.memref_squeeze %dma_start3A_110 : memref<1x40xi32, #tpu.memory_space<vmem>> -> memref<40xi32, #tpu.memory_space<vmem>>
      %dma_start3A_112 = arith.constant 0 : i32
      %dma_start3A_113 = arith.constant 0 : i32
      %dma_start3A_114 = tpu.memref_slice %arg24[%dma_start3A_112, %dma_start3A_113] : memref<10000x128xf32, #tpu.memory_space<vmem_shared>> -> memref<10000x128xf32, #tpu.memory_space<vmem_shared>>
      tpu.enqueue_indirect_dma source(%arg10 : memref<40x128xf32, #tpu.memory_space<vmem>>) target(%dma_start3A_114 : memref<10000x128xf32, #tpu.memory_space<vmem_shared>>) offsets(%dma_start3A_111 : memref<40xi32, #tpu.memory_space<vmem>>) semaphore(%arg22 : memref<!tpu.dma_semaphore, #tpu.memory_space<semaphore_mem>>) {add = true}
      %lt3A = arith.constant 124 : i32
      %lt3A_115 = arith.cmpi slt, %scan3A_53, %lt3A : i32
      %convert_element_type3A_116 = arith.extui %lt3A_115 : i1 to i32
      %cond3A_117 = arith.constant 0 : i32
      %cond3A_118 = arith.cmpi ne, %convert_element_type3A_116, %cond3A_117 : i32
      scf.if %cond3A_118 {
        %add3A_155 = arith.constant 2 : i32
        %add3A_156 = arith.addi %mul3A_55, %add3A_155 : i32
        %mul3A_157 = arith.constant 40 : i32
        %mul3A_158 = arith.muli %add3A_156, %mul3A_157 : i32
        %add3A_159 = arith.addi %mul3A_6, %mul3A_158 : i32
        %sub3A = arith.constant 2 : i32
        %sub3A_160 = arith.subi %add3A_156, %sub3A : i32
        %mul3A_161 = arith.constant 40 : i32
        %mul3A_162 = arith.muli %sub3A_160, %mul3A_161 : i32
        %add3A_163 = arith.addi %mul3A_6, %mul3A_162 : i32
        %dma_wait3A_164 = arith.constant 1 : i32
        %dma_wait3A_165 = arith.constant 0 : i32
        %dma_wait3A_166 = tpu.memref_slice %arg8[%dma_wait3A_164, %dma_wait3A_165] : memref<2x40xi32, #tpu.memory_space<vmem>> -> memref<1x40xi32, #tpu.memory_space<vmem>>
        %dma_wait3A_167 = tpu.memref_squeeze %dma_wait3A_166 : memref<1x40xi32, #tpu.memory_space<vmem>> -> memref<40xi32, #tpu.memory_space<vmem>>
        %dma_wait3A_168 = arith.constant 0 : i32
        %dma_wait3A_169 = arith.constant 0 : i32
        %dma_wait3A_170 = tpu.memref_slice %arg24[%dma_wait3A_168, %dma_wait3A_169] : memref<10000x128xf32, #tpu.memory_space<vmem_shared>> -> memref<10000x128xf32, #tpu.memory_space<vmem_shared>>
        tpu.wait_indirect_dma semaphore(%arg22 : memref<!tpu.dma_semaphore, #tpu.memory_space<semaphore_mem>>) src(%arg10 : memref<40x128xf32, #tpu.memory_space<vmem>>) dst(%dma_wait3A_170 : memref<10000x128xf32, #tpu.memory_space<vmem_shared>>)
        "tpu.region"() ({
          %run_scoped3A_189 = tpu.sem_alloc : memref<!tpu.dma_semaphore, #tpu.memory_space<semaphore_mem>>
          %dma_start3A_190 = arith.constant 0 : i32
          %dma_start3A_191 = arith.constant 0 : i32
          %dma_start3A_192 = tpu.memref_slice %arg5[%add3A, %add3A_156, %dma_start3A_190, %dma_start3A_191] : memref<32x250x2x40xi32, #tpu.memory_space<hbm>> -> memref<1x1x2x40xi32, #tpu.memory_space<hbm>>
          %dma_start3A_193 = tpu.memref_squeeze %dma_start3A_192 : memref<1x1x2x40xi32, #tpu.memory_space<hbm>> -> memref<2x40xi32, #tpu.memory_space<hbm>>
          %dma_start3A_194 = arith.constant 0 : i32
          %dma_start3A_195 = arith.constant 0 : i32
          %dma_start3A_196 = tpu.memref_slice %arg5[%add3A, %add3A_156, %dma_start3A_194, %dma_start3A_195] : memref<32x250x2x40xi32, #tpu.memory_space<hbm>> -> memref<1x1x2x40xi32, #tpu.memory_space<hbm>>
          %dma_start3A_197 = tpu.memref_squeeze %dma_start3A_196 : memref<1x1x2x40xi32, #tpu.memory_space<hbm>> -> memref<2x40xi32, #tpu.memory_space<hbm>>
          tpu.enqueue_dma source(%dma_start3A_197 : memref<2x40xi32, #tpu.memory_space<hbm>>) target(%arg8 : memref<2x40xi32, #tpu.memory_space<vmem>>) target_semaphore(%run_scoped3A_189 : memref<!tpu.dma_semaphore, #tpu.memory_space<semaphore_mem>>)
          %dma_wait3A_198 = arith.constant 0 : i32
          %dma_wait3A_199 = arith.constant 0 : i32
          %dma_wait3A_200 = tpu.memref_slice %arg5[%add3A, %add3A_156, %dma_wait3A_198, %dma_wait3A_199] : memref<32x250x2x40xi32, #tpu.memory_space<hbm>> -> memref<1x1x2x40xi32, #tpu.memory_space<hbm>>
          %dma_wait3A_201 = tpu.memref_squeeze %dma_wait3A_200 : memref<1x1x2x40xi32, #tpu.memory_space<hbm>> -> memref<2x40xi32, #tpu.memory_space<hbm>>
          %dma_wait3A_202 = arith.constant 0 : i32
          %dma_wait3A_203 = arith.constant 0 : i32
          %dma_wait3A_204 = tpu.memref_slice %arg5[%add3A, %add3A_156, %dma_wait3A_202, %dma_wait3A_203] : memref<32x250x2x40xi32, #tpu.memory_space<hbm>> -> memref<1x1x2x40xi32, #tpu.memory_space<hbm>>
          %dma_wait3A_205 = tpu.memref_squeeze %dma_wait3A_204 : memref<1x1x2x40xi32, #tpu.memory_space<hbm>> -> memref<2x40xi32, #tpu.memory_space<hbm>>
          tpu.wait_dma2 semaphore(%run_scoped3A_189 : memref<!tpu.dma_semaphore, #tpu.memory_space<semaphore_mem>>) src(%dma_wait3A_205 : memref<2x40xi32, #tpu.memory_space<hbm>>) dst(%arg8 : memref<2x40xi32, #tpu.memory_space<vmem>>)
          tpu.yield
        }) : () -> ()
        %dma_start3A_171 = arith.constant 0 : i32
        %dma_start3A_172 = arith.constant 0 : i32
        %dma_start3A_173 = tpu.memref_slice %arg8[%dma_start3A_171, %dma_start3A_172] : memref<2x40xi32, #tpu.memory_space<vmem>> -> memref<1x40xi32, #tpu.memory_space<vmem>>
        %dma_start3A_174 = tpu.memref_squeeze %dma_start3A_173 : memref<1x40xi32, #tpu.memory_space<vmem>> -> memref<40xi32, #tpu.memory_space<vmem>>
        %dma_start3A_175 = arith.constant 0 : i32
        %dma_start3A_176 = arith.constant 0 : i32
        %dma_start3A_177 = tpu.memref_slice %arg2[%dma_start3A_175, %dma_start3A_176] : memref<10000x128xf32, #tpu.memory_space<hbm>> -> memref<10000x128xf32, #tpu.memory_space<hbm>>
        tpu.enqueue_indirect_dma source(%dma_start3A_177 : memref<10000x128xf32, #tpu.memory_space<hbm>>) target(%arg10 : memref<40x128xf32, #tpu.memory_space<vmem>>) offsets(%dma_start3A_174 : memref<40xi32, #tpu.memory_space<vmem>>) semaphore(%arg16 : memref<!tpu.dma_semaphore, #tpu.memory_space<semaphore_mem>>)
        %dma_start3A_178 = arith.constant 1 : i32
        %dma_start3A_179 = arith.constant 0 : i32
        %dma_start3A_180 = tpu.memref_slice %arg8[%dma_start3A_178, %dma_start3A_179] : memref<2x40xi32, #tpu.memory_space<vmem>> -> memref<1x40xi32, #tpu.memory_space<vmem>>
        %dma_start3A_181 = tpu.memref_squeeze %dma_start3A_180 : memref<1x40xi32, #tpu.memory_space<vmem>> -> memref<40xi32, #tpu.memory_space<vmem>>
        %dma_start3A_182 = arith.constant 0 : i32
        %dma_start3A_183 = arith.constant 0 : i32
        %dma_start3A_184 = tpu.memref_slice %arg3[%dma_start3A_182, %dma_start3A_183] : memref<10000x128xf32, #tpu.memory_space<hbm>> -> memref<10000x128xf32, #tpu.memory_space<hbm>>
        tpu.enqueue_indirect_dma source(%dma_start3A_184 : memref<10000x128xf32, #tpu.memory_space<hbm>>) target(%arg11 : memref<40x128xf32, #tpu.memory_space<vmem>>) offsets(%dma_start3A_181 : memref<40xi32, #tpu.memory_space<vmem>>) semaphore(%arg17 : memref<!tpu.dma_semaphore, #tpu.memory_space<semaphore_mem>>)
        %dma_start3A_185 = arith.constant 0 : i32
        %dma_start3A_186 = tpu.memref_slice %arg4[%add3A_159, %dma_start3A_185] : memref<320000x128xf32, #tpu.memory_space<hbm>> -> memref<40x128xf32, #tpu.memory_space<hbm>>
        %dma_start3A_187 = arith.constant 0 : i32
        %dma_start3A_188 = tpu.memref_slice %arg4[%add3A_159, %dma_start3A_187] : memref<320000x128xf32, #tpu.memory_space<hbm>> -> memref<40x128xf32, #tpu.memory_space<hbm>>
        tpu.enqueue_dma source(%dma_start3A_188 : memref<40x128xf32, #tpu.memory_space<hbm>>) target(%arg12 : memref<40x128xf32, #tpu.memory_space<vmem>>) target_semaphore(%arg18 : memref<!tpu.dma_semaphore, #tpu.memory_space<semaphore_mem>>)
      } else {
      }
      %add3A_119 = arith.constant 1 : i32
      %add3A_120 = arith.addi %mul3A_55, %add3A_119 : i32
      %mul3A_121 = arith.constant 40 : i32
      %mul3A_122 = arith.muli %add3A_120, %mul3A_121 : i32
      %add3A_123 = arith.addi %mul3A_6, %mul3A_122 : i32
      %dma_wait3A_124 = arith.constant 0 : i32
      %dma_wait3A_125 = arith.constant 0 : i32
      %dma_wait3A_126 = tpu.memref_slice %arg9[%dma_wait3A_124, %dma_wait3A_125] : memref<2x40xi32, #tpu.memory_space<vmem>> -> memref<1x40xi32, #tpu.memory_space<vmem>>
      %dma_wait3A_127 = tpu.memref_squeeze %dma_wait3A_126 : memref<1x40xi32, #tpu.memory_space<vmem>> -> memref<40xi32, #tpu.memory_space<vmem>>
      %dma_wait3A_128 = arith.constant 0 : i32
      %dma_wait3A_129 = arith.constant 0 : i32
      %dma_wait3A_130 = tpu.memref_slice %arg2[%dma_wait3A_128, %dma_wait3A_129] : memref<10000x128xf32, #tpu.memory_space<hbm>> -> memref<10000x128xf32, #tpu.memory_space<hbm>>
      tpu.wait_indirect_dma semaphore(%arg19 : memref<!tpu.dma_semaphore, #tpu.memory_space<semaphore_mem>>) src(%dma_wait3A_130 : memref<10000x128xf32, #tpu.memory_space<hbm>>) dst(%arg13 : memref<40x128xf32, #tpu.memory_space<vmem>>)
      %dma_wait3A_131 = arith.constant 1 : i32
      %dma_wait3A_132 = arith.constant 0 : i32
      %dma_wait3A_133 = tpu.memref_slice %arg9[%dma_wait3A_131, %dma_wait3A_132] : memref<2x40xi32, #tpu.memory_space<vmem>> -> memref<1x40xi32, #tpu.memory_space<vmem>>
      %dma_wait3A_134 = tpu.memref_squeeze %dma_wait3A_133 : memref<1x40xi32, #tpu.memory_space<vmem>> -> memref<40xi32, #tpu.memory_space<vmem>>
      %dma_wait3A_135 = arith.constant 0 : i32
      %dma_wait3A_136 = arith.constant 0 : i32
      %dma_wait3A_137 = tpu.memref_slice %arg3[%dma_wait3A_135, %dma_wait3A_136] : memref<10000x128xf32, #tpu.memory_space<hbm>> -> memref<10000x128xf32, #tpu.memory_space<hbm>>
      tpu.wait_indirect_dma semaphore(%arg20 : memref<!tpu.dma_semaphore, #tpu.memory_space<semaphore_mem>>) src(%dma_wait3A_137 : memref<10000x128xf32, #tpu.memory_space<hbm>>) dst(%arg14 : memref<40x128xf32, #tpu.memory_space<vmem>>)
      %dma_wait3A_138 = arith.constant 0 : i32
      %dma_wait3A_139 = tpu.memref_slice %arg4[%add3A_123, %dma_wait3A_138] : memref<320000x128xf32, #tpu.memory_space<hbm>> -> memref<40x128xf32, #tpu.memory_space<hbm>>
      %dma_wait3A_140 = arith.constant 0 : i32
      %dma_wait3A_141 = tpu.memref_slice %arg4[%add3A_123, %dma_wait3A_140] : memref<320000x128xf32, #tpu.memory_space<hbm>> -> memref<40x128xf32, #tpu.memory_space<hbm>>
      tpu.wait_dma2 semaphore(%arg21 : memref<!tpu.dma_semaphore, #tpu.memory_space<semaphore_mem>>) src(%dma_wait3A_141 : memref<40x128xf32, #tpu.memory_space<hbm>>) dst(%arg15 : memref<40x128xf32, #tpu.memory_space<vmem>>)
      %scan3A_142 = arith.constant 0 : i32
      %scan3A_143 = arith.constant 0 : i32
      %scan3A_144 = arith.constant 40 : i32
      %scan3A_145 = arith.addi %scan3A_143, %scan3A_144 : i32
      %scan3A_146 = arith.constant 1 : i32
      scf.for %scan3A_155 = %scan3A_143 to %scan3A_145 step %scan3A_146  : i32 {
        %get3A = arith.index_cast %scan3A_155 : i32 to index
        %get3A_156 = arith.constant 0 : index
        %get3A_157 = tpu.vector_load %arg13[%get3A, %get3A_156] {strides = array<i32>} : memref<40x128xf32, #tpu.memory_space<vmem>>, vector<1x16xf32>,
        %get3A_158 = vector.shape_cast %get3A_157 : vector<1x16xf32> to vector<16xf32>
        %get3A_159 = arith.index_cast %scan3A_155 : i32 to index
        %get3A_160 = arith.constant 0 : index
        %get3A_161 = tpu.vector_load %arg14[%get3A_159, %get3A_160] {strides = array<i32>} : memref<40x128xf32, #tpu.memory_space<vmem>>, vector<1x16xf32>,
        %get3A_162 = vector.shape_cast %get3A_161 : vector<1x16xf32> to vector<16xf32>
        %add3A_163 = arith.addf %get3A_158, %get3A_162 : vector<16xf32>
        %get3A_164 = arith.index_cast %scan3A_155 : i32 to index
        %get3A_165 = arith.constant 0 : index
        %get3A_166 = tpu.vector_load %arg15[%get3A_164, %get3A_165] {strides = array<i32>} : memref<40x128xf32, #tpu.memory_space<vmem>>, vector<1x16xf32>,
        %get3A_167 = vector.shape_cast %get3A_166 : vector<1x16xf32> to vector<16xf32>
        %add3A_168 = arith.addf %add3A_163, %get3A_167 : vector<16xf32>
        %max3A = arith.constant 0.000000e+00 : f32
        %max3A_169 = vector.broadcast %max3A : f32 to vector<16xf32>
        %max3A_170 = arith.maximumf %add3A_168, %max3A_169 : vector<16xf32>
        %swap3A = arith.index_cast %scan3A_155 : i32 to index
        %swap3A_171 = arith.constant 0 : index
        %swap3A_172 = tpu.vector_load %arg13[%swap3A, %swap3A_171] {strides = array<i32>} : memref<40x128xf32, #tpu.memory_space<vmem>>, vector<1x16xf32>,
        %swap3A_173 = vector.shape_cast %swap3A_172 : vector<1x16xf32> to vector<16xf32>
        %swap3A_174 = vector.shape_cast %max3A_170 : vector<16xf32> to vector<1x16xf32>
        tpu.vector_store %arg13[%swap3A, %swap3A_171], %swap3A_174 {strides = array<i32>} : memref<40x128xf32, #tpu.memory_space<vmem>>, vector<1x16xf32>,
        %get3A_175 = arith.index_cast %scan3A_155 : i32 to index
        %get3A_176 = arith.constant 16 : index
        %get3A_177 = tpu.vector_load %arg13[%get3A_175, %get3A_176] {strides = array<i32>} : memref<40x128xf32, #tpu.memory_space<vmem>>, vector<1x16xf32>,
        %get3A_178 = vector.shape_cast %get3A_177 : vector<1x16xf32> to vector<16xf32>
        %get3A_179 = arith.index_cast %scan3A_155 : i32 to index
        %get3A_180 = arith.constant 16 : index
        %get3A_181 = tpu.vector_load %arg14[%get3A_179, %get3A_180] {strides = array<i32>} : memref<40x128xf32, #tpu.memory_space<vmem>>, vector<1x16xf32>,
        %get3A_182 = vector.shape_cast %get3A_181 : vector<1x16xf32> to vector<16xf32>
        %add3A_183 = arith.addf %get3A_178, %get3A_182 : vector<16xf32>
        %get3A_184 = arith.index_cast %scan3A_155 : i32 to index
        %get3A_185 = arith.constant 16 : index
        %get3A_186 = tpu.vector_load %arg15[%get3A_184, %get3A_185] {strides = array<i32>} : memref<40x128xf32, #tpu.memory_space<vmem>>, vector<1x16xf32>,
        %get3A_187 = vector.shape_cast %get3A_186 : vector<1x16xf32> to vector<16xf32>
        %add3A_188 = arith.addf %add3A_183, %get3A_187 : vector<16xf32>
        %max3A_189 = arith.constant 0.000000e+00 : f32
        %max3A_190 = vector.broadcast %max3A_189 : f32 to vector<16xf32>
        %max3A_191 = arith.maximumf %add3A_188, %max3A_190 : vector<16xf32>
        %swap3A_192 = arith.index_cast %scan3A_155 : i32 to index
        %swap3A_193 = arith.constant 16 : index
        %swap3A_194 = tpu.vector_load %arg13[%swap3A_192, %swap3A_193] {strides = array<i32>} : memref<40x128xf32, #tpu.memory_space<vmem>>, vector<1x16xf32>,
        %swap3A_195 = vector.shape_cast %swap3A_194 : vector<1x16xf32> to vector<16xf32>
        %swap3A_196 = vector.shape_cast %max3A_191 : vector<16xf32> to vector<1x16xf32>
        tpu.vector_store %arg13[%swap3A_192, %swap3A_193], %swap3A_196 {strides = array<i32>} : memref<40x128xf32, #tpu.memory_space<vmem>>, vector<1x16xf32>,
        %get3A_197 = arith.index_cast %scan3A_155 : i32 to index
        %get3A_198 = arith.constant 32 : index
        %get3A_199 = tpu.vector_load %arg13[%get3A_197, %get3A_198] {strides = array<i32>} : memref<40x128xf32, #tpu.memory_space<vmem>>, vector<1x16xf32>,
        %get3A_200 = vector.shape_cast %get3A_199 : vector<1x16xf32> to vector<16xf32>
        %get3A_201 = arith.index_cast %scan3A_155 : i32 to index
        %get3A_202 = arith.constant 32 : index
        %get3A_203 = tpu.vector_load %arg14[%get3A_201, %get3A_202] {strides = array<i32>} : memref<40x128xf32, #tpu.memory_space<vmem>>, vector<1x16xf32>,
        %get3A_204 = vector.shape_cast %get3A_203 : vector<1x16xf32> to vector<16xf32>
        %add3A_205 = arith.addf %get3A_200, %get3A_204 : vector<16xf32>
        %get3A_206 = arith.index_cast %scan3A_155 : i32 to index
        %get3A_207 = arith.constant 32 : index
        %get3A_208 = tpu.vector_load %arg15[%get3A_206, %get3A_207] {strides = array<i32>} : memref<40x128xf32, #tpu.memory_space<vmem>>, vector<1x16xf32>,
        %get3A_209 = vector.shape_cast %get3A_208 : vector<1x16xf32> to vector<16xf32>
        %add3A_210 = arith.addf %add3A_205, %get3A_209 : vector<16xf32>
        %max3A_211 = arith.constant 0.000000e+00 : f32
        %max3A_212 = vector.broadcast %max3A_211 : f32 to vector<16xf32>
        %max3A_213 = arith.maximumf %add3A_210, %max3A_212 : vector<16xf32>
        %swap3A_214 = arith.index_cast %scan3A_155 : i32 to index
        %swap3A_215 = arith.constant 32 : index
        %swap3A_216 = tpu.vector_load %arg13[%swap3A_214, %swap3A_215] {strides = array<i32>} : memref<40x128xf32, #tpu.memory_space<vmem>>, vector<1x16xf32>,
        %swap3A_217 = vector.shape_cast %swap3A_216 : vector<1x16xf32> to vector<16xf32>
        %swap3A_218 = vector.shape_cast %max3A_213 : vector<16xf32> to vector<1x16xf32>
        tpu.vector_store %arg13[%swap3A_214, %swap3A_215], %swap3A_218 {strides = array<i32>} : memref<40x128xf32, #tpu.memory_space<vmem>>, vector<1x16xf32>,
        %get3A_219 = arith.index_cast %scan3A_155 : i32 to index
        %get3A_220 = arith.constant 48 : index
        %get3A_221 = tpu.vector_load %arg13[%get3A_219, %get3A_220] {strides = array<i32>} : memref<40x128xf32, #tpu.memory_space<vmem>>, vector<1x16xf32>,
        %get3A_222 = vector.shape_cast %get3A_221 : vector<1x16xf32> to vector<16xf32>
        %get3A_223 = arith.index_cast %scan3A_155 : i32 to index
        %get3A_224 = arith.constant 48 : index
        %get3A_225 = tpu.vector_load %arg14[%get3A_223, %get3A_224] {strides = array<i32>} : memref<40x128xf32, #tpu.memory_space<vmem>>, vector<1x16xf32>,
        %get3A_226 = vector.shape_cast %get3A_225 : vector<1x16xf32> to vector<16xf32>
        %add3A_227 = arith.addf %get3A_222, %get3A_226 : vector<16xf32>
        %get3A_228 = arith.index_cast %scan3A_155 : i32 to index
        %get3A_229 = arith.constant 48 : index
        %get3A_230 = tpu.vector_load %arg15[%get3A_228, %get3A_229] {strides = array<i32>} : memref<40x128xf32, #tpu.memory_space<vmem>>, vector<1x16xf32>,
        %get3A_231 = vector.shape_cast %get3A_230 : vector<1x16xf32> to vector<16xf32>
        %add3A_232 = arith.addf %add3A_227, %get3A_231 : vector<16xf32>
        %max3A_233 = arith.constant 0.000000e+00 : f32
        %max3A_234 = vector.broadcast %max3A_233 : f32 to vector<16xf32>
        %max3A_235 = arith.maximumf %add3A_232, %max3A_234 : vector<16xf32>
        %swap3A_236 = arith.index_cast %scan3A_155 : i32 to index
        %swap3A_237 = arith.constant 48 : index
        %swap3A_238 = tpu.vector_load %arg13[%swap3A_236, %swap3A_237] {strides = array<i32>} : memref<40x128xf32, #tpu.memory_space<vmem>>, vector<1x16xf32>,
        %swap3A_239 = vector.shape_cast %swap3A_238 : vector<1x16xf32> to vector<16xf32>
        %swap3A_240 = vector.shape_cast %max3A_235 : vector<16xf32> to vector<1x16xf32>
        tpu.vector_store %arg13[%swap3A_236, %swap3A_237], %swap3A_240 {strides = array<i32>} : memref<40x128xf32, #tpu.memory_space<vmem>>, vector<1x16xf32>,
        %get3A_241 = arith.index_cast %scan3A_155 : i32 to index
        %get3A_242 = arith.constant 64 : index
        %get3A_243 = tpu.vector_load %arg13[%get3A_241, %get3A_242] {strides = array<i32>} : memref<40x128xf32, #tpu.memory_space<vmem>>, vector<1x16xf32>,
        %get3A_244 = vector.shape_cast %get3A_243 : vector<1x16xf32> to vector<16xf32>
        %get3A_245 = arith.index_cast %scan3A_155 : i32 to index
        %get3A_246 = arith.constant 64 : index
        %get3A_247 = tpu.vector_load %arg14[%get3A_245, %get3A_246] {strides = array<i32>} : memref<40x128xf32, #tpu.memory_space<vmem>>, vector<1x16xf32>,
        %get3A_248 = vector.shape_cast %get3A_247 : vector<1x16xf32> to vector<16xf32>
        %add3A_249 = arith.addf %get3A_244, %get3A_248 : vector<16xf32>
        %get3A_250 = arith.index_cast %scan3A_155 : i32 to index
        %get3A_251 = arith.constant 64 : index
        %get3A_252 = tpu.vector_load %arg15[%get3A_250, %get3A_251] {strides = array<i32>} : memref<40x128xf32, #tpu.memory_space<vmem>>, vector<1x16xf32>,
        %get3A_253 = vector.shape_cast %get3A_252 : vector<1x16xf32> to vector<16xf32>
        %add3A_254 = arith.addf %add3A_249, %get3A_253 : vector<16xf32>
        %max3A_255 = arith.constant 0.000000e+00 : f32
        %max3A_256 = vector.broadcast %max3A_255 : f32 to vector<16xf32>
        %max3A_257 = arith.maximumf %add3A_254, %max3A_256 : vector<16xf32>
        %swap3A_258 = arith.index_cast %scan3A_155 : i32 to index
        %swap3A_259 = arith.constant 64 : index
        %swap3A_260 = tpu.vector_load %arg13[%swap3A_258, %swap3A_259] {strides = array<i32>} : memref<40x128xf32, #tpu.memory_space<vmem>>, vector<1x16xf32>,
        %swap3A_261 = vector.shape_cast %swap3A_260 : vector<1x16xf32> to vector<16xf32>
        %swap3A_262 = vector.shape_cast %max3A_257 : vector<16xf32> to vector<1x16xf32>
        tpu.vector_store %arg13[%swap3A_258, %swap3A_259], %swap3A_262 {strides = array<i32>} : memref<40x128xf32, #tpu.memory_space<vmem>>, vector<1x16xf32>,
        %get3A_263 = arith.index_cast %scan3A_155 : i32 to index
        %get3A_264 = arith.constant 80 : index
        %get3A_265 = tpu.vector_load %arg13[%get3A_263, %get3A_264] {strides = array<i32>} : memref<40x128xf32, #tpu.memory_space<vmem>>, vector<1x16xf32>,
        %get3A_266 = vector.shape_cast %get3A_265 : vector<1x16xf32> to vector<16xf32>
        %get3A_267 = arith.index_cast %scan3A_155 : i32 to index
        %get3A_268 = arith.constant 80 : index
        %get3A_269 = tpu.vector_load %arg14[%get3A_267, %get3A_268] {strides = array<i32>} : memref<40x128xf32, #tpu.memory_space<vmem>>, vector<1x16xf32>,
        %get3A_270 = vector.shape_cast %get3A_269 : vector<1x16xf32> to vector<16xf32>
        %add3A_271 = arith.addf %get3A_266, %get3A_270 : vector<16xf32>
        %get3A_272 = arith.index_cast %scan3A_155 : i32 to index
        %get3A_273 = arith.constant 80 : index
        %get3A_274 = tpu.vector_load %arg15[%get3A_272, %get3A_273] {strides = array<i32>} : memref<40x128xf32, #tpu.memory_space<vmem>>, vector<1x16xf32>,
        %get3A_275 = vector.shape_cast %get3A_274 : vector<1x16xf32> to vector<16xf32>
        %add3A_276 = arith.addf %add3A_271, %get3A_275 : vector<16xf32>
        %max3A_277 = arith.constant 0.000000e+00 : f32
        %max3A_278 = vector.broadcast %max3A_277 : f32 to vector<16xf32>
        %max3A_279 = arith.maximumf %add3A_276, %max3A_278 : vector<16xf32>
        %swap3A_280 = arith.index_cast %scan3A_155 : i32 to index
        %swap3A_281 = arith.constant 80 : index
        %swap3A_282 = tpu.vector_load %arg13[%swap3A_280, %swap3A_281] {strides = array<i32>} : memref<40x128xf32, #tpu.memory_space<vmem>>, vector<1x16xf32>,
        %swap3A_283 = vector.shape_cast %swap3A_282 : vector<1x16xf32> to vector<16xf32>
        %swap3A_284 = vector.shape_cast %max3A_279 : vector<16xf32> to vector<1x16xf32>
        tpu.vector_store %arg13[%swap3A_280, %swap3A_281], %swap3A_284 {strides = array<i32>} : memref<40x128xf32, #tpu.memory_space<vmem>>, vector<1x16xf32>,
        %get3A_285 = arith.index_cast %scan3A_155 : i32 to index
        %get3A_286 = arith.constant 96 : index
        %get3A_287 = tpu.vector_load %arg13[%get3A_285, %get3A_286] {strides = array<i32>} : memref<40x128xf32, #tpu.memory_space<vmem>>, vector<1x16xf32>,
        %get3A_288 = vector.shape_cast %get3A_287 : vector<1x16xf32> to vector<16xf32>
        %get3A_289 = arith.index_cast %scan3A_155 : i32 to index
        %get3A_290 = arith.constant 96 : index
        %get3A_291 = tpu.vector_load %arg14[%get3A_289, %get3A_290] {strides = array<i32>} : memref<40x128xf32, #tpu.memory_space<vmem>>, vector<1x16xf32>,
        %get3A_292 = vector.shape_cast %get3A_291 : vector<1x16xf32> to vector<16xf32>
        %add3A_293 = arith.addf %get3A_288, %get3A_292 : vector<16xf32>
        %get3A_294 = arith.index_cast %scan3A_155 : i32 to index
        %get3A_295 = arith.constant 96 : index
        %get3A_296 = tpu.vector_load %arg15[%get3A_294, %get3A_295] {strides = array<i32>} : memref<40x128xf32, #tpu.memory_space<vmem>>, vector<1x16xf32>,
        %get3A_297 = vector.shape_cast %get3A_296 : vector<1x16xf32> to vector<16xf32>
        %add3A_298 = arith.addf %add3A_293, %get3A_297 : vector<16xf32>
        %max3A_299 = arith.constant 0.000000e+00 : f32
        %max3A_300 = vector.broadcast %max3A_299 : f32 to vector<16xf32>
        %max3A_301 = arith.maximumf %add3A_298, %max3A_300 : vector<16xf32>
        %swap3A_302 = arith.index_cast %scan3A_155 : i32 to index
        %swap3A_303 = arith.constant 96 : index
        %swap3A_304 = tpu.vector_load %arg13[%swap3A_302, %swap3A_303] {strides = array<i32>} : memref<40x128xf32, #tpu.memory_space<vmem>>, vector<1x16xf32>,
        %swap3A_305 = vector.shape_cast %swap3A_304 : vector<1x16xf32> to vector<16xf32>
        %swap3A_306 = vector.shape_cast %max3A_301 : vector<16xf32> to vector<1x16xf32>
        tpu.vector_store %arg13[%swap3A_302, %swap3A_303], %swap3A_306 {strides = array<i32>} : memref<40x128xf32, #tpu.memory_space<vmem>>, vector<1x16xf32>,
        %get3A_307 = arith.index_cast %scan3A_155 : i32 to index
        %get3A_308 = arith.constant 112 : index
        %get3A_309 = tpu.vector_load %arg13[%get3A_307, %get3A_308] {strides = array<i32>} : memref<40x128xf32, #tpu.memory_space<vmem>>, vector<1x16xf32>,
        %get3A_310 = vector.shape_cast %get3A_309 : vector<1x16xf32> to vector<16xf32>
        %get3A_311 = arith.index_cast %scan3A_155 : i32 to index
        %get3A_312 = arith.constant 112 : index
        %get3A_313 = tpu.vector_load %arg14[%get3A_311, %get3A_312] {strides = array<i32>} : memref<40x128xf32, #tpu.memory_space<vmem>>, vector<1x16xf32>,
        %get3A_314 = vector.shape_cast %get3A_313 : vector<1x16xf32> to vector<16xf32>
        %add3A_315 = arith.addf %get3A_310, %get3A_314 : vector<16xf32>
        %get3A_316 = arith.index_cast %scan3A_155 : i32 to index
        %get3A_317 = arith.constant 112 : index
        %get3A_318 = tpu.vector_load %arg15[%get3A_316, %get3A_317] {strides = array<i32>} : memref<40x128xf32, #tpu.memory_space<vmem>>, vector<1x16xf32>,
        %get3A_319 = vector.shape_cast %get3A_318 : vector<1x16xf32> to vector<16xf32>
        %add3A_320 = arith.addf %add3A_315, %get3A_319 : vector<16xf32>
        %max3A_321 = arith.constant 0.000000e+00 : f32
        %max3A_322 = vector.broadcast %max3A_321 : f32 to vector<16xf32>
        %max3A_323 = arith.maximumf %add3A_320, %max3A_322 : vector<16xf32>
        %swap3A_324 = arith.index_cast %scan3A_155 : i32 to index
        %swap3A_325 = arith.constant 112 : index
        %swap3A_326 = tpu.vector_load %arg13[%swap3A_324, %swap3A_325] {strides = array<i32>} : memref<40x128xf32, #tpu.memory_space<vmem>>, vector<1x16xf32>,
        %swap3A_327 = vector.shape_cast %swap3A_326 : vector<1x16xf32> to vector<16xf32>
        %swap3A_328 = vector.shape_cast %max3A_323 : vector<16xf32> to vector<1x16xf32>
        tpu.vector_store %arg13[%swap3A_324, %swap3A_325], %swap3A_328 {strides = array<i32>} : memref<40x128xf32, #tpu.memory_space<vmem>>, vector<1x16xf32>,
      }
      %scan3A_147 = arith.constant 40 : i32
      %dma_start3A_148 = arith.constant 1 : i32
      %dma_start3A_149 = arith.constant 0 : i32
      %dma_start3A_150 = tpu.memref_slice %arg9[%dma_start3A_148, %dma_start3A_149] : memref<2x40xi32, #tpu.memory_space<vmem>> -> memref<1x40xi32, #tpu.memory_space<vmem>>
      %dma_start3A_151 = tpu.memref_squeeze %dma_start3A_150 : memref<1x40xi32, #tpu.memory_space<vmem>> -> memref<40xi32, #tpu.memory_space<vmem>>
      %dma_start3A_152 = arith.constant 0 : i32
      %dma_start3A_153 = arith.constant 0 : i32
      %dma_start3A_154 = tpu.memref_slice %arg24[%dma_start3A_152, %dma_start3A_153] : memref<10000x128xf32, #tpu.memory_space<vmem_shared>> -> memref<10000x128xf32, #tpu.memory_space<vmem_shared>>
      tpu.enqueue_indirect_dma source(%arg13 : memref<40x128xf32, #tpu.memory_space<vmem>>) target(%dma_start3A_154 : memref<10000x128xf32, #tpu.memory_space<vmem_shared>>) offsets(%dma_start3A_151 : memref<40xi32, #tpu.memory_space<vmem>>) semaphore(%arg23 : memref<!tpu.dma_semaphore, #tpu.memory_space<semaphore_mem>>) {add = true}
    }
    %scan3A_30 = arith.constant 125 : i32
    %add3A_31 = arith.constant 9920 : i32
    %add3A_32 = arith.addi %mul3A_6, %add3A_31 : i32
    %dma_wait3A = arith.constant 1 : i32
    %dma_wait3A_33 = arith.constant 0 : i32
    %dma_wait3A_34 = tpu.memref_slice %arg8[%dma_wait3A, %dma_wait3A_33] : memref<2x40xi32, #tpu.memory_space<vmem>> -> memref<1x40xi32, #tpu.memory_space<vmem>>
    %dma_wait3A_35 = tpu.memref_squeeze %dma_wait3A_34 : memref<1x40xi32, #tpu.memory_space<vmem>> -> memref<40xi32, #tpu.memory_space<vmem>>
    %dma_wait3A_36 = arith.constant 0 : i32
    %dma_wait3A_37 = arith.constant 0 : i32
    %dma_wait3A_38 = tpu.memref_slice %arg24[%dma_wait3A_36, %dma_wait3A_37] : memref<10000x128xf32, #tpu.memory_space<vmem_shared>> -> memref<10000x128xf32, #tpu.memory_space<vmem_shared>>
    tpu.wait_indirect_dma semaphore(%arg22 : memref<!tpu.dma_semaphore, #tpu.memory_space<semaphore_mem>>) src(%arg10 : memref<40x128xf32, #tpu.memory_space<vmem>>) dst(%dma_wait3A_38 : memref<10000x128xf32, #tpu.memory_space<vmem_shared>>)
    %add3A_39 = arith.constant 9960 : i32
    %add3A_40 = arith.addi %mul3A_6, %add3A_39 : i32
    %dma_wait3A_41 = arith.constant 1 : i32
    %dma_wait3A_42 = arith.constant 0 : i32
    %dma_wait3A_43 = tpu.memref_slice %arg9[%dma_wait3A_41, %dma_wait3A_42] : memref<2x40xi32, #tpu.memory_space<vmem>> -> memref<1x40xi32, #tpu.memory_space<vmem>>
    %dma_wait3A_44 = tpu.memref_squeeze %dma_wait3A_43 : memref<1x40xi32, #tpu.memory_space<vmem>> -> memref<40xi32, #tpu.memory_space<vmem>>
    %dma_wait3A_45 = arith.constant 0 : i32
    %dma_wait3A_46 = arith.constant 0 : i32
    %dma_wait3A_47 = tpu.memref_slice %arg24[%dma_wait3A_45, %dma_wait3A_46] : memref<10000x128xf32, #tpu.memory_space<vmem_shared>> -> memref<10000x128xf32, #tpu.memory_space<vmem_shared>>
    tpu.wait_indirect_dma semaphore(%arg23 : memref<!tpu.dma_semaphore, #tpu.memory_space<semaphore_mem>>) src(%arg13 : memref<40x128xf32, #tpu.memory_space<vmem>>) dst(%dma_wait3A_47 : memref<10000x128xf32, #tpu.memory_space<vmem_shared>>)
    %barrier3A_48 = arith.constant 0 : index
    tpu.barrier barrier_id(%barrier3A_48)
    %mul3A_49 = arith.constant 625 : i32
    %mul3A_50 = arith.muli %arg1, %mul3A_49 : i32
    %mul3A_51 = arith.constant 625 : i32
    %mul3A_52 = arith.muli %arg1, %mul3A_51 : i32
    "tpu.region"() ({
      %run_scoped3A_53 = tpu.sem_alloc : memref<!tpu.dma_semaphore, #tpu.memory_space<semaphore_mem>>
      %dma_start3A_54 = arith.constant 0 : i32
      %dma_start3A_55 = tpu.memref_slice %arg7[%arg0, %mul3A_52, %dma_start3A_54] : memref<2x10000x128xf32, #tpu.memory_space<hbm>> -> memref<1x625x128xf32, #tpu.memory_space<hbm>>
      %dma_start3A_56 = tpu.memref_squeeze %dma_start3A_55 : memref<1x625x128xf32, #tpu.memory_space<hbm>> -> memref<625x128xf32, #tpu.memory_space<hbm>>
      %dma_start3A_57 = arith.constant 0 : i32
      %dma_start3A_58 = tpu.memref_slice %arg24[%mul3A_50, %dma_start3A_57] : memref<10000x128xf32, #tpu.memory_space<vmem_shared>> -> memref<625x128xf32, #tpu.memory_space<vmem_shared>>
      tpu.enqueue_dma source(%dma_start3A_58 : memref<625x128xf32, #tpu.memory_space<vmem_shared>>) target(%dma_start3A_56 : memref<625x128xf32, #tpu.memory_space<hbm>>) target_semaphore(%run_scoped3A_53 : memref<!tpu.dma_semaphore, #tpu.memory_space<semaphore_mem>>)
      %dma_wait3A_59 = arith.constant 0 : i32
      %dma_wait3A_60 = tpu.memref_slice %arg7[%arg0, %mul3A_52, %dma_wait3A_59] : memref<2x10000x128xf32, #tpu.memory_space<hbm>> -> memref<1x625x128xf32, #tpu.memory_space<hbm>>
      %dma_wait3A_61 = tpu.memref_squeeze %dma_wait3A_60 : memref<1x625x128xf32, #tpu.memory_space<hbm>> -> memref<625x128xf32, #tpu.memory_space<hbm>>
      %dma_wait3A_62 = arith.constant 0 : i32
      %dma_wait3A_63 = tpu.memref_slice %arg24[%mul3A_50, %dma_wait3A_62] : memref<10000x128xf32, #tpu.memory_space<vmem_shared>> -> memref<625x128xf32, #tpu.memory_space<vmem_shared>>
      tpu.wait_dma2 semaphore(%run_scoped3A_53 : memref<!tpu.dma_semaphore, #tpu.memory_space<semaphore_mem>>) src(%dma_wait3A_63 : memref<625x128xf32, #tpu.memory_space<vmem_shared>>) dst(%dma_wait3A_61 : memref<625x128xf32, #tpu.memory_space<hbm>>)
      tpu.yield
    }) : () -> ()
    return
  }
}

#map = affine_map<(d0, d1) -> (0, 0)>
#map1 = affine_map<(d0, d1) -> (0, 0, 0, 0)>
#map2 = affine_map<(d0, d1) -> (0, 0, 0)>
module attributes {stable_mosaic.version = 14 : i64} {
  func.func @body(%arg0: i32, %arg1: i32, %arg2: memref<10000x128xf32, #tpu.memory_space<hbm>>, %arg3: memref<10000x128xf32, #tpu.memory_space<hbm>>, %arg4: memref<320000x128xf32, #tpu.memory_space<hbm>>, %arg5: memref<32x250x2x40xi32, #tpu.memory_space<hbm>>, %arg6: memref<10000x128xf32, #tpu.memory_space<hbm>>, %arg7: memref<2x10000x128xf32, #tpu.memory_space<hbm>>, %arg8: memref<2x40xi32, #tpu.memory_space<vmem>>, %arg9: memref<2x40xi32, #tpu.memory_space<vmem>>, %arg10: memref<40x128xf32, #tpu.memory_space<vmem>>, %arg11: memref<40x128xf32, #tpu.memory_space<vmem>>, %arg12: memref<40x128xf32, #tpu.memory_space<vmem>>, %arg13: memref<40x128xf32, #tpu.memory_space<vmem>>, %arg14: memref<40x128xf32, #tpu.memory_space<vmem>>, %arg15: memref<40x128xf32, #tpu.memory_space<vmem>>, %arg16: memref<!tpu.dma_semaphore, #tpu.memory_space<semaphore_mem>>, %arg17: memref<!tpu.dma_semaphore, #tpu.memory_space<semaphore_mem>>, %arg18: memref<!tpu.dma_semaphore, #tpu.memory_space<semaphore_mem>>, %arg19: memref<!tpu.dma_semaphore, #tpu.memory_space<semaphore_mem>>, %arg20: memref<!tpu.dma_semaphore, #tpu.memory_space<semaphore_mem>>, %arg21: memref<!tpu.dma_semaphore, #tpu.memory_space<semaphore_mem>>, %arg22: memref<!tpu.dma_semaphore, #tpu.memory_space<semaphore_mem>>, %arg23: memref<!tpu.dma_semaphore, #tpu.memory_space<semaphore_mem>>, %arg24: memref<10000x128xf32, #tpu.memory_space<vmem_shared>>) attributes {dimension_semantics = [#tpu.dimension_semantics<core_parallel>, #tpu.dimension_semantics<subcore_parallel>], iteration_bounds = array<i64: 2, 16>, scalar_prefetch = 0 : i64, scratch_operands = 17 : i64, tpu.core_type = #tpu.core_type<sc_vector_subcore>, window_params = [{transform_indices = #map}, {transform_indices = #map}, {transform_indices = #map}, {transform_indices = #map1}, {transform_indices = #map}, {transform_indices = #map2}]} {
    %mul3A = arith.constant 2 : i32
    %mul3A_0 = arith.muli %arg1, %mul3A : i32
    %add3A = arith.addi %mul3A_0, %arg0 : i32
    %mul3A_1 = arith.constant 625 : i32
    %mul3A_2 = arith.muli %arg1, %mul3A_1 : i32
    %mul3A_3 = arith.constant 625 : i32
    %mul3A_4 = arith.muli %arg1, %mul3A_3 : i32
    "tpu.region"() ({
      %run_scoped3A_53 = tpu.sem_alloc : memref<!tpu.dma_semaphore, #tpu.memory_space<semaphore_mem>>
      %dma_start3A_54 = arith.constant 0 : i32
      %dma_start3A_55 = tpu.memref_slice %arg24[%mul3A_4, %dma_start3A_54] : memref<10000x128xf32, #tpu.memory_space<vmem_shared>> -> memref<625x128xf32, #tpu.memory_space<vmem_shared>>
      %dma_start3A_56 = arith.constant 0 : i32
      %dma_start3A_57 = tpu.memref_slice %arg6[%mul3A_2, %dma_start3A_56] : memref<10000x128xf32, #tpu.memory_space<hbm>> -> memref<625x128xf32, #tpu.memory_space<hbm>>
      tpu.enqueue_dma source(%dma_start3A_57 : memref<625x128xf32, #tpu.memory_space<hbm>>) target(%dma_start3A_55 : memref<625x128xf32, #tpu.memory_space<vmem_shared>>) target_semaphore(%run_scoped3A_53 : memref<!tpu.dma_semaphore, #tpu.memory_space<semaphore_mem>>)
      %dma_wait3A_58 = arith.constant 0 : i32
      %dma_wait3A_59 = tpu.memref_slice %arg24[%mul3A_4, %dma_wait3A_58] : memref<10000x128xf32, #tpu.memory_space<vmem_shared>> -> memref<625x128xf32, #tpu.memory_space<vmem_shared>>
      %dma_wait3A_60 = arith.constant 0 : i32
      %dma_wait3A_61 = tpu.memref_slice %arg6[%mul3A_2, %dma_wait3A_60] : memref<10000x128xf32, #tpu.memory_space<hbm>> -> memref<625x128xf32, #tpu.memory_space<hbm>>
      tpu.wait_dma2 semaphore(%run_scoped3A_53 : memref<!tpu.dma_semaphore, #tpu.memory_space<semaphore_mem>>) src(%dma_wait3A_61 : memref<625x128xf32, #tpu.memory_space<hbm>>) dst(%dma_wait3A_59 : memref<625x128xf32, #tpu.memory_space<vmem_shared>>)
      tpu.yield
    }) : () -> ()
    %barrier3A = arith.constant 0 : index
    tpu.barrier barrier_id(%barrier3A)
    %mul3A_5 = arith.constant 10000 : i32
    %mul3A_6 = arith.muli %add3A, %mul3A_5 : i32
    %add3A_7 = arith.constant 0 : i32
    %add3A_8 = arith.addi %mul3A_6, %add3A_7 : i32
    %run_scoped3A = arith.constant 0 : i32
    "tpu.region"() ({
      %run_scoped3A_53 = tpu.sem_alloc : memref<!tpu.dma_semaphore, #tpu.memory_space<semaphore_mem>>
      %dma_start3A_54 = arith.constant 0 : i32
      %dma_start3A_55 = arith.constant 0 : i32
      %dma_start3A_56 = tpu.memref_slice %arg5[%add3A, %run_scoped3A, %dma_start3A_54, %dma_start3A_55] : memref<32x250x2x40xi32, #tpu.memory_space<hbm>> -> memref<1x1x2x40xi32, #tpu.memory_space<hbm>>
      %dma_start3A_57 = tpu.memref_squeeze %dma_start3A_56 : memref<1x1x2x40xi32, #tpu.memory_space<hbm>> -> memref<2x40xi32, #tpu.memory_space<hbm>>
      %dma_start3A_58 = arith.constant 0 : i32
      %dma_start3A_59 = arith.constant 0 : i32
      %dma_start3A_60 = tpu.memref_slice %arg5[%add3A, %run_scoped3A, %dma_start3A_58, %dma_start3A_59] : memref<32x250x2x40xi32, #tpu.memory_space<hbm>> -> memref<1x1x2x40xi32, #tpu.memory_space<hbm>>
      %dma_start3A_61 = tpu.memref_squeeze %dma_start3A_60 : memref<1x1x2x40xi32, #tpu.memory_space<hbm>> -> memref<2x40xi32, #tpu.memory_space<hbm>>
      tpu.enqueue_dma source(%dma_start3A_61 : memref<2x40xi32, #tpu.memory_space<hbm>>) target(%arg8 : memref<2x40xi32, #tpu.memory_space<vmem>>) target_semaphore(%run_scoped3A_53 : memref<!tpu.dma_semaphore, #tpu.memory_space<semaphore_mem>>)
      %dma_wait3A_62 = arith.constant 0 : i32
      %dma_wait3A_63 = arith.constant 0 : i32
      %dma_wait3A_64 = tpu.memref_slice %arg5[%add3A, %run_scoped3A, %dma_wait3A_62, %dma_wait3A_63] : memref<32x250x2x40xi32, #tpu.memory_space<hbm>> -> memref<1x1x2x40xi32, #tpu.memory_space<hbm>>
      %dma_wait3A_65 = tpu.memref_squeeze %dma_wait3A_64 : memref<1x1x2x40xi32, #tpu.memory_space<hbm>> -> memref<2x40xi32, #tpu.memory_space<hbm>>
      %dma_wait3A_66 = arith.constant 0 : i32
      %dma_wait3A_67 = arith.constant 0 : i32
      %dma_wait3A_68 = tpu.memref_slice %arg5[%add3A, %run_scoped3A, %dma_wait3A_66, %dma_wait3A_67] : memref<32x250x2x40xi32, #tpu.memory_space<hbm>> -> memref<1x1x2x40xi32, #tpu.memory_space<hbm>>
      %dma_wait3A_69 = tpu.memref_squeeze %dma_wait3A_68 : memref<1x1x2x40xi32, #tpu.memory_space<hbm>> -> memref<2x40xi32, #tpu.memory_space<hbm>>
      tpu.wait_dma2 semaphore(%run_scoped3A_53 : memref<!tpu.dma_semaphore, #tpu.memory_space<semaphore_mem>>) src(%dma_wait3A_69 : memref<2x40xi32, #tpu.memory_space<hbm>>) dst(%arg8 : memref<2x40xi32, #tpu.memory_space<vmem>>)
      tpu.yield
    }) : () -> ()
    %dma_start3A = arith.constant 0 : i32
    %dma_start3A_9 = arith.constant 0 : i32
    %dma_start3A_10 = tpu.memref_slice %arg8[%dma_start3A, %dma_start3A_9] : memref<2x40xi32, #tpu.memory_space<vmem>> -> memref<1x40xi32, #tpu.memory_space<vmem>>
    %dma_start3A_11 = tpu.memref_squeeze %dma_start3A_10 : memref<1x40xi32, #tpu.memory_space<vmem>> -> memref<40xi32, #tpu.memory_space<vmem>>
    %dma_start3A_12 = arith.constant 0 : i32
    %dma_start3A_13 = arith.constant 0 : i32
    %dma_start3A_14 = tpu.memref_slice %arg2[%dma_start3A_12, %dma_start3A_13] : memref<10000x128xf32, #tpu.memory_space<hbm>> -> memref<10000x128xf32, #tpu.memory_space<hbm>>
    tpu.enqueue_indirect_dma source(%dma_start3A_14 : memref<10000x128xf32, #tpu.memory_space<hbm>>) target(%arg10 : memref<40x128xf32, #tpu.memory_space<vmem>>) offsets(%dma_start3A_11 : memref<40xi32, #tpu.memory_space<vmem>>) semaphore(%arg16 : memref<!tpu.dma_semaphore, #tpu.memory_space<semaphore_mem>>)
    %dma_start3A_15 = arith.constant 1 : i32
    %dma_start3A_16 = arith.constant 0 : i32
    %dma_start3A_17 = tpu.memref_slice %arg8[%dma_start3A_15, %dma_start3A_16] : memref<2x40xi32, #tpu.memory_space<vmem>> -> memref<1x40xi32, #tpu.memory_space<vmem>>
    %dma_start3A_18 = tpu.memref_squeeze %dma_start3A_17 : memref<1x40xi32, #tpu.memory_space<vmem>> -> memref<40xi32, #tpu.memory_space<vmem>>
    %dma_start3A_19 = arith.constant 0 : i32
    %dma_start3A_20 = arith.constant 0 : i32
    %dma_start3A_21 = tpu.memref_slice %arg3[%dma_start3A_19, %dma_start3A_20] : memref<10000x128xf32, #tpu.memory_space<hbm>> -> memref<10000x128xf32, #tpu.memory_space<hbm>>
    tpu.enqueue_indirect_dma source(%dma_start3A_21 : memref<10000x128xf32, #tpu.memory_space<hbm>>) target(%arg11 : memref<40x128xf32, #tpu.memory_space<vmem>>) offsets(%dma_start3A_18 : memref<40xi32, #tpu.memory_space<vmem>>) semaphore(%arg17 : memref<!tpu.dma_semaphore, #tpu.memory_space<semaphore_mem>>)
    %dma_start3A_22 = arith.constant 0 : i32
    %dma_start3A_23 = tpu.memref_slice %arg4[%add3A_8, %dma_start3A_22] : memref<320000x128xf32, #tpu.memory_space<hbm>> -> memref<40x128xf32, #tpu.memory_space<hbm>>
    %dma_start3A_24 = arith.constant 0 : i32
    %dma_start3A_25 = tpu.memref_slice %arg4[%add3A_8, %dma_start3A_24] : memref<320000x128xf32, #tpu.memory_space<hbm>> -> memref<40x128xf32, #tpu.memory_space<hbm>>
    tpu.enqueue_dma source(%dma_start3A_25 : memref<40x128xf32, #tpu.memory_space<hbm>>) target(%arg12 : memref<40x128xf32, #tpu.memory_space<vmem>>) target_semaphore(%arg18 : memref<!tpu.dma_semaphore, #tpu.memory_space<semaphore_mem>>)
    %scan3A = arith.constant 0 : i32
    %scan3A_26 = arith.constant 0 : i32
    %scan3A_27 = arith.constant 125 : i32
    %scan3A_28 = arith.addi %scan3A_26, %scan3A_27 : i32
    %scan3A_29 = arith.constant 1 : i32
    scf.for %scan3A_53 = %scan3A_26 to %scan3A_28 step %scan3A_29  : i32 {
      %mul3A_54 = arith.constant 2 : i32
      %mul3A_55 = arith.muli %mul3A_54, %scan3A_53 : i32
      %add3A_56 = arith.constant 1 : i32
      %add3A_57 = arith.addi %mul3A_55, %add3A_56 : i32
      %gt3A = arith.constant 0 : i32
      %gt3A_58 = arith.cmpi sgt, %scan3A_53, %gt3A : i32
      %mul3A_59 = arith.constant 40 : i32
      %mul3A_60 = arith.muli %add3A_57, %mul3A_59 : i32
      %add3A_61 = arith.addi %mul3A_6, %mul3A_60 : i32
      %convert_element_type3A = arith.extui %gt3A_58 : i1 to i32
      %cond3A = arith.constant 0 : i32
      %cond3A_62 = arith.cmpi ne, %convert_element_type3A, %cond3A : i32
      scf.if %cond3A_62 {
        %sub3A = arith.constant 2 : i32
        %sub3A_155 = arith.subi %add3A_57, %sub3A : i32
        %mul3A_156 = arith.constant 40 : i32
        %mul3A_157 = arith.muli %sub3A_155, %mul3A_156 : i32
        %add3A_158 = arith.addi %mul3A_6, %mul3A_157 : i32
        %dma_wait3A_159 = arith.constant 1 : i32
        %dma_wait3A_160 = arith.constant 0 : i32
        %dma_wait3A_161 = tpu.memref_slice %arg9[%dma_wait3A_159, %dma_wait3A_160] : memref<2x40xi32, #tpu.memory_space<vmem>> -> memref<1x40xi32, #tpu.memory_space<vmem>>
        %dma_wait3A_162 = tpu.memref_squeeze %dma_wait3A_161 : memref<1x40xi32, #tpu.memory_space<vmem>> -> memref<40xi32, #tpu.memory_space<vmem>>
        %dma_wait3A_163 = arith.constant 0 : i32
        %dma_wait3A_164 = arith.constant 0 : i32
        %dma_wait3A_165 = tpu.memref_slice %arg24[%dma_wait3A_163, %dma_wait3A_164] : memref<10000x128xf32, #tpu.memory_space<vmem_shared>> -> memref<10000x128xf32, #tpu.memory_space<vmem_shared>>
        tpu.wait_indirect_dma semaphore(%arg23 : memref<!tpu.dma_semaphore, #tpu.memory_space<semaphore_mem>>) src(%arg13 : memref<40x128xf32, #tpu.memory_space<vmem>>) dst(%dma_wait3A_165 : memref<10000x128xf32, #tpu.memory_space<vmem_shared>>)
      } else {
      }
      "tpu.region"() ({
        %run_scoped3A_155 = tpu.sem_alloc : memref<!tpu.dma_semaphore, #tpu.memory_space<semaphore_mem>>
        %dma_start3A_156 = arith.constant 0 : i32
        %dma_start3A_157 = arith.constant 0 : i32
        %dma_start3A_158 = tpu.memref_slice %arg5[%add3A, %add3A_57, %dma_start3A_156, %dma_start3A_157] : memref<32x250x2x40xi32, #tpu.memory_space<hbm>> -> memref<1x1x2x40xi32, #tpu.memory_space<hbm>>
        %dma_start3A_159 = tpu.memref_squeeze %dma_start3A_158 : memref<1x1x2x40xi32, #tpu.memory_space<hbm>> -> memref<2x40xi32, #tpu.memory_space<hbm>>
        %dma_start3A_160 = arith.constant 0 : i32
        %dma_start3A_161 = arith.constant 0 : i32
        %dma_start3A_162 = tpu.memref_slice %arg5[%add3A, %add3A_57, %dma_start3A_160, %dma_start3A_161] : memref<32x250x2x40xi32, #tpu.memory_space<hbm>> -> memref<1x1x2x40xi32, #tpu.memory_space<hbm>>
        %dma_start3A_163 = tpu.memref_squeeze %dma_start3A_162 : memref<1x1x2x40xi32, #tpu.memory_space<hbm>> -> memref<2x40xi32, #tpu.memory_space<hbm>>
        tpu.enqueue_dma source(%dma_start3A_163 : memref<2x40xi32, #tpu.memory_space<hbm>>) target(%arg9 : memref<2x40xi32, #tpu.memory_space<vmem>>) target_semaphore(%run_scoped3A_155 : memref<!tpu.dma_semaphore, #tpu.memory_space<semaphore_mem>>)
        %dma_wait3A_164 = arith.constant 0 : i32
        %dma_wait3A_165 = arith.constant 0 : i32
        %dma_wait3A_166 = tpu.memref_slice %arg5[%add3A, %add3A_57, %dma_wait3A_164, %dma_wait3A_165] : memref<32x250x2x40xi32, #tpu.memory_space<hbm>> -> memref<1x1x2x40xi32, #tpu.memory_space<hbm>>
        %dma_wait3A_167 = tpu.memref_squeeze %dma_wait3A_166 : memref<1x1x2x40xi32, #tpu.memory_space<hbm>> -> memref<2x40xi32, #tpu.memory_space<hbm>>
        %dma_wait3A_168 = arith.constant 0 : i32
        %dma_wait3A_169 = arith.constant 0 : i32
        %dma_wait3A_170 = tpu.memref_slice %arg5[%add3A, %add3A_57, %dma_wait3A_168, %dma_wait3A_169] : memref<32x250x2x40xi32, #tpu.memory_space<hbm>> -> memref<1x1x2x40xi32, #tpu.memory_space<hbm>>
        %dma_wait3A_171 = tpu.memref_squeeze %dma_wait3A_170 : memref<1x1x2x40xi32, #tpu.memory_space<hbm>> -> memref<2x40xi32, #tpu.memory_space<hbm>>
        tpu.wait_dma2 semaphore(%run_scoped3A_155 : memref<!tpu.dma_semaphore, #tpu.memory_space<semaphore_mem>>) src(%dma_wait3A_171 : memref<2x40xi32, #tpu.memory_space<hbm>>) dst(%arg9 : memref<2x40xi32, #tpu.memory_space<vmem>>)
        tpu.yield
      }) : () -> ()
      %dma_start3A_63 = arith.constant 0 : i32
      %dma_start3A_64 = arith.constant 0 : i32
      %dma_start3A_65 = tpu.memref_slice %arg9[%dma_start3A_63, %dma_start3A_64] : memref<2x40xi32, #tpu.memory_space<vmem>> -> memref<1x40xi32, #tpu.memory_space<vmem>>
      %dma_start3A_66 = tpu.memref_squeeze %dma_start3A_65 : memref<1x40xi32, #tpu.memory_space<vmem>> -> memref<40xi32, #tpu.memory_space<vmem>>
      %dma_start3A_67 = arith.constant 0 : i32
      %dma_start3A_68 = arith.constant 0 : i32
      %dma_start3A_69 = tpu.memref_slice %arg2[%dma_start3A_67, %dma_start3A_68] : memref<10000x128xf32, #tpu.memory_space<hbm>> -> memref<10000x128xf32, #tpu.memory_space<hbm>>
      tpu.enqueue_indirect_dma source(%dma_start3A_69 : memref<10000x128xf32, #tpu.memory_space<hbm>>) target(%arg13 : memref<40x128xf32, #tpu.memory_space<vmem>>) offsets(%dma_start3A_66 : memref<40xi32, #tpu.memory_space<vmem>>) semaphore(%arg19 : memref<!tpu.dma_semaphore, #tpu.memory_space<semaphore_mem>>)
      %dma_start3A_70 = arith.constant 1 : i32
      %dma_start3A_71 = arith.constant 0 : i32
      %dma_start3A_72 = tpu.memref_slice %arg9[%dma_start3A_70, %dma_start3A_71] : memref<2x40xi32, #tpu.memory_space<vmem>> -> memref<1x40xi32, #tpu.memory_space<vmem>>
      %dma_start3A_73 = tpu.memref_squeeze %dma_start3A_72 : memref<1x40xi32, #tpu.memory_space<vmem>> -> memref<40xi32, #tpu.memory_space<vmem>>
      %dma_start3A_74 = arith.constant 0 : i32
      %dma_start3A_75 = arith.constant 0 : i32
      %dma_start3A_76 = tpu.memref_slice %arg3[%dma_start3A_74, %dma_start3A_75] : memref<10000x128xf32, #tpu.memory_space<hbm>> -> memref<10000x128xf32, #tpu.memory_space<hbm>>
      tpu.enqueue_indirect_dma source(%dma_start3A_76 : memref<10000x128xf32, #tpu.memory_space<hbm>>) target(%arg14 : memref<40x128xf32, #tpu.memory_space<vmem>>) offsets(%dma_start3A_73 : memref<40xi32, #tpu.memory_space<vmem>>) semaphore(%arg20 : memref<!tpu.dma_semaphore, #tpu.memory_space<semaphore_mem>>)
      %dma_start3A_77 = arith.constant 0 : i32
      %dma_start3A_78 = tpu.memref_slice %arg4[%add3A_61, %dma_start3A_77] : memref<320000x128xf32, #tpu.memory_space<hbm>> -> memref<40x128xf32, #tpu.memory_space<hbm>>
      %dma_start3A_79 = arith.constant 0 : i32
      %dma_start3A_80 = tpu.memref_slice %arg4[%add3A_61, %dma_start3A_79] : memref<320000x128xf32, #tpu.memory_space<hbm>> -> memref<40x128xf32, #tpu.memory_space<hbm>>
      tpu.enqueue_dma source(%dma_start3A_80 : memref<40x128xf32, #tpu.memory_space<hbm>>) target(%arg15 : memref<40x128xf32, #tpu.memory_space<vmem>>) target_semaphore(%arg21 : memref<!tpu.dma_semaphore, #tpu.memory_space<semaphore_mem>>)
      %mul3A_81 = arith.constant 40 : i32
      %mul3A_82 = arith.muli %mul3A_55, %mul3A_81 : i32
      %add3A_83 = arith.addi %mul3A_6, %mul3A_82 : i32
      %dma_wait3A_84 = arith.constant 0 : i32
      %dma_wait3A_85 = arith.constant 0 : i32
      %dma_wait3A_86 = tpu.memref_slice %arg8[%dma_wait3A_84, %dma_wait3A_85] : memref<2x40xi32, #tpu.memory_space<vmem>> -> memref<1x40xi32, #tpu.memory_space<vmem>>
      %dma_wait3A_87 = tpu.memref_squeeze %dma_wait3A_86 : memref<1x40xi32, #tpu.memory_space<vmem>> -> memref<40xi32, #tpu.memory_space<vmem>>
      %dma_wait3A_88 = arith.constant 0 : i32
      %dma_wait3A_89 = arith.constant 0 : i32
      %dma_wait3A_90 = tpu.memref_slice %arg2[%dma_wait3A_88, %dma_wait3A_89] : memref<10000x128xf32, #tpu.memory_space<hbm>> -> memref<10000x128xf32, #tpu.memory_space<hbm>>
      tpu.wait_indirect_dma semaphore(%arg16 : memref<!tpu.dma_semaphore, #tpu.memory_space<semaphore_mem>>) src(%dma_wait3A_90 : memref<10000x128xf32, #tpu.memory_space<hbm>>) dst(%arg10 : memref<40x128xf32, #tpu.memory_space<vmem>>)
      %dma_wait3A_91 = arith.constant 1 : i32
      %dma_wait3A_92 = arith.constant 0 : i32
      %dma_wait3A_93 = tpu.memref_slice %arg8[%dma_wait3A_91, %dma_wait3A_92] : memref<2x40xi32, #tpu.memory_space<vmem>> -> memref<1x40xi32, #tpu.memory_space<vmem>>
      %dma_wait3A_94 = tpu.memref_squeeze %dma_wait3A_93 : memref<1x40xi32, #tpu.memory_space<vmem>> -> memref<40xi32, #tpu.memory_space<vmem>>
      %dma_wait3A_95 = arith.constant 0 : i32
      %dma_wait3A_96 = arith.constant 0 : i32
      %dma_wait3A_97 = tpu.memref_slice %arg3[%dma_wait3A_95, %dma_wait3A_96] : memref<10000x128xf32, #tpu.memory_space<hbm>> -> memref<10000x128xf32, #tpu.memory_space<hbm>>
      tpu.wait_indirect_dma semaphore(%arg17 : memref<!tpu.dma_semaphore, #tpu.memory_space<semaphore_mem>>) src(%dma_wait3A_97 : memref<10000x128xf32, #tpu.memory_space<hbm>>) dst(%arg11 : memref<40x128xf32, #tpu.memory_space<vmem>>)
      %dma_wait3A_98 = arith.constant 0 : i32
      %dma_wait3A_99 = tpu.memref_slice %arg4[%add3A_83, %dma_wait3A_98] : memref<320000x128xf32, #tpu.memory_space<hbm>> -> memref<40x128xf32, #tpu.memory_space<hbm>>
      %dma_wait3A_100 = arith.constant 0 : i32
      %dma_wait3A_101 = tpu.memref_slice %arg4[%add3A_83, %dma_wait3A_100] : memref<320000x128xf32, #tpu.memory_space<hbm>> -> memref<40x128xf32, #tpu.memory_space<hbm>>
      tpu.wait_dma2 semaphore(%arg18 : memref<!tpu.dma_semaphore, #tpu.memory_space<semaphore_mem>>) src(%dma_wait3A_101 : memref<40x128xf32, #tpu.memory_space<hbm>>) dst(%arg12 : memref<40x128xf32, #tpu.memory_space<vmem>>)
      %scan3A_102 = arith.constant 0 : i32
      %scan3A_103 = arith.constant 0 : i32
      %scan3A_104 = arith.constant 40 : i32
      %scan3A_105 = arith.addi %scan3A_103, %scan3A_104 : i32
      %scan3A_106 = arith.constant 1 : i32
      scf.for %scan3A_155 = %scan3A_103 to %scan3A_105 step %scan3A_106  : i32 {
        %get3A = arith.index_cast %scan3A_155 : i32 to index
        %get3A_156 = arith.constant 0 : index
        %get3A_157 = tpu.vector_load %arg10[%get3A, %get3A_156] {strides = array<i32>} : memref<40x128xf32, #tpu.memory_space<vmem>>, vector<1x16xf32>,
        %get3A_158 = vector.shape_cast %get3A_157 : vector<1x16xf32> to vector<16xf32>
        %get3A_159 = arith.index_cast %scan3A_155 : i32 to index
        %get3A_160 = arith.constant 0 : index
        %get3A_161 = tpu.vector_load %arg11[%get3A_159, %get3A_160] {strides = array<i32>} : memref<40x128xf32, #tpu.memory_space<vmem>>, vector<1x16xf32>,
        %get3A_162 = vector.shape_cast %get3A_161 : vector<1x16xf32> to vector<16xf32>
        %add3A_163 = arith.addf %get3A_158, %get3A_162 : vector<16xf32>
        %get3A_164 = arith.index_cast %scan3A_155 : i32 to index
        %get3A_165 = arith.constant 0 : index
        %get3A_166 = tpu.vector_load %arg12[%get3A_164, %get3A_165] {strides = array<i32>} : memref<40x128xf32, #tpu.memory_space<vmem>>, vector<1x16xf32>,
        %get3A_167 = vector.shape_cast %get3A_166 : vector<1x16xf32> to vector<16xf32>
        %add3A_168 = arith.addf %add3A_163, %get3A_167 : vector<16xf32>
        %max3A = arith.constant 0.000000e+00 : f32
        %max3A_169 = vector.broadcast %max3A : f32 to vector<16xf32>
        %max3A_170 = arith.maximumf %add3A_168, %max3A_169 : vector<16xf32>
        %swap3A = arith.index_cast %scan3A_155 : i32 to index
        %swap3A_171 = arith.constant 0 : index
        %swap3A_172 = tpu.vector_load %arg10[%swap3A, %swap3A_171] {strides = array<i32>} : memref<40x128xf32, #tpu.memory_space<vmem>>, vector<1x16xf32>,
        %swap3A_173 = vector.shape_cast %swap3A_172 : vector<1x16xf32> to vector<16xf32>
        %swap3A_174 = vector.shape_cast %max3A_170 : vector<16xf32> to vector<1x16xf32>
        tpu.vector_store %arg10[%swap3A, %swap3A_171], %swap3A_174 {strides = array<i32>} : memref<40x128xf32, #tpu.memory_space<vmem>>, vector<1x16xf32>,
        %get3A_175 = arith.index_cast %scan3A_155 : i32 to index
        %get3A_176 = arith.constant 16 : index
        %get3A_177 = tpu.vector_load %arg10[%get3A_175, %get3A_176] {strides = array<i32>} : memref<40x128xf32, #tpu.memory_space<vmem>>, vector<1x16xf32>,
        %get3A_178 = vector.shape_cast %get3A_177 : vector<1x16xf32> to vector<16xf32>
        %get3A_179 = arith.index_cast %scan3A_155 : i32 to index
        %get3A_180 = arith.constant 16 : index
        %get3A_181 = tpu.vector_load %arg11[%get3A_179, %get3A_180] {strides = array<i32>} : memref<40x128xf32, #tpu.memory_space<vmem>>, vector<1x16xf32>,
        %get3A_182 = vector.shape_cast %get3A_181 : vector<1x16xf32> to vector<16xf32>
        %add3A_183 = arith.addf %get3A_178, %get3A_182 : vector<16xf32>
        %get3A_184 = arith.index_cast %scan3A_155 : i32 to index
        %get3A_185 = arith.constant 16 : index
        %get3A_186 = tpu.vector_load %arg12[%get3A_184, %get3A_185] {strides = array<i32>} : memref<40x128xf32, #tpu.memory_space<vmem>>, vector<1x16xf32>,
        %get3A_187 = vector.shape_cast %get3A_186 : vector<1x16xf32> to vector<16xf32>
        %add3A_188 = arith.addf %add3A_183, %get3A_187 : vector<16xf32>
        %max3A_189 = arith.constant 0.000000e+00 : f32
        %max3A_190 = vector.broadcast %max3A_189 : f32 to vector<16xf32>
        %max3A_191 = arith.maximumf %add3A_188, %max3A_190 : vector<16xf32>
        %swap3A_192 = arith.index_cast %scan3A_155 : i32 to index
        %swap3A_193 = arith.constant 16 : index
        %swap3A_194 = tpu.vector_load %arg10[%swap3A_192, %swap3A_193] {strides = array<i32>} : memref<40x128xf32, #tpu.memory_space<vmem>>, vector<1x16xf32>,
        %swap3A_195 = vector.shape_cast %swap3A_194 : vector<1x16xf32> to vector<16xf32>
        %swap3A_196 = vector.shape_cast %max3A_191 : vector<16xf32> to vector<1x16xf32>
        tpu.vector_store %arg10[%swap3A_192, %swap3A_193], %swap3A_196 {strides = array<i32>} : memref<40x128xf32, #tpu.memory_space<vmem>>, vector<1x16xf32>,
        %get3A_197 = arith.index_cast %scan3A_155 : i32 to index
        %get3A_198 = arith.constant 32 : index
        %get3A_199 = tpu.vector_load %arg10[%get3A_197, %get3A_198] {strides = array<i32>} : memref<40x128xf32, #tpu.memory_space<vmem>>, vector<1x16xf32>,
        %get3A_200 = vector.shape_cast %get3A_199 : vector<1x16xf32> to vector<16xf32>
        %get3A_201 = arith.index_cast %scan3A_155 : i32 to index
        %get3A_202 = arith.constant 32 : index
        %get3A_203 = tpu.vector_load %arg11[%get3A_201, %get3A_202] {strides = array<i32>} : memref<40x128xf32, #tpu.memory_space<vmem>>, vector<1x16xf32>,
        %get3A_204 = vector.shape_cast %get3A_203 : vector<1x16xf32> to vector<16xf32>
        %add3A_205 = arith.addf %get3A_200, %get3A_204 : vector<16xf32>
        %get3A_206 = arith.index_cast %scan3A_155 : i32 to index
        %get3A_207 = arith.constant 32 : index
        %get3A_208 = tpu.vector_load %arg12[%get3A_206, %get3A_207] {strides = array<i32>} : memref<40x128xf32, #tpu.memory_space<vmem>>, vector<1x16xf32>,
        %get3A_209 = vector.shape_cast %get3A_208 : vector<1x16xf32> to vector<16xf32>
        %add3A_210 = arith.addf %add3A_205, %get3A_209 : vector<16xf32>
        %max3A_211 = arith.constant 0.000000e+00 : f32
        %max3A_212 = vector.broadcast %max3A_211 : f32 to vector<16xf32>
        %max3A_213 = arith.maximumf %add3A_210, %max3A_212 : vector<16xf32>
        %swap3A_214 = arith.index_cast %scan3A_155 : i32 to index
        %swap3A_215 = arith.constant 32 : index
        %swap3A_216 = tpu.vector_load %arg10[%swap3A_214, %swap3A_215] {strides = array<i32>} : memref<40x128xf32, #tpu.memory_space<vmem>>, vector<1x16xf32>,
        %swap3A_217 = vector.shape_cast %swap3A_216 : vector<1x16xf32> to vector<16xf32>
        %swap3A_218 = vector.shape_cast %max3A_213 : vector<16xf32> to vector<1x16xf32>
        tpu.vector_store %arg10[%swap3A_214, %swap3A_215], %swap3A_218 {strides = array<i32>} : memref<40x128xf32, #tpu.memory_space<vmem>>, vector<1x16xf32>,
        %get3A_219 = arith.index_cast %scan3A_155 : i32 to index
        %get3A_220 = arith.constant 48 : index
        %get3A_221 = tpu.vector_load %arg10[%get3A_219, %get3A_220] {strides = array<i32>} : memref<40x128xf32, #tpu.memory_space<vmem>>, vector<1x16xf32>,
        %get3A_222 = vector.shape_cast %get3A_221 : vector<1x16xf32> to vector<16xf32>
        %get3A_223 = arith.index_cast %scan3A_155 : i32 to index
        %get3A_224 = arith.constant 48 : index
        %get3A_225 = tpu.vector_load %arg11[%get3A_223, %get3A_224] {strides = array<i32>} : memref<40x128xf32, #tpu.memory_space<vmem>>, vector<1x16xf32>,
        %get3A_226 = vector.shape_cast %get3A_225 : vector<1x16xf32> to vector<16xf32>
        %add3A_227 = arith.addf %get3A_222, %get3A_226 : vector<16xf32>
        %get3A_228 = arith.index_cast %scan3A_155 : i32 to index
        %get3A_229 = arith.constant 48 : index
        %get3A_230 = tpu.vector_load %arg12[%get3A_228, %get3A_229] {strides = array<i32>} : memref<40x128xf32, #tpu.memory_space<vmem>>, vector<1x16xf32>,
        %get3A_231 = vector.shape_cast %get3A_230 : vector<1x16xf32> to vector<16xf32>
        %add3A_232 = arith.addf %add3A_227, %get3A_231 : vector<16xf32>
        %max3A_233 = arith.constant 0.000000e+00 : f32
        %max3A_234 = vector.broadcast %max3A_233 : f32 to vector<16xf32>
        %max3A_235 = arith.maximumf %add3A_232, %max3A_234 : vector<16xf32>
        %swap3A_236 = arith.index_cast %scan3A_155 : i32 to index
        %swap3A_237 = arith.constant 48 : index
        %swap3A_238 = tpu.vector_load %arg10[%swap3A_236, %swap3A_237] {strides = array<i32>} : memref<40x128xf32, #tpu.memory_space<vmem>>, vector<1x16xf32>,
        %swap3A_239 = vector.shape_cast %swap3A_238 : vector<1x16xf32> to vector<16xf32>
        %swap3A_240 = vector.shape_cast %max3A_235 : vector<16xf32> to vector<1x16xf32>
        tpu.vector_store %arg10[%swap3A_236, %swap3A_237], %swap3A_240 {strides = array<i32>} : memref<40x128xf32, #tpu.memory_space<vmem>>, vector<1x16xf32>,
        %get3A_241 = arith.index_cast %scan3A_155 : i32 to index
        %get3A_242 = arith.constant 64 : index
        %get3A_243 = tpu.vector_load %arg10[%get3A_241, %get3A_242] {strides = array<i32>} : memref<40x128xf32, #tpu.memory_space<vmem>>, vector<1x16xf32>,
        %get3A_244 = vector.shape_cast %get3A_243 : vector<1x16xf32> to vector<16xf32>
        %get3A_245 = arith.index_cast %scan3A_155 : i32 to index
        %get3A_246 = arith.constant 64 : index
        %get3A_247 = tpu.vector_load %arg11[%get3A_245, %get3A_246] {strides = array<i32>} : memref<40x128xf32, #tpu.memory_space<vmem>>, vector<1x16xf32>,
        %get3A_248 = vector.shape_cast %get3A_247 : vector<1x16xf32> to vector<16xf32>
        %add3A_249 = arith.addf %get3A_244, %get3A_248 : vector<16xf32>
        %get3A_250 = arith.index_cast %scan3A_155 : i32 to index
        %get3A_251 = arith.constant 64 : index
        %get3A_252 = tpu.vector_load %arg12[%get3A_250, %get3A_251] {strides = array<i32>} : memref<40x128xf32, #tpu.memory_space<vmem>>, vector<1x16xf32>,
        %get3A_253 = vector.shape_cast %get3A_252 : vector<1x16xf32> to vector<16xf32>
        %add3A_254 = arith.addf %add3A_249, %get3A_253 : vector<16xf32>
        %max3A_255 = arith.constant 0.000000e+00 : f32
        %max3A_256 = vector.broadcast %max3A_255 : f32 to vector<16xf32>
        %max3A_257 = arith.maximumf %add3A_254, %max3A_256 : vector<16xf32>
        %swap3A_258 = arith.index_cast %scan3A_155 : i32 to index
        %swap3A_259 = arith.constant 64 : index
        %swap3A_260 = tpu.vector_load %arg10[%swap3A_258, %swap3A_259] {strides = array<i32>} : memref<40x128xf32, #tpu.memory_space<vmem>>, vector<1x16xf32>,
        %swap3A_261 = vector.shape_cast %swap3A_260 : vector<1x16xf32> to vector<16xf32>
        %swap3A_262 = vector.shape_cast %max3A_257 : vector<16xf32> to vector<1x16xf32>
        tpu.vector_store %arg10[%swap3A_258, %swap3A_259], %swap3A_262 {strides = array<i32>} : memref<40x128xf32, #tpu.memory_space<vmem>>, vector<1x16xf32>,
        %get3A_263 = arith.index_cast %scan3A_155 : i32 to index
        %get3A_264 = arith.constant 80 : index
        %get3A_265 = tpu.vector_load %arg10[%get3A_263, %get3A_264] {strides = array<i32>} : memref<40x128xf32, #tpu.memory_space<vmem>>, vector<1x16xf32>,
        %get3A_266 = vector.shape_cast %get3A_265 : vector<1x16xf32> to vector<16xf32>
        %get3A_267 = arith.index_cast %scan3A_155 : i32 to index
        %get3A_268 = arith.constant 80 : index
        %get3A_269 = tpu.vector_load %arg11[%get3A_267, %get3A_268] {strides = array<i32>} : memref<40x128xf32, #tpu.memory_space<vmem>>, vector<1x16xf32>,
        %get3A_270 = vector.shape_cast %get3A_269 : vector<1x16xf32> to vector<16xf32>
        %add3A_271 = arith.addf %get3A_266, %get3A_270 : vector<16xf32>
        %get3A_272 = arith.index_cast %scan3A_155 : i32 to index
        %get3A_273 = arith.constant 80 : index
        %get3A_274 = tpu.vector_load %arg12[%get3A_272, %get3A_273] {strides = array<i32>} : memref<40x128xf32, #tpu.memory_space<vmem>>, vector<1x16xf32>,
        %get3A_275 = vector.shape_cast %get3A_274 : vector<1x16xf32> to vector<16xf32>
        %add3A_276 = arith.addf %add3A_271, %get3A_275 : vector<16xf32>
        %max3A_277 = arith.constant 0.000000e+00 : f32
        %max3A_278 = vector.broadcast %max3A_277 : f32 to vector<16xf32>
        %max3A_279 = arith.maximumf %add3A_276, %max3A_278 : vector<16xf32>
        %swap3A_280 = arith.index_cast %scan3A_155 : i32 to index
        %swap3A_281 = arith.constant 80 : index
        %swap3A_282 = tpu.vector_load %arg10[%swap3A_280, %swap3A_281] {strides = array<i32>} : memref<40x128xf32, #tpu.memory_space<vmem>>, vector<1x16xf32>,
        %swap3A_283 = vector.shape_cast %swap3A_282 : vector<1x16xf32> to vector<16xf32>
        %swap3A_284 = vector.shape_cast %max3A_279 : vector<16xf32> to vector<1x16xf32>
        tpu.vector_store %arg10[%swap3A_280, %swap3A_281], %swap3A_284 {strides = array<i32>} : memref<40x128xf32, #tpu.memory_space<vmem>>, vector<1x16xf32>,
        %get3A_285 = arith.index_cast %scan3A_155 : i32 to index
        %get3A_286 = arith.constant 96 : index
        %get3A_287 = tpu.vector_load %arg10[%get3A_285, %get3A_286] {strides = array<i32>} : memref<40x128xf32, #tpu.memory_space<vmem>>, vector<1x16xf32>,
        %get3A_288 = vector.shape_cast %get3A_287 : vector<1x16xf32> to vector<16xf32>
        %get3A_289 = arith.index_cast %scan3A_155 : i32 to index
        %get3A_290 = arith.constant 96 : index
        %get3A_291 = tpu.vector_load %arg11[%get3A_289, %get3A_290] {strides = array<i32>} : memref<40x128xf32, #tpu.memory_space<vmem>>, vector<1x16xf32>,
        %get3A_292 = vector.shape_cast %get3A_291 : vector<1x16xf32> to vector<16xf32>
        %add3A_293 = arith.addf %get3A_288, %get3A_292 : vector<16xf32>
        %get3A_294 = arith.index_cast %scan3A_155 : i32 to index
        %get3A_295 = arith.constant 96 : index
        %get3A_296 = tpu.vector_load %arg12[%get3A_294, %get3A_295] {strides = array<i32>} : memref<40x128xf32, #tpu.memory_space<vmem>>, vector<1x16xf32>,
        %get3A_297 = vector.shape_cast %get3A_296 : vector<1x16xf32> to vector<16xf32>
        %add3A_298 = arith.addf %add3A_293, %get3A_297 : vector<16xf32>
        %max3A_299 = arith.constant 0.000000e+00 : f32
        %max3A_300 = vector.broadcast %max3A_299 : f32 to vector<16xf32>
        %max3A_301 = arith.maximumf %add3A_298, %max3A_300 : vector<16xf32>
        %swap3A_302 = arith.index_cast %scan3A_155 : i32 to index
        %swap3A_303 = arith.constant 96 : index
        %swap3A_304 = tpu.vector_load %arg10[%swap3A_302, %swap3A_303] {strides = array<i32>} : memref<40x128xf32, #tpu.memory_space<vmem>>, vector<1x16xf32>,
        %swap3A_305 = vector.shape_cast %swap3A_304 : vector<1x16xf32> to vector<16xf32>
        %swap3A_306 = vector.shape_cast %max3A_301 : vector<16xf32> to vector<1x16xf32>
        tpu.vector_store %arg10[%swap3A_302, %swap3A_303], %swap3A_306 {strides = array<i32>} : memref<40x128xf32, #tpu.memory_space<vmem>>, vector<1x16xf32>,
        %get3A_307 = arith.index_cast %scan3A_155 : i32 to index
        %get3A_308 = arith.constant 112 : index
        %get3A_309 = tpu.vector_load %arg10[%get3A_307, %get3A_308] {strides = array<i32>} : memref<40x128xf32, #tpu.memory_space<vmem>>, vector<1x16xf32>,
        %get3A_310 = vector.shape_cast %get3A_309 : vector<1x16xf32> to vector<16xf32>
        %get3A_311 = arith.index_cast %scan3A_155 : i32 to index
        %get3A_312 = arith.constant 112 : index
        %get3A_313 = tpu.vector_load %arg11[%get3A_311, %get3A_312] {strides = array<i32>} : memref<40x128xf32, #tpu.memory_space<vmem>>, vector<1x16xf32>,
        %get3A_314 = vector.shape_cast %get3A_313 : vector<1x16xf32> to vector<16xf32>
        %add3A_315 = arith.addf %get3A_310, %get3A_314 : vector<16xf32>
        %get3A_316 = arith.index_cast %scan3A_155 : i32 to index
        %get3A_317 = arith.constant 112 : index
        %get3A_318 = tpu.vector_load %arg12[%get3A_316, %get3A_317] {strides = array<i32>} : memref<40x128xf32, #tpu.memory_space<vmem>>, vector<1x16xf32>,
        %get3A_319 = vector.shape_cast %get3A_318 : vector<1x16xf32> to vector<16xf32>
        %add3A_320 = arith.addf %add3A_315, %get3A_319 : vector<16xf32>
        %max3A_321 = arith.constant 0.000000e+00 : f32
        %max3A_322 = vector.broadcast %max3A_321 : f32 to vector<16xf32>
        %max3A_323 = arith.maximumf %add3A_320, %max3A_322 : vector<16xf32>
        %swap3A_324 = arith.index_cast %scan3A_155 : i32 to index
        %swap3A_325 = arith.constant 112 : index
        %swap3A_326 = tpu.vector_load %arg10[%swap3A_324, %swap3A_325] {strides = array<i32>} : memref<40x128xf32, #tpu.memory_space<vmem>>, vector<1x16xf32>,
        %swap3A_327 = vector.shape_cast %swap3A_326 : vector<1x16xf32> to vector<16xf32>
        %swap3A_328 = vector.shape_cast %max3A_323 : vector<16xf32> to vector<1x16xf32>
        tpu.vector_store %arg10[%swap3A_324, %swap3A_325], %swap3A_328 {strides = array<i32>} : memref<40x128xf32, #tpu.memory_space<vmem>>, vector<1x16xf32>,
      }
      %scan3A_107 = arith.constant 40 : i32
      %dma_start3A_108 = arith.constant 1 : i32
      %dma_start3A_109 = arith.constant 0 : i32
      %dma_start3A_110 = tpu.memref_slice %arg8[%dma_start3A_108, %dma_start3A_109] : memref<2x40xi32, #tpu.memory_space<vmem>> -> memref<1x40xi32, #tpu.memory_space<vmem>>
      %dma_start3A_111 = tpu.memref_squeeze %dma_start3A_110 : memref<1x40xi32, #tpu.memory_space<vmem>> -> memref<40xi32, #tpu.memory_space<vmem>>
      %dma_start3A_112 = arith.constant 0 : i32
      %dma_start3A_113 = arith.constant 0 : i32
      %dma_start3A_114 = tpu.memref_slice %arg24[%dma_start3A_112, %dma_start3A_113] : memref<10000x128xf32, #tpu.memory_space<vmem_shared>> -> memref<10000x128xf32, #tpu.memory_space<vmem_shared>>
      tpu.enqueue_indirect_dma source(%arg10 : memref<40x128xf32, #tpu.memory_space<vmem>>) target(%dma_start3A_114 : memref<10000x128xf32, #tpu.memory_space<vmem_shared>>) offsets(%dma_start3A_111 : memref<40xi32, #tpu.memory_space<vmem>>) semaphore(%arg22 : memref<!tpu.dma_semaphore, #tpu.memory_space<semaphore_mem>>) {add = true}
      %lt3A = arith.constant 124 : i32
      %lt3A_115 = arith.cmpi slt, %scan3A_53, %lt3A : i32
      %convert_element_type3A_116 = arith.extui %lt3A_115 : i1 to i32
      %cond3A_117 = arith.constant 0 : i32
      %cond3A_118 = arith.cmpi ne, %convert_element_type3A_116, %cond3A_117 : i32
      scf.if %cond3A_118 {
        %add3A_155 = arith.constant 2 : i32
        %add3A_156 = arith.addi %mul3A_55, %add3A_155 : i32
        %mul3A_157 = arith.constant 40 : i32
        %mul3A_158 = arith.muli %add3A_156, %mul3A_157 : i32
        %add3A_159 = arith.addi %mul3A_6, %mul3A_158 : i32
        %sub3A = arith.constant 2 : i32
        %sub3A_160 = arith.subi %add3A_156, %sub3A : i32
        %mul3A_161 = arith.constant 40 : i32
        %mul3A_162 = arith.muli %sub3A_160, %mul3A_161 : i32
        %add3A_163 = arith.addi %mul3A_6, %mul3A_162 : i32
        %dma_wait3A_164 = arith.constant 1 : i32
        %dma_wait3A_165 = arith.constant 0 : i32
        %dma_wait3A_166 = tpu.memref_slice %arg8[%dma_wait3A_164, %dma_wait3A_165] : memref<2x40xi32, #tpu.memory_space<vmem>> -> memref<1x40xi32, #tpu.memory_space<vmem>>
        %dma_wait3A_167 = tpu.memref_squeeze %dma_wait3A_166 : memref<1x40xi32, #tpu.memory_space<vmem>> -> memref<40xi32, #tpu.memory_space<vmem>>
        %dma_wait3A_168 = arith.constant 0 : i32
        %dma_wait3A_169 = arith.constant 0 : i32
        %dma_wait3A_170 = tpu.memref_slice %arg24[%dma_wait3A_168, %dma_wait3A_169] : memref<10000x128xf32, #tpu.memory_space<vmem_shared>> -> memref<10000x128xf32, #tpu.memory_space<vmem_shared>>
        tpu.wait_indirect_dma semaphore(%arg22 : memref<!tpu.dma_semaphore, #tpu.memory_space<semaphore_mem>>) src(%arg10 : memref<40x128xf32, #tpu.memory_space<vmem>>) dst(%dma_wait3A_170 : memref<10000x128xf32, #tpu.memory_space<vmem_shared>>)
        "tpu.region"() ({
          %run_scoped3A_189 = tpu.sem_alloc : memref<!tpu.dma_semaphore, #tpu.memory_space<semaphore_mem>>
          %dma_start3A_190 = arith.constant 0 : i32
          %dma_start3A_191 = arith.constant 0 : i32
          %dma_start3A_192 = tpu.memref_slice %arg5[%add3A, %add3A_156, %dma_start3A_190, %dma_start3A_191] : memref<32x250x2x40xi32, #tpu.memory_space<hbm>> -> memref<1x1x2x40xi32, #tpu.memory_space<hbm>>
          %dma_start3A_193 = tpu.memref_squeeze %dma_start3A_192 : memref<1x1x2x40xi32, #tpu.memory_space<hbm>> -> memref<2x40xi32, #tpu.memory_space<hbm>>
          %dma_start3A_194 = arith.constant 0 : i32
          %dma_start3A_195 = arith.constant 0 : i32
          %dma_start3A_196 = tpu.memref_slice %arg5[%add3A, %add3A_156, %dma_start3A_194, %dma_start3A_195] : memref<32x250x2x40xi32, #tpu.memory_space<hbm>> -> memref<1x1x2x40xi32, #tpu.memory_space<hbm>>
          %dma_start3A_197 = tpu.memref_squeeze %dma_start3A_196 : memref<1x1x2x40xi32, #tpu.memory_space<hbm>> -> memref<2x40xi32, #tpu.memory_space<hbm>>
          tpu.enqueue_dma source(%dma_start3A_197 : memref<2x40xi32, #tpu.memory_space<hbm>>) target(%arg8 : memref<2x40xi32, #tpu.memory_space<vmem>>) target_semaphore(%run_scoped3A_189 : memref<!tpu.dma_semaphore, #tpu.memory_space<semaphore_mem>>)
          %dma_wait3A_198 = arith.constant 0 : i32
          %dma_wait3A_199 = arith.constant 0 : i32
          %dma_wait3A_200 = tpu.memref_slice %arg5[%add3A, %add3A_156, %dma_wait3A_198, %dma_wait3A_199] : memref<32x250x2x40xi32, #tpu.memory_space<hbm>> -> memref<1x1x2x40xi32, #tpu.memory_space<hbm>>
          %dma_wait3A_201 = tpu.memref_squeeze %dma_wait3A_200 : memref<1x1x2x40xi32, #tpu.memory_space<hbm>> -> memref<2x40xi32, #tpu.memory_space<hbm>>
          %dma_wait3A_202 = arith.constant 0 : i32
          %dma_wait3A_203 = arith.constant 0 : i32
          %dma_wait3A_204 = tpu.memref_slice %arg5[%add3A, %add3A_156, %dma_wait3A_202, %dma_wait3A_203] : memref<32x250x2x40xi32, #tpu.memory_space<hbm>> -> memref<1x1x2x40xi32, #tpu.memory_space<hbm>>
          %dma_wait3A_205 = tpu.memref_squeeze %dma_wait3A_204 : memref<1x1x2x40xi32, #tpu.memory_space<hbm>> -> memref<2x40xi32, #tpu.memory_space<hbm>>
          tpu.wait_dma2 semaphore(%run_scoped3A_189 : memref<!tpu.dma_semaphore, #tpu.memory_space<semaphore_mem>>) src(%dma_wait3A_205 : memref<2x40xi32, #tpu.memory_space<hbm>>) dst(%arg8 : memref<2x40xi32, #tpu.memory_space<vmem>>)
          tpu.yield
        }) : () -> ()
        %dma_start3A_171 = arith.constant 0 : i32
        %dma_start3A_172 = arith.constant 0 : i32
        %dma_start3A_173 = tpu.memref_slice %arg8[%dma_start3A_171, %dma_start3A_172] : memref<2x40xi32, #tpu.memory_space<vmem>> -> memref<1x40xi32, #tpu.memory_space<vmem>>
        %dma_start3A_174 = tpu.memref_squeeze %dma_start3A_173 : memref<1x40xi32, #tpu.memory_space<vmem>> -> memref<40xi32, #tpu.memory_space<vmem>>
        %dma_start3A_175 = arith.constant 0 : i32
        %dma_start3A_176 = arith.constant 0 : i32
        %dma_start3A_177 = tpu.memref_slice %arg2[%dma_start3A_175, %dma_start3A_176] : memref<10000x128xf32, #tpu.memory_space<hbm>> -> memref<10000x128xf32, #tpu.memory_space<hbm>>
        tpu.enqueue_indirect_dma source(%dma_start3A_177 : memref<10000x128xf32, #tpu.memory_space<hbm>>) target(%arg10 : memref<40x128xf32, #tpu.memory_space<vmem>>) offsets(%dma_start3A_174 : memref<40xi32, #tpu.memory_space<vmem>>) semaphore(%arg16 : memref<!tpu.dma_semaphore, #tpu.memory_space<semaphore_mem>>)
        %dma_start3A_178 = arith.constant 1 : i32
        %dma_start3A_179 = arith.constant 0 : i32
        %dma_start3A_180 = tpu.memref_slice %arg8[%dma_start3A_178, %dma_start3A_179] : memref<2x40xi32, #tpu.memory_space<vmem>> -> memref<1x40xi32, #tpu.memory_space<vmem>>
        %dma_start3A_181 = tpu.memref_squeeze %dma_start3A_180 : memref<1x40xi32, #tpu.memory_space<vmem>> -> memref<40xi32, #tpu.memory_space<vmem>>
        %dma_start3A_182 = arith.constant 0 : i32
        %dma_start3A_183 = arith.constant 0 : i32
        %dma_start3A_184 = tpu.memref_slice %arg3[%dma_start3A_182, %dma_start3A_183] : memref<10000x128xf32, #tpu.memory_space<hbm>> -> memref<10000x128xf32, #tpu.memory_space<hbm>>
        tpu.enqueue_indirect_dma source(%dma_start3A_184 : memref<10000x128xf32, #tpu.memory_space<hbm>>) target(%arg11 : memref<40x128xf32, #tpu.memory_space<vmem>>) offsets(%dma_start3A_181 : memref<40xi32, #tpu.memory_space<vmem>>) semaphore(%arg17 : memref<!tpu.dma_semaphore, #tpu.memory_space<semaphore_mem>>)
        %dma_start3A_185 = arith.constant 0 : i32
        %dma_start3A_186 = tpu.memref_slice %arg4[%add3A_159, %dma_start3A_185] : memref<320000x128xf32, #tpu.memory_space<hbm>> -> memref<40x128xf32, #tpu.memory_space<hbm>>
        %dma_start3A_187 = arith.constant 0 : i32
        %dma_start3A_188 = tpu.memref_slice %arg4[%add3A_159, %dma_start3A_187] : memref<320000x128xf32, #tpu.memory_space<hbm>> -> memref<40x128xf32, #tpu.memory_space<hbm>>
        tpu.enqueue_dma source(%dma_start3A_188 : memref<40x128xf32, #tpu.memory_space<hbm>>) target(%arg12 : memref<40x128xf32, #tpu.memory_space<vmem>>) target_semaphore(%arg18 : memref<!tpu.dma_semaphore, #tpu.memory_space<semaphore_mem>>)
      } else {
      }
      %add3A_119 = arith.constant 1 : i32
      %add3A_120 = arith.addi %mul3A_55, %add3A_119 : i32
      %mul3A_121 = arith.constant 40 : i32
      %mul3A_122 = arith.muli %add3A_120, %mul3A_121 : i32
      %add3A_123 = arith.addi %mul3A_6, %mul3A_122 : i32
      %dma_wait3A_124 = arith.constant 0 : i32
      %dma_wait3A_125 = arith.constant 0 : i32
      %dma_wait3A_126 = tpu.memref_slice %arg9[%dma_wait3A_124, %dma_wait3A_125] : memref<2x40xi32, #tpu.memory_space<vmem>> -> memref<1x40xi32, #tpu.memory_space<vmem>>
      %dma_wait3A_127 = tpu.memref_squeeze %dma_wait3A_126 : memref<1x40xi32, #tpu.memory_space<vmem>> -> memref<40xi32, #tpu.memory_space<vmem>>
      %dma_wait3A_128 = arith.constant 0 : i32
      %dma_wait3A_129 = arith.constant 0 : i32
      %dma_wait3A_130 = tpu.memref_slice %arg2[%dma_wait3A_128, %dma_wait3A_129] : memref<10000x128xf32, #tpu.memory_space<hbm>> -> memref<10000x128xf32, #tpu.memory_space<hbm>>
      tpu.wait_indirect_dma semaphore(%arg19 : memref<!tpu.dma_semaphore, #tpu.memory_space<semaphore_mem>>) src(%dma_wait3A_130 : memref<10000x128xf32, #tpu.memory_space<hbm>>) dst(%arg13 : memref<40x128xf32, #tpu.memory_space<vmem>>)
      %dma_wait3A_131 = arith.constant 1 : i32
      %dma_wait3A_132 = arith.constant 0 : i32
      %dma_wait3A_133 = tpu.memref_slice %arg9[%dma_wait3A_131, %dma_wait3A_132] : memref<2x40xi32, #tpu.memory_space<vmem>> -> memref<1x40xi32, #tpu.memory_space<vmem>>
      %dma_wait3A_134 = tpu.memref_squeeze %dma_wait3A_133 : memref<1x40xi32, #tpu.memory_space<vmem>> -> memref<40xi32, #tpu.memory_space<vmem>>
      %dma_wait3A_135 = arith.constant 0 : i32
      %dma_wait3A_136 = arith.constant 0 : i32
      %dma_wait3A_137 = tpu.memref_slice %arg3[%dma_wait3A_135, %dma_wait3A_136] : memref<10000x128xf32, #tpu.memory_space<hbm>> -> memref<10000x128xf32, #tpu.memory_space<hbm>>
      tpu.wait_indirect_dma semaphore(%arg20 : memref<!tpu.dma_semaphore, #tpu.memory_space<semaphore_mem>>) src(%dma_wait3A_137 : memref<10000x128xf32, #tpu.memory_space<hbm>>) dst(%arg14 : memref<40x128xf32, #tpu.memory_space<vmem>>)
      %dma_wait3A_138 = arith.constant 0 : i32
      %dma_wait3A_139 = tpu.memref_slice %arg4[%add3A_123, %dma_wait3A_138] : memref<320000x128xf32, #tpu.memory_space<hbm>> -> memref<40x128xf32, #tpu.memory_space<hbm>>
      %dma_wait3A_140 = arith.constant 0 : i32
      %dma_wait3A_141 = tpu.memref_slice %arg4[%add3A_123, %dma_wait3A_140] : memref<320000x128xf32, #tpu.memory_space<hbm>> -> memref<40x128xf32, #tpu.memory_space<hbm>>
      tpu.wait_dma2 semaphore(%arg21 : memref<!tpu.dma_semaphore, #tpu.memory_space<semaphore_mem>>) src(%dma_wait3A_141 : memref<40x128xf32, #tpu.memory_space<hbm>>) dst(%arg15 : memref<40x128xf32, #tpu.memory_space<vmem>>)
      %scan3A_142 = arith.constant 0 : i32
      %scan3A_143 = arith.constant 0 : i32
      %scan3A_144 = arith.constant 40 : i32
      %scan3A_145 = arith.addi %scan3A_143, %scan3A_144 : i32
      %scan3A_146 = arith.constant 1 : i32
      scf.for %scan3A_155 = %scan3A_143 to %scan3A_145 step %scan3A_146  : i32 {
        %get3A = arith.index_cast %scan3A_155 : i32 to index
        %get3A_156 = arith.constant 0 : index
        %get3A_157 = tpu.vector_load %arg13[%get3A, %get3A_156] {strides = array<i32>} : memref<40x128xf32, #tpu.memory_space<vmem>>, vector<1x16xf32>,
        %get3A_158 = vector.shape_cast %get3A_157 : vector<1x16xf32> to vector<16xf32>
        %get3A_159 = arith.index_cast %scan3A_155 : i32 to index
        %get3A_160 = arith.constant 0 : index
        %get3A_161 = tpu.vector_load %arg14[%get3A_159, %get3A_160] {strides = array<i32>} : memref<40x128xf32, #tpu.memory_space<vmem>>, vector<1x16xf32>,
        %get3A_162 = vector.shape_cast %get3A_161 : vector<1x16xf32> to vector<16xf32>
        %add3A_163 = arith.addf %get3A_158, %get3A_162 : vector<16xf32>
        %get3A_164 = arith.index_cast %scan3A_155 : i32 to index
        %get3A_165 = arith.constant 0 : index
        %get3A_166 = tpu.vector_load %arg15[%get3A_164, %get3A_165] {strides = array<i32>} : memref<40x128xf32, #tpu.memory_space<vmem>>, vector<1x16xf32>,
        %get3A_167 = vector.shape_cast %get3A_166 : vector<1x16xf32> to vector<16xf32>
        %add3A_168 = arith.addf %add3A_163, %get3A_167 : vector<16xf32>
        %max3A = arith.constant 0.000000e+00 : f32
        %max3A_169 = vector.broadcast %max3A : f32 to vector<16xf32>
        %max3A_170 = arith.maximumf %add3A_168, %max3A_169 : vector<16xf32>
        %swap3A = arith.index_cast %scan3A_155 : i32 to index
        %swap3A_171 = arith.constant 0 : index
        %swap3A_172 = tpu.vector_load %arg13[%swap3A, %swap3A_171] {strides = array<i32>} : memref<40x128xf32, #tpu.memory_space<vmem>>, vector<1x16xf32>,
        %swap3A_173 = vector.shape_cast %swap3A_172 : vector<1x16xf32> to vector<16xf32>
        %swap3A_174 = vector.shape_cast %max3A_170 : vector<16xf32> to vector<1x16xf32>
        tpu.vector_store %arg13[%swap3A, %swap3A_171], %swap3A_174 {strides = array<i32>} : memref<40x128xf32, #tpu.memory_space<vmem>>, vector<1x16xf32>,
        %get3A_175 = arith.index_cast %scan3A_155 : i32 to index
        %get3A_176 = arith.constant 16 : index
        %get3A_177 = tpu.vector_load %arg13[%get3A_175, %get3A_176] {strides = array<i32>} : memref<40x128xf32, #tpu.memory_space<vmem>>, vector<1x16xf32>,
        %get3A_178 = vector.shape_cast %get3A_177 : vector<1x16xf32> to vector<16xf32>
        %get3A_179 = arith.index_cast %scan3A_155 : i32 to index
        %get3A_180 = arith.constant 16 : index
        %get3A_181 = tpu.vector_load %arg14[%get3A_179, %get3A_180] {strides = array<i32>} : memref<40x128xf32, #tpu.memory_space<vmem>>, vector<1x16xf32>,
        %get3A_182 = vector.shape_cast %get3A_181 : vector<1x16xf32> to vector<16xf32>
        %add3A_183 = arith.addf %get3A_178, %get3A_182 : vector<16xf32>
        %get3A_184 = arith.index_cast %scan3A_155 : i32 to index
        %get3A_185 = arith.constant 16 : index
        %get3A_186 = tpu.vector_load %arg15[%get3A_184, %get3A_185] {strides = array<i32>} : memref<40x128xf32, #tpu.memory_space<vmem>>, vector<1x16xf32>,
        %get3A_187 = vector.shape_cast %get3A_186 : vector<1x16xf32> to vector<16xf32>
        %add3A_188 = arith.addf %add3A_183, %get3A_187 : vector<16xf32>
        %max3A_189 = arith.constant 0.000000e+00 : f32
        %max3A_190 = vector.broadcast %max3A_189 : f32 to vector<16xf32>
        %max3A_191 = arith.maximumf %add3A_188, %max3A_190 : vector<16xf32>
        %swap3A_192 = arith.index_cast %scan3A_155 : i32 to index
        %swap3A_193 = arith.constant 16 : index
        %swap3A_194 = tpu.vector_load %arg13[%swap3A_192, %swap3A_193] {strides = array<i32>} : memref<40x128xf32, #tpu.memory_space<vmem>>, vector<1x16xf32>,
        %swap3A_195 = vector.shape_cast %swap3A_194 : vector<1x16xf32> to vector<16xf32>
        %swap3A_196 = vector.shape_cast %max3A_191 : vector<16xf32> to vector<1x16xf32>
        tpu.vector_store %arg13[%swap3A_192, %swap3A_193], %swap3A_196 {strides = array<i32>} : memref<40x128xf32, #tpu.memory_space<vmem>>, vector<1x16xf32>,
        %get3A_197 = arith.index_cast %scan3A_155 : i32 to index
        %get3A_198 = arith.constant 32 : index
        %get3A_199 = tpu.vector_load %arg13[%get3A_197, %get3A_198] {strides = array<i32>} : memref<40x128xf32, #tpu.memory_space<vmem>>, vector<1x16xf32>,
        %get3A_200 = vector.shape_cast %get3A_199 : vector<1x16xf32> to vector<16xf32>
        %get3A_201 = arith.index_cast %scan3A_155 : i32 to index
        %get3A_202 = arith.constant 32 : index
        %get3A_203 = tpu.vector_load %arg14[%get3A_201, %get3A_202] {strides = array<i32>} : memref<40x128xf32, #tpu.memory_space<vmem>>, vector<1x16xf32>,
        %get3A_204 = vector.shape_cast %get3A_203 : vector<1x16xf32> to vector<16xf32>
        %add3A_205 = arith.addf %get3A_200, %get3A_204 : vector<16xf32>
        %get3A_206 = arith.index_cast %scan3A_155 : i32 to index
        %get3A_207 = arith.constant 32 : index
        %get3A_208 = tpu.vector_load %arg15[%get3A_206, %get3A_207] {strides = array<i32>} : memref<40x128xf32, #tpu.memory_space<vmem>>, vector<1x16xf32>,
        %get3A_209 = vector.shape_cast %get3A_208 : vector<1x16xf32> to vector<16xf32>
        %add3A_210 = arith.addf %add3A_205, %get3A_209 : vector<16xf32>
        %max3A_211 = arith.constant 0.000000e+00 : f32
        %max3A_212 = vector.broadcast %max3A_211 : f32 to vector<16xf32>
        %max3A_213 = arith.maximumf %add3A_210, %max3A_212 : vector<16xf32>
        %swap3A_214 = arith.index_cast %scan3A_155 : i32 to index
        %swap3A_215 = arith.constant 32 : index
        %swap3A_216 = tpu.vector_load %arg13[%swap3A_214, %swap3A_215] {strides = array<i32>} : memref<40x128xf32, #tpu.memory_space<vmem>>, vector<1x16xf32>,
        %swap3A_217 = vector.shape_cast %swap3A_216 : vector<1x16xf32> to vector<16xf32>
        %swap3A_218 = vector.shape_cast %max3A_213 : vector<16xf32> to vector<1x16xf32>
        tpu.vector_store %arg13[%swap3A_214, %swap3A_215], %swap3A_218 {strides = array<i32>} : memref<40x128xf32, #tpu.memory_space<vmem>>, vector<1x16xf32>,
        %get3A_219 = arith.index_cast %scan3A_155 : i32 to index
        %get3A_220 = arith.constant 48 : index
        %get3A_221 = tpu.vector_load %arg13[%get3A_219, %get3A_220] {strides = array<i32>} : memref<40x128xf32, #tpu.memory_space<vmem>>, vector<1x16xf32>,
        %get3A_222 = vector.shape_cast %get3A_221 : vector<1x16xf32> to vector<16xf32>
        %get3A_223 = arith.index_cast %scan3A_155 : i32 to index
        %get3A_224 = arith.constant 48 : index
        %get3A_225 = tpu.vector_load %arg14[%get3A_223, %get3A_224] {strides = array<i32>} : memref<40x128xf32, #tpu.memory_space<vmem>>, vector<1x16xf32>,
        %get3A_226 = vector.shape_cast %get3A_225 : vector<1x16xf32> to vector<16xf32>
        %add3A_227 = arith.addf %get3A_222, %get3A_226 : vector<16xf32>
        %get3A_228 = arith.index_cast %scan3A_155 : i32 to index
        %get3A_229 = arith.constant 48 : index
        %get3A_230 = tpu.vector_load %arg15[%get3A_228, %get3A_229] {strides = array<i32>} : memref<40x128xf32, #tpu.memory_space<vmem>>, vector<1x16xf32>,
        %get3A_231 = vector.shape_cast %get3A_230 : vector<1x16xf32> to vector<16xf32>
        %add3A_232 = arith.addf %add3A_227, %get3A_231 : vector<16xf32>
        %max3A_233 = arith.constant 0.000000e+00 : f32
        %max3A_234 = vector.broadcast %max3A_233 : f32 to vector<16xf32>
        %max3A_235 = arith.maximumf %add3A_232, %max3A_234 : vector<16xf32>
        %swap3A_236 = arith.index_cast %scan3A_155 : i32 to index
        %swap3A_237 = arith.constant 48 : index
        %swap3A_238 = tpu.vector_load %arg13[%swap3A_236, %swap3A_237] {strides = array<i32>} : memref<40x128xf32, #tpu.memory_space<vmem>>, vector<1x16xf32>,
        %swap3A_239 = vector.shape_cast %swap3A_238 : vector<1x16xf32> to vector<16xf32>
        %swap3A_240 = vector.shape_cast %max3A_235 : vector<16xf32> to vector<1x16xf32>
        tpu.vector_store %arg13[%swap3A_236, %swap3A_237], %swap3A_240 {strides = array<i32>} : memref<40x128xf32, #tpu.memory_space<vmem>>, vector<1x16xf32>,
        %get3A_241 = arith.index_cast %scan3A_155 : i32 to index
        %get3A_242 = arith.constant 64 : index
        %get3A_243 = tpu.vector_load %arg13[%get3A_241, %get3A_242] {strides = array<i32>} : memref<40x128xf32, #tpu.memory_space<vmem>>, vector<1x16xf32>,
        %get3A_244 = vector.shape_cast %get3A_243 : vector<1x16xf32> to vector<16xf32>
        %get3A_245 = arith.index_cast %scan3A_155 : i32 to index
        %get3A_246 = arith.constant 64 : index
        %get3A_247 = tpu.vector_load %arg14[%get3A_245, %get3A_246] {strides = array<i32>} : memref<40x128xf32, #tpu.memory_space<vmem>>, vector<1x16xf32>,
        %get3A_248 = vector.shape_cast %get3A_247 : vector<1x16xf32> to vector<16xf32>
        %add3A_249 = arith.addf %get3A_244, %get3A_248 : vector<16xf32>
        %get3A_250 = arith.index_cast %scan3A_155 : i32 to index
        %get3A_251 = arith.constant 64 : index
        %get3A_252 = tpu.vector_load %arg15[%get3A_250, %get3A_251] {strides = array<i32>} : memref<40x128xf32, #tpu.memory_space<vmem>>, vector<1x16xf32>,
        %get3A_253 = vector.shape_cast %get3A_252 : vector<1x16xf32> to vector<16xf32>
        %add3A_254 = arith.addf %add3A_249, %get3A_253 : vector<16xf32>
        %max3A_255 = arith.constant 0.000000e+00 : f32
        %max3A_256 = vector.broadcast %max3A_255 : f32 to vector<16xf32>
        %max3A_257 = arith.maximumf %add3A_254, %max3A_256 : vector<16xf32>
        %swap3A_258 = arith.index_cast %scan3A_155 : i32 to index
        %swap3A_259 = arith.constant 64 : index
        %swap3A_260 = tpu.vector_load %arg13[%swap3A_258, %swap3A_259] {strides = array<i32>} : memref<40x128xf32, #tpu.memory_space<vmem>>, vector<1x16xf32>,
        %swap3A_261 = vector.shape_cast %swap3A_260 : vector<1x16xf32> to vector<16xf32>
        %swap3A_262 = vector.shape_cast %max3A_257 : vector<16xf32> to vector<1x16xf32>
        tpu.vector_store %arg13[%swap3A_258, %swap3A_259], %swap3A_262 {strides = array<i32>} : memref<40x128xf32, #tpu.memory_space<vmem>>, vector<1x16xf32>,
        %get3A_263 = arith.index_cast %scan3A_155 : i32 to index
        %get3A_264 = arith.constant 80 : index
        %get3A_265 = tpu.vector_load %arg13[%get3A_263, %get3A_264] {strides = array<i32>} : memref<40x128xf32, #tpu.memory_space<vmem>>, vector<1x16xf32>,
        %get3A_266 = vector.shape_cast %get3A_265 : vector<1x16xf32> to vector<16xf32>
        %get3A_267 = arith.index_cast %scan3A_155 : i32 to index
        %get3A_268 = arith.constant 80 : index
        %get3A_269 = tpu.vector_load %arg14[%get3A_267, %get3A_268] {strides = array<i32>} : memref<40x128xf32, #tpu.memory_space<vmem>>, vector<1x16xf32>,
        %get3A_270 = vector.shape_cast %get3A_269 : vector<1x16xf32> to vector<16xf32>
        %add3A_271 = arith.addf %get3A_266, %get3A_270 : vector<16xf32>
        %get3A_272 = arith.index_cast %scan3A_155 : i32 to index
        %get3A_273 = arith.constant 80 : index
        %get3A_274 = tpu.vector_load %arg15[%get3A_272, %get3A_273] {strides = array<i32>} : memref<40x128xf32, #tpu.memory_space<vmem>>, vector<1x16xf32>,
        %get3A_275 = vector.shape_cast %get3A_274 : vector<1x16xf32> to vector<16xf32>
        %add3A_276 = arith.addf %add3A_271, %get3A_275 : vector<16xf32>
        %max3A_277 = arith.constant 0.000000e+00 : f32
        %max3A_278 = vector.broadcast %max3A_277 : f32 to vector<16xf32>
        %max3A_279 = arith.maximumf %add3A_276, %max3A_278 : vector<16xf32>
        %swap3A_280 = arith.index_cast %scan3A_155 : i32 to index
        %swap3A_281 = arith.constant 80 : index
        %swap3A_282 = tpu.vector_load %arg13[%swap3A_280, %swap3A_281] {strides = array<i32>} : memref<40x128xf32, #tpu.memory_space<vmem>>, vector<1x16xf32>,
        %swap3A_283 = vector.shape_cast %swap3A_282 : vector<1x16xf32> to vector<16xf32>
        %swap3A_284 = vector.shape_cast %max3A_279 : vector<16xf32> to vector<1x16xf32>
        tpu.vector_store %arg13[%swap3A_280, %swap3A_281], %swap3A_284 {strides = array<i32>} : memref<40x128xf32, #tpu.memory_space<vmem>>, vector<1x16xf32>,
        %get3A_285 = arith.index_cast %scan3A_155 : i32 to index
        %get3A_286 = arith.constant 96 : index
        %get3A_287 = tpu.vector_load %arg13[%get3A_285, %get3A_286] {strides = array<i32>} : memref<40x128xf32, #tpu.memory_space<vmem>>, vector<1x16xf32>,
        %get3A_288 = vector.shape_cast %get3A_287 : vector<1x16xf32> to vector<16xf32>
        %get3A_289 = arith.index_cast %scan3A_155 : i32 to index
        %get3A_290 = arith.constant 96 : index
        %get3A_291 = tpu.vector_load %arg14[%get3A_289, %get3A_290] {strides = array<i32>} : memref<40x128xf32, #tpu.memory_space<vmem>>, vector<1x16xf32>,
        %get3A_292 = vector.shape_cast %get3A_291 : vector<1x16xf32> to vector<16xf32>
        %add3A_293 = arith.addf %get3A_288, %get3A_292 : vector<16xf32>
        %get3A_294 = arith.index_cast %scan3A_155 : i32 to index
        %get3A_295 = arith.constant 96 : index
        %get3A_296 = tpu.vector_load %arg15[%get3A_294, %get3A_295] {strides = array<i32>} : memref<40x128xf32, #tpu.memory_space<vmem>>, vector<1x16xf32>,
        %get3A_297 = vector.shape_cast %get3A_296 : vector<1x16xf32> to vector<16xf32>
        %add3A_298 = arith.addf %add3A_293, %get3A_297 : vector<16xf32>
        %max3A_299 = arith.constant 0.000000e+00 : f32
        %max3A_300 = vector.broadcast %max3A_299 : f32 to vector<16xf32>
        %max3A_301 = arith.maximumf %add3A_298, %max3A_300 : vector<16xf32>
        %swap3A_302 = arith.index_cast %scan3A_155 : i32 to index
        %swap3A_303 = arith.constant 96 : index
        %swap3A_304 = tpu.vector_load %arg13[%swap3A_302, %swap3A_303] {strides = array<i32>} : memref<40x128xf32, #tpu.memory_space<vmem>>, vector<1x16xf32>,
        %swap3A_305 = vector.shape_cast %swap3A_304 : vector<1x16xf32> to vector<16xf32>
        %swap3A_306 = vector.shape_cast %max3A_301 : vector<16xf32> to vector<1x16xf32>
        tpu.vector_store %arg13[%swap3A_302, %swap3A_303], %swap3A_306 {strides = array<i32>} : memref<40x128xf32, #tpu.memory_space<vmem>>, vector<1x16xf32>,
        %get3A_307 = arith.index_cast %scan3A_155 : i32 to index
        %get3A_308 = arith.constant 112 : index
        %get3A_309 = tpu.vector_load %arg13[%get3A_307, %get3A_308] {strides = array<i32>} : memref<40x128xf32, #tpu.memory_space<vmem>>, vector<1x16xf32>,
        %get3A_310 = vector.shape_cast %get3A_309 : vector<1x16xf32> to vector<16xf32>
        %get3A_311 = arith.index_cast %scan3A_155 : i32 to index
        %get3A_312 = arith.constant 112 : index
        %get3A_313 = tpu.vector_load %arg14[%get3A_311, %get3A_312] {strides = array<i32>} : memref<40x128xf32, #tpu.memory_space<vmem>>, vector<1x16xf32>,
        %get3A_314 = vector.shape_cast %get3A_313 : vector<1x16xf32> to vector<16xf32>
        %add3A_315 = arith.addf %get3A_310, %get3A_314 : vector<16xf32>
        %get3A_316 = arith.index_cast %scan3A_155 : i32 to index
        %get3A_317 = arith.constant 112 : index
        %get3A_318 = tpu.vector_load %arg15[%get3A_316, %get3A_317] {strides = array<i32>} : memref<40x128xf32, #tpu.memory_space<vmem>>, vector<1x16xf32>,
        %get3A_319 = vector.shape_cast %get3A_318 : vector<1x16xf32> to vector<16xf32>
        %add3A_320 = arith.addf %add3A_315, %get3A_319 : vector<16xf32>
        %max3A_321 = arith.constant 0.000000e+00 : f32
        %max3A_322 = vector.broadcast %max3A_321 : f32 to vector<16xf32>
        %max3A_323 = arith.maximumf %add3A_320, %max3A_322 : vector<16xf32>
        %swap3A_324 = arith.index_cast %scan3A_155 : i32 to index
        %swap3A_325 = arith.constant 112 : index
        %swap3A_326 = tpu.vector_load %arg13[%swap3A_324, %swap3A_325] {strides = array<i32>} : memref<40x128xf32, #tpu.memory_space<vmem>>, vector<1x16xf32>,
        %swap3A_327 = vector.shape_cast %swap3A_326 : vector<1x16xf32> to vector<16xf32>
        %swap3A_328 = vector.shape_cast %max3A_323 : vector<16xf32> to vector<1x16xf32>
        tpu.vector_store %arg13[%swap3A_324, %swap3A_325], %swap3A_328 {strides = array<i32>} : memref<40x128xf32, #tpu.memory_space<vmem>>, vector<1x16xf32>,
      }
      %scan3A_147 = arith.constant 40 : i32
      %dma_start3A_148 = arith.constant 1 : i32
      %dma_start3A_149 = arith.constant 0 : i32
      %dma_start3A_150 = tpu.memref_slice %arg9[%dma_start3A_148, %dma_start3A_149] : memref<2x40xi32, #tpu.memory_space<vmem>> -> memref<1x40xi32, #tpu.memory_space<vmem>>
      %dma_start3A_151 = tpu.memref_squeeze %dma_start3A_150 : memref<1x40xi32, #tpu.memory_space<vmem>> -> memref<40xi32, #tpu.memory_space<vmem>>
      %dma_start3A_152 = arith.constant 0 : i32
      %dma_start3A_153 = arith.constant 0 : i32
      %dma_start3A_154 = tpu.memref_slice %arg24[%dma_start3A_152, %dma_start3A_153] : memref<10000x128xf32, #tpu.memory_space<vmem_shared>> -> memref<10000x128xf32, #tpu.memory_space<vmem_shared>>
      tpu.enqueue_indirect_dma source(%arg13 : memref<40x128xf32, #tpu.memory_space<vmem>>) target(%dma_start3A_154 : memref<10000x128xf32, #tpu.memory_space<vmem_shared>>) offsets(%dma_start3A_151 : memref<40xi32, #tpu.memory_space<vmem>>) semaphore(%arg23 : memref<!tpu.dma_semaphore, #tpu.memory_space<semaphore_mem>>) {add = true}
    }
    %scan3A_30 = arith.constant 125 : i32
    %add3A_31 = arith.constant 9920 : i32
    %add3A_32 = arith.addi %mul3A_6, %add3A_31 : i32
    %dma_wait3A = arith.constant 1 : i32
    %dma_wait3A_33 = arith.constant 0 : i32
    %dma_wait3A_34 = tpu.memref_slice %arg8[%dma_wait3A, %dma_wait3A_33] : memref<2x40xi32, #tpu.memory_space<vmem>> -> memref<1x40xi32, #tpu.memory_space<vmem>>
    %dma_wait3A_35 = tpu.memref_squeeze %dma_wait3A_34 : memref<1x40xi32, #tpu.memory_space<vmem>> -> memref<40xi32, #tpu.memory_space<vmem>>
    %dma_wait3A_36 = arith.constant 0 : i32
    %dma_wait3A_37 = arith.constant 0 : i32
    %dma_wait3A_38 = tpu.memref_slice %arg24[%dma_wait3A_36, %dma_wait3A_37] : memref<10000x128xf32, #tpu.memory_space<vmem_shared>> -> memref<10000x128xf32, #tpu.memory_space<vmem_shared>>
    tpu.wait_indirect_dma semaphore(%arg22 : memref<!tpu.dma_semaphore, #tpu.memory_space<semaphore_mem>>) src(%arg10 : memref<40x128xf32, #tpu.memory_space<vmem>>) dst(%dma_wait3A_38 : memref<10000x128xf32, #tpu.memory_space<vmem_shared>>)
    %add3A_39 = arith.constant 9960 : i32
    %add3A_40 = arith.addi %mul3A_6, %add3A_39 : i32
    %dma_wait3A_41 = arith.constant 1 : i32
    %dma_wait3A_42 = arith.constant 0 : i32
    %dma_wait3A_43 = tpu.memref_slice %arg9[%dma_wait3A_41, %dma_wait3A_42] : memref<2x40xi32, #tpu.memory_space<vmem>> -> memref<1x40xi32, #tpu.memory_space<vmem>>
    %dma_wait3A_44 = tpu.memref_squeeze %dma_wait3A_43 : memref<1x40xi32, #tpu.memory_space<vmem>> -> memref<40xi32, #tpu.memory_space<vmem>>
    %dma_wait3A_45 = arith.constant 0 : i32
    %dma_wait3A_46 = arith.constant 0 : i32
    %dma_wait3A_47 = tpu.memref_slice %arg24[%dma_wait3A_45, %dma_wait3A_46] : memref<10000x128xf32, #tpu.memory_space<vmem_shared>> -> memref<10000x128xf32, #tpu.memory_space<vmem_shared>>
    tpu.wait_indirect_dma semaphore(%arg23 : memref<!tpu.dma_semaphore, #tpu.memory_space<semaphore_mem>>) src(%arg13 : memref<40x128xf32, #tpu.memory_space<vmem>>) dst(%dma_wait3A_47 : memref<10000x128xf32, #tpu.memory_space<vmem_shared>>)
    %barrier3A_48 = arith.constant 0 : index
    tpu.barrier barrier_id(%barrier3A_48)
    %mul3A_49 = arith.constant 625 : i32
    %mul3A_50 = arith.muli %arg1, %mul3A_49 : i32
    %mul3A_51 = arith.constant 625 : i32
    %mul3A_52 = arith.muli %arg1, %mul3A_51 : i32
    "tpu.region"() ({
      %run_scoped3A_53 = tpu.sem_alloc : memref<!tpu.dma_semaphore, #tpu.memory_space<semaphore_mem>>
      %dma_start3A_54 = arith.constant 0 : i32
      %dma_start3A_55 = tpu.memref_slice %arg7[%arg0, %mul3A_52, %dma_start3A_54] : memref<2x10000x128xf32, #tpu.memory_space<hbm>> -> memref<1x625x128xf32, #tpu.memory_space<hbm>>
      %dma_start3A_56 = tpu.memref_squeeze %dma_start3A_55 : memref<1x625x128xf32, #tpu.memory_space<hbm>> -> memref<625x128xf32, #tpu.memory_space<hbm>>
      %dma_start3A_57 = arith.constant 0 : i32
      %dma_start3A_58 = tpu.memref_slice %arg24[%mul3A_50, %dma_start3A_57] : memref<10000x128xf32, #tpu.memory_space<vmem_shared>> -> memref<625x128xf32, #tpu.memory_space<vmem_shared>>
      tpu.enqueue_dma source(%dma_start3A_58 : memref<625x128xf32, #tpu.memory_space<vmem_shared>>) target(%dma_start3A_56 : memref<625x128xf32, #tpu.memory_space<hbm>>) target_semaphore(%run_scoped3A_53 : memref<!tpu.dma_semaphore, #tpu.memory_space<semaphore_mem>>)
      %dma_wait3A_59 = arith.constant 0 : i32
      %dma_wait3A_60 = tpu.memref_slice %arg7[%arg0, %mul3A_52, %dma_wait3A_59] : memref<2x10000x128xf32, #tpu.memory_space<hbm>> -> memref<1x625x128xf32, #tpu.memory_space<hbm>>
      %dma_wait3A_61 = tpu.memref_squeeze %dma_wait3A_60 : memref<1x625x128xf32, #tpu.memory_space<hbm>> -> memref<625x128xf32, #tpu.memory_space<hbm>>
      %dma_wait3A_62 = arith.constant 0 : i32
      %dma_wait3A_63 = tpu.memref_slice %arg24[%mul3A_50, %dma_wait3A_62] : memref<10000x128xf32, #tpu.memory_space<vmem_shared>> -> memref<625x128xf32, #tpu.memory_space<vmem_shared>>
      tpu.wait_dma2 semaphore(%run_scoped3A_53 : memref<!tpu.dma_semaphore, #tpu.memory_space<semaphore_mem>>) src(%dma_wait3A_63 : memref<625x128xf32, #tpu.memory_space<vmem_shared>>) dst(%dma_wait3A_61 : memref<625x128xf32, #tpu.memory_space<hbm>>)
      tpu.yield
    }) : () -> ()
    return
  }
}

#map = affine_map<(d0, d1) -> (0, 0)>
#map1 = affine_map<(d0, d1) -> (0)>
module attributes {stable_mosaic.version = 14 : i64} {
  func.func @_embg_body(%arg0: i32, %arg1: i32, %arg2: memref<100x128xf32, #tpu.memory_space<hbm>>, %arg3: memref<10000xi32, #tpu.memory_space<hbm>>, %arg4: memref<10000x128xf32, #tpu.memory_space<hbm>>, %arg5: memref<80xi32, #tpu.memory_space<vmem>>, %arg6: memref<80x128xf32, #tpu.memory_space<vmem>>, %arg7: memref<!tpu.dma_semaphore, #tpu.memory_space<semaphore_mem>>) attributes {dimension_semantics = [#tpu.dimension_semantics<core_parallel>, #tpu.dimension_semantics<subcore_parallel>], iteration_bounds = array<i64: 2, 16>, scalar_prefetch = 0 : i64, scratch_operands = 3 : i64, tpu.core_type = #tpu.core_type<sc_vector_subcore>, window_params = [{transform_indices = #map}, {transform_indices = #map1}, {transform_indices = #map}]} {
    %mul3A = arith.constant 2 : i32
    %mul3A_0 = arith.muli %arg1, %mul3A : i32
    %add3A = arith.addi %mul3A_0, %arg0 : i32
    %mul3A_1 = arith.constant 400 : i32
    %mul3A_2 = arith.muli %add3A, %mul3A_1 : i32
    %lt3A = arith.constant 25 : i32
    %lt3A_3 = arith.cmpi slt, %add3A, %lt3A : i32
    %convert_element_type3A = arith.extui %lt3A_3 : i1 to i32
    %cond3A = arith.constant 0 : i32
    %cond3A_4 = arith.cmpi ne, %convert_element_type3A, %cond3A : i32
    scf.if %cond3A_4 {
      %scan3A = arith.constant 0 : i32
      %scan3A_5 = arith.constant 0 : i32
      %scan3A_6 = arith.constant 5 : i32
      %scan3A_7 = arith.addi %scan3A_5, %scan3A_6 : i32
      %scan3A_8 = arith.constant 1 : i32
      scf.for %scan3A_10 = %scan3A_5 to %scan3A_7 step %scan3A_8  : i32 {
        %mul3A_11 = arith.constant 80 : i32
        %mul3A_12 = arith.muli %scan3A_10, %mul3A_11 : i32
        %add3A_13 = arith.addi %mul3A_2, %mul3A_12 : i32
        "tpu.region"() ({
          %run_scoped3A = tpu.sem_alloc : memref<!tpu.dma_semaphore, #tpu.memory_space<semaphore_mem>>
          %dma_start3A_18 = tpu.memref_slice %arg3[%add3A_13] : memref<10000xi32, #tpu.memory_space<hbm>> -> memref<80xi32, #tpu.memory_space<hbm>>
          %dma_start3A_19 = tpu.memref_slice %arg3[%add3A_13] : memref<10000xi32, #tpu.memory_space<hbm>> -> memref<80xi32, #tpu.memory_space<hbm>>
          tpu.enqueue_dma source(%dma_start3A_19 : memref<80xi32, #tpu.memory_space<hbm>>) target(%arg5 : memref<80xi32, #tpu.memory_space<vmem>>) target_semaphore(%run_scoped3A : memref<!tpu.dma_semaphore, #tpu.memory_space<semaphore_mem>>)
          %dma_wait3A_20 = tpu.memref_slice %arg3[%add3A_13] : memref<10000xi32, #tpu.memory_space<hbm>> -> memref<80xi32, #tpu.memory_space<hbm>>
          %dma_wait3A_21 = tpu.memref_slice %arg3[%add3A_13] : memref<10000xi32, #tpu.memory_space<hbm>> -> memref<80xi32, #tpu.memory_space<hbm>>
          tpu.wait_dma2 semaphore(%run_scoped3A : memref<!tpu.dma_semaphore, #tpu.memory_space<semaphore_mem>>) src(%dma_wait3A_21 : memref<80xi32, #tpu.memory_space<hbm>>) dst(%arg5 : memref<80xi32, #tpu.memory_space<vmem>>)
          tpu.yield
        }) : () -> ()
        %dma_start3A = arith.constant 0 : i32
        %dma_start3A_14 = arith.constant 0 : i32
        %dma_start3A_15 = tpu.memref_slice %arg2[%dma_start3A, %dma_start3A_14] : memref<100x128xf32, #tpu.memory_space<hbm>> -> memref<100x128xf32, #tpu.memory_space<hbm>>
        tpu.enqueue_indirect_dma source(%dma_start3A_15 : memref<100x128xf32, #tpu.memory_space<hbm>>) target(%arg6 : memref<80x128xf32, #tpu.memory_space<vmem>>) offsets(%arg5 : memref<80xi32, #tpu.memory_space<vmem>>) semaphore(%arg7 : memref<!tpu.dma_semaphore, #tpu.memory_space<semaphore_mem>>)
        %dma_wait3A = arith.constant 0 : i32
        %dma_wait3A_16 = arith.constant 0 : i32
        %dma_wait3A_17 = tpu.memref_slice %arg2[%dma_wait3A, %dma_wait3A_16] : memref<100x128xf32, #tpu.memory_space<hbm>> -> memref<100x128xf32, #tpu.memory_space<hbm>>
        tpu.wait_indirect_dma semaphore(%arg7 : memref<!tpu.dma_semaphore, #tpu.memory_space<semaphore_mem>>) src(%dma_wait3A_17 : memref<100x128xf32, #tpu.memory_space<hbm>>) dst(%arg6 : memref<80x128xf32, #tpu.memory_space<vmem>>)
        "tpu.region"() ({
          %run_scoped3A = tpu.sem_alloc : memref<!tpu.dma_semaphore, #tpu.memory_space<semaphore_mem>>
          %dma_start3A_18 = arith.constant 0 : i32
          %dma_start3A_19 = tpu.memref_slice %arg4[%add3A_13, %dma_start3A_18] : memref<10000x128xf32, #tpu.memory_space<hbm>> -> memref<80x128xf32, #tpu.memory_space<hbm>>
          %dma_start3A_20 = arith.constant 0 : i32
          %dma_start3A_21 = tpu.memref_slice %arg4[%add3A_13, %dma_start3A_20] : memref<10000x128xf32, #tpu.memory_space<hbm>> -> memref<80x128xf32, #tpu.memory_space<hbm>>
          tpu.enqueue_dma source(%arg6 : memref<80x128xf32, #tpu.memory_space<vmem>>) target(%dma_start3A_21 : memref<80x128xf32, #tpu.memory_space<hbm>>) target_semaphore(%run_scoped3A : memref<!tpu.dma_semaphore, #tpu.memory_space<semaphore_mem>>)
          %dma_wait3A_22 = arith.constant 0 : i32
          %dma_wait3A_23 = tpu.memref_slice %arg4[%add3A_13, %dma_wait3A_22] : memref<10000x128xf32, #tpu.memory_space<hbm>> -> memref<80x128xf32, #tpu.memory_space<hbm>>
          %dma_wait3A_24 = arith.constant 0 : i32
          %dma_wait3A_25 = tpu.memref_slice %arg4[%add3A_13, %dma_wait3A_24] : memref<10000x128xf32, #tpu.memory_space<hbm>> -> memref<80x128xf32, #tpu.memory_space<hbm>>
          tpu.wait_dma2 semaphore(%run_scoped3A : memref<!tpu.dma_semaphore, #tpu.memory_space<semaphore_mem>>) src(%arg6 : memref<80x128xf32, #tpu.memory_space<vmem>>) dst(%dma_wait3A_25 : memref<80x128xf32, #tpu.memory_space<hbm>>)
          tpu.yield
        }) : () -> ()
      }
      %scan3A_9 = arith.constant 5 : i32
    } else {
    }
    return
  }
}

#map = affine_map<(d0, d1) -> (0, 0)>
#map1 = affine_map<(d0, d1) -> (0, 0, 0, 0)>
module attributes {stable_mosaic.version = 14 : i64} {
  func.func @body(%arg0: i32, %arg1: i32, %arg2: memref<10000x128xf32, #tpu.memory_space<hbm>>, %arg3: memref<10000x128xf32, #tpu.memory_space<hbm>>, %arg4: memref<320000x128xf32, #tpu.memory_space<hbm>>, %arg5: memref<32x250x2x40xi32, #tpu.memory_space<hbm>>, %arg6: memref<10000x128xf32, #tpu.memory_space<hbm>>, %arg7: memref<320000x128xf32, #tpu.memory_space<hbm>>, %arg8: memref<2x40xi32, #tpu.memory_space<vmem>>, %arg9: memref<2x40xi32, #tpu.memory_space<vmem>>, %arg10: memref<40x128xf32, #tpu.memory_space<vmem>>, %arg11: memref<40x128xf32, #tpu.memory_space<vmem>>, %arg12: memref<40x128xf32, #tpu.memory_space<vmem>>, %arg13: memref<40x128xf32, #tpu.memory_space<vmem>>, %arg14: memref<40x128xf32, #tpu.memory_space<vmem>>, %arg15: memref<40x128xf32, #tpu.memory_space<vmem>>, %arg16: memref<!tpu.dma_semaphore, #tpu.memory_space<semaphore_mem>>, %arg17: memref<!tpu.dma_semaphore, #tpu.memory_space<semaphore_mem>>, %arg18: memref<!tpu.dma_semaphore, #tpu.memory_space<semaphore_mem>>, %arg19: memref<!tpu.dma_semaphore, #tpu.memory_space<semaphore_mem>>, %arg20: memref<!tpu.dma_semaphore, #tpu.memory_space<semaphore_mem>>, %arg21: memref<!tpu.dma_semaphore, #tpu.memory_space<semaphore_mem>>, %arg22: memref<!tpu.dma_semaphore, #tpu.memory_space<semaphore_mem>>, %arg23: memref<!tpu.dma_semaphore, #tpu.memory_space<semaphore_mem>>) attributes {dimension_semantics = [#tpu.dimension_semantics<core_parallel>, #tpu.dimension_semantics<subcore_parallel>], iteration_bounds = array<i64: 2, 16>, scalar_prefetch = 0 : i64, scratch_operands = 16 : i64, tpu.core_type = #tpu.core_type<sc_vector_subcore>, window_params = [{transform_indices = #map}, {transform_indices = #map}, {transform_indices = #map}, {transform_indices = #map1}, {transform_indices = #map}, {transform_indices = #map}]} {
    %mul3A = arith.constant 2 : i32
    %mul3A_0 = arith.muli %arg1, %mul3A : i32
    %add3A = arith.addi %mul3A_0, %arg0 : i32
    %mul3A_1 = arith.constant 10000 : i32
    %mul3A_2 = arith.muli %add3A, %mul3A_1 : i32
    %add3A_3 = arith.constant 0 : i32
    %add3A_4 = arith.addi %mul3A_2, %add3A_3 : i32
    %run_scoped3A = arith.constant 0 : i32
    "tpu.region"() ({
      %run_scoped3A_38 = tpu.sem_alloc : memref<!tpu.dma_semaphore, #tpu.memory_space<semaphore_mem>>
      %dma_start3A_39 = arith.constant 0 : i32
      %dma_start3A_40 = arith.constant 0 : i32
      %dma_start3A_41 = tpu.memref_slice %arg5[%add3A, %run_scoped3A, %dma_start3A_39, %dma_start3A_40] : memref<32x250x2x40xi32, #tpu.memory_space<hbm>> -> memref<1x1x2x40xi32, #tpu.memory_space<hbm>>
      %dma_start3A_42 = tpu.memref_squeeze %dma_start3A_41 : memref<1x1x2x40xi32, #tpu.memory_space<hbm>> -> memref<2x40xi32, #tpu.memory_space<hbm>>
      %dma_start3A_43 = arith.constant 0 : i32
      %dma_start3A_44 = arith.constant 0 : i32
      %dma_start3A_45 = tpu.memref_slice %arg5[%add3A, %run_scoped3A, %dma_start3A_43, %dma_start3A_44] : memref<32x250x2x40xi32, #tpu.memory_space<hbm>> -> memref<1x1x2x40xi32, #tpu.memory_space<hbm>>
      %dma_start3A_46 = tpu.memref_squeeze %dma_start3A_45 : memref<1x1x2x40xi32, #tpu.memory_space<hbm>> -> memref<2x40xi32, #tpu.memory_space<hbm>>
      tpu.enqueue_dma source(%dma_start3A_46 : memref<2x40xi32, #tpu.memory_space<hbm>>) target(%arg8 : memref<2x40xi32, #tpu.memory_space<vmem>>) target_semaphore(%run_scoped3A_38 : memref<!tpu.dma_semaphore, #tpu.memory_space<semaphore_mem>>)
      %dma_wait3A_47 = arith.constant 0 : i32
      %dma_wait3A_48 = arith.constant 0 : i32
      %dma_wait3A_49 = tpu.memref_slice %arg5[%add3A, %run_scoped3A, %dma_wait3A_47, %dma_wait3A_48] : memref<32x250x2x40xi32, #tpu.memory_space<hbm>> -> memref<1x1x2x40xi32, #tpu.memory_space<hbm>>
      %dma_wait3A_50 = tpu.memref_squeeze %dma_wait3A_49 : memref<1x1x2x40xi32, #tpu.memory_space<hbm>> -> memref<2x40xi32, #tpu.memory_space<hbm>>
      %dma_wait3A_51 = arith.constant 0 : i32
      %dma_wait3A_52 = arith.constant 0 : i32
      %dma_wait3A_53 = tpu.memref_slice %arg5[%add3A, %run_scoped3A, %dma_wait3A_51, %dma_wait3A_52] : memref<32x250x2x40xi32, #tpu.memory_space<hbm>> -> memref<1x1x2x40xi32, #tpu.memory_space<hbm>>
      %dma_wait3A_54 = tpu.memref_squeeze %dma_wait3A_53 : memref<1x1x2x40xi32, #tpu.memory_space<hbm>> -> memref<2x40xi32, #tpu.memory_space<hbm>>
      tpu.wait_dma2 semaphore(%run_scoped3A_38 : memref<!tpu.dma_semaphore, #tpu.memory_space<semaphore_mem>>) src(%dma_wait3A_54 : memref<2x40xi32, #tpu.memory_space<hbm>>) dst(%arg8 : memref<2x40xi32, #tpu.memory_space<vmem>>)
      tpu.yield
    }) : () -> ()
    %dma_start3A = arith.constant 0 : i32
    %dma_start3A_5 = arith.constant 0 : i32
    %dma_start3A_6 = tpu.memref_slice %arg8[%dma_start3A, %dma_start3A_5] : memref<2x40xi32, #tpu.memory_space<vmem>> -> memref<1x40xi32, #tpu.memory_space<vmem>>
    %dma_start3A_7 = tpu.memref_squeeze %dma_start3A_6 : memref<1x40xi32, #tpu.memory_space<vmem>> -> memref<40xi32, #tpu.memory_space<vmem>>
    %dma_start3A_8 = arith.constant 0 : i32
    %dma_start3A_9 = arith.constant 0 : i32
    %dma_start3A_10 = tpu.memref_slice %arg2[%dma_start3A_8, %dma_start3A_9] : memref<10000x128xf32, #tpu.memory_space<hbm>> -> memref<10000x128xf32, #tpu.memory_space<hbm>>
    tpu.enqueue_indirect_dma source(%dma_start3A_10 : memref<10000x128xf32, #tpu.memory_space<hbm>>) target(%arg10 : memref<40x128xf32, #tpu.memory_space<vmem>>) offsets(%dma_start3A_7 : memref<40xi32, #tpu.memory_space<vmem>>) semaphore(%arg16 : memref<!tpu.dma_semaphore, #tpu.memory_space<semaphore_mem>>)
    %dma_start3A_11 = arith.constant 1 : i32
    %dma_start3A_12 = arith.constant 0 : i32
    %dma_start3A_13 = tpu.memref_slice %arg8[%dma_start3A_11, %dma_start3A_12] : memref<2x40xi32, #tpu.memory_space<vmem>> -> memref<1x40xi32, #tpu.memory_space<vmem>>
    %dma_start3A_14 = tpu.memref_squeeze %dma_start3A_13 : memref<1x40xi32, #tpu.memory_space<vmem>> -> memref<40xi32, #tpu.memory_space<vmem>>
    %dma_start3A_15 = arith.constant 0 : i32
    %dma_start3A_16 = arith.constant 0 : i32
    %dma_start3A_17 = tpu.memref_slice %arg3[%dma_start3A_15, %dma_start3A_16] : memref<10000x128xf32, #tpu.memory_space<hbm>> -> memref<10000x128xf32, #tpu.memory_space<hbm>>
    tpu.enqueue_indirect_dma source(%dma_start3A_17 : memref<10000x128xf32, #tpu.memory_space<hbm>>) target(%arg11 : memref<40x128xf32, #tpu.memory_space<vmem>>) offsets(%dma_start3A_14 : memref<40xi32, #tpu.memory_space<vmem>>) semaphore(%arg17 : memref<!tpu.dma_semaphore, #tpu.memory_space<semaphore_mem>>)
    %dma_start3A_18 = arith.constant 0 : i32
    %dma_start3A_19 = tpu.memref_slice %arg4[%add3A_4, %dma_start3A_18] : memref<320000x128xf32, #tpu.memory_space<hbm>> -> memref<40x128xf32, #tpu.memory_space<hbm>>
    %dma_start3A_20 = arith.constant 0 : i32
    %dma_start3A_21 = tpu.memref_slice %arg4[%add3A_4, %dma_start3A_20] : memref<320000x128xf32, #tpu.memory_space<hbm>> -> memref<40x128xf32, #tpu.memory_space<hbm>>
    tpu.enqueue_dma source(%dma_start3A_21 : memref<40x128xf32, #tpu.memory_space<hbm>>) target(%arg12 : memref<40x128xf32, #tpu.memory_space<vmem>>) target_semaphore(%arg18 : memref<!tpu.dma_semaphore, #tpu.memory_space<semaphore_mem>>)
    %scan3A = arith.constant 0 : i32
    %scan3A_22 = arith.constant 0 : i32
    %scan3A_23 = arith.constant 125 : i32
    %scan3A_24 = arith.addi %scan3A_22, %scan3A_23 : i32
    %scan3A_25 = arith.constant 1 : i32
    scf.for %scan3A_38 = %scan3A_22 to %scan3A_24 step %scan3A_25  : i32 {
      %mul3A_39 = arith.constant 2 : i32
      %mul3A_40 = arith.muli %mul3A_39, %scan3A_38 : i32
      %add3A_41 = arith.constant 1 : i32
      %add3A_42 = arith.addi %mul3A_40, %add3A_41 : i32
      %gt3A = arith.constant 0 : i32
      %gt3A_43 = arith.cmpi sgt, %scan3A_38, %gt3A : i32
      %mul3A_44 = arith.constant 40 : i32
      %mul3A_45 = arith.muli %add3A_42, %mul3A_44 : i32
      %add3A_46 = arith.addi %mul3A_2, %mul3A_45 : i32
      %convert_element_type3A = arith.extui %gt3A_43 : i1 to i32
      %cond3A = arith.constant 0 : i32
      %cond3A_47 = arith.cmpi ne, %convert_element_type3A, %cond3A : i32
      scf.if %cond3A_47 {
        %sub3A = arith.constant 2 : i32
        %sub3A_134 = arith.subi %add3A_42, %sub3A : i32
        %mul3A_135 = arith.constant 40 : i32
        %mul3A_136 = arith.muli %sub3A_134, %mul3A_135 : i32
        %add3A_137 = arith.addi %mul3A_2, %mul3A_136 : i32
        %dma_wait3A_138 = arith.constant 0 : i32
        %dma_wait3A_139 = tpu.memref_slice %arg7[%add3A_137, %dma_wait3A_138] : memref<320000x128xf32, #tpu.memory_space<hbm>> -> memref<40x128xf32, #tpu.memory_space<hbm>>
        %dma_wait3A_140 = arith.constant 0 : i32
        %dma_wait3A_141 = tpu.memref_slice %arg7[%add3A_137, %dma_wait3A_140] : memref<320000x128xf32, #tpu.memory_space<hbm>> -> memref<40x128xf32, #tpu.memory_space<hbm>>
        tpu.wait_dma2 semaphore(%arg23 : memref<!tpu.dma_semaphore, #tpu.memory_space<semaphore_mem>>) src(%arg13 : memref<40x128xf32, #tpu.memory_space<vmem>>) dst(%dma_wait3A_141 : memref<40x128xf32, #tpu.memory_space<hbm>>)
      } else {
      }
      "tpu.region"() ({
        %run_scoped3A_134 = tpu.sem_alloc : memref<!tpu.dma_semaphore, #tpu.memory_space<semaphore_mem>>
        %dma_start3A_135 = arith.constant 0 : i32
        %dma_start3A_136 = arith.constant 0 : i32
        %dma_start3A_137 = tpu.memref_slice %arg5[%add3A, %add3A_42, %dma_start3A_135, %dma_start3A_136] : memref<32x250x2x40xi32, #tpu.memory_space<hbm>> -> memref<1x1x2x40xi32, #tpu.memory_space<hbm>>
        %dma_start3A_138 = tpu.memref_squeeze %dma_start3A_137 : memref<1x1x2x40xi32, #tpu.memory_space<hbm>> -> memref<2x40xi32, #tpu.memory_space<hbm>>
        %dma_start3A_139 = arith.constant 0 : i32
        %dma_start3A_140 = arith.constant 0 : i32
        %dma_start3A_141 = tpu.memref_slice %arg5[%add3A, %add3A_42, %dma_start3A_139, %dma_start3A_140] : memref<32x250x2x40xi32, #tpu.memory_space<hbm>> -> memref<1x1x2x40xi32, #tpu.memory_space<hbm>>
        %dma_start3A_142 = tpu.memref_squeeze %dma_start3A_141 : memref<1x1x2x40xi32, #tpu.memory_space<hbm>> -> memref<2x40xi32, #tpu.memory_space<hbm>>
        tpu.enqueue_dma source(%dma_start3A_142 : memref<2x40xi32, #tpu.memory_space<hbm>>) target(%arg9 : memref<2x40xi32, #tpu.memory_space<vmem>>) target_semaphore(%run_scoped3A_134 : memref<!tpu.dma_semaphore, #tpu.memory_space<semaphore_mem>>)
        %dma_wait3A_143 = arith.constant 0 : i32
        %dma_wait3A_144 = arith.constant 0 : i32
        %dma_wait3A_145 = tpu.memref_slice %arg5[%add3A, %add3A_42, %dma_wait3A_143, %dma_wait3A_144] : memref<32x250x2x40xi32, #tpu.memory_space<hbm>> -> memref<1x1x2x40xi32, #tpu.memory_space<hbm>>
        %dma_wait3A_146 = tpu.memref_squeeze %dma_wait3A_145 : memref<1x1x2x40xi32, #tpu.memory_space<hbm>> -> memref<2x40xi32, #tpu.memory_space<hbm>>
        %dma_wait3A_147 = arith.constant 0 : i32
        %dma_wait3A_148 = arith.constant 0 : i32
        %dma_wait3A_149 = tpu.memref_slice %arg5[%add3A, %add3A_42, %dma_wait3A_147, %dma_wait3A_148] : memref<32x250x2x40xi32, #tpu.memory_space<hbm>> -> memref<1x1x2x40xi32, #tpu.memory_space<hbm>>
        %dma_wait3A_150 = tpu.memref_squeeze %dma_wait3A_149 : memref<1x1x2x40xi32, #tpu.memory_space<hbm>> -> memref<2x40xi32, #tpu.memory_space<hbm>>
        tpu.wait_dma2 semaphore(%run_scoped3A_134 : memref<!tpu.dma_semaphore, #tpu.memory_space<semaphore_mem>>) src(%dma_wait3A_150 : memref<2x40xi32, #tpu.memory_space<hbm>>) dst(%arg9 : memref<2x40xi32, #tpu.memory_space<vmem>>)
        tpu.yield
      }) : () -> ()
      %dma_start3A_48 = arith.constant 0 : i32
      %dma_start3A_49 = arith.constant 0 : i32
      %dma_start3A_50 = tpu.memref_slice %arg9[%dma_start3A_48, %dma_start3A_49] : memref<2x40xi32, #tpu.memory_space<vmem>> -> memref<1x40xi32, #tpu.memory_space<vmem>>
      %dma_start3A_51 = tpu.memref_squeeze %dma_start3A_50 : memref<1x40xi32, #tpu.memory_space<vmem>> -> memref<40xi32, #tpu.memory_space<vmem>>
      %dma_start3A_52 = arith.constant 0 : i32
      %dma_start3A_53 = arith.constant 0 : i32
      %dma_start3A_54 = tpu.memref_slice %arg2[%dma_start3A_52, %dma_start3A_53] : memref<10000x128xf32, #tpu.memory_space<hbm>> -> memref<10000x128xf32, #tpu.memory_space<hbm>>
      tpu.enqueue_indirect_dma source(%dma_start3A_54 : memref<10000x128xf32, #tpu.memory_space<hbm>>) target(%arg13 : memref<40x128xf32, #tpu.memory_space<vmem>>) offsets(%dma_start3A_51 : memref<40xi32, #tpu.memory_space<vmem>>) semaphore(%arg19 : memref<!tpu.dma_semaphore, #tpu.memory_space<semaphore_mem>>)
      %dma_start3A_55 = arith.constant 1 : i32
      %dma_start3A_56 = arith.constant 0 : i32
      %dma_start3A_57 = tpu.memref_slice %arg9[%dma_start3A_55, %dma_start3A_56] : memref<2x40xi32, #tpu.memory_space<vmem>> -> memref<1x40xi32, #tpu.memory_space<vmem>>
      %dma_start3A_58 = tpu.memref_squeeze %dma_start3A_57 : memref<1x40xi32, #tpu.memory_space<vmem>> -> memref<40xi32, #tpu.memory_space<vmem>>
      %dma_start3A_59 = arith.constant 0 : i32
      %dma_start3A_60 = arith.constant 0 : i32
      %dma_start3A_61 = tpu.memref_slice %arg3[%dma_start3A_59, %dma_start3A_60] : memref<10000x128xf32, #tpu.memory_space<hbm>> -> memref<10000x128xf32, #tpu.memory_space<hbm>>
      tpu.enqueue_indirect_dma source(%dma_start3A_61 : memref<10000x128xf32, #tpu.memory_space<hbm>>) target(%arg14 : memref<40x128xf32, #tpu.memory_space<vmem>>) offsets(%dma_start3A_58 : memref<40xi32, #tpu.memory_space<vmem>>) semaphore(%arg20 : memref<!tpu.dma_semaphore, #tpu.memory_space<semaphore_mem>>)
      %dma_start3A_62 = arith.constant 0 : i32
      %dma_start3A_63 = tpu.memref_slice %arg4[%add3A_46, %dma_start3A_62] : memref<320000x128xf32, #tpu.memory_space<hbm>> -> memref<40x128xf32, #tpu.memory_space<hbm>>
      %dma_start3A_64 = arith.constant 0 : i32
      %dma_start3A_65 = tpu.memref_slice %arg4[%add3A_46, %dma_start3A_64] : memref<320000x128xf32, #tpu.memory_space<hbm>> -> memref<40x128xf32, #tpu.memory_space<hbm>>
      tpu.enqueue_dma source(%dma_start3A_65 : memref<40x128xf32, #tpu.memory_space<hbm>>) target(%arg15 : memref<40x128xf32, #tpu.memory_space<vmem>>) target_semaphore(%arg21 : memref<!tpu.dma_semaphore, #tpu.memory_space<semaphore_mem>>)
      %mul3A_66 = arith.constant 40 : i32
      %mul3A_67 = arith.muli %mul3A_40, %mul3A_66 : i32
      %add3A_68 = arith.addi %mul3A_2, %mul3A_67 : i32
      %dma_wait3A_69 = arith.constant 0 : i32
      %dma_wait3A_70 = arith.constant 0 : i32
      %dma_wait3A_71 = tpu.memref_slice %arg8[%dma_wait3A_69, %dma_wait3A_70] : memref<2x40xi32, #tpu.memory_space<vmem>> -> memref<1x40xi32, #tpu.memory_space<vmem>>
      %dma_wait3A_72 = tpu.memref_squeeze %dma_wait3A_71 : memref<1x40xi32, #tpu.memory_space<vmem>> -> memref<40xi32, #tpu.memory_space<vmem>>
      %dma_wait3A_73 = arith.constant 0 : i32
      %dma_wait3A_74 = arith.constant 0 : i32
      %dma_wait3A_75 = tpu.memref_slice %arg2[%dma_wait3A_73, %dma_wait3A_74] : memref<10000x128xf32, #tpu.memory_space<hbm>> -> memref<10000x128xf32, #tpu.memory_space<hbm>>
      tpu.wait_indirect_dma semaphore(%arg16 : memref<!tpu.dma_semaphore, #tpu.memory_space<semaphore_mem>>) src(%dma_wait3A_75 : memref<10000x128xf32, #tpu.memory_space<hbm>>) dst(%arg10 : memref<40x128xf32, #tpu.memory_space<vmem>>)
      %dma_wait3A_76 = arith.constant 1 : i32
      %dma_wait3A_77 = arith.constant 0 : i32
      %dma_wait3A_78 = tpu.memref_slice %arg8[%dma_wait3A_76, %dma_wait3A_77] : memref<2x40xi32, #tpu.memory_space<vmem>> -> memref<1x40xi32, #tpu.memory_space<vmem>>
      %dma_wait3A_79 = tpu.memref_squeeze %dma_wait3A_78 : memref<1x40xi32, #tpu.memory_space<vmem>> -> memref<40xi32, #tpu.memory_space<vmem>>
      %dma_wait3A_80 = arith.constant 0 : i32
      %dma_wait3A_81 = arith.constant 0 : i32
      %dma_wait3A_82 = tpu.memref_slice %arg3[%dma_wait3A_80, %dma_wait3A_81] : memref<10000x128xf32, #tpu.memory_space<hbm>> -> memref<10000x128xf32, #tpu.memory_space<hbm>>
      tpu.wait_indirect_dma semaphore(%arg17 : memref<!tpu.dma_semaphore, #tpu.memory_space<semaphore_mem>>) src(%dma_wait3A_82 : memref<10000x128xf32, #tpu.memory_space<hbm>>) dst(%arg11 : memref<40x128xf32, #tpu.memory_space<vmem>>)
      %dma_wait3A_83 = arith.constant 0 : i32
      %dma_wait3A_84 = tpu.memref_slice %arg4[%add3A_68, %dma_wait3A_83] : memref<320000x128xf32, #tpu.memory_space<hbm>> -> memref<40x128xf32, #tpu.memory_space<hbm>>
      %dma_wait3A_85 = arith.constant 0 : i32
      %dma_wait3A_86 = tpu.memref_slice %arg4[%add3A_68, %dma_wait3A_85] : memref<320000x128xf32, #tpu.memory_space<hbm>> -> memref<40x128xf32, #tpu.memory_space<hbm>>
      tpu.wait_dma2 semaphore(%arg18 : memref<!tpu.dma_semaphore, #tpu.memory_space<semaphore_mem>>) src(%dma_wait3A_86 : memref<40x128xf32, #tpu.memory_space<hbm>>) dst(%arg12 : memref<40x128xf32, #tpu.memory_space<vmem>>)
      %scan3A_87 = arith.constant 0 : i32
      %scan3A_88 = arith.constant 0 : i32
      %scan3A_89 = arith.constant 40 : i32
      %scan3A_90 = arith.addi %scan3A_88, %scan3A_89 : i32
      %scan3A_91 = arith.constant 1 : i32
      scf.for %scan3A_134 = %scan3A_88 to %scan3A_90 step %scan3A_91  : i32 {
        %get3A = arith.index_cast %scan3A_134 : i32 to index
        %get3A_135 = arith.constant 0 : index
        %get3A_136 = tpu.vector_load %arg10[%get3A, %get3A_135] {strides = array<i32>} : memref<40x128xf32, #tpu.memory_space<vmem>>, vector<1x16xf32>,
        %get3A_137 = vector.shape_cast %get3A_136 : vector<1x16xf32> to vector<16xf32>
        %get3A_138 = arith.index_cast %scan3A_134 : i32 to index
        %get3A_139 = arith.constant 0 : index
        %get3A_140 = tpu.vector_load %arg11[%get3A_138, %get3A_139] {strides = array<i32>} : memref<40x128xf32, #tpu.memory_space<vmem>>, vector<1x16xf32>,
        %get3A_141 = vector.shape_cast %get3A_140 : vector<1x16xf32> to vector<16xf32>
        %add3A_142 = arith.addf %get3A_137, %get3A_141 : vector<16xf32>
        %get3A_143 = arith.index_cast %scan3A_134 : i32 to index
        %get3A_144 = arith.constant 0 : index
        %get3A_145 = tpu.vector_load %arg12[%get3A_143, %get3A_144] {strides = array<i32>} : memref<40x128xf32, #tpu.memory_space<vmem>>, vector<1x16xf32>,
        %get3A_146 = vector.shape_cast %get3A_145 : vector<1x16xf32> to vector<16xf32>
        %add3A_147 = arith.addf %add3A_142, %get3A_146 : vector<16xf32>
        %max3A = arith.constant 0.000000e+00 : f32
        %max3A_148 = vector.broadcast %max3A : f32 to vector<16xf32>
        %max3A_149 = arith.maximumf %add3A_147, %max3A_148 : vector<16xf32>
        %swap3A = arith.index_cast %scan3A_134 : i32 to index
        %swap3A_150 = arith.constant 0 : index
        %swap3A_151 = tpu.vector_load %arg10[%swap3A, %swap3A_150] {strides = array<i32>} : memref<40x128xf32, #tpu.memory_space<vmem>>, vector<1x16xf32>,
        %swap3A_152 = vector.shape_cast %swap3A_151 : vector<1x16xf32> to vector<16xf32>
        %swap3A_153 = vector.shape_cast %max3A_149 : vector<16xf32> to vector<1x16xf32>
        tpu.vector_store %arg10[%swap3A, %swap3A_150], %swap3A_153 {strides = array<i32>} : memref<40x128xf32, #tpu.memory_space<vmem>>, vector<1x16xf32>,
        %get3A_154 = arith.index_cast %scan3A_134 : i32 to index
        %get3A_155 = arith.constant 16 : index
        %get3A_156 = tpu.vector_load %arg10[%get3A_154, %get3A_155] {strides = array<i32>} : memref<40x128xf32, #tpu.memory_space<vmem>>, vector<1x16xf32>,
        %get3A_157 = vector.shape_cast %get3A_156 : vector<1x16xf32> to vector<16xf32>
        %get3A_158 = arith.index_cast %scan3A_134 : i32 to index
        %get3A_159 = arith.constant 16 : index
        %get3A_160 = tpu.vector_load %arg11[%get3A_158, %get3A_159] {strides = array<i32>} : memref<40x128xf32, #tpu.memory_space<vmem>>, vector<1x16xf32>,
        %get3A_161 = vector.shape_cast %get3A_160 : vector<1x16xf32> to vector<16xf32>
        %add3A_162 = arith.addf %get3A_157, %get3A_161 : vector<16xf32>
        %get3A_163 = arith.index_cast %scan3A_134 : i32 to index
        %get3A_164 = arith.constant 16 : index
        %get3A_165 = tpu.vector_load %arg12[%get3A_163, %get3A_164] {strides = array<i32>} : memref<40x128xf32, #tpu.memory_space<vmem>>, vector<1x16xf32>,
        %get3A_166 = vector.shape_cast %get3A_165 : vector<1x16xf32> to vector<16xf32>
        %add3A_167 = arith.addf %add3A_162, %get3A_166 : vector<16xf32>
        %max3A_168 = arith.constant 0.000000e+00 : f32
        %max3A_169 = vector.broadcast %max3A_168 : f32 to vector<16xf32>
        %max3A_170 = arith.maximumf %add3A_167, %max3A_169 : vector<16xf32>
        %swap3A_171 = arith.index_cast %scan3A_134 : i32 to index
        %swap3A_172 = arith.constant 16 : index
        %swap3A_173 = tpu.vector_load %arg10[%swap3A_171, %swap3A_172] {strides = array<i32>} : memref<40x128xf32, #tpu.memory_space<vmem>>, vector<1x16xf32>,
        %swap3A_174 = vector.shape_cast %swap3A_173 : vector<1x16xf32> to vector<16xf32>
        %swap3A_175 = vector.shape_cast %max3A_170 : vector<16xf32> to vector<1x16xf32>
        tpu.vector_store %arg10[%swap3A_171, %swap3A_172], %swap3A_175 {strides = array<i32>} : memref<40x128xf32, #tpu.memory_space<vmem>>, vector<1x16xf32>,
        %get3A_176 = arith.index_cast %scan3A_134 : i32 to index
        %get3A_177 = arith.constant 32 : index
        %get3A_178 = tpu.vector_load %arg10[%get3A_176, %get3A_177] {strides = array<i32>} : memref<40x128xf32, #tpu.memory_space<vmem>>, vector<1x16xf32>,
        %get3A_179 = vector.shape_cast %get3A_178 : vector<1x16xf32> to vector<16xf32>
        %get3A_180 = arith.index_cast %scan3A_134 : i32 to index
        %get3A_181 = arith.constant 32 : index
        %get3A_182 = tpu.vector_load %arg11[%get3A_180, %get3A_181] {strides = array<i32>} : memref<40x128xf32, #tpu.memory_space<vmem>>, vector<1x16xf32>,
        %get3A_183 = vector.shape_cast %get3A_182 : vector<1x16xf32> to vector<16xf32>
        %add3A_184 = arith.addf %get3A_179, %get3A_183 : vector<16xf32>
        %get3A_185 = arith.index_cast %scan3A_134 : i32 to index
        %get3A_186 = arith.constant 32 : index
        %get3A_187 = tpu.vector_load %arg12[%get3A_185, %get3A_186] {strides = array<i32>} : memref<40x128xf32, #tpu.memory_space<vmem>>, vector<1x16xf32>,
        %get3A_188 = vector.shape_cast %get3A_187 : vector<1x16xf32> to vector<16xf32>
        %add3A_189 = arith.addf %add3A_184, %get3A_188 : vector<16xf32>
        %max3A_190 = arith.constant 0.000000e+00 : f32
        %max3A_191 = vector.broadcast %max3A_190 : f32 to vector<16xf32>
        %max3A_192 = arith.maximumf %add3A_189, %max3A_191 : vector<16xf32>
        %swap3A_193 = arith.index_cast %scan3A_134 : i32 to index
        %swap3A_194 = arith.constant 32 : index
        %swap3A_195 = tpu.vector_load %arg10[%swap3A_193, %swap3A_194] {strides = array<i32>} : memref<40x128xf32, #tpu.memory_space<vmem>>, vector<1x16xf32>,
        %swap3A_196 = vector.shape_cast %swap3A_195 : vector<1x16xf32> to vector<16xf32>
        %swap3A_197 = vector.shape_cast %max3A_192 : vector<16xf32> to vector<1x16xf32>
        tpu.vector_store %arg10[%swap3A_193, %swap3A_194], %swap3A_197 {strides = array<i32>} : memref<40x128xf32, #tpu.memory_space<vmem>>, vector<1x16xf32>,
        %get3A_198 = arith.index_cast %scan3A_134 : i32 to index
        %get3A_199 = arith.constant 48 : index
        %get3A_200 = tpu.vector_load %arg10[%get3A_198, %get3A_199] {strides = array<i32>} : memref<40x128xf32, #tpu.memory_space<vmem>>, vector<1x16xf32>,
        %get3A_201 = vector.shape_cast %get3A_200 : vector<1x16xf32> to vector<16xf32>
        %get3A_202 = arith.index_cast %scan3A_134 : i32 to index
        %get3A_203 = arith.constant 48 : index
        %get3A_204 = tpu.vector_load %arg11[%get3A_202, %get3A_203] {strides = array<i32>} : memref<40x128xf32, #tpu.memory_space<vmem>>, vector<1x16xf32>,
        %get3A_205 = vector.shape_cast %get3A_204 : vector<1x16xf32> to vector<16xf32>
        %add3A_206 = arith.addf %get3A_201, %get3A_205 : vector<16xf32>
        %get3A_207 = arith.index_cast %scan3A_134 : i32 to index
        %get3A_208 = arith.constant 48 : index
        %get3A_209 = tpu.vector_load %arg12[%get3A_207, %get3A_208] {strides = array<i32>} : memref<40x128xf32, #tpu.memory_space<vmem>>, vector<1x16xf32>,
        %get3A_210 = vector.shape_cast %get3A_209 : vector<1x16xf32> to vector<16xf32>
        %add3A_211 = arith.addf %add3A_206, %get3A_210 : vector<16xf32>
        %max3A_212 = arith.constant 0.000000e+00 : f32
        %max3A_213 = vector.broadcast %max3A_212 : f32 to vector<16xf32>
        %max3A_214 = arith.maximumf %add3A_211, %max3A_213 : vector<16xf32>
        %swap3A_215 = arith.index_cast %scan3A_134 : i32 to index
        %swap3A_216 = arith.constant 48 : index
        %swap3A_217 = tpu.vector_load %arg10[%swap3A_215, %swap3A_216] {strides = array<i32>} : memref<40x128xf32, #tpu.memory_space<vmem>>, vector<1x16xf32>,
        %swap3A_218 = vector.shape_cast %swap3A_217 : vector<1x16xf32> to vector<16xf32>
        %swap3A_219 = vector.shape_cast %max3A_214 : vector<16xf32> to vector<1x16xf32>
        tpu.vector_store %arg10[%swap3A_215, %swap3A_216], %swap3A_219 {strides = array<i32>} : memref<40x128xf32, #tpu.memory_space<vmem>>, vector<1x16xf32>,
        %get3A_220 = arith.index_cast %scan3A_134 : i32 to index
        %get3A_221 = arith.constant 64 : index
        %get3A_222 = tpu.vector_load %arg10[%get3A_220, %get3A_221] {strides = array<i32>} : memref<40x128xf32, #tpu.memory_space<vmem>>, vector<1x16xf32>,
        %get3A_223 = vector.shape_cast %get3A_222 : vector<1x16xf32> to vector<16xf32>
        %get3A_224 = arith.index_cast %scan3A_134 : i32 to index
        %get3A_225 = arith.constant 64 : index
        %get3A_226 = tpu.vector_load %arg11[%get3A_224, %get3A_225] {strides = array<i32>} : memref<40x128xf32, #tpu.memory_space<vmem>>, vector<1x16xf32>,
        %get3A_227 = vector.shape_cast %get3A_226 : vector<1x16xf32> to vector<16xf32>
        %add3A_228 = arith.addf %get3A_223, %get3A_227 : vector<16xf32>
        %get3A_229 = arith.index_cast %scan3A_134 : i32 to index
        %get3A_230 = arith.constant 64 : index
        %get3A_231 = tpu.vector_load %arg12[%get3A_229, %get3A_230] {strides = array<i32>} : memref<40x128xf32, #tpu.memory_space<vmem>>, vector<1x16xf32>,
        %get3A_232 = vector.shape_cast %get3A_231 : vector<1x16xf32> to vector<16xf32>
        %add3A_233 = arith.addf %add3A_228, %get3A_232 : vector<16xf32>
        %max3A_234 = arith.constant 0.000000e+00 : f32
        %max3A_235 = vector.broadcast %max3A_234 : f32 to vector<16xf32>
        %max3A_236 = arith.maximumf %add3A_233, %max3A_235 : vector<16xf32>
        %swap3A_237 = arith.index_cast %scan3A_134 : i32 to index
        %swap3A_238 = arith.constant 64 : index
        %swap3A_239 = tpu.vector_load %arg10[%swap3A_237, %swap3A_238] {strides = array<i32>} : memref<40x128xf32, #tpu.memory_space<vmem>>, vector<1x16xf32>,
        %swap3A_240 = vector.shape_cast %swap3A_239 : vector<1x16xf32> to vector<16xf32>
        %swap3A_241 = vector.shape_cast %max3A_236 : vector<16xf32> to vector<1x16xf32>
        tpu.vector_store %arg10[%swap3A_237, %swap3A_238], %swap3A_241 {strides = array<i32>} : memref<40x128xf32, #tpu.memory_space<vmem>>, vector<1x16xf32>,
        %get3A_242 = arith.index_cast %scan3A_134 : i32 to index
        %get3A_243 = arith.constant 80 : index
        %get3A_244 = tpu.vector_load %arg10[%get3A_242, %get3A_243] {strides = array<i32>} : memref<40x128xf32, #tpu.memory_space<vmem>>, vector<1x16xf32>,
        %get3A_245 = vector.shape_cast %get3A_244 : vector<1x16xf32> to vector<16xf32>
        %get3A_246 = arith.index_cast %scan3A_134 : i32 to index
        %get3A_247 = arith.constant 80 : index
        %get3A_248 = tpu.vector_load %arg11[%get3A_246, %get3A_247] {strides = array<i32>} : memref<40x128xf32, #tpu.memory_space<vmem>>, vector<1x16xf32>,
        %get3A_249 = vector.shape_cast %get3A_248 : vector<1x16xf32> to vector<16xf32>
        %add3A_250 = arith.addf %get3A_245, %get3A_249 : vector<16xf32>
        %get3A_251 = arith.index_cast %scan3A_134 : i32 to index
        %get3A_252 = arith.constant 80 : index
        %get3A_253 = tpu.vector_load %arg12[%get3A_251, %get3A_252] {strides = array<i32>} : memref<40x128xf32, #tpu.memory_space<vmem>>, vector<1x16xf32>,
        %get3A_254 = vector.shape_cast %get3A_253 : vector<1x16xf32> to vector<16xf32>
        %add3A_255 = arith.addf %add3A_250, %get3A_254 : vector<16xf32>
        %max3A_256 = arith.constant 0.000000e+00 : f32
        %max3A_257 = vector.broadcast %max3A_256 : f32 to vector<16xf32>
        %max3A_258 = arith.maximumf %add3A_255, %max3A_257 : vector<16xf32>
        %swap3A_259 = arith.index_cast %scan3A_134 : i32 to index
        %swap3A_260 = arith.constant 80 : index
        %swap3A_261 = tpu.vector_load %arg10[%swap3A_259, %swap3A_260] {strides = array<i32>} : memref<40x128xf32, #tpu.memory_space<vmem>>, vector<1x16xf32>,
        %swap3A_262 = vector.shape_cast %swap3A_261 : vector<1x16xf32> to vector<16xf32>
        %swap3A_263 = vector.shape_cast %max3A_258 : vector<16xf32> to vector<1x16xf32>
        tpu.vector_store %arg10[%swap3A_259, %swap3A_260], %swap3A_263 {strides = array<i32>} : memref<40x128xf32, #tpu.memory_space<vmem>>, vector<1x16xf32>,
        %get3A_264 = arith.index_cast %scan3A_134 : i32 to index
        %get3A_265 = arith.constant 96 : index
        %get3A_266 = tpu.vector_load %arg10[%get3A_264, %get3A_265] {strides = array<i32>} : memref<40x128xf32, #tpu.memory_space<vmem>>, vector<1x16xf32>,
        %get3A_267 = vector.shape_cast %get3A_266 : vector<1x16xf32> to vector<16xf32>
        %get3A_268 = arith.index_cast %scan3A_134 : i32 to index
        %get3A_269 = arith.constant 96 : index
        %get3A_270 = tpu.vector_load %arg11[%get3A_268, %get3A_269] {strides = array<i32>} : memref<40x128xf32, #tpu.memory_space<vmem>>, vector<1x16xf32>,
        %get3A_271 = vector.shape_cast %get3A_270 : vector<1x16xf32> to vector<16xf32>
        %add3A_272 = arith.addf %get3A_267, %get3A_271 : vector<16xf32>
        %get3A_273 = arith.index_cast %scan3A_134 : i32 to index
        %get3A_274 = arith.constant 96 : index
        %get3A_275 = tpu.vector_load %arg12[%get3A_273, %get3A_274] {strides = array<i32>} : memref<40x128xf32, #tpu.memory_space<vmem>>, vector<1x16xf32>,
        %get3A_276 = vector.shape_cast %get3A_275 : vector<1x16xf32> to vector<16xf32>
        %add3A_277 = arith.addf %add3A_272, %get3A_276 : vector<16xf32>
        %max3A_278 = arith.constant 0.000000e+00 : f32
        %max3A_279 = vector.broadcast %max3A_278 : f32 to vector<16xf32>
        %max3A_280 = arith.maximumf %add3A_277, %max3A_279 : vector<16xf32>
        %swap3A_281 = arith.index_cast %scan3A_134 : i32 to index
        %swap3A_282 = arith.constant 96 : index
        %swap3A_283 = tpu.vector_load %arg10[%swap3A_281, %swap3A_282] {strides = array<i32>} : memref<40x128xf32, #tpu.memory_space<vmem>>, vector<1x16xf32>,
        %swap3A_284 = vector.shape_cast %swap3A_283 : vector<1x16xf32> to vector<16xf32>
        %swap3A_285 = vector.shape_cast %max3A_280 : vector<16xf32> to vector<1x16xf32>
        tpu.vector_store %arg10[%swap3A_281, %swap3A_282], %swap3A_285 {strides = array<i32>} : memref<40x128xf32, #tpu.memory_space<vmem>>, vector<1x16xf32>,
        %get3A_286 = arith.index_cast %scan3A_134 : i32 to index
        %get3A_287 = arith.constant 112 : index
        %get3A_288 = tpu.vector_load %arg10[%get3A_286, %get3A_287] {strides = array<i32>} : memref<40x128xf32, #tpu.memory_space<vmem>>, vector<1x16xf32>,
        %get3A_289 = vector.shape_cast %get3A_288 : vector<1x16xf32> to vector<16xf32>
        %get3A_290 = arith.index_cast %scan3A_134 : i32 to index
        %get3A_291 = arith.constant 112 : index
        %get3A_292 = tpu.vector_load %arg11[%get3A_290, %get3A_291] {strides = array<i32>} : memref<40x128xf32, #tpu.memory_space<vmem>>, vector<1x16xf32>,
        %get3A_293 = vector.shape_cast %get3A_292 : vector<1x16xf32> to vector<16xf32>
        %add3A_294 = arith.addf %get3A_289, %get3A_293 : vector<16xf32>
        %get3A_295 = arith.index_cast %scan3A_134 : i32 to index
        %get3A_296 = arith.constant 112 : index
        %get3A_297 = tpu.vector_load %arg12[%get3A_295, %get3A_296] {strides = array<i32>} : memref<40x128xf32, #tpu.memory_space<vmem>>, vector<1x16xf32>,
        %get3A_298 = vector.shape_cast %get3A_297 : vector<1x16xf32> to vector<16xf32>
        %add3A_299 = arith.addf %add3A_294, %get3A_298 : vector<16xf32>
        %max3A_300 = arith.constant 0.000000e+00 : f32
        %max3A_301 = vector.broadcast %max3A_300 : f32 to vector<16xf32>
        %max3A_302 = arith.maximumf %add3A_299, %max3A_301 : vector<16xf32>
        %swap3A_303 = arith.index_cast %scan3A_134 : i32 to index
        %swap3A_304 = arith.constant 112 : index
        %swap3A_305 = tpu.vector_load %arg10[%swap3A_303, %swap3A_304] {strides = array<i32>} : memref<40x128xf32, #tpu.memory_space<vmem>>, vector<1x16xf32>,
        %swap3A_306 = vector.shape_cast %swap3A_305 : vector<1x16xf32> to vector<16xf32>
        %swap3A_307 = vector.shape_cast %max3A_302 : vector<16xf32> to vector<1x16xf32>
        tpu.vector_store %arg10[%swap3A_303, %swap3A_304], %swap3A_307 {strides = array<i32>} : memref<40x128xf32, #tpu.memory_space<vmem>>, vector<1x16xf32>,
      }
      %scan3A_92 = arith.constant 40 : i32
      %dma_start3A_93 = arith.constant 0 : i32
      %dma_start3A_94 = tpu.memref_slice %arg7[%add3A_68, %dma_start3A_93] : memref<320000x128xf32, #tpu.memory_space<hbm>> -> memref<40x128xf32, #tpu.memory_space<hbm>>
      %dma_start3A_95 = arith.constant 0 : i32
      %dma_start3A_96 = tpu.memref_slice %arg7[%add3A_68, %dma_start3A_95] : memref<320000x128xf32, #tpu.memory_space<hbm>> -> memref<40x128xf32, #tpu.memory_space<hbm>>
      tpu.enqueue_dma source(%arg10 : memref<40x128xf32, #tpu.memory_space<vmem>>) target(%dma_start3A_96 : memref<40x128xf32, #tpu.memory_space<hbm>>) target_semaphore(%arg22 : memref<!tpu.dma_semaphore, #tpu.memory_space<semaphore_mem>>)
      %lt3A = arith.constant 124 : i32
      %lt3A_97 = arith.cmpi slt, %scan3A_38, %lt3A : i32
      %convert_element_type3A_98 = arith.extui %lt3A_97 : i1 to i32
      %cond3A_99 = arith.constant 0 : i32
      %cond3A_100 = arith.cmpi ne, %convert_element_type3A_98, %cond3A_99 : i32
      scf.if %cond3A_100 {
        %add3A_134 = arith.constant 2 : i32
        %add3A_135 = arith.addi %mul3A_40, %add3A_134 : i32
        %mul3A_136 = arith.constant 40 : i32
        %mul3A_137 = arith.muli %add3A_135, %mul3A_136 : i32
        %add3A_138 = arith.addi %mul3A_2, %mul3A_137 : i32
        %sub3A = arith.constant 2 : i32
        %sub3A_139 = arith.subi %add3A_135, %sub3A : i32
        %mul3A_140 = arith.constant 40 : i32
        %mul3A_141 = arith.muli %sub3A_139, %mul3A_140 : i32
        %add3A_142 = arith.addi %mul3A_2, %mul3A_141 : i32
        %dma_wait3A_143 = arith.constant 0 : i32
        %dma_wait3A_144 = tpu.memref_slice %arg7[%add3A_142, %dma_wait3A_143] : memref<320000x128xf32, #tpu.memory_space<hbm>> -> memref<40x128xf32, #tpu.memory_space<hbm>>
        %dma_wait3A_145 = arith.constant 0 : i32
        %dma_wait3A_146 = tpu.memref_slice %arg7[%add3A_142, %dma_wait3A_145] : memref<320000x128xf32, #tpu.memory_space<hbm>> -> memref<40x128xf32, #tpu.memory_space<hbm>>
        tpu.wait_dma2 semaphore(%arg22 : memref<!tpu.dma_semaphore, #tpu.memory_space<semaphore_mem>>) src(%arg10 : memref<40x128xf32, #tpu.memory_space<vmem>>) dst(%dma_wait3A_146 : memref<40x128xf32, #tpu.memory_space<hbm>>)
        "tpu.region"() ({
          %run_scoped3A_165 = tpu.sem_alloc : memref<!tpu.dma_semaphore, #tpu.memory_space<semaphore_mem>>
          %dma_start3A_166 = arith.constant 0 : i32
          %dma_start3A_167 = arith.constant 0 : i32
          %dma_start3A_168 = tpu.memref_slice %arg5[%add3A, %add3A_135, %dma_start3A_166, %dma_start3A_167] : memref<32x250x2x40xi32, #tpu.memory_space<hbm>> -> memref<1x1x2x40xi32, #tpu.memory_space<hbm>>
          %dma_start3A_169 = tpu.memref_squeeze %dma_start3A_168 : memref<1x1x2x40xi32, #tpu.memory_space<hbm>> -> memref<2x40xi32, #tpu.memory_space<hbm>>
          %dma_start3A_170 = arith.constant 0 : i32
          %dma_start3A_171 = arith.constant 0 : i32
          %dma_start3A_172 = tpu.memref_slice %arg5[%add3A, %add3A_135, %dma_start3A_170, %dma_start3A_171] : memref<32x250x2x40xi32, #tpu.memory_space<hbm>> -> memref<1x1x2x40xi32, #tpu.memory_space<hbm>>
          %dma_start3A_173 = tpu.memref_squeeze %dma_start3A_172 : memref<1x1x2x40xi32, #tpu.memory_space<hbm>> -> memref<2x40xi32, #tpu.memory_space<hbm>>
          tpu.enqueue_dma source(%dma_start3A_173 : memref<2x40xi32, #tpu.memory_space<hbm>>) target(%arg8 : memref<2x40xi32, #tpu.memory_space<vmem>>) target_semaphore(%run_scoped3A_165 : memref<!tpu.dma_semaphore, #tpu.memory_space<semaphore_mem>>)
          %dma_wait3A_174 = arith.constant 0 : i32
          %dma_wait3A_175 = arith.constant 0 : i32
          %dma_wait3A_176 = tpu.memref_slice %arg5[%add3A, %add3A_135, %dma_wait3A_174, %dma_wait3A_175] : memref<32x250x2x40xi32, #tpu.memory_space<hbm>> -> memref<1x1x2x40xi32, #tpu.memory_space<hbm>>
          %dma_wait3A_177 = tpu.memref_squeeze %dma_wait3A_176 : memref<1x1x2x40xi32, #tpu.memory_space<hbm>> -> memref<2x40xi32, #tpu.memory_space<hbm>>
          %dma_wait3A_178 = arith.constant 0 : i32
          %dma_wait3A_179 = arith.constant 0 : i32
          %dma_wait3A_180 = tpu.memref_slice %arg5[%add3A, %add3A_135, %dma_wait3A_178, %dma_wait3A_179] : memref<32x250x2x40xi32, #tpu.memory_space<hbm>> -> memref<1x1x2x40xi32, #tpu.memory_space<hbm>>
          %dma_wait3A_181 = tpu.memref_squeeze %dma_wait3A_180 : memref<1x1x2x40xi32, #tpu.memory_space<hbm>> -> memref<2x40xi32, #tpu.memory_space<hbm>>
          tpu.wait_dma2 semaphore(%run_scoped3A_165 : memref<!tpu.dma_semaphore, #tpu.memory_space<semaphore_mem>>) src(%dma_wait3A_181 : memref<2x40xi32, #tpu.memory_space<hbm>>) dst(%arg8 : memref<2x40xi32, #tpu.memory_space<vmem>>)
          tpu.yield
        }) : () -> ()
        %dma_start3A_147 = arith.constant 0 : i32
        %dma_start3A_148 = arith.constant 0 : i32
        %dma_start3A_149 = tpu.memref_slice %arg8[%dma_start3A_147, %dma_start3A_148] : memref<2x40xi32, #tpu.memory_space<vmem>> -> memref<1x40xi32, #tpu.memory_space<vmem>>
        %dma_start3A_150 = tpu.memref_squeeze %dma_start3A_149 : memref<1x40xi32, #tpu.memory_space<vmem>> -> memref<40xi32, #tpu.memory_space<vmem>>
        %dma_start3A_151 = arith.constant 0 : i32
        %dma_start3A_152 = arith.constant 0 : i32
        %dma_start3A_153 = tpu.memref_slice %arg2[%dma_start3A_151, %dma_start3A_152] : memref<10000x128xf32, #tpu.memory_space<hbm>> -> memref<10000x128xf32, #tpu.memory_space<hbm>>
        tpu.enqueue_indirect_dma source(%dma_start3A_153 : memref<10000x128xf32, #tpu.memory_space<hbm>>) target(%arg10 : memref<40x128xf32, #tpu.memory_space<vmem>>) offsets(%dma_start3A_150 : memref<40xi32, #tpu.memory_space<vmem>>) semaphore(%arg16 : memref<!tpu.dma_semaphore, #tpu.memory_space<semaphore_mem>>)
        %dma_start3A_154 = arith.constant 1 : i32
        %dma_start3A_155 = arith.constant 0 : i32
        %dma_start3A_156 = tpu.memref_slice %arg8[%dma_start3A_154, %dma_start3A_155] : memref<2x40xi32, #tpu.memory_space<vmem>> -> memref<1x40xi32, #tpu.memory_space<vmem>>
        %dma_start3A_157 = tpu.memref_squeeze %dma_start3A_156 : memref<1x40xi32, #tpu.memory_space<vmem>> -> memref<40xi32, #tpu.memory_space<vmem>>
        %dma_start3A_158 = arith.constant 0 : i32
        %dma_start3A_159 = arith.constant 0 : i32
        %dma_start3A_160 = tpu.memref_slice %arg3[%dma_start3A_158, %dma_start3A_159] : memref<10000x128xf32, #tpu.memory_space<hbm>> -> memref<10000x128xf32, #tpu.memory_space<hbm>>
        tpu.enqueue_indirect_dma source(%dma_start3A_160 : memref<10000x128xf32, #tpu.memory_space<hbm>>) target(%arg11 : memref<40x128xf32, #tpu.memory_space<vmem>>) offsets(%dma_start3A_157 : memref<40xi32, #tpu.memory_space<vmem>>) semaphore(%arg17 : memref<!tpu.dma_semaphore, #tpu.memory_space<semaphore_mem>>)
        %dma_start3A_161 = arith.constant 0 : i32
        %dma_start3A_162 = tpu.memref_slice %arg4[%add3A_138, %dma_start3A_161] : memref<320000x128xf32, #tpu.memory_space<hbm>> -> memref<40x128xf32, #tpu.memory_space<hbm>>
        %dma_start3A_163 = arith.constant 0 : i32
        %dma_start3A_164 = tpu.memref_slice %arg4[%add3A_138, %dma_start3A_163] : memref<320000x128xf32, #tpu.memory_space<hbm>> -> memref<40x128xf32, #tpu.memory_space<hbm>>
        tpu.enqueue_dma source(%dma_start3A_164 : memref<40x128xf32, #tpu.memory_space<hbm>>) target(%arg12 : memref<40x128xf32, #tpu.memory_space<vmem>>) target_semaphore(%arg18 : memref<!tpu.dma_semaphore, #tpu.memory_space<semaphore_mem>>)
      } else {
      }
      %add3A_101 = arith.constant 1 : i32
      %add3A_102 = arith.addi %mul3A_40, %add3A_101 : i32
      %mul3A_103 = arith.constant 40 : i32
      %mul3A_104 = arith.muli %add3A_102, %mul3A_103 : i32
      %add3A_105 = arith.addi %mul3A_2, %mul3A_104 : i32
      %dma_wait3A_106 = arith.constant 0 : i32
      %dma_wait3A_107 = arith.constant 0 : i32
      %dma_wait3A_108 = tpu.memref_slice %arg9[%dma_wait3A_106, %dma_wait3A_107] : memref<2x40xi32, #tpu.memory_space<vmem>> -> memref<1x40xi32, #tpu.memory_space<vmem>>
      %dma_wait3A_109 = tpu.memref_squeeze %dma_wait3A_108 : memref<1x40xi32, #tpu.memory_space<vmem>> -> memref<40xi32, #tpu.memory_space<vmem>>
      %dma_wait3A_110 = arith.constant 0 : i32
      %dma_wait3A_111 = arith.constant 0 : i32
      %dma_wait3A_112 = tpu.memref_slice %arg2[%dma_wait3A_110, %dma_wait3A_111] : memref<10000x128xf32, #tpu.memory_space<hbm>> -> memref<10000x128xf32, #tpu.memory_space<hbm>>
      tpu.wait_indirect_dma semaphore(%arg19 : memref<!tpu.dma_semaphore, #tpu.memory_space<semaphore_mem>>) src(%dma_wait3A_112 : memref<10000x128xf32, #tpu.memory_space<hbm>>) dst(%arg13 : memref<40x128xf32, #tpu.memory_space<vmem>>)
      %dma_wait3A_113 = arith.constant 1 : i32
      %dma_wait3A_114 = arith.constant 0 : i32
      %dma_wait3A_115 = tpu.memref_slice %arg9[%dma_wait3A_113, %dma_wait3A_114] : memref<2x40xi32, #tpu.memory_space<vmem>> -> memref<1x40xi32, #tpu.memory_space<vmem>>
      %dma_wait3A_116 = tpu.memref_squeeze %dma_wait3A_115 : memref<1x40xi32, #tpu.memory_space<vmem>> -> memref<40xi32, #tpu.memory_space<vmem>>
      %dma_wait3A_117 = arith.constant 0 : i32
      %dma_wait3A_118 = arith.constant 0 : i32
      %dma_wait3A_119 = tpu.memref_slice %arg3[%dma_wait3A_117, %dma_wait3A_118] : memref<10000x128xf32, #tpu.memory_space<hbm>> -> memref<10000x128xf32, #tpu.memory_space<hbm>>
      tpu.wait_indirect_dma semaphore(%arg20 : memref<!tpu.dma_semaphore, #tpu.memory_space<semaphore_mem>>) src(%dma_wait3A_119 : memref<10000x128xf32, #tpu.memory_space<hbm>>) dst(%arg14 : memref<40x128xf32, #tpu.memory_space<vmem>>)
      %dma_wait3A_120 = arith.constant 0 : i32
      %dma_wait3A_121 = tpu.memref_slice %arg4[%add3A_105, %dma_wait3A_120] : memref<320000x128xf32, #tpu.memory_space<hbm>> -> memref<40x128xf32, #tpu.memory_space<hbm>>
      %dma_wait3A_122 = arith.constant 0 : i32
      %dma_wait3A_123 = tpu.memref_slice %arg4[%add3A_105, %dma_wait3A_122] : memref<320000x128xf32, #tpu.memory_space<hbm>> -> memref<40x128xf32, #tpu.memory_space<hbm>>
      tpu.wait_dma2 semaphore(%arg21 : memref<!tpu.dma_semaphore, #tpu.memory_space<semaphore_mem>>) src(%dma_wait3A_123 : memref<40x128xf32, #tpu.memory_space<hbm>>) dst(%arg15 : memref<40x128xf32, #tpu.memory_space<vmem>>)
      %scan3A_124 = arith.constant 0 : i32
      %scan3A_125 = arith.constant 0 : i32
      %scan3A_126 = arith.constant 40 : i32
      %scan3A_127 = arith.addi %scan3A_125, %scan3A_126 : i32
      %scan3A_128 = arith.constant 1 : i32
      scf.for %scan3A_134 = %scan3A_125 to %scan3A_127 step %scan3A_128  : i32 {
        %get3A = arith.index_cast %scan3A_134 : i32 to index
        %get3A_135 = arith.constant 0 : index
        %get3A_136 = tpu.vector_load %arg13[%get3A, %get3A_135] {strides = array<i32>} : memref<40x128xf32, #tpu.memory_space<vmem>>, vector<1x16xf32>,
        %get3A_137 = vector.shape_cast %get3A_136 : vector<1x16xf32> to vector<16xf32>
        %get3A_138 = arith.index_cast %scan3A_134 : i32 to index
        %get3A_139 = arith.constant 0 : index
        %get3A_140 = tpu.vector_load %arg14[%get3A_138, %get3A_139] {strides = array<i32>} : memref<40x128xf32, #tpu.memory_space<vmem>>, vector<1x16xf32>,
        %get3A_141 = vector.shape_cast %get3A_140 : vector<1x16xf32> to vector<16xf32>
        %add3A_142 = arith.addf %get3A_137, %get3A_141 : vector<16xf32>
        %get3A_143 = arith.index_cast %scan3A_134 : i32 to index
        %get3A_144 = arith.constant 0 : index
        %get3A_145 = tpu.vector_load %arg15[%get3A_143, %get3A_144] {strides = array<i32>} : memref<40x128xf32, #tpu.memory_space<vmem>>, vector<1x16xf32>,
        %get3A_146 = vector.shape_cast %get3A_145 : vector<1x16xf32> to vector<16xf32>
        %add3A_147 = arith.addf %add3A_142, %get3A_146 : vector<16xf32>
        %max3A = arith.constant 0.000000e+00 : f32
        %max3A_148 = vector.broadcast %max3A : f32 to vector<16xf32>
        %max3A_149 = arith.maximumf %add3A_147, %max3A_148 : vector<16xf32>
        %swap3A = arith.index_cast %scan3A_134 : i32 to index
        %swap3A_150 = arith.constant 0 : index
        %swap3A_151 = tpu.vector_load %arg13[%swap3A, %swap3A_150] {strides = array<i32>} : memref<40x128xf32, #tpu.memory_space<vmem>>, vector<1x16xf32>,
        %swap3A_152 = vector.shape_cast %swap3A_151 : vector<1x16xf32> to vector<16xf32>
        %swap3A_153 = vector.shape_cast %max3A_149 : vector<16xf32> to vector<1x16xf32>
        tpu.vector_store %arg13[%swap3A, %swap3A_150], %swap3A_153 {strides = array<i32>} : memref<40x128xf32, #tpu.memory_space<vmem>>, vector<1x16xf32>,
        %get3A_154 = arith.index_cast %scan3A_134 : i32 to index
        %get3A_155 = arith.constant 16 : index
        %get3A_156 = tpu.vector_load %arg13[%get3A_154, %get3A_155] {strides = array<i32>} : memref<40x128xf32, #tpu.memory_space<vmem>>, vector<1x16xf32>,
        %get3A_157 = vector.shape_cast %get3A_156 : vector<1x16xf32> to vector<16xf32>
        %get3A_158 = arith.index_cast %scan3A_134 : i32 to index
        %get3A_159 = arith.constant 16 : index
        %get3A_160 = tpu.vector_load %arg14[%get3A_158, %get3A_159] {strides = array<i32>} : memref<40x128xf32, #tpu.memory_space<vmem>>, vector<1x16xf32>,
        %get3A_161 = vector.shape_cast %get3A_160 : vector<1x16xf32> to vector<16xf32>
        %add3A_162 = arith.addf %get3A_157, %get3A_161 : vector<16xf32>
        %get3A_163 = arith.index_cast %scan3A_134 : i32 to index
        %get3A_164 = arith.constant 16 : index
        %get3A_165 = tpu.vector_load %arg15[%get3A_163, %get3A_164] {strides = array<i32>} : memref<40x128xf32, #tpu.memory_space<vmem>>, vector<1x16xf32>,
        %get3A_166 = vector.shape_cast %get3A_165 : vector<1x16xf32> to vector<16xf32>
        %add3A_167 = arith.addf %add3A_162, %get3A_166 : vector<16xf32>
        %max3A_168 = arith.constant 0.000000e+00 : f32
        %max3A_169 = vector.broadcast %max3A_168 : f32 to vector<16xf32>
        %max3A_170 = arith.maximumf %add3A_167, %max3A_169 : vector<16xf32>
        %swap3A_171 = arith.index_cast %scan3A_134 : i32 to index
        %swap3A_172 = arith.constant 16 : index
        %swap3A_173 = tpu.vector_load %arg13[%swap3A_171, %swap3A_172] {strides = array<i32>} : memref<40x128xf32, #tpu.memory_space<vmem>>, vector<1x16xf32>,
        %swap3A_174 = vector.shape_cast %swap3A_173 : vector<1x16xf32> to vector<16xf32>
        %swap3A_175 = vector.shape_cast %max3A_170 : vector<16xf32> to vector<1x16xf32>
        tpu.vector_store %arg13[%swap3A_171, %swap3A_172], %swap3A_175 {strides = array<i32>} : memref<40x128xf32, #tpu.memory_space<vmem>>, vector<1x16xf32>,
        %get3A_176 = arith.index_cast %scan3A_134 : i32 to index
        %get3A_177 = arith.constant 32 : index
        %get3A_178 = tpu.vector_load %arg13[%get3A_176, %get3A_177] {strides = array<i32>} : memref<40x128xf32, #tpu.memory_space<vmem>>, vector<1x16xf32>,
        %get3A_179 = vector.shape_cast %get3A_178 : vector<1x16xf32> to vector<16xf32>
        %get3A_180 = arith.index_cast %scan3A_134 : i32 to index
        %get3A_181 = arith.constant 32 : index
        %get3A_182 = tpu.vector_load %arg14[%get3A_180, %get3A_181] {strides = array<i32>} : memref<40x128xf32, #tpu.memory_space<vmem>>, vector<1x16xf32>,
        %get3A_183 = vector.shape_cast %get3A_182 : vector<1x16xf32> to vector<16xf32>
        %add3A_184 = arith.addf %get3A_179, %get3A_183 : vector<16xf32>
        %get3A_185 = arith.index_cast %scan3A_134 : i32 to index
        %get3A_186 = arith.constant 32 : index
        %get3A_187 = tpu.vector_load %arg15[%get3A_185, %get3A_186] {strides = array<i32>} : memref<40x128xf32, #tpu.memory_space<vmem>>, vector<1x16xf32>,
        %get3A_188 = vector.shape_cast %get3A_187 : vector<1x16xf32> to vector<16xf32>
        %add3A_189 = arith.addf %add3A_184, %get3A_188 : vector<16xf32>
        %max3A_190 = arith.constant 0.000000e+00 : f32
        %max3A_191 = vector.broadcast %max3A_190 : f32 to vector<16xf32>
        %max3A_192 = arith.maximumf %add3A_189, %max3A_191 : vector<16xf32>
        %swap3A_193 = arith.index_cast %scan3A_134 : i32 to index
        %swap3A_194 = arith.constant 32 : index
        %swap3A_195 = tpu.vector_load %arg13[%swap3A_193, %swap3A_194] {strides = array<i32>} : memref<40x128xf32, #tpu.memory_space<vmem>>, vector<1x16xf32>,
        %swap3A_196 = vector.shape_cast %swap3A_195 : vector<1x16xf32> to vector<16xf32>
        %swap3A_197 = vector.shape_cast %max3A_192 : vector<16xf32> to vector<1x16xf32>
        tpu.vector_store %arg13[%swap3A_193, %swap3A_194], %swap3A_197 {strides = array<i32>} : memref<40x128xf32, #tpu.memory_space<vmem>>, vector<1x16xf32>,
        %get3A_198 = arith.index_cast %scan3A_134 : i32 to index
        %get3A_199 = arith.constant 48 : index
        %get3A_200 = tpu.vector_load %arg13[%get3A_198, %get3A_199] {strides = array<i32>} : memref<40x128xf32, #tpu.memory_space<vmem>>, vector<1x16xf32>,
        %get3A_201 = vector.shape_cast %get3A_200 : vector<1x16xf32> to vector<16xf32>
        %get3A_202 = arith.index_cast %scan3A_134 : i32 to index
        %get3A_203 = arith.constant 48 : index
        %get3A_204 = tpu.vector_load %arg14[%get3A_202, %get3A_203] {strides = array<i32>} : memref<40x128xf32, #tpu.memory_space<vmem>>, vector<1x16xf32>,
        %get3A_205 = vector.shape_cast %get3A_204 : vector<1x16xf32> to vector<16xf32>
        %add3A_206 = arith.addf %get3A_201, %get3A_205 : vector<16xf32>
        %get3A_207 = arith.index_cast %scan3A_134 : i32 to index
        %get3A_208 = arith.constant 48 : index
        %get3A_209 = tpu.vector_load %arg15[%get3A_207, %get3A_208] {strides = array<i32>} : memref<40x128xf32, #tpu.memory_space<vmem>>, vector<1x16xf32>,
        %get3A_210 = vector.shape_cast %get3A_209 : vector<1x16xf32> to vector<16xf32>
        %add3A_211 = arith.addf %add3A_206, %get3A_210 : vector<16xf32>
        %max3A_212 = arith.constant 0.000000e+00 : f32
        %max3A_213 = vector.broadcast %max3A_212 : f32 to vector<16xf32>
        %max3A_214 = arith.maximumf %add3A_211, %max3A_213 : vector<16xf32>
        %swap3A_215 = arith.index_cast %scan3A_134 : i32 to index
        %swap3A_216 = arith.constant 48 : index
        %swap3A_217 = tpu.vector_load %arg13[%swap3A_215, %swap3A_216] {strides = array<i32>} : memref<40x128xf32, #tpu.memory_space<vmem>>, vector<1x16xf32>,
        %swap3A_218 = vector.shape_cast %swap3A_217 : vector<1x16xf32> to vector<16xf32>
        %swap3A_219 = vector.shape_cast %max3A_214 : vector<16xf32> to vector<1x16xf32>
        tpu.vector_store %arg13[%swap3A_215, %swap3A_216], %swap3A_219 {strides = array<i32>} : memref<40x128xf32, #tpu.memory_space<vmem>>, vector<1x16xf32>,
        %get3A_220 = arith.index_cast %scan3A_134 : i32 to index
        %get3A_221 = arith.constant 64 : index
        %get3A_222 = tpu.vector_load %arg13[%get3A_220, %get3A_221] {strides = array<i32>} : memref<40x128xf32, #tpu.memory_space<vmem>>, vector<1x16xf32>,
        %get3A_223 = vector.shape_cast %get3A_222 : vector<1x16xf32> to vector<16xf32>
        %get3A_224 = arith.index_cast %scan3A_134 : i32 to index
        %get3A_225 = arith.constant 64 : index
        %get3A_226 = tpu.vector_load %arg14[%get3A_224, %get3A_225] {strides = array<i32>} : memref<40x128xf32, #tpu.memory_space<vmem>>, vector<1x16xf32>,
        %get3A_227 = vector.shape_cast %get3A_226 : vector<1x16xf32> to vector<16xf32>
        %add3A_228 = arith.addf %get3A_223, %get3A_227 : vector<16xf32>
        %get3A_229 = arith.index_cast %scan3A_134 : i32 to index
        %get3A_230 = arith.constant 64 : index
        %get3A_231 = tpu.vector_load %arg15[%get3A_229, %get3A_230] {strides = array<i32>} : memref<40x128xf32, #tpu.memory_space<vmem>>, vector<1x16xf32>,
        %get3A_232 = vector.shape_cast %get3A_231 : vector<1x16xf32> to vector<16xf32>
        %add3A_233 = arith.addf %add3A_228, %get3A_232 : vector<16xf32>
        %max3A_234 = arith.constant 0.000000e+00 : f32
        %max3A_235 = vector.broadcast %max3A_234 : f32 to vector<16xf32>
        %max3A_236 = arith.maximumf %add3A_233, %max3A_235 : vector<16xf32>
        %swap3A_237 = arith.index_cast %scan3A_134 : i32 to index
        %swap3A_238 = arith.constant 64 : index
        %swap3A_239 = tpu.vector_load %arg13[%swap3A_237, %swap3A_238] {strides = array<i32>} : memref<40x128xf32, #tpu.memory_space<vmem>>, vector<1x16xf32>,
        %swap3A_240 = vector.shape_cast %swap3A_239 : vector<1x16xf32> to vector<16xf32>
        %swap3A_241 = vector.shape_cast %max3A_236 : vector<16xf32> to vector<1x16xf32>
        tpu.vector_store %arg13[%swap3A_237, %swap3A_238], %swap3A_241 {strides = array<i32>} : memref<40x128xf32, #tpu.memory_space<vmem>>, vector<1x16xf32>,
        %get3A_242 = arith.index_cast %scan3A_134 : i32 to index
        %get3A_243 = arith.constant 80 : index
        %get3A_244 = tpu.vector_load %arg13[%get3A_242, %get3A_243] {strides = array<i32>} : memref<40x128xf32, #tpu.memory_space<vmem>>, vector<1x16xf32>,
        %get3A_245 = vector.shape_cast %get3A_244 : vector<1x16xf32> to vector<16xf32>
        %get3A_246 = arith.index_cast %scan3A_134 : i32 to index
        %get3A_247 = arith.constant 80 : index
        %get3A_248 = tpu.vector_load %arg14[%get3A_246, %get3A_247] {strides = array<i32>} : memref<40x128xf32, #tpu.memory_space<vmem>>, vector<1x16xf32>,
        %get3A_249 = vector.shape_cast %get3A_248 : vector<1x16xf32> to vector<16xf32>
        %add3A_250 = arith.addf %get3A_245, %get3A_249 : vector<16xf32>
        %get3A_251 = arith.index_cast %scan3A_134 : i32 to index
        %get3A_252 = arith.constant 80 : index
        %get3A_253 = tpu.vector_load %arg15[%get3A_251, %get3A_252] {strides = array<i32>} : memref<40x128xf32, #tpu.memory_space<vmem>>, vector<1x16xf32>,
        %get3A_254 = vector.shape_cast %get3A_253 : vector<1x16xf32> to vector<16xf32>
        %add3A_255 = arith.addf %add3A_250, %get3A_254 : vector<16xf32>
        %max3A_256 = arith.constant 0.000000e+00 : f32
        %max3A_257 = vector.broadcast %max3A_256 : f32 to vector<16xf32>
        %max3A_258 = arith.maximumf %add3A_255, %max3A_257 : vector<16xf32>
        %swap3A_259 = arith.index_cast %scan3A_134 : i32 to index
        %swap3A_260 = arith.constant 80 : index
        %swap3A_261 = tpu.vector_load %arg13[%swap3A_259, %swap3A_260] {strides = array<i32>} : memref<40x128xf32, #tpu.memory_space<vmem>>, vector<1x16xf32>,
        %swap3A_262 = vector.shape_cast %swap3A_261 : vector<1x16xf32> to vector<16xf32>
        %swap3A_263 = vector.shape_cast %max3A_258 : vector<16xf32> to vector<1x16xf32>
        tpu.vector_store %arg13[%swap3A_259, %swap3A_260], %swap3A_263 {strides = array<i32>} : memref<40x128xf32, #tpu.memory_space<vmem>>, vector<1x16xf32>,
        %get3A_264 = arith.index_cast %scan3A_134 : i32 to index
        %get3A_265 = arith.constant 96 : index
        %get3A_266 = tpu.vector_load %arg13[%get3A_264, %get3A_265] {strides = array<i32>} : memref<40x128xf32, #tpu.memory_space<vmem>>, vector<1x16xf32>,
        %get3A_267 = vector.shape_cast %get3A_266 : vector<1x16xf32> to vector<16xf32>
        %get3A_268 = arith.index_cast %scan3A_134 : i32 to index
        %get3A_269 = arith.constant 96 : index
        %get3A_270 = tpu.vector_load %arg14[%get3A_268, %get3A_269] {strides = array<i32>} : memref<40x128xf32, #tpu.memory_space<vmem>>, vector<1x16xf32>,
        %get3A_271 = vector.shape_cast %get3A_270 : vector<1x16xf32> to vector<16xf32>
        %add3A_272 = arith.addf %get3A_267, %get3A_271 : vector<16xf32>
        %get3A_273 = arith.index_cast %scan3A_134 : i32 to index
        %get3A_274 = arith.constant 96 : index
        %get3A_275 = tpu.vector_load %arg15[%get3A_273, %get3A_274] {strides = array<i32>} : memref<40x128xf32, #tpu.memory_space<vmem>>, vector<1x16xf32>,
        %get3A_276 = vector.shape_cast %get3A_275 : vector<1x16xf32> to vector<16xf32>
        %add3A_277 = arith.addf %add3A_272, %get3A_276 : vector<16xf32>
        %max3A_278 = arith.constant 0.000000e+00 : f32
        %max3A_279 = vector.broadcast %max3A_278 : f32 to vector<16xf32>
        %max3A_280 = arith.maximumf %add3A_277, %max3A_279 : vector<16xf32>
        %swap3A_281 = arith.index_cast %scan3A_134 : i32 to index
        %swap3A_282 = arith.constant 96 : index
        %swap3A_283 = tpu.vector_load %arg13[%swap3A_281, %swap3A_282] {strides = array<i32>} : memref<40x128xf32, #tpu.memory_space<vmem>>, vector<1x16xf32>,
        %swap3A_284 = vector.shape_cast %swap3A_283 : vector<1x16xf32> to vector<16xf32>
        %swap3A_285 = vector.shape_cast %max3A_280 : vector<16xf32> to vector<1x16xf32>
        tpu.vector_store %arg13[%swap3A_281, %swap3A_282], %swap3A_285 {strides = array<i32>} : memref<40x128xf32, #tpu.memory_space<vmem>>, vector<1x16xf32>,
        %get3A_286 = arith.index_cast %scan3A_134 : i32 to index
        %get3A_287 = arith.constant 112 : index
        %get3A_288 = tpu.vector_load %arg13[%get3A_286, %get3A_287] {strides = array<i32>} : memref<40x128xf32, #tpu.memory_space<vmem>>, vector<1x16xf32>,
        %get3A_289 = vector.shape_cast %get3A_288 : vector<1x16xf32> to vector<16xf32>
        %get3A_290 = arith.index_cast %scan3A_134 : i32 to index
        %get3A_291 = arith.constant 112 : index
        %get3A_292 = tpu.vector_load %arg14[%get3A_290, %get3A_291] {strides = array<i32>} : memref<40x128xf32, #tpu.memory_space<vmem>>, vector<1x16xf32>,
        %get3A_293 = vector.shape_cast %get3A_292 : vector<1x16xf32> to vector<16xf32>
        %add3A_294 = arith.addf %get3A_289, %get3A_293 : vector<16xf32>
        %get3A_295 = arith.index_cast %scan3A_134 : i32 to index
        %get3A_296 = arith.constant 112 : index
        %get3A_297 = tpu.vector_load %arg15[%get3A_295, %get3A_296] {strides = array<i32>} : memref<40x128xf32, #tpu.memory_space<vmem>>, vector<1x16xf32>,
        %get3A_298 = vector.shape_cast %get3A_297 : vector<1x16xf32> to vector<16xf32>
        %add3A_299 = arith.addf %add3A_294, %get3A_298 : vector<16xf32>
        %max3A_300 = arith.constant 0.000000e+00 : f32
        %max3A_301 = vector.broadcast %max3A_300 : f32 to vector<16xf32>
        %max3A_302 = arith.maximumf %add3A_299, %max3A_301 : vector<16xf32>
        %swap3A_303 = arith.index_cast %scan3A_134 : i32 to index
        %swap3A_304 = arith.constant 112 : index
        %swap3A_305 = tpu.vector_load %arg13[%swap3A_303, %swap3A_304] {strides = array<i32>} : memref<40x128xf32, #tpu.memory_space<vmem>>, vector<1x16xf32>,
        %swap3A_306 = vector.shape_cast %swap3A_305 : vector<1x16xf32> to vector<16xf32>
        %swap3A_307 = vector.shape_cast %max3A_302 : vector<16xf32> to vector<1x16xf32>
        tpu.vector_store %arg13[%swap3A_303, %swap3A_304], %swap3A_307 {strides = array<i32>} : memref<40x128xf32, #tpu.memory_space<vmem>>, vector<1x16xf32>,
      }
      %scan3A_129 = arith.constant 40 : i32
      %dma_start3A_130 = arith.constant 0 : i32
      %dma_start3A_131 = tpu.memref_slice %arg7[%add3A_105, %dma_start3A_130] : memref<320000x128xf32, #tpu.memory_space<hbm>> -> memref<40x128xf32, #tpu.memory_space<hbm>>
      %dma_start3A_132 = arith.constant 0 : i32
      %dma_start3A_133 = tpu.memref_slice %arg7[%add3A_105, %dma_start3A_132] : memref<320000x128xf32, #tpu.memory_space<hbm>> -> memref<40x128xf32, #tpu.memory_space<hbm>>
      tpu.enqueue_dma source(%arg13 : memref<40x128xf32, #tpu.memory_space<vmem>>) target(%dma_start3A_133 : memref<40x128xf32, #tpu.memory_space<hbm>>) target_semaphore(%arg23 : memref<!tpu.dma_semaphore, #tpu.memory_space<semaphore_mem>>)
    }
    %scan3A_26 = arith.constant 125 : i32
    %add3A_27 = arith.constant 9920 : i32
    %add3A_28 = arith.addi %mul3A_2, %add3A_27 : i32
    %dma_wait3A = arith.constant 0 : i32
    %dma_wait3A_29 = tpu.memref_slice %arg7[%add3A_28, %dma_wait3A] : memref<320000x128xf32, #tpu.memory_space<hbm>> -> memref<40x128xf32, #tpu.memory_space<hbm>>
    %dma_wait3A_30 = arith.constant 0 : i32
    %dma_wait3A_31 = tpu.memref_slice %arg7[%add3A_28, %dma_wait3A_30] : memref<320000x128xf32, #tpu.memory_space<hbm>> -> memref<40x128xf32, #tpu.memory_space<hbm>>
    tpu.wait_dma2 semaphore(%arg22 : memref<!tpu.dma_semaphore, #tpu.memory_space<semaphore_mem>>) src(%arg10 : memref<40x128xf32, #tpu.memory_space<vmem>>) dst(%dma_wait3A_31 : memref<40x128xf32, #tpu.memory_space<hbm>>)
    %add3A_32 = arith.constant 9960 : i32
    %add3A_33 = arith.addi %mul3A_2, %add3A_32 : i32
    %dma_wait3A_34 = arith.constant 0 : i32
    %dma_wait3A_35 = tpu.memref_slice %arg7[%add3A_33, %dma_wait3A_34] : memref<320000x128xf32, #tpu.memory_space<hbm>> -> memref<40x128xf32, #tpu.memory_space<hbm>>
    %dma_wait3A_36 = arith.constant 0 : i32
    %dma_wait3A_37 = tpu.memref_slice %arg7[%add3A_33, %dma_wait3A_36] : memref<320000x128xf32, #tpu.memory_space<hbm>> -> memref<40x128xf32, #tpu.memory_space<hbm>>
    tpu.wait_dma2 semaphore(%arg23 : memref<!tpu.dma_semaphore, #tpu.memory_space<semaphore_mem>>) src(%arg13 : memref<40x128xf32, #tpu.memory_space<vmem>>) dst(%dma_wait3A_37 : memref<40x128xf32, #tpu.memory_space<hbm>>)
    return
  }
}

#map = affine_map<(d0, d1) -> (0, 0)>
#map1 = affine_map<(d0, d1) -> (0, 0, 0, 0)>
#map2 = affine_map<(d0, d1) -> (0, 0, 0)>
module attributes {stable_mosaic.version = 14 : i64} {
  func.func @_fuscat_body(%arg0: i32, %arg1: i32, %arg2: memref<320000x16xf32, #tpu.memory_space<hbm>>, %arg3: memref<32x250x2x40xi32, #tpu.memory_space<hbm>>, %arg4: memref<10000x16xf32, #tpu.memory_space<hbm>>, %arg5: memref<2x10000x16xf32, #tpu.memory_space<hbm>>, %arg6: memref<2x40xi32, #tpu.memory_space<vmem>>, %arg7: memref<2x40xi32, #tpu.memory_space<vmem>>, %arg8: memref<40x16xf32, #tpu.memory_space<vmem>>, %arg9: memref<40x16xf32, #tpu.memory_space<vmem>>, %arg10: memref<!tpu.dma_semaphore, #tpu.memory_space<semaphore_mem>>, %arg11: memref<!tpu.dma_semaphore, #tpu.memory_space<semaphore_mem>>, %arg12: memref<!tpu.dma_semaphore, #tpu.memory_space<semaphore_mem>>, %arg13: memref<!tpu.dma_semaphore, #tpu.memory_space<semaphore_mem>>, %arg14: memref<10000x16xf32, #tpu.memory_space<vmem_shared>>) attributes {dimension_semantics = [#tpu.dimension_semantics<core_parallel>, #tpu.dimension_semantics<subcore_parallel>], iteration_bounds = array<i64: 2, 16>, scalar_prefetch = 0 : i64, scratch_operands = 9 : i64, tpu.core_type = #tpu.core_type<sc_vector_subcore>, window_params = [{transform_indices = #map}, {transform_indices = #map1}, {transform_indices = #map}, {transform_indices = #map2}]} {
    %mul3A = arith.constant 2 : i32
    %mul3A_0 = arith.muli %arg1, %mul3A : i32
    %add3A = arith.addi %mul3A_0, %arg0 : i32
    %mul3A_1 = arith.constant 625 : i32
    %mul3A_2 = arith.muli %arg1, %mul3A_1 : i32
    %mul3A_3 = arith.constant 625 : i32
    %mul3A_4 = arith.muli %arg1, %mul3A_3 : i32
    "tpu.region"() ({
      %run_scoped3A_35 = tpu.sem_alloc : memref<!tpu.dma_semaphore, #tpu.memory_space<semaphore_mem>>
      %dma_start3A_36 = arith.constant 0 : i32
      %dma_start3A_37 = tpu.memref_slice %arg14[%mul3A_4, %dma_start3A_36] : memref<10000x16xf32, #tpu.memory_space<vmem_shared>> -> memref<625x16xf32, #tpu.memory_space<vmem_shared>>
      %dma_start3A_38 = arith.constant 0 : i32
      %dma_start3A_39 = tpu.memref_slice %arg4[%mul3A_2, %dma_start3A_38] : memref<10000x16xf32, #tpu.memory_space<hbm>> -> memref<625x16xf32, #tpu.memory_space<hbm>>
      tpu.enqueue_dma source(%dma_start3A_39 : memref<625x16xf32, #tpu.memory_space<hbm>>) target(%dma_start3A_37 : memref<625x16xf32, #tpu.memory_space<vmem_shared>>) target_semaphore(%run_scoped3A_35 : memref<!tpu.dma_semaphore, #tpu.memory_space<semaphore_mem>>)
      %dma_wait3A_40 = arith.constant 0 : i32
      %dma_wait3A_41 = tpu.memref_slice %arg14[%mul3A_4, %dma_wait3A_40] : memref<10000x16xf32, #tpu.memory_space<vmem_shared>> -> memref<625x16xf32, #tpu.memory_space<vmem_shared>>
      %dma_wait3A_42 = arith.constant 0 : i32
      %dma_wait3A_43 = tpu.memref_slice %arg4[%mul3A_2, %dma_wait3A_42] : memref<10000x16xf32, #tpu.memory_space<hbm>> -> memref<625x16xf32, #tpu.memory_space<hbm>>
      tpu.wait_dma2 semaphore(%run_scoped3A_35 : memref<!tpu.dma_semaphore, #tpu.memory_space<semaphore_mem>>) src(%dma_wait3A_43 : memref<625x16xf32, #tpu.memory_space<hbm>>) dst(%dma_wait3A_41 : memref<625x16xf32, #tpu.memory_space<vmem_shared>>)
      tpu.yield
    }) : () -> ()
    %barrier3A = arith.constant 0 : index
    tpu.barrier barrier_id(%barrier3A)
    %mul3A_5 = arith.constant 10000 : i32
    %mul3A_6 = arith.muli %add3A, %mul3A_5 : i32
    %run_scoped3A = arith.constant 0 : i32
    "tpu.region"() ({
      %run_scoped3A_35 = tpu.sem_alloc : memref<!tpu.dma_semaphore, #tpu.memory_space<semaphore_mem>>
      %dma_start3A_36 = arith.constant 0 : i32
      %dma_start3A_37 = arith.constant 0 : i32
      %dma_start3A_38 = tpu.memref_slice %arg3[%add3A, %run_scoped3A, %dma_start3A_36, %dma_start3A_37] : memref<32x250x2x40xi32, #tpu.memory_space<hbm>> -> memref<1x1x2x40xi32, #tpu.memory_space<hbm>>
      %dma_start3A_39 = tpu.memref_squeeze %dma_start3A_38 : memref<1x1x2x40xi32, #tpu.memory_space<hbm>> -> memref<2x40xi32, #tpu.memory_space<hbm>>
      %dma_start3A_40 = arith.constant 0 : i32
      %dma_start3A_41 = arith.constant 0 : i32
      %dma_start3A_42 = tpu.memref_slice %arg3[%add3A, %run_scoped3A, %dma_start3A_40, %dma_start3A_41] : memref<32x250x2x40xi32, #tpu.memory_space<hbm>> -> memref<1x1x2x40xi32, #tpu.memory_space<hbm>>
      %dma_start3A_43 = tpu.memref_squeeze %dma_start3A_42 : memref<1x1x2x40xi32, #tpu.memory_space<hbm>> -> memref<2x40xi32, #tpu.memory_space<hbm>>
      tpu.enqueue_dma source(%dma_start3A_43 : memref<2x40xi32, #tpu.memory_space<hbm>>) target(%arg6 : memref<2x40xi32, #tpu.memory_space<vmem>>) target_semaphore(%run_scoped3A_35 : memref<!tpu.dma_semaphore, #tpu.memory_space<semaphore_mem>>)
      %dma_wait3A_44 = arith.constant 0 : i32
      %dma_wait3A_45 = arith.constant 0 : i32
      %dma_wait3A_46 = tpu.memref_slice %arg3[%add3A, %run_scoped3A, %dma_wait3A_44, %dma_wait3A_45] : memref<32x250x2x40xi32, #tpu.memory_space<hbm>> -> memref<1x1x2x40xi32, #tpu.memory_space<hbm>>
      %dma_wait3A_47 = tpu.memref_squeeze %dma_wait3A_46 : memref<1x1x2x40xi32, #tpu.memory_space<hbm>> -> memref<2x40xi32, #tpu.memory_space<hbm>>
      %dma_wait3A_48 = arith.constant 0 : i32
      %dma_wait3A_49 = arith.constant 0 : i32
      %dma_wait3A_50 = tpu.memref_slice %arg3[%add3A, %run_scoped3A, %dma_wait3A_48, %dma_wait3A_49] : memref<32x250x2x40xi32, #tpu.memory_space<hbm>> -> memref<1x1x2x40xi32, #tpu.memory_space<hbm>>
      %dma_wait3A_51 = tpu.memref_squeeze %dma_wait3A_50 : memref<1x1x2x40xi32, #tpu.memory_space<hbm>> -> memref<2x40xi32, #tpu.memory_space<hbm>>
      tpu.wait_dma2 semaphore(%run_scoped3A_35 : memref<!tpu.dma_semaphore, #tpu.memory_space<semaphore_mem>>) src(%dma_wait3A_51 : memref<2x40xi32, #tpu.memory_space<hbm>>) dst(%arg6 : memref<2x40xi32, #tpu.memory_space<vmem>>)
      tpu.yield
    }) : () -> ()
    %add3A_7 = arith.constant 0 : i32
    %add3A_8 = arith.addi %mul3A_6, %add3A_7 : i32
    %dma_start3A = arith.constant 0 : i32
    %dma_start3A_9 = tpu.memref_slice %arg2[%add3A_8, %dma_start3A] : memref<320000x16xf32, #tpu.memory_space<hbm>> -> memref<40x16xf32, #tpu.memory_space<hbm>>
    %dma_start3A_10 = arith.constant 0 : i32
    %dma_start3A_11 = tpu.memref_slice %arg2[%add3A_8, %dma_start3A_10] : memref<320000x16xf32, #tpu.memory_space<hbm>> -> memref<40x16xf32, #tpu.memory_space<hbm>>
    tpu.enqueue_dma source(%dma_start3A_11 : memref<40x16xf32, #tpu.memory_space<hbm>>) target(%arg8 : memref<40x16xf32, #tpu.memory_space<vmem>>) target_semaphore(%arg10 : memref<!tpu.dma_semaphore, #tpu.memory_space<semaphore_mem>>)
    %scan3A = arith.constant 0 : i32
    %scan3A_12 = arith.constant 0 : i32
    %scan3A_13 = arith.constant 125 : i32
    %scan3A_14 = arith.addi %scan3A_12, %scan3A_13 : i32
    %scan3A_15 = arith.constant 1 : i32
    scf.for %scan3A_35 = %scan3A_12 to %scan3A_14 step %scan3A_15  : i32 {
      %mul3A_36 = arith.constant 2 : i32
      %mul3A_37 = arith.muli %mul3A_36, %scan3A_35 : i32
      %add3A_38 = arith.constant 1 : i32
      %add3A_39 = arith.addi %mul3A_37, %add3A_38 : i32
      %gt3A = arith.constant 0 : i32
      %gt3A_40 = arith.cmpi sgt, %scan3A_35, %gt3A : i32
      %convert_element_type3A = arith.extui %gt3A_40 : i1 to i32
      %cond3A = arith.constant 0 : i32
      %cond3A_41 = arith.cmpi ne, %convert_element_type3A, %cond3A : i32
      scf.if %cond3A_41 {
        %dma_wait3A_83 = arith.constant 1 : i32
        %dma_wait3A_84 = arith.constant 0 : i32
        %dma_wait3A_85 = tpu.memref_slice %arg7[%dma_wait3A_83, %dma_wait3A_84] : memref<2x40xi32, #tpu.memory_space<vmem>> -> memref<1x40xi32, #tpu.memory_space<vmem>>
        %dma_wait3A_86 = tpu.memref_squeeze %dma_wait3A_85 : memref<1x40xi32, #tpu.memory_space<vmem>> -> memref<40xi32, #tpu.memory_space<vmem>>
        %dma_wait3A_87 = arith.constant 0 : i32
        %dma_wait3A_88 = arith.constant 0 : i32
        %dma_wait3A_89 = tpu.memref_slice %arg14[%dma_wait3A_87, %dma_wait3A_88] : memref<10000x16xf32, #tpu.memory_space<vmem_shared>> -> memref<10000x16xf32, #tpu.memory_space<vmem_shared>>
        tpu.wait_indirect_dma semaphore(%arg13 : memref<!tpu.dma_semaphore, #tpu.memory_space<semaphore_mem>>) src(%arg9 : memref<40x16xf32, #tpu.memory_space<vmem>>) dst(%dma_wait3A_89 : memref<10000x16xf32, #tpu.memory_space<vmem_shared>>)
      } else {
      }
      "tpu.region"() ({
        %run_scoped3A_83 = tpu.sem_alloc : memref<!tpu.dma_semaphore, #tpu.memory_space<semaphore_mem>>
        %dma_start3A_84 = arith.constant 0 : i32
        %dma_start3A_85 = arith.constant 0 : i32
        %dma_start3A_86 = tpu.memref_slice %arg3[%add3A, %add3A_39, %dma_start3A_84, %dma_start3A_85] : memref<32x250x2x40xi32, #tpu.memory_space<hbm>> -> memref<1x1x2x40xi32, #tpu.memory_space<hbm>>
        %dma_start3A_87 = tpu.memref_squeeze %dma_start3A_86 : memref<1x1x2x40xi32, #tpu.memory_space<hbm>> -> memref<2x40xi32, #tpu.memory_space<hbm>>
        %dma_start3A_88 = arith.constant 0 : i32
        %dma_start3A_89 = arith.constant 0 : i32
        %dma_start3A_90 = tpu.memref_slice %arg3[%add3A, %add3A_39, %dma_start3A_88, %dma_start3A_89] : memref<32x250x2x40xi32, #tpu.memory_space<hbm>> -> memref<1x1x2x40xi32, #tpu.memory_space<hbm>>
        %dma_start3A_91 = tpu.memref_squeeze %dma_start3A_90 : memref<1x1x2x40xi32, #tpu.memory_space<hbm>> -> memref<2x40xi32, #tpu.memory_space<hbm>>
        tpu.enqueue_dma source(%dma_start3A_91 : memref<2x40xi32, #tpu.memory_space<hbm>>) target(%arg7 : memref<2x40xi32, #tpu.memory_space<vmem>>) target_semaphore(%run_scoped3A_83 : memref<!tpu.dma_semaphore, #tpu.memory_space<semaphore_mem>>)
        %dma_wait3A_92 = arith.constant 0 : i32
        %dma_wait3A_93 = arith.constant 0 : i32
        %dma_wait3A_94 = tpu.memref_slice %arg3[%add3A, %add3A_39, %dma_wait3A_92, %dma_wait3A_93] : memref<32x250x2x40xi32, #tpu.memory_space<hbm>> -> memref<1x1x2x40xi32, #tpu.memory_space<hbm>>
        %dma_wait3A_95 = tpu.memref_squeeze %dma_wait3A_94 : memref<1x1x2x40xi32, #tpu.memory_space<hbm>> -> memref<2x40xi32, #tpu.memory_space<hbm>>
        %dma_wait3A_96 = arith.constant 0 : i32
        %dma_wait3A_97 = arith.constant 0 : i32
        %dma_wait3A_98 = tpu.memref_slice %arg3[%add3A, %add3A_39, %dma_wait3A_96, %dma_wait3A_97] : memref<32x250x2x40xi32, #tpu.memory_space<hbm>> -> memref<1x1x2x40xi32, #tpu.memory_space<hbm>>
        %dma_wait3A_99 = tpu.memref_squeeze %dma_wait3A_98 : memref<1x1x2x40xi32, #tpu.memory_space<hbm>> -> memref<2x40xi32, #tpu.memory_space<hbm>>
        tpu.wait_dma2 semaphore(%run_scoped3A_83 : memref<!tpu.dma_semaphore, #tpu.memory_space<semaphore_mem>>) src(%dma_wait3A_99 : memref<2x40xi32, #tpu.memory_space<hbm>>) dst(%arg7 : memref<2x40xi32, #tpu.memory_space<vmem>>)
        tpu.yield
      }) : () -> ()
      %mul3A_42 = arith.constant 40 : i32
      %mul3A_43 = arith.muli %add3A_39, %mul3A_42 : i32
      %add3A_44 = arith.addi %mul3A_6, %mul3A_43 : i32
      %dma_start3A_45 = arith.constant 0 : i32
      %dma_start3A_46 = tpu.memref_slice %arg2[%add3A_44, %dma_start3A_45] : memref<320000x16xf32, #tpu.memory_space<hbm>> -> memref<40x16xf32, #tpu.memory_space<hbm>>
      %dma_start3A_47 = arith.constant 0 : i32
      %dma_start3A_48 = tpu.memref_slice %arg2[%add3A_44, %dma_start3A_47] : memref<320000x16xf32, #tpu.memory_space<hbm>> -> memref<40x16xf32, #tpu.memory_space<hbm>>
      tpu.enqueue_dma source(%dma_start3A_48 : memref<40x16xf32, #tpu.memory_space<hbm>>) target(%arg9 : memref<40x16xf32, #tpu.memory_space<vmem>>) target_semaphore(%arg11 : memref<!tpu.dma_semaphore, #tpu.memory_space<semaphore_mem>>)
      %mul3A_49 = arith.constant 40 : i32
      %mul3A_50 = arith.muli %mul3A_37, %mul3A_49 : i32
      %add3A_51 = arith.addi %mul3A_6, %mul3A_50 : i32
      %dma_wait3A_52 = arith.constant 0 : i32
      %dma_wait3A_53 = tpu.memref_slice %arg2[%add3A_51, %dma_wait3A_52] : memref<320000x16xf32, #tpu.memory_space<hbm>> -> memref<40x16xf32, #tpu.memory_space<hbm>>
      %dma_wait3A_54 = arith.constant 0 : i32
      %dma_wait3A_55 = tpu.memref_slice %arg2[%add3A_51, %dma_wait3A_54] : memref<320000x16xf32, #tpu.memory_space<hbm>> -> memref<40x16xf32, #tpu.memory_space<hbm>>
      tpu.wait_dma2 semaphore(%arg10 : memref<!tpu.dma_semaphore, #tpu.memory_space<semaphore_mem>>) src(%dma_wait3A_55 : memref<40x16xf32, #tpu.memory_space<hbm>>) dst(%arg8 : memref<40x16xf32, #tpu.memory_space<vmem>>)
      %dma_start3A_56 = arith.constant 1 : i32
      %dma_start3A_57 = arith.constant 0 : i32
      %dma_start3A_58 = tpu.memref_slice %arg6[%dma_start3A_56, %dma_start3A_57] : memref<2x40xi32, #tpu.memory_space<vmem>> -> memref<1x40xi32, #tpu.memory_space<vmem>>
      %dma_start3A_59 = tpu.memref_squeeze %dma_start3A_58 : memref<1x40xi32, #tpu.memory_space<vmem>> -> memref<40xi32, #tpu.memory_space<vmem>>
      %dma_start3A_60 = arith.constant 0 : i32
      %dma_start3A_61 = arith.constant 0 : i32
      %dma_start3A_62 = tpu.memref_slice %arg14[%dma_start3A_60, %dma_start3A_61] : memref<10000x16xf32, #tpu.memory_space<vmem_shared>> -> memref<10000x16xf32, #tpu.memory_space<vmem_shared>>
      tpu.enqueue_indirect_dma source(%arg8 : memref<40x16xf32, #tpu.memory_space<vmem>>) target(%dma_start3A_62 : memref<10000x16xf32, #tpu.memory_space<vmem_shared>>) offsets(%dma_start3A_59 : memref<40xi32, #tpu.memory_space<vmem>>) semaphore(%arg12 : memref<!tpu.dma_semaphore, #tpu.memory_space<semaphore_mem>>) {add = true}
      %lt3A = arith.constant 124 : i32
      %lt3A_63 = arith.cmpi slt, %scan3A_35, %lt3A : i32
      %convert_element_type3A_64 = arith.extui %lt3A_63 : i1 to i32
      %cond3A_65 = arith.constant 0 : i32
      %cond3A_66 = arith.cmpi ne, %convert_element_type3A_64, %cond3A_65 : i32
      scf.if %cond3A_66 {
        %add3A_83 = arith.constant 2 : i32
        %add3A_84 = arith.addi %mul3A_37, %add3A_83 : i32
        %dma_wait3A_85 = arith.constant 1 : i32
        %dma_wait3A_86 = arith.constant 0 : i32
        %dma_wait3A_87 = tpu.memref_slice %arg6[%dma_wait3A_85, %dma_wait3A_86] : memref<2x40xi32, #tpu.memory_space<vmem>> -> memref<1x40xi32, #tpu.memory_space<vmem>>
        %dma_wait3A_88 = tpu.memref_squeeze %dma_wait3A_87 : memref<1x40xi32, #tpu.memory_space<vmem>> -> memref<40xi32, #tpu.memory_space<vmem>>
        %dma_wait3A_89 = arith.constant 0 : i32
        %dma_wait3A_90 = arith.constant 0 : i32
        %dma_wait3A_91 = tpu.memref_slice %arg14[%dma_wait3A_89, %dma_wait3A_90] : memref<10000x16xf32, #tpu.memory_space<vmem_shared>> -> memref<10000x16xf32, #tpu.memory_space<vmem_shared>>
        tpu.wait_indirect_dma semaphore(%arg12 : memref<!tpu.dma_semaphore, #tpu.memory_space<semaphore_mem>>) src(%arg8 : memref<40x16xf32, #tpu.memory_space<vmem>>) dst(%dma_wait3A_91 : memref<10000x16xf32, #tpu.memory_space<vmem_shared>>)
        "tpu.region"() ({
          %run_scoped3A_99 = tpu.sem_alloc : memref<!tpu.dma_semaphore, #tpu.memory_space<semaphore_mem>>
          %dma_start3A_100 = arith.constant 0 : i32
          %dma_start3A_101 = arith.constant 0 : i32
          %dma_start3A_102 = tpu.memref_slice %arg3[%add3A, %add3A_84, %dma_start3A_100, %dma_start3A_101] : memref<32x250x2x40xi32, #tpu.memory_space<hbm>> -> memref<1x1x2x40xi32, #tpu.memory_space<hbm>>
          %dma_start3A_103 = tpu.memref_squeeze %dma_start3A_102 : memref<1x1x2x40xi32, #tpu.memory_space<hbm>> -> memref<2x40xi32, #tpu.memory_space<hbm>>
          %dma_start3A_104 = arith.constant 0 : i32
          %dma_start3A_105 = arith.constant 0 : i32
          %dma_start3A_106 = tpu.memref_slice %arg3[%add3A, %add3A_84, %dma_start3A_104, %dma_start3A_105] : memref<32x250x2x40xi32, #tpu.memory_space<hbm>> -> memref<1x1x2x40xi32, #tpu.memory_space<hbm>>
          %dma_start3A_107 = tpu.memref_squeeze %dma_start3A_106 : memref<1x1x2x40xi32, #tpu.memory_space<hbm>> -> memref<2x40xi32, #tpu.memory_space<hbm>>
          tpu.enqueue_dma source(%dma_start3A_107 : memref<2x40xi32, #tpu.memory_space<hbm>>) target(%arg6 : memref<2x40xi32, #tpu.memory_space<vmem>>) target_semaphore(%run_scoped3A_99 : memref<!tpu.dma_semaphore, #tpu.memory_space<semaphore_mem>>)
          %dma_wait3A_108 = arith.constant 0 : i32
          %dma_wait3A_109 = arith.constant 0 : i32
          %dma_wait3A_110 = tpu.memref_slice %arg3[%add3A, %add3A_84, %dma_wait3A_108, %dma_wait3A_109] : memref<32x250x2x40xi32, #tpu.memory_space<hbm>> -> memref<1x1x2x40xi32, #tpu.memory_space<hbm>>
          %dma_wait3A_111 = tpu.memref_squeeze %dma_wait3A_110 : memref<1x1x2x40xi32, #tpu.memory_space<hbm>> -> memref<2x40xi32, #tpu.memory_space<hbm>>
          %dma_wait3A_112 = arith.constant 0 : i32
          %dma_wait3A_113 = arith.constant 0 : i32
          %dma_wait3A_114 = tpu.memref_slice %arg3[%add3A, %add3A_84, %dma_wait3A_112, %dma_wait3A_113] : memref<32x250x2x40xi32, #tpu.memory_space<hbm>> -> memref<1x1x2x40xi32, #tpu.memory_space<hbm>>
          %dma_wait3A_115 = tpu.memref_squeeze %dma_wait3A_114 : memref<1x1x2x40xi32, #tpu.memory_space<hbm>> -> memref<2x40xi32, #tpu.memory_space<hbm>>
          tpu.wait_dma2 semaphore(%run_scoped3A_99 : memref<!tpu.dma_semaphore, #tpu.memory_space<semaphore_mem>>) src(%dma_wait3A_115 : memref<2x40xi32, #tpu.memory_space<hbm>>) dst(%arg6 : memref<2x40xi32, #tpu.memory_space<vmem>>)
          tpu.yield
        }) : () -> ()
        %mul3A_92 = arith.constant 40 : i32
        %mul3A_93 = arith.muli %add3A_84, %mul3A_92 : i32
        %add3A_94 = arith.addi %mul3A_6, %mul3A_93 : i32
        %dma_start3A_95 = arith.constant 0 : i32
        %dma_start3A_96 = tpu.memref_slice %arg2[%add3A_94, %dma_start3A_95] : memref<320000x16xf32, #tpu.memory_space<hbm>> -> memref<40x16xf32, #tpu.memory_space<hbm>>
        %dma_start3A_97 = arith.constant 0 : i32
        %dma_start3A_98 = tpu.memref_slice %arg2[%add3A_94, %dma_start3A_97] : memref<320000x16xf32, #tpu.memory_space<hbm>> -> memref<40x16xf32, #tpu.memory_space<hbm>>
        tpu.enqueue_dma source(%dma_start3A_98 : memref<40x16xf32, #tpu.memory_space<hbm>>) target(%arg8 : memref<40x16xf32, #tpu.memory_space<vmem>>) target_semaphore(%arg10 : memref<!tpu.dma_semaphore, #tpu.memory_space<semaphore_mem>>)
      } else {
      }
      %add3A_67 = arith.constant 1 : i32
      %add3A_68 = arith.addi %mul3A_37, %add3A_67 : i32
      %mul3A_69 = arith.constant 40 : i32
      %mul3A_70 = arith.muli %add3A_68, %mul3A_69 : i32
      %add3A_71 = arith.addi %mul3A_6, %mul3A_70 : i32
      %dma_wait3A_72 = arith.constant 0 : i32
      %dma_wait3A_73 = tpu.memref_slice %arg2[%add3A_71, %dma_wait3A_72] : memref<320000x16xf32, #tpu.memory_space<hbm>> -> memref<40x16xf32, #tpu.memory_space<hbm>>
      %dma_wait3A_74 = arith.constant 0 : i32
      %dma_wait3A_75 = tpu.memref_slice %arg2[%add3A_71, %dma_wait3A_74] : memref<320000x16xf32, #tpu.memory_space<hbm>> -> memref<40x16xf32, #tpu.memory_space<hbm>>
      tpu.wait_dma2 semaphore(%arg11 : memref<!tpu.dma_semaphore, #tpu.memory_space<semaphore_mem>>) src(%dma_wait3A_75 : memref<40x16xf32, #tpu.memory_space<hbm>>) dst(%arg9 : memref<40x16xf32, #tpu.memory_space<vmem>>)
      %dma_start3A_76 = arith.constant 1 : i32
      %dma_start3A_77 = arith.constant 0 : i32
      %dma_start3A_78 = tpu.memref_slice %arg7[%dma_start3A_76, %dma_start3A_77] : memref<2x40xi32, #tpu.memory_space<vmem>> -> memref<1x40xi32, #tpu.memory_space<vmem>>
      %dma_start3A_79 = tpu.memref_squeeze %dma_start3A_78 : memref<1x40xi32, #tpu.memory_space<vmem>> -> memref<40xi32, #tpu.memory_space<vmem>>
      %dma_start3A_80 = arith.constant 0 : i32
      %dma_start3A_81 = arith.constant 0 : i32
      %dma_start3A_82 = tpu.memref_slice %arg14[%dma_start3A_80, %dma_start3A_81] : memref<10000x16xf32, #tpu.memory_space<vmem_shared>> -> memref<10000x16xf32, #tpu.memory_space<vmem_shared>>
      tpu.enqueue_indirect_dma source(%arg9 : memref<40x16xf32, #tpu.memory_space<vmem>>) target(%dma_start3A_82 : memref<10000x16xf32, #tpu.memory_space<vmem_shared>>) offsets(%dma_start3A_79 : memref<40xi32, #tpu.memory_space<vmem>>) semaphore(%arg13 : memref<!tpu.dma_semaphore, #tpu.memory_space<semaphore_mem>>) {add = true}
    }
    %scan3A_16 = arith.constant 125 : i32
    %dma_wait3A = arith.constant 1 : i32
    %dma_wait3A_17 = arith.constant 0 : i32
    %dma_wait3A_18 = tpu.memref_slice %arg6[%dma_wait3A, %dma_wait3A_17] : memref<2x40xi32, #tpu.memory_space<vmem>> -> memref<1x40xi32, #tpu.memory_space<vmem>>
    %dma_wait3A_19 = tpu.memref_squeeze %dma_wait3A_18 : memref<1x40xi32, #tpu.memory_space<vmem>> -> memref<40xi32, #tpu.memory_space<vmem>>
    %dma_wait3A_20 = arith.constant 0 : i32
    %dma_wait3A_21 = arith.constant 0 : i32
    %dma_wait3A_22 = tpu.memref_slice %arg14[%dma_wait3A_20, %dma_wait3A_21] : memref<10000x16xf32, #tpu.memory_space<vmem_shared>> -> memref<10000x16xf32, #tpu.memory_space<vmem_shared>>
    tpu.wait_indirect_dma semaphore(%arg12 : memref<!tpu.dma_semaphore, #tpu.memory_space<semaphore_mem>>) src(%arg8 : memref<40x16xf32, #tpu.memory_space<vmem>>) dst(%dma_wait3A_22 : memref<10000x16xf32, #tpu.memory_space<vmem_shared>>)
    %dma_wait3A_23 = arith.constant 1 : i32
    %dma_wait3A_24 = arith.constant 0 : i32
    %dma_wait3A_25 = tpu.memref_slice %arg7[%dma_wait3A_23, %dma_wait3A_24] : memref<2x40xi32, #tpu.memory_space<vmem>> -> memref<1x40xi32, #tpu.memory_space<vmem>>
    %dma_wait3A_26 = tpu.memref_squeeze %dma_wait3A_25 : memref<1x40xi32, #tpu.memory_space<vmem>> -> memref<40xi32, #tpu.memory_space<vmem>>
    %dma_wait3A_27 = arith.constant 0 : i32
    %dma_wait3A_28 = arith.constant 0 : i32
    %dma_wait3A_29 = tpu.memref_slice %arg14[%dma_wait3A_27, %dma_wait3A_28] : memref<10000x16xf32, #tpu.memory_space<vmem_shared>> -> memref<10000x16xf32, #tpu.memory_space<vmem_shared>>
    tpu.wait_indirect_dma semaphore(%arg13 : memref<!tpu.dma_semaphore, #tpu.memory_space<semaphore_mem>>) src(%arg9 : memref<40x16xf32, #tpu.memory_space<vmem>>) dst(%dma_wait3A_29 : memref<10000x16xf32, #tpu.memory_space<vmem_shared>>)
    %barrier3A_30 = arith.constant 0 : index
    tpu.barrier barrier_id(%barrier3A_30)
    %mul3A_31 = arith.constant 625 : i32
    %mul3A_32 = arith.muli %arg1, %mul3A_31 : i32
    %mul3A_33 = arith.constant 625 : i32
    %mul3A_34 = arith.muli %arg1, %mul3A_33 : i32
    "tpu.region"() ({
      %run_scoped3A_35 = tpu.sem_alloc : memref<!tpu.dma_semaphore, #tpu.memory_space<semaphore_mem>>
      %dma_start3A_36 = arith.constant 0 : i32
      %dma_start3A_37 = tpu.memref_slice %arg5[%arg0, %mul3A_34, %dma_start3A_36] : memref<2x10000x16xf32, #tpu.memory_space<hbm>> -> memref<1x625x16xf32, #tpu.memory_space<hbm>>
      %dma_start3A_38 = tpu.memref_squeeze %dma_start3A_37 : memref<1x625x16xf32, #tpu.memory_space<hbm>> -> memref<625x16xf32, #tpu.memory_space<hbm>>
      %dma_start3A_39 = arith.constant 0 : i32
      %dma_start3A_40 = tpu.memref_slice %arg14[%mul3A_32, %dma_start3A_39] : memref<10000x16xf32, #tpu.memory_space<vmem_shared>> -> memref<625x16xf32, #tpu.memory_space<vmem_shared>>
      tpu.enqueue_dma source(%dma_start3A_40 : memref<625x16xf32, #tpu.memory_space<vmem_shared>>) target(%dma_start3A_38 : memref<625x16xf32, #tpu.memory_space<hbm>>) target_semaphore(%run_scoped3A_35 : memref<!tpu.dma_semaphore, #tpu.memory_space<semaphore_mem>>)
      %dma_wait3A_41 = arith.constant 0 : i32
      %dma_wait3A_42 = tpu.memref_slice %arg5[%arg0, %mul3A_34, %dma_wait3A_41] : memref<2x10000x16xf32, #tpu.memory_space<hbm>> -> memref<1x625x16xf32, #tpu.memory_space<hbm>>
      %dma_wait3A_43 = tpu.memref_squeeze %dma_wait3A_42 : memref<1x625x16xf32, #tpu.memory_space<hbm>> -> memref<625x16xf32, #tpu.memory_space<hbm>>
      %dma_wait3A_44 = arith.constant 0 : i32
      %dma_wait3A_45 = tpu.memref_slice %arg14[%mul3A_32, %dma_wait3A_44] : memref<10000x16xf32, #tpu.memory_space<vmem_shared>> -> memref<625x16xf32, #tpu.memory_space<vmem_shared>>
      tpu.wait_dma2 semaphore(%run_scoped3A_35 : memref<!tpu.dma_semaphore, #tpu.memory_space<semaphore_mem>>) src(%dma_wait3A_45 : memref<625x16xf32, #tpu.memory_space<vmem_shared>>) dst(%dma_wait3A_43 : memref<625x16xf32, #tpu.memory_space<hbm>>)
      tpu.yield
    }) : () -> ()
    return
  }
}

module attributes {stable_mosaic.version = 14 : i64} {
  func.func @_cart_body(%arg0: i32, %arg1: memref<2000x3xf32, #tpu.memory_space<vmem>>, %arg2: memref<2000x3xf32, #tpu.memory_space<vmem>>, %arg3: memref<2000x3xf32, #tpu.memory_space<vmem>>, %arg4: memref<2000x16xf32, #tpu.memory_space<vmem>>) attributes {dimension_semantics = [#tpu.dimension_semantics<arbitrary>], iteration_bounds = array<i64: 5>, scalar_prefetch = 0 : i64, scratch_operands = 0 : i64, tpu.core_type = #tpu.core_type<tc>, window_params = [{transform_indices = @transform_0, window_bounds = array<i64: 2000, 3>}, {transform_indices = @transform_1, window_bounds = array<i64: 2000, 3>}, {transform_indices = @transform_2, window_bounds = array<i64: 2000, 3>}, {transform_indices = @transform_3, window_bounds = array<i64: 2000, 16>}]} {
    %get3A = arith.constant 0 : index
    %get3A_0 = arith.constant 0 : index
    %get3A_1 = vector.load %arg1[%get3A, %get3A_0] : memref<2000x3xf32, #tpu.memory_space<vmem>>, vector<2000x3xf32>
    %floor3A = math.floor %get3A_1 : vector<2000x3xf32>
    %sub3A = arith.subf %get3A_1, %floor3A : vector<2000x3xf32>
    %get3A_2 = arith.constant 0 : index
    %get3A_3 = arith.constant 0 : index
    %get3A_4 = vector.load %arg2[%get3A_2, %get3A_3] : memref<2000x3xf32, #tpu.memory_space<vmem>>, vector<2000x3xf32>
    %get3A_5 = arith.constant 0 : index
    %get3A_6 = arith.constant 0 : index
    %get3A_7 = vector.load %arg3[%get3A_5, %get3A_6] : memref<2000x3xf32, #tpu.memory_space<vmem>>, vector<2000x3xf32>
    %mul3A = arith.constant 0.0174532924 : f32
    %mul3A_8 = vector.broadcast %mul3A : f32 to vector<2000x3xf32>
    %mul3A_9 = arith.mulf %get3A_7, %mul3A_8 : vector<2000x3xf32>
    %slice3A = vector.extract_strided_slice %mul3A_9 {offsets = [0, 0], sizes = [2000, 1], strides = [1, 1]} : vector<2000x3xf32> to vector<2000x1xf32>
    %cos3A = math.cos %slice3A : vector<2000x1xf32>
    %slice3A_10 = vector.extract_strided_slice %mul3A_9 {offsets = [0, 1], sizes = [2000, 1], strides = [1, 1]} : vector<2000x3xf32> to vector<2000x1xf32>
    %cos3A_11 = math.cos %slice3A_10 : vector<2000x1xf32>
    %slice3A_12 = vector.extract_strided_slice %mul3A_9 {offsets = [0, 2], sizes = [2000, 1], strides = [1, 1]} : vector<2000x3xf32> to vector<2000x1xf32>
    %cos3A_13 = math.cos %slice3A_12 : vector<2000x1xf32>
    %slice3A_14 = vector.extract_strided_slice %mul3A_9 {offsets = [0, 2], sizes = [2000, 1], strides = [1, 1]} : vector<2000x3xf32> to vector<2000x1xf32>
    %sin3A = math.sin %slice3A_14 : vector<2000x1xf32>
    %slice3A_15 = vector.extract_strided_slice %get3A_4 {offsets = [0, 0], sizes = [2000, 1], strides = [1, 1]} : vector<2000x3xf32> to vector<2000x1xf32>
    %slice3A_16 = vector.extract_strided_slice %get3A_4 {offsets = [0, 1], sizes = [2000, 1], strides = [1, 1]} : vector<2000x3xf32> to vector<2000x1xf32>
    %slice3A_17 = vector.extract_strided_slice %get3A_4 {offsets = [0, 2], sizes = [2000, 1], strides = [1, 1]} : vector<2000x3xf32> to vector<2000x1xf32>
    %mul3A_18 = arith.mulf %cos3A_11, %cos3A_13 : vector<2000x1xf32>
    %sub3A_19 = arith.subf %cos3A, %mul3A_18 : vector<2000x1xf32>
    %div3A = arith.divf %sub3A_19, %sin3A : vector<2000x1xf32>
    %mul3A_20 = arith.mulf %cos3A_11, %cos3A_11 : vector<2000x1xf32>
    %sub3A_21 = arith.constant 1.000000e+00 : f32
    %sub3A_22 = vector.broadcast %sub3A_21 : f32 to vector<2000x1xf32>
    %sub3A_23 = arith.subf %sub3A_22, %mul3A_20 : vector<2000x1xf32>
    %mul3A_24 = arith.mulf %div3A, %div3A : vector<2000x1xf32>
    %sub3A_25 = arith.subf %sub3A_23, %mul3A_24 : vector<2000x1xf32>
    %max3A = arith.constant 9.99999997E-7 : f32
    %max3A_26 = vector.broadcast %max3A : f32 to vector<2000x1xf32>
    %max3A_27 = arith.maximumf %sub3A_25, %max3A_26 : vector<2000x1xf32>
    %sqrt3A = math.sqrt %max3A_27 : vector<2000x1xf32>
    %slice3A_28 = vector.extract_strided_slice %sub3A {offsets = [0, 0], sizes = [2000, 1], strides = [1, 1]} : vector<2000x3xf32> to vector<2000x1xf32>
    %convert_element_type3A = arith.truncf %slice3A_28 : vector<2000x1xf32> to vector<2000x1xbf16>
    %convert_element_type3A_29 = arith.extf %convert_element_type3A : vector<2000x1xbf16> to vector<2000x1xf32>
    %slice3A_30 = vector.extract_strided_slice %sub3A {offsets = [0, 1], sizes = [2000, 1], strides = [1, 1]} : vector<2000x3xf32> to vector<2000x1xf32>
    %convert_element_type3A_31 = arith.truncf %slice3A_30 : vector<2000x1xf32> to vector<2000x1xbf16>
    %convert_element_type3A_32 = arith.extf %convert_element_type3A_31 : vector<2000x1xbf16> to vector<2000x1xf32>
    %slice3A_33 = vector.extract_strided_slice %sub3A {offsets = [0, 2], sizes = [2000, 1], strides = [1, 1]} : vector<2000x3xf32> to vector<2000x1xf32>
    %convert_element_type3A_34 = arith.truncf %slice3A_33 : vector<2000x1xf32> to vector<2000x1xbf16>
    %convert_element_type3A_35 = arith.extf %convert_element_type3A_34 : vector<2000x1xbf16> to vector<2000x1xf32>
    %convert_element_type3A_36 = arith.truncf %slice3A_15 : vector<2000x1xf32> to vector<2000x1xbf16>
    %convert_element_type3A_37 = arith.extf %convert_element_type3A_36 : vector<2000x1xbf16> to vector<2000x1xf32>
    %mul3A_38 = arith.mulf %slice3A_16, %cos3A_13 : vector<2000x1xf32>
    %convert_element_type3A_39 = arith.truncf %mul3A_38 : vector<2000x1xf32> to vector<2000x1xbf16>
    %convert_element_type3A_40 = arith.extf %convert_element_type3A_39 : vector<2000x1xbf16> to vector<2000x1xf32>
    %mul3A_41 = arith.mulf %slice3A_17, %cos3A_11 : vector<2000x1xf32>
    %convert_element_type3A_42 = arith.truncf %mul3A_41 : vector<2000x1xf32> to vector<2000x1xbf16>
    %convert_element_type3A_43 = arith.extf %convert_element_type3A_42 : vector<2000x1xbf16> to vector<2000x1xf32>
    %mul3A_44 = arith.mulf %slice3A_16, %sin3A : vector<2000x1xf32>
    %convert_element_type3A_45 = arith.truncf %mul3A_44 : vector<2000x1xf32> to vector<2000x1xbf16>
    %convert_element_type3A_46 = arith.extf %convert_element_type3A_45 : vector<2000x1xbf16> to vector<2000x1xf32>
    %mul3A_47 = arith.mulf %slice3A_17, %div3A : vector<2000x1xf32>
    %convert_element_type3A_48 = arith.truncf %mul3A_47 : vector<2000x1xf32> to vector<2000x1xbf16>
    %convert_element_type3A_49 = arith.extf %convert_element_type3A_48 : vector<2000x1xbf16> to vector<2000x1xf32>
    %mul3A_50 = arith.mulf %slice3A_17, %sqrt3A : vector<2000x1xf32>
    %convert_element_type3A_51 = arith.truncf %mul3A_50 : vector<2000x1xf32> to vector<2000x1xbf16>
    %convert_element_type3A_52 = arith.extf %convert_element_type3A_51 : vector<2000x1xbf16> to vector<2000x1xf32>
    %mul3A_53 = arith.mulf %convert_element_type3A_29, %convert_element_type3A_37 : vector<2000x1xf32>
    %mul3A_54 = arith.mulf %convert_element_type3A_32, %convert_element_type3A_40 : vector<2000x1xf32>
    %add3A = arith.addf %mul3A_53, %mul3A_54 : vector<2000x1xf32>
    %mul3A_55 = arith.mulf %convert_element_type3A_35, %convert_element_type3A_43 : vector<2000x1xf32>
    %add3A_56 = arith.addf %add3A, %mul3A_55 : vector<2000x1xf32>
    %mul3A_57 = arith.mulf %convert_element_type3A_32, %convert_element_type3A_46 : vector<2000x1xf32>
    %mul3A_58 = arith.mulf %convert_element_type3A_35, %convert_element_type3A_49 : vector<2000x1xf32>
    %add3A_59 = arith.addf %mul3A_57, %mul3A_58 : vector<2000x1xf32>
    %mul3A_60 = arith.mulf %convert_element_type3A_35, %convert_element_type3A_52 : vector<2000x1xf32>
    %broadcast_in_dim3A = arith.constant 0.000000e+00 : f32
    %broadcast_in_dim3A_61 = vector.broadcast %broadcast_in_dim3A : f32 to vector<2000x13xf32>
    %concatenate3A = tpu.concatenate %add3A_56, %add3A_59, %mul3A_60, %broadcast_in_dim3A_61 in 1 : vector<2000x1xf32>, vector<2000x1xf32>, vector<2000x1xf32>, vector<2000x13xf32> -> vector<2000x16xf32>
    %swap3A = arith.constant 0 : index
    %swap3A_62 = arith.constant 0 : index
    %swap3A_63 = vector.load %arg4[%swap3A, %swap3A_62] : memref<2000x16xf32, #tpu.memory_space<vmem>>, vector<2000x16xf32>
    tpu.vector_store %arg4[%swap3A, %swap3A_62], %concatenate3A {strides = array<i32>} : memref<2000x16xf32, #tpu.memory_space<vmem>>, vector<2000x16xf32>,
    return
  }
  func.func @transform_0(%arg0: i32) -> (i32, i32) {
    %c0_i32 = arith.constant 0 : i32
    %c0_i32_0 = arith.constant 0 : i32
    return %arg0, %c0_i32 : i32, i32
  }
  func.func @transform_1(%arg0: i32) -> (i32, i32) {
    %c0_i32 = arith.constant 0 : i32
    %c0_i32_0 = arith.constant 0 : i32
    return %arg0, %c0_i32 : i32, i32
  }
  func.func @transform_2(%arg0: i32) -> (i32, i32) {
    %c0_i32 = arith.constant 0 : i32
    %c0_i32_0 = arith.constant 0 : i32
    return %arg0, %c0_i32 : i32, i32
  }
  func.func @transform_3(%arg0: i32) -> (i32, i32) {
    %c0_i32 = arith.constant 0 : i32
    %c0_i32_0 = arith.constant 0 : i32
    return %arg0, %c0_i32 : i32, i32
  }
}

module attributes {stable_mosaic.version = 14 : i64} {
  func.func @_proj_body(%arg0: i32, %arg1: memref<2000x128xf32, #tpu.memory_space<vmem>>, %arg2: memref<128x128xf32, #tpu.memory_space<vmem>>, %arg3: memref<128x128xf32, #tpu.memory_space<vmem>>, %arg4: memref<2000x128xf32, #tpu.memory_space<vmem>>, %arg5: memref<2000x128xf32, #tpu.memory_space<vmem>>) attributes {dimension_semantics = [#tpu.dimension_semantics<arbitrary>], iteration_bounds = array<i64: 5>, scalar_prefetch = 0 : i64, scratch_operands = 0 : i64, tpu.core_type = #tpu.core_type<tc>, window_params = [{transform_indices = @transform_0, window_bounds = array<i64: 2000, 128>}, {pipeline_mode = #tpu.pipeline_mode<synchronous>, transform_indices = @transform_1, window_bounds = array<i64: 128, 128>}, {pipeline_mode = #tpu.pipeline_mode<synchronous>, transform_indices = @transform_2, window_bounds = array<i64: 128, 128>}, {transform_indices = @transform_3, window_bounds = array<i64: 2000, 128>}, {transform_indices = @transform_4, window_bounds = array<i64: 2000, 128>}]} {
    %get3A = arith.constant 0 : index
    %get3A_0 = arith.constant 0 : index
    %get3A_1 = vector.load %arg1[%get3A, %get3A_0] : memref<2000x128xf32, #tpu.memory_space<vmem>>, vector<2000x128xf32>
    %get3A_2 = arith.constant 0 : index
    %get3A_3 = arith.constant 0 : index
    %get3A_4 = vector.load %arg2[%get3A_2, %get3A_3] : memref<128x128xf32, #tpu.memory_space<vmem>>, vector<128x128xf32>
    %convert_element_type3A = arith.truncf %get3A_1 : vector<2000x128xf32> to vector<2000x128xbf16>
    %convert_element_type3A_5 = arith.truncf %get3A_4 : vector<128x128xf32> to vector<128x128xbf16>
    %dot_general3A = arith.constant dense<0.000000e+00> : vector<2000x128xf32>
    %dot_general3A_6 = tpu.matmul %convert_element_type3A, %convert_element_type3A_5, %dot_general3A {dimension_numbers = #tpu.dot_dimension_numbers<[1], [0], [0], [1], [0, 0, 1, 1], [], []>, transpose_lhs_hint = false} : vector<2000x128xbf16>, vector<128x128xbf16>, vector<2000x128xf32> -> vector<2000x128xf32>
    %swap3A = arith.constant 0 : index
    %swap3A_7 = arith.constant 0 : index
    %swap3A_8 = vector.load %arg4[%swap3A, %swap3A_7] : memref<2000x128xf32, #tpu.memory_space<vmem>>, vector<2000x128xf32>
    tpu.vector_store %arg4[%swap3A, %swap3A_7], %dot_general3A_6 {strides = array<i32>} : memref<2000x128xf32, #tpu.memory_space<vmem>>, vector<2000x128xf32>,
    %get3A_9 = arith.constant 0 : index
    %get3A_10 = arith.constant 0 : index
    %get3A_11 = vector.load %arg3[%get3A_9, %get3A_10] : memref<128x128xf32, #tpu.memory_space<vmem>>, vector<128x128xf32>
    %convert_element_type3A_12 = arith.truncf %get3A_1 : vector<2000x128xf32> to vector<2000x128xbf16>
    %convert_element_type3A_13 = arith.truncf %get3A_11 : vector<128x128xf32> to vector<128x128xbf16>
    %dot_general3A_14 = arith.constant dense<0.000000e+00> : vector<2000x128xf32>
    %dot_general3A_15 = tpu.matmul %convert_element_type3A_12, %convert_element_type3A_13, %dot_general3A_14 {dimension_numbers = #tpu.dot_dimension_numbers<[1], [0], [0], [1], [0, 0, 1, 1], [], []>, transpose_lhs_hint = false} : vector<2000x128xbf16>, vector<128x128xbf16>, vector<2000x128xf32> -> vector<2000x128xf32>
    %swap3A_16 = arith.constant 0 : index
    %swap3A_17 = arith.constant 0 : index
    %swap3A_18 = vector.load %arg5[%swap3A_16, %swap3A_17] : memref<2000x128xf32, #tpu.memory_space<vmem>>, vector<2000x128xf32>
    tpu.vector_store %arg5[%swap3A_16, %swap3A_17], %dot_general3A_15 {strides = array<i32>} : memref<2000x128xf32, #tpu.memory_space<vmem>>, vector<2000x128xf32>,
    return
  }
  func.func @transform_0(%arg0: i32) -> (i32, i32) {
    %c0_i32 = arith.constant 0 : i32
    %c0_i32_0 = arith.constant 0 : i32
    return %arg0, %c0_i32 : i32, i32
  }
  func.func @transform_1(%arg0: i32) -> (i32, i32) {
    %c0_i32 = arith.constant 0 : i32
    %c0_i32_0 = arith.constant 0 : i32
    %c0_i32_1 = arith.constant 0 : i32
    return %c0_i32, %c0_i32_0 : i32, i32
  }
  func.func @transform_2(%arg0: i32) -> (i32, i32) {
    %c0_i32 = arith.constant 0 : i32
    %c0_i32_0 = arith.constant 0 : i32
    %c0_i32_1 = arith.constant 0 : i32
    return %c0_i32, %c0_i32_0 : i32, i32
  }
  func.func @transform_3(%arg0: i32) -> (i32, i32) {
    %c0_i32 = arith.constant 0 : i32
    %c0_i32_0 = arith.constant 0 : i32
    return %arg0, %c0_i32 : i32, i32
  }
  func.func @transform_4(%arg0: i32) -> (i32, i32) {
    %c0_i32 = arith.constant 0 : i32
    %c0_i32_0 = arith.constant 0 : i32
    return %arg0, %c0_i32 : i32, i32
  }
}

module attributes {stable_mosaic.version = 14 : i64} {
  func.func @_geom_body(%arg0: i32, %arg1: memref<2560x16xf32, #tpu.memory_space<vmem>>, %arg2: memref<16x128xf32, #tpu.memory_space<vmem>>, %arg3: memref<1x128xf32, #tpu.memory_space<vmem>>, %arg4: memref<1x16xf32, #tpu.memory_space<vmem>>, %arg5: memref<2560x16xf32, #tpu.memory_space<vmem>>, %arg6: memref<2560x128xf32, #tpu.memory_space<vmem>>) attributes {dimension_semantics = [#tpu.dimension_semantics<arbitrary>], iteration_bounds = array<i64: 125>, scalar_prefetch = 0 : i64, scratch_operands = 0 : i64, tpu.core_type = #tpu.core_type<tc>, window_params = [{transform_indices = @transform_0, window_bounds = array<i64: 2560, 16>}, {pipeline_mode = #tpu.pipeline_mode<synchronous>, transform_indices = @transform_1, window_bounds = array<i64: 16, 128>}, {pipeline_mode = #tpu.pipeline_mode<synchronous>, transform_indices = @transform_2, window_bounds = array<i64: 1, 128>}, {pipeline_mode = #tpu.pipeline_mode<synchronous>, transform_indices = @transform_3, window_bounds = array<i64: 1, 16>}, {transform_indices = @transform_4, window_bounds = array<i64: 2560, 16>}, {transform_indices = @transform_5, window_bounds = array<i64: 2560, 128>}]} {
    %get3A = arith.constant 0 : index
    %get3A_0 = arith.constant 0 : index
    %get3A_1 = vector.load %arg1[%get3A, %get3A_0] : memref<2560x16xf32, #tpu.memory_space<vmem>>, vector<2560x16xf32>
    %mul3A = arith.mulf %get3A_1, %get3A_1 : vector<2560x16xf32>
    %reduce_sum3A = arith.constant dense<0.000000e+00> : vector<2560xf32>
    %reduce_sum3A_2 = vector.multi_reduction <add>, %mul3A, %reduce_sum3A [1] : vector<2560x16xf32> to vector<2560xf32>
    %broadcast_in_dim3A = vector.shape_cast %reduce_sum3A_2 : vector<2560xf32> to vector<2560x1xf32>
    %sqrt3A = math.sqrt %broadcast_in_dim3A : vector<2560x1xf32>
    %add3A = arith.constant 9.99999993E-9 : f32
    %add3A_3 = vector.broadcast %add3A : f32 to vector<2560x1xf32>
    %add3A_4 = arith.addf %sqrt3A, %add3A_3 : vector<2560x1xf32>
    %div3A = vector.broadcast %add3A_4 : vector<2560x1xf32> to vector<2560x16xf32>
    %div3A_5 = arith.divf %get3A_1, %div3A : vector<2560x16xf32>
    %swap3A = arith.constant 0 : index
    %swap3A_6 = arith.constant 0 : index
    %swap3A_7 = vector.load %arg5[%swap3A, %swap3A_6] : memref<2560x16xf32, #tpu.memory_space<vmem>>, vector<2560x16xf32>
    tpu.vector_store %arg5[%swap3A, %swap3A_6], %div3A_5 {strides = array<i32>} : memref<2560x16xf32, #tpu.memory_space<vmem>>, vector<2560x16xf32>,
    %get3A_8 = arith.constant 0 : index
    %get3A_9 = arith.constant 0 : index
    %get3A_10 = vector.load %arg4[%get3A_8, %get3A_9] : memref<1x16xf32, #tpu.memory_space<vmem>>, vector<1x16xf32>
    %sub3A = vector.broadcast %add3A_4 : vector<2560x1xf32> to vector<2560x16xf32>
    %sub3A_11 = vector.broadcast %get3A_10 : vector<1x16xf32> to vector<2560x16xf32>
    %sub3A_12 = arith.subf %sub3A, %sub3A_11 : vector<2560x16xf32>
    %integer_pow3A = arith.mulf %sub3A_12, %sub3A_12 : vector<2560x16xf32>
    %mul3A_13 = arith.constant -2.000000e+00 : f32
    %mul3A_14 = vector.broadcast %mul3A_13 : f32 to vector<2560x16xf32>
    %mul3A_15 = arith.mulf %mul3A_14, %integer_pow3A : vector<2560x16xf32>
    %exp3A = math.exp %mul3A_15 : vector<2560x16xf32>
    %get3A_16 = arith.constant 0 : index
    %get3A_17 = arith.constant 0 : index
    %get3A_18 = vector.load %arg2[%get3A_16, %get3A_17] : memref<16x128xf32, #tpu.memory_space<vmem>>, vector<16x128xf32>
    %convert_element_type3A = arith.truncf %exp3A : vector<2560x16xf32> to vector<2560x16xbf16>
    %convert_element_type3A_19 = arith.truncf %get3A_18 : vector<16x128xf32> to vector<16x128xbf16>
    %dot_general3A = arith.constant dense<0.000000e+00> : vector<2560x128xf32>
    %dot_general3A_20 = tpu.matmul %convert_element_type3A, %convert_element_type3A_19, %dot_general3A {dimension_numbers = #tpu.dot_dimension_numbers<[1], [0], [0], [1], [0, 0, 1, 1], [], []>, transpose_lhs_hint = false} : vector<2560x16xbf16>, vector<16x128xbf16>, vector<2560x128xf32> -> vector<2560x128xf32>
    %get3A_21 = arith.constant 0 : index
    %get3A_22 = arith.constant 0 : index
    %get3A_23 = vector.load %arg3[%get3A_21, %get3A_22] : memref<1x128xf32, #tpu.memory_space<vmem>>, vector<1x128xf32>
    %add3A_24 = vector.broadcast %get3A_23 : vector<1x128xf32> to vector<2560x128xf32>
    %add3A_25 = arith.addf %dot_general3A_20, %add3A_24 : vector<2560x128xf32>
    %swap3A_26 = arith.constant 0 : index
    %swap3A_27 = arith.constant 0 : index
    %swap3A_28 = vector.load %arg6[%swap3A_26, %swap3A_27] : memref<2560x128xf32, #tpu.memory_space<vmem>>, vector<2560x128xf32>
    tpu.vector_store %arg6[%swap3A_26, %swap3A_27], %add3A_25 {strides = array<i32>} : memref<2560x128xf32, #tpu.memory_space<vmem>>, vector<2560x128xf32>,
    return
  }
  func.func @transform_0(%arg0: i32) -> (i32, i32) {
    %c0_i32 = arith.constant 0 : i32
    %c0_i32_0 = arith.constant 0 : i32
    return %arg0, %c0_i32 : i32, i32
  }
  func.func @transform_1(%arg0: i32) -> (i32, i32) {
    %c0_i32 = arith.constant 0 : i32
    %c0_i32_0 = arith.constant 0 : i32
    %c0_i32_1 = arith.constant 0 : i32
    return %c0_i32, %c0_i32_0 : i32, i32
  }
  func.func @transform_2(%arg0: i32) -> (i32, i32) {
    %c0_i32 = arith.constant 0 : i32
    %c0_i32_0 = arith.constant 0 : i32
    %c0_i32_1 = arith.constant 0 : i32
    return %c0_i32, %c0_i32_0 : i32, i32
  }
  func.func @transform_3(%arg0: i32) -> (i32, i32) {
    %c0_i32 = arith.constant 0 : i32
    %c0_i32_0 = arith.constant 0 : i32
    %c0_i32_1 = arith.constant 0 : i32
    return %c0_i32, %c0_i32_0 : i32, i32
  }
  func.func @transform_4(%arg0: i32) -> (i32, i32) {
    %c0_i32 = arith.constant 0 : i32
    %c0_i32_0 = arith.constant 0 : i32
    return %arg0, %c0_i32 : i32, i32
  }
  func.func @transform_5(%arg0: i32) -> (i32, i32) {
    %c0_i32 = arith.constant 0 : i32
    %c0_i32_0 = arith.constant 0 : i32
    return %arg0, %c0_i32 : i32, i32
  }
}

module attributes {stable_mosaic.version = 14 : i64} {
  func.func @_update_body(%arg0: i32, %arg1: memref<2000x128xf32, #tpu.memory_space<vmem>>, %arg2: memref<2000x128xf32, #tpu.memory_space<vmem>>, %arg3: memref<2000x128xf32, #tpu.memory_space<vmem>>, %arg4: memref<128x128xf32, #tpu.memory_space<vmem>>, %arg5: memref<1x128xf32, #tpu.memory_space<vmem>>, %arg6: memref<128x128xf32, #tpu.memory_space<vmem>>, %arg7: memref<128x128xf32, #tpu.memory_space<vmem>>, %arg8: memref<2000x128xf32, #tpu.memory_space<vmem>>, %arg9: memref<2000x128xf32, #tpu.memory_space<vmem>>, %arg10: memref<2000x128xf32, #tpu.memory_space<vmem>>) attributes {dimension_semantics = [#tpu.dimension_semantics<arbitrary>], iteration_bounds = array<i64: 5>, scalar_prefetch = 0 : i64, scratch_operands = 0 : i64, tpu.core_type = #tpu.core_type<tc>, window_params = [{transform_indices = @transform_0, window_bounds = array<i64: 2000, 128>}, {transform_indices = @transform_1, window_bounds = array<i64: 2000, 128>}, {transform_indices = @transform_2, window_bounds = array<i64: 2000, 128>}, {pipeline_mode = #tpu.pipeline_mode<synchronous>, transform_indices = @transform_3, window_bounds = array<i64: 128, 128>}, {pipeline_mode = #tpu.pipeline_mode<synchronous>, transform_indices = @transform_4, window_bounds = array<i64: 1, 128>}, {pipeline_mode = #tpu.pipeline_mode<synchronous>, transform_indices = @transform_5, window_bounds = array<i64: 128, 128>}, {pipeline_mode = #tpu.pipeline_mode<synchronous>, transform_indices = @transform_6, window_bounds = array<i64: 128, 128>}, {transform_indices = @transform_7, window_bounds = array<i64: 2000, 128>}, {transform_indices = @transform_8, window_bounds = array<i64: 2000, 128>}, {transform_indices = @transform_9, window_bounds = array<i64: 2000, 128>}]} {
    %get3A = arith.constant 0 : index
    %get3A_0 = arith.constant 0 : index
    %get3A_1 = vector.load %arg2[%get3A, %get3A_0] : memref<2000x128xf32, #tpu.memory_space<vmem>>, vector<2000x128xf32>
    %get3A_2 = arith.constant 0 : index
    %get3A_3 = arith.constant 0 : index
    %get3A_4 = vector.load %arg3[%get3A_2, %get3A_3] : memref<2000x128xf32, #tpu.memory_space<vmem>>, vector<2000x128xf32>
    %add3A = arith.addf %get3A_1, %get3A_4 : vector<2000x128xf32>
    %get3A_5 = arith.constant 0 : index
    %get3A_6 = arith.constant 0 : index
    %get3A_7 = vector.load %arg1[%get3A_5, %get3A_6] : memref<2000x128xf32, #tpu.memory_space<vmem>>, vector<2000x128xf32>
    %get3A_8 = arith.constant 0 : index
    %get3A_9 = arith.constant 0 : index
    %get3A_10 = vector.load %arg4[%get3A_8, %get3A_9] : memref<128x128xf32, #tpu.memory_space<vmem>>, vector<128x128xf32>
    %convert_element_type3A = arith.truncf %add3A : vector<2000x128xf32> to vector<2000x128xbf16>
    %convert_element_type3A_11 = arith.truncf %get3A_10 : vector<128x128xf32> to vector<128x128xbf16>
    %dot_general3A = arith.constant dense<0.000000e+00> : vector<2000x128xf32>
    %dot_general3A_12 = tpu.matmul %convert_element_type3A, %convert_element_type3A_11, %dot_general3A {dimension_numbers = #tpu.dot_dimension_numbers<[1], [0], [0], [1], [0, 0, 1, 1], [], []>, transpose_lhs_hint = false} : vector<2000x128xbf16>, vector<128x128xbf16>, vector<2000x128xf32> -> vector<2000x128xf32>
    %get3A_13 = arith.constant 0 : index
    %get3A_14 = arith.constant 0 : index
    %get3A_15 = vector.load %arg5[%get3A_13, %get3A_14] : memref<1x128xf32, #tpu.memory_space<vmem>>, vector<1x128xf32>
    %add3A_16 = vector.broadcast %get3A_15 : vector<1x128xf32> to vector<2000x128xf32>
    %add3A_17 = arith.addf %dot_general3A_12, %add3A_16 : vector<2000x128xf32>
    %max3A = arith.constant 0.000000e+00 : f32
    %max3A_18 = vector.broadcast %max3A : f32 to vector<2000x128xf32>
    %max3A_19 = arith.maximumf %add3A_17, %max3A_18 : vector<2000x128xf32>
    %add3A_20 = arith.addf %get3A_7, %max3A_19 : vector<2000x128xf32>
    %swap3A = arith.constant 0 : index
    %swap3A_21 = arith.constant 0 : index
    %swap3A_22 = vector.load %arg8[%swap3A, %swap3A_21] : memref<2000x128xf32, #tpu.memory_space<vmem>>, vector<2000x128xf32>
    tpu.vector_store %arg8[%swap3A, %swap3A_21], %add3A_20 {strides = array<i32>} : memref<2000x128xf32, #tpu.memory_space<vmem>>, vector<2000x128xf32>,
    %get3A_23 = arith.constant 0 : index
    %get3A_24 = arith.constant 0 : index
    %get3A_25 = vector.load %arg6[%get3A_23, %get3A_24] : memref<128x128xf32, #tpu.memory_space<vmem>>, vector<128x128xf32>
    %convert_element_type3A_26 = arith.truncf %add3A_20 : vector<2000x128xf32> to vector<2000x128xbf16>
    %convert_element_type3A_27 = arith.truncf %get3A_25 : vector<128x128xf32> to vector<128x128xbf16>
    %dot_general3A_28 = arith.constant dense<0.000000e+00> : vector<2000x128xf32>
    %dot_general3A_29 = tpu.matmul %convert_element_type3A_26, %convert_element_type3A_27, %dot_general3A_28 {dimension_numbers = #tpu.dot_dimension_numbers<[1], [0], [0], [1], [0, 0, 1, 1], [], []>, transpose_lhs_hint = false} : vector<2000x128xbf16>, vector<128x128xbf16>, vector<2000x128xf32> -> vector<2000x128xf32>
    %swap3A_30 = arith.constant 0 : index
    %swap3A_31 = arith.constant 0 : index
    %swap3A_32 = vector.load %arg9[%swap3A_30, %swap3A_31] : memref<2000x128xf32, #tpu.memory_space<vmem>>, vector<2000x128xf32>
    tpu.vector_store %arg9[%swap3A_30, %swap3A_31], %dot_general3A_29 {strides = array<i32>} : memref<2000x128xf32, #tpu.memory_space<vmem>>, vector<2000x128xf32>,
    %get3A_33 = arith.constant 0 : index
    %get3A_34 = arith.constant 0 : index
    %get3A_35 = vector.load %arg7[%get3A_33, %get3A_34] : memref<128x128xf32, #tpu.memory_space<vmem>>, vector<128x128xf32>
    %convert_element_type3A_36 = arith.truncf %add3A_20 : vector<2000x128xf32> to vector<2000x128xbf16>
    %convert_element_type3A_37 = arith.truncf %get3A_35 : vector<128x128xf32> to vector<128x128xbf16>
    %dot_general3A_38 = arith.constant dense<0.000000e+00> : vector<2000x128xf32>
    %dot_general3A_39 = tpu.matmul %convert_element_type3A_36, %convert_element_type3A_37, %dot_general3A_38 {dimension_numbers = #tpu.dot_dimension_numbers<[1], [0], [0], [1], [0, 0, 1, 1], [], []>, transpose_lhs_hint = false} : vector<2000x128xbf16>, vector<128x128xbf16>, vector<2000x128xf32> -> vector<2000x128xf32>
    %swap3A_40 = arith.constant 0 : index
    %swap3A_41 = arith.constant 0 : index
    %swap3A_42 = vector.load %arg10[%swap3A_40, %swap3A_41] : memref<2000x128xf32, #tpu.memory_space<vmem>>, vector<2000x128xf32>
    tpu.vector_store %arg10[%swap3A_40, %swap3A_41], %dot_general3A_39 {strides = array<i32>} : memref<2000x128xf32, #tpu.memory_space<vmem>>, vector<2000x128xf32>,
    return
  }
  func.func @transform_0(%arg0: i32) -> (i32, i32) {
    %c0_i32 = arith.constant 0 : i32
    %c0_i32_0 = arith.constant 0 : i32
    return %arg0, %c0_i32 : i32, i32
  }
  func.func @transform_1(%arg0: i32) -> (i32, i32) {
    %c0_i32 = arith.constant 0 : i32
    %c0_i32_0 = arith.constant 0 : i32
    return %arg0, %c0_i32 : i32, i32
  }
  func.func @transform_2(%arg0: i32) -> (i32, i32) {
    %c0_i32 = arith.constant 0 : i32
    %c0_i32_0 = arith.constant 0 : i32
    return %arg0, %c0_i32 : i32, i32
  }
  func.func @transform_3(%arg0: i32) -> (i32, i32) {
    %c0_i32 = arith.constant 0 : i32
    %c0_i32_0 = arith.constant 0 : i32
    %c0_i32_1 = arith.constant 0 : i32
    return %c0_i32, %c0_i32_0 : i32, i32
  }
  func.func @transform_4(%arg0: i32) -> (i32, i32) {
    %c0_i32 = arith.constant 0 : i32
    %c0_i32_0 = arith.constant 0 : i32
    %c0_i32_1 = arith.constant 0 : i32
    return %c0_i32, %c0_i32_0 : i32, i32
  }
  func.func @transform_5(%arg0: i32) -> (i32, i32) {
    %c0_i32 = arith.constant 0 : i32
    %c0_i32_0 = arith.constant 0 : i32
    %c0_i32_1 = arith.constant 0 : i32
    return %c0_i32, %c0_i32_0 : i32, i32
  }
  func.func @transform_6(%arg0: i32) -> (i32, i32) {
    %c0_i32 = arith.constant 0 : i32
    %c0_i32_0 = arith.constant 0 : i32
    %c0_i32_1 = arith.constant 0 : i32
    return %c0_i32, %c0_i32_0 : i32, i32
  }
  func.func @transform_7(%arg0: i32) -> (i32, i32) {
    %c0_i32 = arith.constant 0 : i32
    %c0_i32_0 = arith.constant 0 : i32
    return %arg0, %c0_i32 : i32, i32
  }
  func.func @transform_8(%arg0: i32) -> (i32, i32) {
    %c0_i32 = arith.constant 0 : i32
    %c0_i32_0 = arith.constant 0 : i32
    return %arg0, %c0_i32 : i32, i32
  }
  func.func @transform_9(%arg0: i32) -> (i32, i32) {
    %c0_i32 = arith.constant 0 : i32
    %c0_i32_0 = arith.constant 0 : i32
    return %arg0, %c0_i32 : i32, i32
  }
}

module attributes {stable_mosaic.version = 14 : i64} {
  func.func @_force_body(%arg0: i32, %arg1: memref<2560x128xf32, #tpu.memory_space<vmem>>, %arg2: memref<2560x16xf32, #tpu.memory_space<vmem>>, %arg3: memref<1x128xf32, #tpu.memory_space<vmem>>, %arg4: memref<2560x16xf32, #tpu.memory_space<vmem>>) attributes {dimension_semantics = [#tpu.dimension_semantics<arbitrary>], iteration_bounds = array<i64: 125>, scalar_prefetch = 0 : i64, scratch_operands = 0 : i64, tpu.core_type = #tpu.core_type<tc>, window_params = [{transform_indices = @transform_0, window_bounds = array<i64: 2560, 128>}, {transform_indices = @transform_1, window_bounds = array<i64: 2560, 16>}, {pipeline_mode = #tpu.pipeline_mode<synchronous>, transform_indices = @transform_2, window_bounds = array<i64: 1, 128>}, {transform_indices = @transform_3, window_bounds = array<i64: 2560, 16>}]} {
    %get3A = arith.constant 0 : index
    %get3A_0 = arith.constant 0 : index
    %get3A_1 = vector.load %arg1[%get3A, %get3A_0] : memref<2560x128xf32, #tpu.memory_space<vmem>>, vector<2560x128xf32>
    %convert_element_type3A = arith.truncf %get3A_1 : vector<2560x128xf32> to vector<2560x128xbf16>
    %convert_element_type3A_2 = arith.extf %convert_element_type3A : vector<2560x128xbf16> to vector<2560x128xf32>
    %get3A_3 = arith.constant 0 : index
    %get3A_4 = arith.constant 0 : index
    %get3A_5 = vector.load %arg3[%get3A_3, %get3A_4] : memref<1x128xf32, #tpu.memory_space<vmem>>, vector<1x128xf32>
    %convert_element_type3A_6 = arith.truncf %get3A_5 : vector<1x128xf32> to vector<1x128xbf16>
    %convert_element_type3A_7 = arith.extf %convert_element_type3A_6 : vector<1x128xbf16> to vector<1x128xf32>
    %mul3A = vector.broadcast %convert_element_type3A_7 : vector<1x128xf32> to vector<2560x128xf32>
    %mul3A_8 = arith.mulf %convert_element_type3A_2, %mul3A : vector<2560x128xf32>
    %reduce_sum3A = arith.constant dense<0.000000e+00> : vector<2560xf32>
    %reduce_sum3A_9 = vector.multi_reduction <add>, %mul3A_8, %reduce_sum3A [1] : vector<2560x128xf32> to vector<2560xf32>
    %broadcast_in_dim3A = vector.shape_cast %reduce_sum3A_9 : vector<2560xf32> to vector<2560x1xf32>
    %get3A_10 = arith.constant 0 : index
    %get3A_11 = arith.constant 0 : index
    %get3A_12 = vector.load %arg2[%get3A_10, %get3A_11] : memref<2560x16xf32, #tpu.memory_space<vmem>>, vector<2560x16xf32>
    %mul3A_13 = vector.broadcast %broadcast_in_dim3A : vector<2560x1xf32> to vector<2560x16xf32>
    %mul3A_14 = arith.mulf %mul3A_13, %get3A_12 : vector<2560x16xf32>
    %swap3A = arith.constant 0 : index
    %swap3A_15 = arith.constant 0 : index
    %swap3A_16 = vector.load %arg4[%swap3A, %swap3A_15] : memref<2560x16xf32, #tpu.memory_space<vmem>>, vector<2560x16xf32>
    tpu.vector_store %arg4[%swap3A, %swap3A_15], %mul3A_14 {strides = array<i32>} : memref<2560x16xf32, #tpu.memory_space<vmem>>, vector<2560x16xf32>,
    return
  }
  func.func @transform_0(%arg0: i32) -> (i32, i32) {
    %c0_i32 = arith.constant 0 : i32
    %c0_i32_0 = arith.constant 0 : i32
    return %arg0, %c0_i32 : i32, i32
  }
  func.func @transform_1(%arg0: i32) -> (i32, i32) {
    %c0_i32 = arith.constant 0 : i32
    %c0_i32_0 = arith.constant 0 : i32
    return %arg0, %c0_i32 : i32, i32
  }
  func.func @transform_2(%arg0: i32) -> (i32, i32) {
    %c0_i32 = arith.constant 0 : i32
    %c0_i32_0 = arith.constant 0 : i32
    %c0_i32_1 = arith.constant 0 : i32
    return %c0_i32, %c0_i32_0 : i32, i32
  }
  func.func @transform_3(%arg0: i32) -> (i32, i32) {
    %c0_i32 = arith.constant 0 : i32
    %c0_i32_0 = arith.constant 0 : i32
    return %arg0, %c0_i32 : i32, i32
  }
}

module attributes {stable_mosaic.version = 14 : i64} {
  func.func @_final_body(%arg0: i32, %arg1: memref<2000x128xf32, #tpu.memory_space<vmem>>, %arg2: memref<2000x256xf32, #tpu.memory_space<vmem>>, %arg3: memref<128x100xf32, #tpu.memory_space<vmem>>, %arg4: memref<256x100xf32, #tpu.memory_space<vmem>>, %arg5: memref<1x100xf32, #tpu.memory_space<vmem>>, %arg6: memref<2000x16xf32, #tpu.memory_space<vmem>>, %arg7: memref<2000x16xf32, #tpu.memory_space<vmem>>, %arg8: memref<2000x100xf32, #tpu.memory_space<vmem>>, %arg9: memref<2000x16xf32, #tpu.memory_space<vmem>>) attributes {dimension_semantics = [#tpu.dimension_semantics<arbitrary>], iteration_bounds = array<i64: 5>, scalar_prefetch = 0 : i64, scratch_operands = 0 : i64, tpu.core_type = #tpu.core_type<tc>, window_params = [{transform_indices = @transform_0, window_bounds = array<i64: 2000, 128>}, {transform_indices = @transform_1, window_bounds = array<i64: 2000, 256>}, {pipeline_mode = #tpu.pipeline_mode<synchronous>, transform_indices = @transform_2, window_bounds = array<i64: 128, 100>}, {pipeline_mode = #tpu.pipeline_mode<synchronous>, transform_indices = @transform_3, window_bounds = array<i64: 256, 100>}, {pipeline_mode = #tpu.pipeline_mode<synchronous>, transform_indices = @transform_4, window_bounds = array<i64: 1, 100>}, {transform_indices = @transform_5, window_bounds = array<i64: 2000, 16>}, {transform_indices = @transform_6, window_bounds = array<i64: 2000, 16>}, {transform_indices = @transform_7, window_bounds = array<i64: 2000, 100>}, {transform_indices = @transform_8, window_bounds = array<i64: 2000, 16>}]} {
    %get3A = arith.constant 0 : index
    %get3A_0 = arith.constant 0 : index
    %get3A_1 = vector.load %arg2[%get3A, %get3A_0] : memref<2000x256xf32, #tpu.memory_space<vmem>>, vector<2000x256xf32>
    %get3A_2 = arith.constant 0 : index
    %get3A_3 = arith.constant 0 : index
    %get3A_4 = vector.load %arg1[%get3A_2, %get3A_3] : memref<2000x128xf32, #tpu.memory_space<vmem>>, vector<2000x128xf32>
    %get3A_5 = arith.constant 0 : index
    %get3A_6 = arith.constant 0 : index
    %get3A_7 = vector.load %arg3[%get3A_5, %get3A_6] : memref<128x100xf32, #tpu.memory_space<vmem>>, vector<128x100xf32>
    %convert_element_type3A = arith.truncf %get3A_4 : vector<2000x128xf32> to vector<2000x128xbf16>
    %convert_element_type3A_8 = arith.truncf %get3A_7 : vector<128x100xf32> to vector<128x100xbf16>
    %dot_general3A = arith.constant dense<0.000000e+00> : vector<2000x100xf32>
    %dot_general3A_9 = tpu.matmul %convert_element_type3A, %convert_element_type3A_8, %dot_general3A {dimension_numbers = #tpu.dot_dimension_numbers<[1], [0], [0], [1], [0, 0, 1, 1], [], []>, transpose_lhs_hint = false} : vector<2000x128xbf16>, vector<128x100xbf16>, vector<2000x100xf32> -> vector<2000x100xf32>
    %slice3A = vector.extract_strided_slice %get3A_1 {offsets = [0, 0], sizes = [2000, 128], strides = [1, 1]} : vector<2000x256xf32> to vector<2000x128xf32>
    %get3A_10 = arith.constant 0 : index
    %get3A_11 = arith.constant 0 : index
    %get3A_12 = vector.load %arg4[%get3A_10, %get3A_11] : memref<256x100xf32, #tpu.memory_space<vmem>>, vector<128x100xf32>
    %convert_element_type3A_13 = arith.truncf %slice3A : vector<2000x128xf32> to vector<2000x128xbf16>
    %convert_element_type3A_14 = arith.truncf %get3A_12 : vector<128x100xf32> to vector<128x100xbf16>
    %dot_general3A_15 = arith.constant dense<0.000000e+00> : vector<2000x100xf32>
    %dot_general3A_16 = tpu.matmul %convert_element_type3A_13, %convert_element_type3A_14, %dot_general3A_15 {dimension_numbers = #tpu.dot_dimension_numbers<[1], [0], [0], [1], [0, 0, 1, 1], [], []>, transpose_lhs_hint = false} : vector<2000x128xbf16>, vector<128x100xbf16>, vector<2000x100xf32> -> vector<2000x100xf32>
    %add3A = arith.addf %dot_general3A_9, %dot_general3A_16 : vector<2000x100xf32>
    %slice3A_17 = vector.extract_strided_slice %get3A_1 {offsets = [0, 128], sizes = [2000, 128], strides = [1, 1]} : vector<2000x256xf32> to vector<2000x128xf32>
    %get3A_18 = arith.constant 128 : index
    %get3A_19 = arith.constant 0 : index
    %get3A_20 = vector.load %arg4[%get3A_18, %get3A_19] : memref<256x100xf32, #tpu.memory_space<vmem>>, vector<128x100xf32>
    %convert_element_type3A_21 = arith.truncf %slice3A_17 : vector<2000x128xf32> to vector<2000x128xbf16>
    %convert_element_type3A_22 = arith.truncf %get3A_20 : vector<128x100xf32> to vector<128x100xbf16>
    %dot_general3A_23 = arith.constant dense<0.000000e+00> : vector<2000x100xf32>
    %dot_general3A_24 = tpu.matmul %convert_element_type3A_21, %convert_element_type3A_22, %dot_general3A_23 {dimension_numbers = #tpu.dot_dimension_numbers<[1], [0], [0], [1], [0, 0, 1, 1], [], []>, transpose_lhs_hint = false} : vector<2000x128xbf16>, vector<128x100xbf16>, vector<2000x100xf32> -> vector<2000x100xf32>
    %add3A_25 = arith.addf %add3A, %dot_general3A_24 : vector<2000x100xf32>
    %get3A_26 = arith.constant 0 : index
    %get3A_27 = arith.constant 0 : index
    %get3A_28 = vector.load %arg5[%get3A_26, %get3A_27] : memref<1x100xf32, #tpu.memory_space<vmem>>, vector<1x100xf32>
    %add3A_29 = vector.broadcast %get3A_28 : vector<1x100xf32> to vector<2000x100xf32>
    %add3A_30 = arith.addf %add3A_25, %add3A_29 : vector<2000x100xf32>
    %swap3A = arith.constant 0 : index
    %swap3A_31 = arith.constant 0 : index
    %swap3A_32 = vector.load %arg8[%swap3A, %swap3A_31] : memref<2000x100xf32, #tpu.memory_space<vmem>>, vector<2000x100xf32>
    tpu.vector_store %arg8[%swap3A, %swap3A_31], %add3A_30 {strides = array<i32>} : memref<2000x100xf32, #tpu.memory_space<vmem>>, vector<2000x100xf32>,
    %get3A_33 = arith.constant 0 : index
    %get3A_34 = arith.constant 0 : index
    %get3A_35 = vector.load %arg6[%get3A_33, %get3A_34] : memref<2000x16xf32, #tpu.memory_space<vmem>>, vector<2000x16xf32>
    %get3A_36 = arith.constant 0 : index
    %get3A_37 = arith.constant 0 : index
    %get3A_38 = vector.load %arg7[%get3A_36, %get3A_37] : memref<2000x16xf32, #tpu.memory_space<vmem>>, vector<2000x16xf32>
    %add3A_39 = arith.addf %get3A_35, %get3A_38 : vector<2000x16xf32>
    %swap3A_40 = arith.constant 0 : index
    %swap3A_41 = arith.constant 0 : index
    %swap3A_42 = vector.load %arg9[%swap3A_40, %swap3A_41] : memref<2000x16xf32, #tpu.memory_space<vmem>>, vector<2000x16xf32>
    tpu.vector_store %arg9[%swap3A_40, %swap3A_41], %add3A_39 {strides = array<i32>} : memref<2000x16xf32, #tpu.memory_space<vmem>>, vector<2000x16xf32>,
    return
  }
  func.func @transform_0(%arg0: i32) -> (i32, i32) {
    %c0_i32 = arith.constant 0 : i32
    %c0_i32_0 = arith.constant 0 : i32
    return %arg0, %c0_i32 : i32, i32
  }
  func.func @transform_1(%arg0: i32) -> (i32, i32) {
    %c0_i32 = arith.constant 0 : i32
    %c0_i32_0 = arith.constant 0 : i32
    return %arg0, %c0_i32 : i32, i32
  }
  func.func @transform_2(%arg0: i32) -> (i32, i32) {
    %c0_i32 = arith.constant 0 : i32
    %c0_i32_0 = arith.constant 0 : i32
    %c0_i32_1 = arith.constant 0 : i32
    return %c0_i32, %c0_i32_0 : i32, i32
  }
  func.func @transform_3(%arg0: i32) -> (i32, i32) {
    %c0_i32 = arith.constant 0 : i32
    %c0_i32_0 = arith.constant 0 : i32
    %c0_i32_1 = arith.constant 0 : i32
    return %c0_i32, %c0_i32_0 : i32, i32
  }
  func.func @transform_4(%arg0: i32) -> (i32, i32) {
    %c0_i32 = arith.constant 0 : i32
    %c0_i32_0 = arith.constant 0 : i32
    %c0_i32_1 = arith.constant 0 : i32
    return %c0_i32, %c0_i32_0 : i32, i32
  }
  func.func @transform_5(%arg0: i32) -> (i32, i32) {
    %c0_i32 = arith.constant 0 : i32
    %c0_i32_0 = arith.constant 0 : i32
    return %arg0, %c0_i32 : i32, i32
  }
  func.func @transform_6(%arg0: i32) -> (i32, i32) {
    %c0_i32 = arith.constant 0 : i32
    %c0_i32_0 = arith.constant 0 : i32
    return %arg0, %c0_i32 : i32, i32
  }
  func.func @transform_7(%arg0: i32) -> (i32, i32) {
    %c0_i32 = arith.constant 0 : i32
    %c0_i32_0 = arith.constant 0 : i32
    return %arg0, %c0_i32 : i32, i32
  }
  func.func @transform_8(%arg0: i32) -> (i32, i32) {
    %c0_i32 = arith.constant 0 : i32
    %c0_i32_0 = arith.constant 0 : i32
    return %arg0, %c0_i32 : i32, i32
  }
}

</mosaic_0001>

<sc_bundles>
// kernel: kernel.15.cloned.1.call-start
scs
__scs_entry_jumppad:
0x0: {  	(pc) =	sbr.rel $0x88, $3  }
0x1: {  	(tag) =	ssettag $0x0;
	lr =	simm.s32 $0x1  }
0x2: {  	[smem:$0x3F93] =	sst lr;
	_ =	strace $0xD0000000  }
0x3: {  	_ = 	snop  }
0x4: {  	_ = 	snop  }
0x5: {  	_ = 	snop  }
0x6: {  	_ = 	snop  }
0x7: {  	_ = 	snop  }
__scs_overlays_trampoline_lowered:
0x8: {  	[smem:$0x3FA2] =	sst s0  }
0x9: {  	[smem:$0x3FA3] =	sst s1  }
0xa: {  	[smem:$0x3FA4] =	sst s2  }
0xb: {  	[smem:$0x3FA5] =	sst s3  }
0xc: {  	[smem:$0x3FA6] =	sst s4  }
0xd: {  	[smem:$0x3FA7] =	sst s5  }
0xe: {  	[smem:$0x3FA8] =	sst s6  }
0xf: {  	[smem:$0x3FA9] =	sst s7  }
0x10: {  	[smem:$0x3FAA] =	sst s8  }
0x11: {  	[smem:$0x3FAB] =	sst s9;
	s0 =	simm.s32 @!p0 $0x0  }
0x12: {  	s1 =	sld [smem:$0x3F91];
	s0 =	simm.s32 @p0 $0x1  }
0x13: {  	[smem:$0x3FAC] =	sst s0;
	s0 =	simm.s32 @!p1 $0x0  }
0x14: {  	s2 =	sld [smem:$0x3F90];
	s0 =	simm.s32 @p1 $0x1  }
0x15: {  	[smem:$0x3FAD] =	sst s0;
	s0 =	simm.s32 @!p2 $0x0  }
0x16: {  	s3 =	sld [smem:$0x3FDB];
	s0 =	simm.s32 @p2 $0x1  }
0x17: {  	s4 =	simm.s32 $0x1BF5;
	[smem:$0x3FAF] =	sst s0  }
0x18: {  	s0 =	sld [smem:$0x3F92];
	_ =	swait.ge [sflag:s4], $0x0  }
0x19: {  	s7 =	sld [smem:$0x3F93]  }
0x1a: {  	s8 =	sadd.s32 $0xFFFFE003, lr  }
0x1b: {  	s9 =	sadd.s32 $0xFFFFFEF7, lr;
	s5 =	simm.s32 $0xFFFFFFFF;
	p2 =	slt.u32 s8, $0xFFFFF086  }
0x1c: {  	p1 =	slt.u32 s9, $0xF7A;
	s5 =	simm.s32 @!p2 $0x0  }
0x1d: {  	s5 =	simm.s32 @p1 $0x1;
	p0 =	seq.s32 s7, s2  }
0x1e: {  	s7 =	smul.u32 @!p0 $0xF7A, s2;
	p2 =	seq.s32 @!p0 s5, $0x0  }
0x1f: {  	s9 =	smul.u32 $0xF7A, s1;
	s8 =	simm.s32 @!p0 $0x1BF5;
	p2 =	por !p2, p0  }
0x20: {  	[sflag:s8] =	ssyncset.s32 @!p0 $0xFFFFF086;
	s6 =	sadd.s32 @!p0 s3, s7;
	s7 =	simm.s32 @!p0 $0x108  }
0x21: {  	s3 =	sadd.s32 s3, s9;
	s6 =	sadd.s32 @!p0 $0x88, s6;
	s7 =	simm.s32 @p2 $0x1082  }
0x22: {  	[simem:s7], [sflag:s8] =	dma.local @!p0 [hbm:s6], $0xF7A  }
0x23: {  	s9 =	sor.u32 $0xD0000000, s2;
	s6 =	simm.s32 $0x108;
	_ =	swait.ge @!p0 [sflag:s8], $0x0  }
0x24: {  	s3 =	sadd.s32 $0x88, s3;
	s6 =	simm.s32 @!p1 $0x1082;
	[sflag:s4] =	ssyncset.s32 $0xFFFFF086  }
0x25: {  	[simem:s6], [sflag:s4] =	dma.local [hbm:s3], $0xF7A  }
0x26: {  	[smem:$0x3F93] =	sst s1;
	(tag) =	ssettag s2;
	_ =	strace s9  }
0x27: {  	s1 =	sld [smem:$0x3FA3]  }
0x28: {  	s2 =	sld [smem:$0x3FA4]  }
0x29: {  	s4 =	sld [smem:$0x3FA6]  }
0x2a: {  	p0 =	seq.s32 s5, $0x0;
	s5 =	sld [smem:$0x3FA7]  }
0x2b: {  	s6 =	sld [smem:$0x3FA8]  }
0x2c: {  	s7 =	sld [smem:$0x3FA9]  }
0x2d: {  	s3 =	simm.s32 $0x108;
	s8 =	sld [smem:$0x3FAA]  }
0x2e: {  	s3 =	simm.s32 @!p0 $0x1082;
	s9 =	sld [smem:$0x3FAB]  }
0x2f: {  	lr =	sadd.s32 s0, s3;
	s0 =	sld [smem:$0x3FA2]  }
0x30: {  	s3 =	sld [smem:$0x3FA5]  }
0x31: {  	[smem:$0x3FAE] =	sst s10  }
0x32: {  	s10 =	sld [smem:$0x3FAC];
	_ =	sdelay $0x3  }
0x33: {  	p0 =	seq.s32 s10, $0x1;
	s10 =	sld [smem:$0x3FAE];
	_ =	sdelay $0x3  }
0x34: {  	[smem:$0x3FAE] =	sst s10  }
0x35: {  	s10 =	sld [smem:$0x3FAD];
	_ =	sdelay $0x3  }
0x36: {  	p1 =	seq.s32 s10, $0x1;
	s10 =	sld [smem:$0x3FAE];
	_ =	sdelay $0x3  }
0x37: {  	[smem:$0x3FAE] =	sst s10  }
0x38: {  	s10 =	sld [smem:$0x3FAF]  }
0x39: {  	_ = 	snop;
	(pc) =	sbr.ind lr, $3  }
0x3a: {  	_ = 	snop  }
0x3b: {  	_ = 	snop  }
0x3c: {  	p2 =	seq.s32 s10, $0x1;
	s10 =	sld [smem:$0x3FAE]  }
0x3d: {  	_ =	shalt  }
0x3e: {  	_ =	shalt  }
0x3f: {  	_ =	shalt  }
0x40: {  	_ =	shalt  }
0x41: {  	_ =	shalt  }
0x42: {  	_ =	shalt  }
0x43: {  	_ =	shalt  }
0x44: {  	_ =	shalt  }
0x45: {  	_ =	shalt  }
0x46: {  	_ =	shalt  }
0x47: {  	_ =	shalt  }
0x48: {  	_ =	shalt  }
0x49: {  	_ =	shalt  }
0x4a: {  	_ =	shalt  }
0x4b: {  	_ =	shalt  }
0x4c: {  	_ =	shalt  }
0x4d: {  	_ =	shalt  }
0x4e: {  	_ =	shalt  }
0x4f: {  	_ =	shalt  }
0x50: {  	_ =	shalt  }
0x51: {  	_ =	shalt  }
0x52: {  	_ =	shalt  }
0x53: {  	_ =	shalt  }
0x54: {  	_ =	shalt  }
0x55: {  	_ =	shalt  }
0x56: {  	_ =	shalt  }
0x57: {  	_ =	shalt  }
0x58: {  	_ =	shalt  }
0x59: {  	_ =	shalt  }
0x5a: {  	_ =	shalt  }
0x5b: {  	_ =	shalt  }
0x5c: {  	_ =	shalt  }
0x5d: {  	_ =	shalt  }
0x5e: {  	_ =	shalt  }
0x5f: {  	_ =	shalt  }
0x60: {  	_ =	shalt  }
0x61: {  	_ =	shalt  }
0x62: {  	_ =	shalt  }
0x63: {  	_ =	shalt  }
0x64: {  	_ =	shalt  }
0x65: {  	_ =	shalt  }
0x66: {  	_ =	shalt  }
0x67: {  	_ =	shalt  }
0x68: {  	_ =	shalt  }
0x69: {  	_ =	shalt  }
0x6a: {  	_ =	shalt  }
0x6b: {  	_ =	shalt  }
0x6c: {  	_ =	shalt  }
0x6d: {  	_ =	shalt  }
0x6e: {  	_ =	shalt  }
0x6f: {  	_ =	shalt  }
0x70: {  	_ =	shalt  }
0x71: {  	_ =	shalt  }
0x72: {  	_ =	shalt  }
0x73: {  	_ =	shalt  }
0x74: {  	_ =	shalt  }
0x75: {  	_ =	shalt  }
0x76: {  	_ =	shalt  }
0x77: {  	_ =	shalt  }
0x78: {  	_ =	shalt  }
0x79: {  	_ =	shalt  }
0x7a: {  	_ =	shalt  }
0x7b: {  	_ =	shalt  }
0x7c: {  	_ =	shalt  }
0x7d: {  	_ =	shalt  }
0x7e: {  	_ =	shalt  }
0x7f: {  	_ =	shalt  }
0x80: {  	_ =	shalt  }
0x81: {  	_ =	shalt  }
0x82: {  	_ =	shalt  }
0x83: {  	_ =	shalt  }
0x84: {  	_ =	shalt  }
0x85: {  	_ =	shalt  }
0x86: {  	_ =	shalt  }
0x87: {  	_ =	shalt  }
.Lfunc_end0:
.L_simem_size_0:
called_computation_lowered:
.L_overlay_start_0:
0x88: {  	s2 =	sld [smem:$0x3FD9]  }
0x89: {  	s3 =	sld [smem:$0x3FFE];
	_ =	sdelay $0x1  }
0x8a: {  	s1 =	srdreg.scid  }
0x8b: {  	s0 =	sand.u32 $0x1, s1  }
0x8c: {  	s14 =	sshll.u32 s0, $0xA;
	s2 =	sadd.s32 s3, s2  }
0x8d: {  	s2 =	sadd.s32 s2, s14  }
0x8e: {  	[smem:$0x3FBA] =	sst s2  }
0x8f: {  	_ = 	snop  }
0x90: {  	s2 =	sld [smem:$0x3FD0];
	_ =	sdelay $0x2  }
0x91: {  	s15 =	simm.s32 $0xB;
	s4 =	simm.s32 $0x10  }
0x92: {  	[smem:s4], [sflag:s15] =	dma.local [hbm:s2], $0x1  }
0x93: {  	_ =	swait.eq [sflag:s15], $0x1  }
0x94: {  	[sflag:s15] =	ssyncset.done $0x0  }
0x95: {  	[sflag:s15] =	ssyncadd.s32 $0xFFFFFFFF  }
0x96: {  	s16 =	sld [smem:$0x11];
	(tm) =	ssettm $0x1  }
0x97: {  	s17 =	sld [smem:$0x3FFB];
	_ =	sdelay $0x3  }
0x98: {  	_ =	strace s17  }
0x99: {  	s3 =	sld [smem:$0x3FFC];
	_ =	sdelay $0x3  }
0x9a: {  	_ =	strace s3  }
0x9b: {  	s3 =	sld [smem:$0x3FFD];
	_ =	sdelay $0x3  }
0x9c: {  	_ =	strace s3  }
0x9d: {  	_ =	strace $0x8FFFFFFF  }
0x9e: {  	s18 =	sld [smem:$0x3FDB];
	_ =	sdelay $0x1  }
0x9f: {  	s19 =	simm.s32 $_scs_section_size  }
0xa0: {  	s5 =	simm.s32 $_size__tile_overlayer_lowered;
	s6 =	simm.s32 $_tile_overlayer_lowered  }
0xa1: {  	s22 =	simm.s32 $0x1BFF;
	s21 =	sshll.u32 s6, $0x1;
	s3 =	sadd.s32 s19, s18  }
0xa2: {  	s7 =	simm.s32 $0x0;
	s20 =	sshll.u32 s5, $0x1;
	s5 =	sadd.s32 s21, s3  }
0xa3: {  	[timem:s7], [sflag:s22] =	dma.local [hbm:s5], s20  }
0xa4: {  	_ =	swait.ge [sflag:s22], s20  }
0xa5: {  	s4 =	ssub.s32 $0x0, s20;
	[sflag:s22] =	ssyncset.done $0x0  }
0xa6: {  	[sflag:s22] =	ssyncadd.s32 s4;
	_ =	sdelay $0x1  }
0xa7: {  	s23 =	simm.s32 $0x1B8B  }
0xa8: {  	_ =	swait.ge [sflag:s23], $0x1  }
0xa9: {  	[sflag:s23] =	ssyncset.done $0x0  }
0xaa: {  	s25 =	simm.s32 $0x1B8E;
	s24 =	sld [smem:$0x3FFE];
	[sflag:s23] =	ssyncadd.s32 $0xFFFFFFFF  }
0xab: {  	s26 =	simm.s32 $execute0_lowered;
	[smem:$0x3FD2] =	sst s25  }
0xac: {  	s5 =	sshll.u32 s26, $0x1;
	_ =	strace $0x80000046;
	[dreg:$0x1] =	wrdreg $0xFFFFFFFF  }
0xad: {  	s28 =	simm.s32 $_size_execute0_lowered;
	s3 =	sadd.s32 s3, s5;
	[dreg:$0x0] =	wrdreg $0x0  }
0xae: {  	s5 =	sshll.u32 s28, $0x1;
	[dreg:$0x2] =	wrdreg s3  }
0xaf: {  	[dreg:$0x3] =	wrdreg s5  }
0xb0: {  	[dreg:$0x4] =	wrdreg $0xC0  }
0xb1: {  	_ =	task [dreg:s7], $0x5FFFF  }
0xb2: {  	[dreg:$0x1] =	wrdreg $0xFFFFFFFF  }
0xb3: {  	[dreg:$0x0] =	wrdreg $0x60  }
0xb4: {  	[dreg:$0x2] =	wrdreg s24  }
0xb5: {  	[dreg:$0x3] =	wrdreg s16  }
0xb6: {  	[dreg:$0x4] =	wrdreg $0x9  }
0xb7: {  	_ =	task.clear_ibuf [dreg:s7], $0x5FFFF;
	_ =	strace $0x90000046  }
0xb8: {  	s29 =	simm.s32 $0x9;
	_ =	strace $0x80000048  }
0xb9: {  	_ =	swait.ge [sflag:s29], $0x1  }
0xba: {  	[sflag:s29] =	ssyncadd.s32 $0xFFFFFFFF  }
0xbb: {  	_ =	strace $0x90000048  }
0xbc: {  	_ =	sfence  }
0xbd: {  	s30 =	sld [smem:$0x0];
	_ =	sdelay $0x2  }
0xbe: {  	s31 =	sshll.u32 s1, $0xD;
	s1 =	sshrl.u32 s1, $0x2  }
0xbf: {  	s3 =	sand.u32 $0x4000, s31;
	s1 =	sadd.s32 s1, s30  }
0xc0: {  	s0 =	sor.u32 s3, s0;
	s1 =	sshll.u32 s1, $0x11  }
0xc1: {  	s0 =	sor.u32 s1, s0  }
0xc2: {  	s0 =	sadd.s32 $0x8F2B, s0  }
0xc3: {  	[sflag:s0] =	ssyncadd.remote.s32 $0x1  }
0xc4: {  	_ =	sfence.sel $0xFFFF  }
0xc5: {  	[dreg:$0x0] =	wrdreg $0xFFFFFFFF;
	(pc) =	sbr.abs _section_cstart, $3  }
0xc6: {  	[dreg:$0x1] =	wrdreg $0xFFFFFFFF  }
0xc7: {  	_ =	task.clear_ibuf [dreg:s7], $0x2FFFF;
	_ =	strace $0x9FFFFFFF  }
0xc8: {  	(tm) =	ssettm $0x7FFFFFFF  }
0xc9: {  	_ =	shalt  }
tec
execute0_lowered:
.L_overlay_start_1:
0x0: {  	(tag) =	ssettag $0x1  }
0x1: {  	s6 =	rddreg [dreg:$0x0]  }
0x2: {  	s2 =	rddreg [dreg:$0x1]  }
0x3: {  	s0 =	rddreg [dreg:$0x2];
	s4 =	srdreg.scid  }
0x4: {  	s1 =	stileid.u32;
	s3 =	simm.s32 $0x0;
	s11 =	simm.s32 $0x7  }
0x5: {  	s12 =	simm.s32 $0x28;
	s13 =	simm.s32 $0xA0;
	s14 =	simm.s32 $0x320  }
0x6: {  	s15 =	simm.s32 $0x50;
	s16 =	simm.s32 $0x5A0;
	s17 =	simm.s32 $0x78  }
0x7: {  	s18 =	simm.s32 $0x820;
	s19 =	simm.s32 $0x1;
	s20 =	simm.s32 $0x2  }
0x8: {  	s21 =	simm.s32 $0x3;
	s22 =	simm.s32 $0x4;
	s23 =	simm.s32 $0x5  }
0x9: {  	s24 =	simm.s32 $0x6;
	s4 =	sand.u32 $0x1, s4;
	s5 =	sshll.u32 s1, $0x1  }
0xa: {  	s25 =	simm.s32 $0x0;
	[smem:$0x7FF] =	sst s3;
	s7 =	sor.u32 s4, s5  }
0xb: {  	_ =	strace $0x80000047;
	s8 =	ssub.s32 $0x2, s4;
	s4 =	smul.u32 $0x4E20, s7  }
0xc: {  	s5 =	sadd.s32 $0x6A00, s6;
	s6 =	sadd.s32 $0xBA00, s6;
	s9 =	sshrl.u32 s8, $0x1  }
0xd: {  	s7 =	smul.u32 $0x2710, s7;
	s10 =	ssub.s32 s8, s9;
	s31 =	sshrl.u32 s4, $0x3  }
0xe: {  	s9 =	sadd.s32 $0xA0, s4;
	s10 =	smax.u32 s10, $0x1;
	s8 =	sadd.s32 s2, s31  }
.LBB2_1:
0xf: {  	[tilespmem:s3], [sflag:$0x7] =	stream.linear.gather [hbm4b:s8+s3], $0x50, $0x38;
	[tilespmem:$0xAA0] =	vst v63  }
0x10: {  	_ =	swait.ge [sflag:s11], $0x50  }
0x11: {  	[sflag:s11] =	ssyncset.done $0x0  }
0x12: {  	[sflag:s11] =	ssyncadd.s32 $0xFFFFFFB0  }
0x13: {  	[tilespmem:s13], [sflag:$0x1] =	stream.indirect.gather [hbm4b:s5+s12], $0x10, s3, s12, $0xb8;
	[tilespmem:$0xAA0] =	vst v63  }
0x14: {  	s26 =	simm.s32 $0x0  }
0x15: {  	[tilespmem:s14], [sflag:$0x2] =	stream.indirect.gather [hbm4b:s5+s12], $0x10, s12, s12, $0xb8;
	[tilespmem:$0xAA0] =	vst v63  }
.LBB2_2:
0x16: {  	s28 =	sshllo.u32 s26, $0x1  }
0x17: {  	p0 =	seq.s32 s26, $0x0;
	s29 =	smul.u32 $0x50, s28  }
0x18: {  	s30 =	simm.s32 @!p0 $0x6  }
0x19: {  	_ =	swait.ge @!p0 [sflag:s30], $0x280;
	s29 =	sadd.s32 s4, s29  }
0x1a: {  	[sflag:s30] =	ssyncset.done @!p0 $0x0;
	s29 =	sshrl.u32 s29, $0x3  }
0x1b: {  	[sflag:s30] =	ssyncadd.s32 @!p0 $0xFFFFFD80;
	s30 =	simm.s32 $0x0;
	s29 =	sadd.s32 s2, s29  }
0x1c: {  	[tilespmem:s15], [sflag:$0x7] =	stream.linear.gather [hbm4b:s29+s30], $0x50, $0x38;
	[tilespmem:$0xAA0] =	vst v63  }
0x1d: {  	_ =	swait.ge [sflag:s11], $0x50  }
0x1e: {  	[sflag:s11] =	ssyncset.done $0x0  }
0x1f: {  	[sflag:s11] =	ssyncadd.s32 $0xFFFFFFB0  }
0x20: {  	[tilespmem:s16], [sflag:$0x3] =	stream.indirect.gather [hbm4b:s5+s12], $0x10, s15, s12, $0xb8;
	[tilespmem:$0xAA0] =	vst v63  }
0x21: {  	_ = 	snop  }
0x22: {  	[tilespmem:s18], [sflag:$0x4] =	stream.indirect.gather [hbm4b:s5+s12], $0x10, s17, s12, $0xb8;
	[tilespmem:$0xAA0] =	vst v63  }
0x23: {  	_ =	swait.ge [sflag:s19], $0x280  }
0x24: {  	[sflag:s19] =	ssyncset.done $0x0  }
0x25: {  	[sflag:s19] =	ssyncadd.s32 $0xFFFFFD80  }
0x26: {  	_ =	swait.ge [sflag:s20], $0x280  }
0x27: {  	[sflag:s20] =	ssyncset.done $0x0  }
0x28: {  	s29 =	simm.s32 $0x0;
	[sflag:s20] =	ssyncadd.s32 $0xFFFFFD80  }
0x29: {  	s30 =	simm.s32 $0x40;
	v0 =	vld [tilespmem:s29+$0x320]  }
.LBB2_3:
0x2a: {  	p0 =	sne.s32 s30, $0x9C0;
	v1 =	vld [tilespmem:s29+$0xA0];
	_ =	sdelay $0x2  }
.Ltmp0:
0x2b: {  	(pc) =	sbr.rel @p0 .LBB2_3-.Ltmp0, $4  }
0x2c: {  	_ = 	snop  }
0x2d: {  	v1 =	vsub.f32 v1, v0  }
0x2e: {  	s31 =	sshra.s32 s30, $0x2  }
0x2f: {  	s30 =	sadd.s32 $0x40, s30;
	v0 =	vld [tilespmem:s31+$0x320];
	[tilespmem:s29+$0xA0] =	vst v1;
	s29 =	smov.u32 s31  }
0x30: {  	v1 =	vld [tilespmem:s29+$0xA0];
	_ =	sdelay $0x2  }
0x31: {  	s30 =	smul.u32 $0x50, s26;
	_ =	sdelay $0x1  }
0x32: {  	s30 =	sadd.s32 s7, s30;
	v0 =	vsub.f32 v1, v0  }
0x33: {  	s30 =	sshll.u32 s30, $0x1  }
0x34: {  	p0 =	seq.s32 s26, $0x7C;
	[tilespmem:s29+$0xA0] =	vst v0;
	s29 =	sadd.s32 s6, s30  }
0x35: {  	[hbm4b:s29+s3] =	stream.linear.scatter [tilespmem:s13], [sflag:$0x5], $0x280, $0x38;
	[tilespmem:$0xAA0] =	vst v63  }
0x36: {  	s29 =	smul.u32 @!p0 $0xA0, s26  }
0x37: {  	s30 =	simm.s32 @!p0 $0x5  }
0x38: {  	_ =	swait.ge @!p0 [sflag:s30], $0x280;
	s29 =	sadd.s32 @!p0 s29, s9  }
0x39: {  	[sflag:s30] =	ssyncset.done @!p0 $0x0;
	s29 =	sshrl.u32 @!p0 s29, $0x3  }
0x3a: {  	[sflag:s30] =	ssyncadd.s32 @!p0 $0xFFFFFD80;
	s30 =	simm.s32 @!p0 $0x0;
	s29 =	sadd.s32 @!p0 s2, s29  }
0x3b: {  	[tilespmem:s30], [sflag:$0x7] =	stream.linear.gather @!p0 [hbm4b:s29+s30], $0x50, $0x38;
	[tilespmem:$0xAA0] =	vst v63  }
0x3c: {  	s29 =	simm.s32 @!p0 $0x7  }
0x3d: {  	_ =	swait.ge @!p0 [sflag:s29], $0x50  }
0x3e: {  	[sflag:s29] =	ssyncset.done @!p0 $0x0  }
0x3f: {  	s31 =	simm.s32 @!p0 $0xA0;
	[sflag:s29] =	ssyncadd.s32 @!p0 $0xFFFFFFB0;
	s29 =	simm.s32 @!p0 $0x28  }
0x40: {  	[tilespmem:s31], [sflag:$0x1] =	stream.indirect.gather @!p0 [hbm4b:s5+s29], $0x10, s30, s29, $0xb8;
	[tilespmem:$0xAA0] =	vst v63  }
0x41: {  	s30 =	simm.s32 @!p0 $0x320  }
0x42: {  	[tilespmem:s30], [sflag:$0x2] =	stream.indirect.gather @!p0 [hbm4b:s5+s29], $0x10, s29, s29, $0xb8;
	[tilespmem:$0xAA0] =	vst v63  }
0x43: {  	_ =	swait.ge [sflag:s21], $0x280  }
0x44: {  	[sflag:s21] =	ssyncset.done $0x0  }
0x45: {  	[sflag:s21] =	ssyncadd.s32 $0xFFFFFD80  }
0x46: {  	_ =	swait.ge [sflag:s22], $0x280  }
0x47: {  	[sflag:s22] =	ssyncset.done $0x0  }
0x48: {  	s29 =	simm.s32 $0x0;
	[sflag:s22] =	ssyncadd.s32 $0xFFFFFD80  }
0x49: {  	s30 =	simm.s32 $0x40;
	v0 =	vld [tilespmem:s29+$0x820]  }
.LBB2_5:
0x4a: {  	p0 =	sne.s32 s30, $0x9C0;
	v1 =	vld [tilespmem:s29+$0x5A0];
	_ =	sdelay $0x2  }
.Ltmp1:
0x4b: {  	(pc) =	sbr.rel @p0 .LBB2_5-.Ltmp1, $4  }
0x4c: {  	_ = 	snop  }
0x4d: {  	v1 =	vsub.f32 v1, v0  }
0x4e: {  	s31 =	sshra.s32 s30, $0x2  }
0x4f: {  	s30 =	sadd.s32 $0x40, s30;
	v0 =	vld [tilespmem:s31+$0x820];
	[tilespmem:s29+$0x5A0] =	vst v1;
	s29 =	smov.u32 s31  }
0x50: {  	v1 =	vld [tilespmem:s29+$0x5A0];
	_ =	sdelay $0x1  }
0x51: {  	s28 =	smul.u32 $0x28, s28;
	s26 =	sadd.s32 $0x1, s26  }
0x52: {  	p0 =	sne.s32 s26, $0x7D  }
.Ltmp2:
0x53: {  	s28 =	sadd.s32 s7, s28;
	(pc) =	sbr.rel @p0 .LBB2_2-.Ltmp2, $4  }
0x54: {  	s28 =	sshll.u32 s28, $0x1;
	v0 =	vsub.f32 v1, v0  }
0x55: {  	s28 =	sand.u32 $0x1FFFFFF0, s28  }
0x56: {  	s28 =	sadd.s32 s6, s28;
	[tilespmem:s29+$0x5A0] =	vst v0  }
0x57: {  	[hbm4b:s28+s3] =	stream.linear.scatter [tilespmem:s16], [sflag:$0x6], $0x280, $0x38;
	[tilespmem:$0xAA0] =	vst v63  }
0x58: {  	s25 =	sadd.s32 $0x1, s25  }
0x59: {  	_ =	swait.ge [sflag:s23], $0x280;
	p0 =	sne.s32 s25, s10  }
.Ltmp3:
0x5a: {  	[sflag:s23] =	ssyncset.done $0x0;
	(pc) =	sbr.rel @p0 .LBB2_1-.Ltmp3, $4  }
0x5b: {  	[sflag:s23] =	ssyncadd.s32 $0xFFFFFD80  }
0x5c: {  	_ =	swait.ge [sflag:s24], $0x280  }
0x5d: {  	[sflag:s24] =	ssyncset.done $0x0  }
0x5e: {  	[sflag:s24] =	ssyncadd.s32 $0xFFFFFD80  }
0x5f: {  	_ =	sfence.sel $0x180000  }
0x60: {  	[bflag:$0x0] =	sbarrier.arrive $0xFFFF  }
0x61: {  	p0 =	sne.s32 s1, $0x0;
	_ =	strace $0x90000047  }
0x62: {  	s0 =	sadd.s32 @!p0 $0x100000, s0;
	[bflag:$0x2] =	sbarrier.arrive $0xFFFF  }
0x63: {  	[sflag:s0] =	ssyncadd.tile.s32 @!p0 $0x1;
	_ =	shalt  }
.Lfunc_end2:
_tile_overlayer_lowered:
.L_overlay_start_2:
0x64: {  	(tag) =	ssettag $0x2  }
0x65: {  	s0 =	rddreg [dreg:$0x0];
	s2 =	stileid.u32  }
0x66: {  	s1 =	rddreg [dreg:$0x1];
	p0 =	sne.s32 s2, $0x0  }
0x67: {  	s3 =	rddreg [dreg:$0x2];
	[bflag:$0x3] =	sbarrier.arrive $0xFFFF;
	s2 =	simm.s32 @!p0 $0x1C07  }
0x68: {  	[timem:s3], [sflag:s2] =	dma.local @!p0 [hbm:s0], s1  }
0x69: {  	s0 =	simm.s32 @!p0 $0x7  }
0x6a: {  	_ =	swait.ge @!p0 [sflag:s0], s1  }
0x6b: {  	s1 =	ssub.s32 @!p0 $0x0, s1;
	[sflag:s0] =	ssyncset.done @!p0 $0x0  }
0x6c: {  	[sflag:s0] =	ssyncadd.s32 @!p0 s1  }
0x6d: {  	[bflag:$0x3] =	sbarrier.arrive $0xFFFF  }
0x6e: {  	_ =	shalt  }

// kernel: kernel.18.cloned.1.call-start
scs
__scs_entry_jumppad:
0x0: {  	(pc) =	sbr.rel $0x88, $3  }
0x1: {  	(tag) =	ssettag $0x0;
	lr =	simm.s32 $0x1  }
0x2: {  	[smem:$0x3F93] =	sst lr;
	_ =	strace $0xD0000000  }
0x3: {  	_ = 	snop  }
0x4: {  	_ = 	snop  }
0x5: {  	_ = 	snop  }
0x6: {  	_ = 	snop  }
0x7: {  	_ = 	snop  }
__scs_overlays_trampoline_lowered:
0x8: {  	[smem:$0x3FA2] =	sst s0  }
0x9: {  	[smem:$0x3FA3] =	sst s1  }
0xa: {  	[smem:$0x3FA4] =	sst s2  }
0xb: {  	[smem:$0x3FA5] =	sst s3  }
0xc: {  	[smem:$0x3FA6] =	sst s4  }
0xd: {  	[smem:$0x3FA7] =	sst s5  }
0xe: {  	[smem:$0x3FA8] =	sst s6  }
0xf: {  	[smem:$0x3FA9] =	sst s7  }
0x10: {  	[smem:$0x3FAA] =	sst s8  }
0x11: {  	[smem:$0x3FAB] =	sst s9;
	s0 =	simm.s32 @!p0 $0x0  }
0x12: {  	s1 =	sld [smem:$0x3F91];
	s0 =	simm.s32 @p0 $0x1  }
0x13: {  	[smem:$0x3FAC] =	sst s0;
	s0 =	simm.s32 @!p1 $0x0  }
0x14: {  	s2 =	sld [smem:$0x3F90];
	s0 =	simm.s32 @p1 $0x1  }
0x15: {  	[smem:$0x3FAD] =	sst s0;
	s0 =	simm.s32 @!p2 $0x0  }
0x16: {  	s3 =	sld [smem:$0x3FDB];
	s0 =	simm.s32 @p2 $0x1  }
0x17: {  	s4 =	simm.s32 $0x1BF5;
	[smem:$0x3FAF] =	sst s0  }
0x18: {  	s0 =	sld [smem:$0x3F92];
	_ =	swait.ge [sflag:s4], $0x0  }
0x19: {  	s7 =	sld [smem:$0x3F93]  }
0x1a: {  	s8 =	sadd.s32 $0xFFFFE003, lr  }
0x1b: {  	s9 =	sadd.s32 $0xFFFFFEF7, lr;
	s5 =	simm.s32 $0xFFFFFFFF;
	p2 =	slt.u32 s8, $0xFFFFF086  }
0x1c: {  	p1 =	slt.u32 s9, $0xF7A;
	s5 =	simm.s32 @!p2 $0x0  }
0x1d: {  	s5 =	simm.s32 @p1 $0x1;
	p0 =	seq.s32 s7, s2  }
0x1e: {  	s7 =	smul.u32 @!p0 $0xF7A, s2;
	p2 =	seq.s32 @!p0 s5, $0x0  }
0x1f: {  	s9 =	smul.u32 $0xF7A, s1;
	s8 =	simm.s32 @!p0 $0x1BF5;
	p2 =	por !p2, p0  }
0x20: {  	[sflag:s8] =	ssyncset.s32 @!p0 $0xFFFFF086;
	s6 =	sadd.s32 @!p0 s3, s7;
	s7 =	simm.s32 @!p0 $0x108  }
0x21: {  	s3 =	sadd.s32 s3, s9;
	s6 =	sadd.s32 @!p0 $0x88, s6;
	s7 =	simm.s32 @p2 $0x1082  }
0x22: {  	[simem:s7], [sflag:s8] =	dma.local @!p0 [hbm:s6], $0xF7A  }
0x23: {  	s9 =	sor.u32 $0xD0000000, s2;
	s6 =	simm.s32 $0x108;
	_ =	swait.ge @!p0 [sflag:s8], $0x0  }
0x24: {  	s3 =	sadd.s32 $0x88, s3;
	s6 =	simm.s32 @!p1 $0x1082;
	[sflag:s4] =	ssyncset.s32 $0xFFFFF086  }
0x25: {  	[simem:s6], [sflag:s4] =	dma.local [hbm:s3], $0xF7A  }
0x26: {  	[smem:$0x3F93] =	sst s1;
	(tag) =	ssettag s2;
	_ =	strace s9  }
0x27: {  	s1 =	sld [smem:$0x3FA3]  }
0x28: {  	s2 =	sld [smem:$0x3FA4]  }
0x29: {  	s4 =	sld [smem:$0x3FA6]  }
0x2a: {  	p0 =	seq.s32 s5, $0x0;
	s5 =	sld [smem:$0x3FA7]  }
0x2b: {  	s6 =	sld [smem:$0x3FA8]  }
0x2c: {  	s7 =	sld [smem:$0x3FA9]  }
0x2d: {  	s3 =	simm.s32 $0x108;
	s8 =	sld [smem:$0x3FAA]  }
0x2e: {  	s3 =	simm.s32 @!p0 $0x1082;
	s9 =	sld [smem:$0x3FAB]  }
0x2f: {  	lr =	sadd.s32 s0, s3;
	s0 =	sld [smem:$0x3FA2]  }
0x30: {  	s3 =	sld [smem:$0x3FA5]  }
0x31: {  	[smem:$0x3FAE] =	sst s10  }
0x32: {  	s10 =	sld [smem:$0x3FAC];
	_ =	sdelay $0x3  }
0x33: {  	p0 =	seq.s32 s10, $0x1;
	s10 =	sld [smem:$0x3FAE];
	_ =	sdelay $0x3  }
0x34: {  	[smem:$0x3FAE] =	sst s10  }
0x35: {  	s10 =	sld [smem:$0x3FAD];
	_ =	sdelay $0x3  }
0x36: {  	p1 =	seq.s32 s10, $0x1;
	s10 =	sld [smem:$0x3FAE];
	_ =	sdelay $0x3  }
0x37: {  	[smem:$0x3FAE] =	sst s10  }
0x38: {  	s10 =	sld [smem:$0x3FAF]  }
0x39: {  	_ = 	snop;
	(pc) =	sbr.ind lr, $3  }
0x3a: {  	_ = 	snop  }
0x3b: {  	_ = 	snop  }
0x3c: {  	p2 =	seq.s32 s10, $0x1;
	s10 =	sld [smem:$0x3FAE]  }
0x3d: {  	_ =	shalt  }
0x3e: {  	_ =	shalt  }
0x3f: {  	_ =	shalt  }
0x40: {  	_ =	shalt  }
0x41: {  	_ =	shalt  }
0x42: {  	_ =	shalt  }
0x43: {  	_ =	shalt  }
0x44: {  	_ =	shalt  }
0x45: {  	_ =	shalt  }
0x46: {  	_ =	shalt  }
0x47: {  	_ =	shalt  }
0x48: {  	_ =	shalt  }
0x49: {  	_ =	shalt  }
0x4a: {  	_ =	shalt  }
0x4b: {  	_ =	shalt  }
0x4c: {  	_ =	shalt  }
0x4d: {  	_ =	shalt  }
0x4e: {  	_ =	shalt  }
0x4f: {  	_ =	shalt  }
0x50: {  	_ =	shalt  }
0x51: {  	_ =	shalt  }
0x52: {  	_ =	shalt  }
0x53: {  	_ =	shalt  }
0x54: {  	_ =	shalt  }
0x55: {  	_ =	shalt  }
0x56: {  	_ =	shalt  }
0x57: {  	_ =	shalt  }
0x58: {  	_ =	shalt  }
0x59: {  	_ =	shalt  }
0x5a: {  	_ =	shalt  }
0x5b: {  	_ =	shalt  }
0x5c: {  	_ =	shalt  }
0x5d: {  	_ =	shalt  }
0x5e: {  	_ =	shalt  }
0x5f: {  	_ =	shalt  }
0x60: {  	_ =	shalt  }
0x61: {  	_ =	shalt  }
0x62: {  	_ =	shalt  }
0x63: {  	_ =	shalt  }
0x64: {  	_ =	shalt  }
0x65: {  	_ =	shalt  }
0x66: {  	_ =	shalt  }
0x67: {  	_ =	shalt  }
0x68: {  	_ =	shalt  }
0x69: {  	_ =	shalt  }
0x6a: {  	_ =	shalt  }
0x6b: {  	_ =	shalt  }
0x6c: {  	_ =	shalt  }
0x6d: {  	_ =	shalt  }
0x6e: {  	_ =	shalt  }
0x6f: {  	_ =	shalt  }
0x70: {  	_ =	shalt  }
0x71: {  	_ =	shalt  }
0x72: {  	_ =	shalt  }
0x73: {  	_ =	shalt  }
0x74: {  	_ =	shalt  }
0x75: {  	_ =	shalt  }
0x76: {  	_ =	shalt  }
0x77: {  	_ =	shalt  }
0x78: {  	_ =	shalt  }
0x79: {  	_ =	shalt  }
0x7a: {  	_ =	shalt  }
0x7b: {  	_ =	shalt  }
0x7c: {  	_ =	shalt  }
0x7d: {  	_ =	shalt  }
0x7e: {  	_ =	shalt  }
0x7f: {  	_ =	shalt  }
0x80: {  	_ =	shalt  }
0x81: {  	_ =	shalt  }
0x82: {  	_ =	shalt  }
0x83: {  	_ =	shalt  }
0x84: {  	_ =	shalt  }
0x85: {  	_ =	shalt  }
0x86: {  	_ =	shalt  }
0x87: {  	_ =	shalt  }
.Lfunc_end0:
.L_simem_size_0:
called_computation.1_lowered:
.L_overlay_start_0:
0x88: {  	s2 =	sld [smem:$0x3FD9]  }
0x89: {  	s3 =	sld [smem:$0x3FFE];
	_ =	sdelay $0x1  }
0x8a: {  	s1 =	srdreg.scid  }
0x8b: {  	s0 =	sand.u32 $0x1, s1  }
0x8c: {  	s17 =	sshll.u32 s0, $0xA;
	s2 =	sadd.s32 s3, s2  }
0x8d: {  	s2 =	sadd.s32 s2, s17  }
0x8e: {  	[smem:$0x3FBA] =	sst s2  }
0x8f: {  	_ = 	snop  }
0x90: {  	s18 =	sld [smem:$0x3FC7]  }
0x91: {  	s4 =	sld [smem:$0x3FC3];
	(tm) =	ssettm $0x1  }
0x92: {  	s19 =	sld [smem:$0x3FFB];
	_ =	sdelay $0x3  }
0x93: {  	_ =	strace s19  }
0x94: {  	s2 =	sld [smem:$0x3FFC];
	_ =	sdelay $0x3  }
0x95: {  	_ =	strace s2  }
0x96: {  	s2 =	sld [smem:$0x3FFD];
	_ =	sdelay $0x3  }
0x97: {  	_ =	strace s2  }
0x98: {  	_ =	strace $0x8FFFFFFF  }
0x99: {  	s20 =	sld [smem:$0x3FDB];
	_ =	sdelay $0x1  }
0x9a: {  	s5 =	simm.s32 $_scs_section_size  }
0x9b: {  	s6 =	simm.s32 $_size__tile_overlayer_lowered;
	s7 =	simm.s32 $_tile_overlayer_lowered  }
0x9c: {  	s8 =	simm.s32 $0x1BFF;
	s21 =	sshll.u32 s7, $0x1;
	s5 =	sadd.s32 s5, s20  }
0x9d: {  	s22 =	simm.s32 $0x0;
	s6 =	sshll.u32 s6, $0x1;
	s7 =	sadd.s32 s21, s5  }
0x9e: {  	[timem:s22], [sflag:s8] =	dma.local [hbm:s7], s6  }
0x9f: {  	_ =	swait.ge [sflag:s8], s6  }
0xa0: {  	s6 =	ssub.s32 $0x0, s6;
	[sflag:s8] =	ssyncset.done $0x0  }
0xa1: {  	[sflag:s8] =	ssyncadd.s32 s6;
	_ =	sdelay $0x1  }
0xa2: {  	s23 =	simm.s32 $0x1B8B  }
0xa3: {  	_ =	swait.ge [sflag:s23], $0x1  }
0xa4: {  	[sflag:s23] =	ssyncset.done $0x0  }
0xa5: {  	[sflag:s23] =	ssyncadd.s32 $0xFFFFFFFF  }
0xa6: {  	s6 =	sld [smem:$0x0]  }
0xa7: {  	s7 =	sand.u32 $0xFFFFFFFE, s1  }
0xa8: {  	p0 =	sne.s32 s1, s7  }
0xa9: {  	s7 =	sshll.u32 @p0 s7, $0xE  }
0xaa: {  	s7 =	sadd.s32 @p0 $0x11B8D, s7;
	s8 =	sshll.u32 @p0 s6, $0x11  }
0xab: {  	s7 =	sor.u32 @p0 s8, s7  }
0xac: {  	[sflag:s7] =	ssyncadd.remote.s32 @p0 $0x1;
	_ =	sdelay $0x1  }
0xad: {  	s7 =	simm.s32 @p0 $0x1B8D  }
0xae: {  	_ =	swait.eq @p0 [sflag:s7], $0x1  }
0xaf: {  	[sflag:s7] =	ssyncadd.s32 @p0 $0xFFFFFFFF  }
0xb0: {  	s8 =	sshll.u32 @!p0 s1, $0xE  }
0xb1: {  	s8 =	sor.u32 @!p0 $0x4000, s8;
	s7 =	simm.s32 @!p0 $0x1B8D  }
0xb2: {  	s6 =	sshll.u32 @!p0 s6, $0x11;
	s8 =	sadd.s32 @!p0 $0x11B8D, s8;
	_ =	swait.eq @!p0 [sflag:s7], $0x1  }
0xb3: {  	s6 =	sor.u32 @!p0 s6, s8;
	[sflag:s7] =	ssyncadd.s32 @!p0 $0xFFFFFFFF  }
0xb4: {  	s25 =	simm.s32 $0x1B8E;
	s24 =	sld [smem:$0x3FFE];
	[sflag:s6] =	ssyncadd.remote.s32 @!p0 $0x1  }
0xb5: {  	s26 =	simm.s32 $execute0_lowered;
	[smem:$0x3FD2] =	sst s25  }
0xb6: {  	s7 =	sshll.u32 s26, $0x1;
	_ =	strace $0x80000049;
	[dreg:$0x1] =	wrdreg $0xFFFFFFFF  }
0xb7: {  	s28 =	simm.s32 $_size_execute0_lowered;
	s5 =	sadd.s32 s5, s7;
	[dreg:$0x0] =	wrdreg $0x0  }
0xb8: {  	s7 =	sshll.u32 s28, $0x1;
	[dreg:$0x2] =	wrdreg s5  }
0xb9: {  	[dreg:$0x3] =	wrdreg s7  }
0xba: {  	[dreg:$0x4] =	wrdreg $0xC0  }
0xbb: {  	_ =	task [dreg:s22], $0x5FFFF  }
0xbc: {  	[dreg:$0x1] =	wrdreg $0xFFFFFFFF  }
0xbd: {  	[dreg:$0x0] =	wrdreg $0x60  }
0xbe: {  	[dreg:$0x2] =	wrdreg s4  }
0xbf: {  	[dreg:$0x3] =	wrdreg s18  }
0xc0: {  	[dreg:$0x4] =	wrdreg s24  }
0xc1: {  	[dreg:$0x5] =	wrdreg $0xA  }
0xc2: {  	_ =	task.clear_ibuf [dreg:s22], $0x6FFFF;
	_ =	strace $0x90000049  }
0xc3: {  	s29 =	simm.s32 $0xA;
	_ =	strace $0x8000004B  }
0xc4: {  	_ =	swait.ge [sflag:s29], $0x1  }
0xc5: {  	[sflag:s29] =	ssyncadd.s32 $0xFFFFFFFF  }
0xc6: {  	_ =	strace $0x9000004B  }
0xc7: {  	_ =	sfence  }
0xc8: {  	s30 =	sld [smem:$0x0];
	_ =	sdelay $0x2  }
0xc9: {  	s31 =	sshll.u32 s1, $0xD;
	s1 =	sshrl.u32 s1, $0x2  }
0xca: {  	s4 =	sand.u32 $0x4000, s31;
	s1 =	sadd.s32 s1, s30  }
0xcb: {  	s0 =	sor.u32 s4, s0;
	s1 =	sshll.u32 s1, $0x11  }
0xcc: {  	s0 =	sor.u32 s1, s0  }
0xcd: {  	s0 =	sadd.s32 $0x8F2B, s0  }
0xce: {  	[sflag:s0] =	ssyncadd.remote.s32 $0x1  }
0xcf: {  	_ =	sfence.sel $0xFFFF  }
0xd0: {  	[dreg:$0x0] =	wrdreg $0xFFFFFFFF;
	(pc) =	sbr.abs _section_cstart, $3  }
0xd1: {  	[dreg:$0x1] =	wrdreg $0xFFFFFFFF  }
0xd2: {  	_ =	task.clear_ibuf [dreg:s22], $0x2FFFF;
	_ =	strace $0x9FFFFFFF  }
0xd3: {  	(tm) =	ssettm $0x7FFFFFFF  }
tec
execute0_lowered:
.L_overlay_start_1:
0x0: {  	(tag) =	ssettag $0x1  }
0x1: {  	s1 =	srdreg.scid;
	s0 =	stileid.u32  }
0x2: {  	s16 =	sand.u32 $0x1, s1;
	s4 =	sshll.u32 s0, $0x1  }
0x3: {  	s9 =	sor.u32 s16, s4  }
0x4: {  	p0 =	sgt.u32 s9, $0x18  }
.Ltmp0:
0x5: {  	s2 =	rddreg [dreg:$0x0];
	(pc) =	sbr.rel @p0 .LBB2_4-.Ltmp0, $4  }
0x6: {  	s15 =	rddreg [dreg:$0x1]  }
0x7: {  	s8 =	rddreg [dreg:$0x2];
	s3 =	simm.s32 $0x0  }
0x8: {  	[smem:$0x7FF] =	sst s3  }
0x9: {  	s1 =	rddreg [dreg:$0x3];
	_ =	strace $0x8000004A  }
0xa: {  	s18 =	smul.u32 $0x190, s9;
	_ =	sdelay $0x1  }
0xb: {  	s4 =	sshrl.u32 s18, $0x3  }
0xc: {  	s5 =	sadd.s32 s15, s4;
	s4 =	simm.s32 $0x2  }
0xd: {  	[tilespmem:s3], [sflag:$0x2] =	stream.linear.gather [hbm4b:s5+s3], $0x50, $0x38;
	[tilespmem:$0x2850] =	vst v63  }
0xe: {  	_ =	swait.ge [sflag:s4], $0x50  }
0xf: {  	[sflag:s4] =	ssyncset.done $0x0  }
0x10: {  	s6 =	simm.s32 $0x50;
	s7 =	simm.s32 $0x1;
	[sflag:s4] =	ssyncadd.s32 $0xFFFFFFB0  }
0x11: {  	[tilespmem:s6], [sflag:$0x1] =	stream.indirect.gather [hbm4b:s2+s6], $0x80, s3, s6, $0xb8;
	[tilespmem:$0x2850] =	vst v63  }
0x12: {  	s26 =	smul.u32 $0x1900, s9;
	_ =	swait.ge [sflag:s7], $0x2800  }
0x13: {  	s17 =	sadd.s32 $0xA7E00, s8;
	[sflag:s7] =	ssyncset.done $0x0  }
0x14: {  	s8 =	sadd.s32 s17, s26;
	[sflag:s7] =	ssyncadd.s32 $0xFFFFD800  }
0x15: {  	[hbm4b:s8+s3] =	stream.linear.scatter [tilespmem:s6], [sflag:$0x2], $0x2800, $0x38;
	[tilespmem:$0x2850] =	vst v63  }
0x16: {  	s10 =	sadd.s32 $0x50, s18;
	_ =	swait.ge [sflag:s4], $0x2800  }
0x17: {  	s28 =	sshrl.u32 s10, $0x3;
	[sflag:s4] =	ssyncset.done $0x0  }
0x18: {  	s9 =	sadd.s32 s15, s28;
	[sflag:s4] =	ssyncadd.s32 $0xFFFFD800  }
0x19: {  	[tilespmem:s3], [sflag:$0x2] =	stream.linear.gather [hbm4b:s9+s3], $0x50, $0x38;
	[tilespmem:$0x2850] =	vst v63  }
0x1a: {  	_ =	swait.ge [sflag:s4], $0x50  }
0x1b: {  	[sflag:s4] =	ssyncset.done $0x0  }
0x1c: {  	[sflag:s4] =	ssyncadd.s32 $0xFFFFFFB0  }
0x1d: {  	[tilespmem:s6], [sflag:$0x1] =	stream.indirect.gather [hbm4b:s2+s6], $0x80, s3, s6, $0xb8;
	[tilespmem:$0x2850] =	vst v63  }
0x1e: {  	_ =	swait.ge [sflag:s7], $0x2800  }
0x1f: {  	s10 =	sshll.u32 s10, $0x4;
	[sflag:s7] =	ssyncset.done $0x0  }
0x20: {  	s10 =	sadd.s32 s17, s10;
	[sflag:s7] =	ssyncadd.s32 $0xFFFFD800  }
0x21: {  	[hbm4b:s10+s3] =	stream.linear.scatter [tilespmem:s6], [sflag:$0x2], $0x2800, $0x38;
	[tilespmem:$0x2850] =	vst v63  }
0x22: {  	s12 =	sadd.s32 $0xA0, s18;
	_ =	swait.ge [sflag:s4], $0x2800  }
0x23: {  	s11 =	sshrl.u32 s12, $0x3;
	[sflag:s4] =	ssyncset.done $0x0  }
0x24: {  	s11 =	sadd.s32 s15, s11;
	[sflag:s4] =	ssyncadd.s32 $0xFFFFD800  }
0x25: {  	[tilespmem:s3], [sflag:$0x2] =	stream.linear.gather [hbm4b:s11+s3], $0x50, $0x38;
	[tilespmem:$0x2850] =	vst v63  }
0x26: {  	_ =	swait.ge [sflag:s4], $0x50  }
0x27: {  	[sflag:s4] =	ssyncset.done $0x0  }
0x28: {  	[sflag:s4] =	ssyncadd.s32 $0xFFFFFFB0  }
0x29: {  	[tilespmem:s6], [sflag:$0x1] =	stream.indirect.gather [hbm4b:s2+s6], $0x80, s3, s6, $0xb8;
	[tilespmem:$0x2850] =	vst v63  }
0x2a: {  	_ =	swait.ge [sflag:s7], $0x2800  }
0x2b: {  	s12 =	sshll.u32 s12, $0x4;
	[sflag:s7] =	ssyncset.done $0x0  }
0x2c: {  	s12 =	sadd.s32 s17, s12;
	[sflag:s7] =	ssyncadd.s32 $0xFFFFD800  }
0x2d: {  	[hbm4b:s12+s3] =	stream.linear.scatter [tilespmem:s6], [sflag:$0x2], $0x2800, $0x38;
	[tilespmem:$0x2850] =	vst v63  }
0x2e: {  	s14 =	sadd.s32 $0xF0, s18;
	_ =	swait.ge [sflag:s4], $0x2800  }
0x2f: {  	s13 =	sshrl.u32 s14, $0x3;
	[sflag:s4] =	ssyncset.done $0x0  }
0x30: {  	s13 =	sadd.s32 s15, s13;
	[sflag:s4] =	ssyncadd.s32 $0xFFFFD800  }
0x31: {  	[tilespmem:s3], [sflag:$0x2] =	stream.linear.gather [hbm4b:s13+s3], $0x50, $0x38;
	[tilespmem:$0x2850] =	vst v63  }
0x32: {  	_ =	swait.ge [sflag:s4], $0x50  }
0x33: {  	[sflag:s4] =	ssyncset.done $0x0  }
0x34: {  	[sflag:s4] =	ssyncadd.s32 $0xFFFFFFB0  }
0x35: {  	[tilespmem:s6], [sflag:$0x1] =	stream.indirect.gather [hbm4b:s2+s6], $0x80, s3, s6, $0xb8;
	[tilespmem:$0x2850] =	vst v63  }
0x36: {  	_ =	swait.ge [sflag:s7], $0x2800  }
0x37: {  	s14 =	sshll.u32 s14, $0x4;
	[sflag:s7] =	ssyncset.done $0x0  }
0x38: {  	s14 =	sadd.s32 s17, s14;
	[sflag:s7] =	ssyncadd.s32 $0xFFFFD800  }
0x39: {  	[hbm4b:s14+s3] =	stream.linear.scatter [tilespmem:s6], [sflag:$0x2], $0x2800, $0x38;
	[tilespmem:$0x2850] =	vst v63  }
0x3a: {  	s18 =	sadd.s32 $0x140, s18;
	_ =	swait.ge [sflag:s4], $0x2800  }
0x3b: {  	s19 =	sshrl.u32 s18, $0x3;
	[sflag:s4] =	ssyncset.done $0x0  }
0x3c: {  	s16 =	ssub.s32 $0x2, s16;
	s15 =	sadd.s32 s15, s19;
	[sflag:s4] =	ssyncadd.s32 $0xFFFFD800  }
0x3d: {  	[tilespmem:s3], [sflag:$0x2] =	stream.linear.gather [hbm4b:s15+s3], $0x50, $0x38;
	[tilespmem:$0x2850] =	vst v63  }
0x3e: {  	s29 =	sshrl.u32 s16, $0x1;
	_ =	swait.ge [sflag:s4], $0x50  }
0x3f: {  	s19 =	ssub.s32 s16, s29;
	[sflag:s4] =	ssyncset.done $0x0  }
0x40: {  	s31 =	smax.u32 s19, $0x1;
	[sflag:s4] =	ssyncadd.s32 $0xFFFFFFB0  }
0x41: {  	[tilespmem:s6], [sflag:$0x1] =	stream.indirect.gather [hbm4b:s2+s6], $0x80, s3, s6, $0xb8;
	[tilespmem:$0x2850] =	vst v63  }
0x42: {  	p0 =	sne.s32 s31, $0x1;
	_ =	swait.ge [sflag:s7], $0x2800  }
.Ltmp1:
0x43: {  	s30 =	sshll.u32 s18, $0x4;
	[sflag:s7] =	ssyncset.done $0x0;
	(pc) =	sbr.rel @!p0 .LBB2_3-.Ltmp1, $4  }
0x44: {  	s16 =	sadd.s32 s17, s30;
	[sflag:s7] =	ssyncadd.s32 $0xFFFFD800  }
0x45: {  	[hbm4b:s16+s3] =	stream.linear.scatter [tilespmem:s6], [sflag:$0x2], $0x2800, $0x38;
	[tilespmem:$0x2850] =	vst v63  }
0x46: {  	_ =	swait.ge [sflag:s4], $0x2800  }
0x47: {  	s17 =	sadd.s32 $0xFFFFFFFF, s31;
	[sflag:s4] =	ssyncset.done $0x0  }
.LBB2_2:
0x48: {  	p0 =	sne.s32 s17, $0x1;
	s17 =	sadd.s32 $0xFFFFFFFF, s17;
	[sflag:s4] =	ssyncadd.s32 $0xFFFFD800  }
0x49: {  	[tilespmem:s3], [sflag:$0x2] =	stream.linear.gather [hbm4b:s5+s3], $0x50, $0x38;
	[tilespmem:$0x2850] =	vst v63  }
0x4a: {  	_ =	swait.ge [sflag:s4], $0x50  }
0x4b: {  	[sflag:s4] =	ssyncset.done $0x0  }
0x4c: {  	[sflag:s4] =	ssyncadd.s32 $0xFFFFFFB0  }
0x4d: {  	[tilespmem:s6], [sflag:$0x1] =	stream.indirect.gather [hbm4b:s2+s6], $0x80, s3, s6, $0xb8;
	[tilespmem:$0x2850] =	vst v63  }
0x4e: {  	_ =	swait.ge [sflag:s7], $0x2800  }
0x4f: {  	[sflag:s7] =	ssyncset.done $0x0  }
0x50: {  	[sflag:s7] =	ssyncadd.s32 $0xFFFFD800  }
0x51: {  	[hbm4b:s8+s3] =	stream.linear.scatter [tilespmem:s6], [sflag:$0x2], $0x2800, $0x38;
	[tilespmem:$0x2850] =	vst v63  }
0x52: {  	_ =	swait.ge [sflag:s4], $0x2800  }
0x53: {  	[sflag:s4] =	ssyncset.done $0x0  }
0x54: {  	[sflag:s4] =	ssyncadd.s32 $0xFFFFD800  }
0x55: {  	[tilespmem:s3], [sflag:$0x2] =	stream.linear.gather [hbm4b:s9+s3], $0x50, $0x38;
	[tilespmem:$0x2850] =	vst v63  }
0x56: {  	_ =	swait.ge [sflag:s4], $0x50  }
0x57: {  	[sflag:s4] =	ssyncset.done $0x0  }
0x58: {  	[sflag:s4] =	ssyncadd.s32 $0xFFFFFFB0  }
0x59: {  	[tilespmem:s6], [sflag:$0x1] =	stream.indirect.gather [hbm4b:s2+s6], $0x80, s3, s6, $0xb8;
	[tilespmem:$0x2850] =	vst v63  }
0x5a: {  	_ =	swait.ge [sflag:s7], $0x2800  }
0x5b: {  	[sflag:s7] =	ssyncset.done $0x0  }
0x5c: {  	[sflag:s7] =	ssyncadd.s32 $0xFFFFD800  }
0x5d: {  	[hbm4b:s10+s3] =	stream.linear.scatter [tilespmem:s6], [sflag:$0x2], $0x2800, $0x38;
	[tilespmem:$0x2850] =	vst v63  }
0x5e: {  	_ =	swait.ge [sflag:s4], $0x2800  }
0x5f: {  	[sflag:s4] =	ssyncset.done $0x0  }
0x60: {  	[sflag:s4] =	ssyncadd.s32 $0xFFFFD800  }
0x61: {  	[tilespmem:s3], [sflag:$0x2] =	stream.linear.gather [hbm4b:s11+s3], $0x50, $0x38;
	[tilespmem:$0x2850] =	vst v63  }
0x62: {  	_ =	swait.ge [sflag:s4], $0x50  }
0x63: {  	[sflag:s4] =	ssyncset.done $0x0  }
0x64: {  	[sflag:s4] =	ssyncadd.s32 $0xFFFFFFB0  }
0x65: {  	[tilespmem:s6], [sflag:$0x1] =	stream.indirect.gather [hbm4b:s2+s6], $0x80, s3, s6, $0xb8;
	[tilespmem:$0x2850] =	vst v63  }
0x66: {  	_ =	swait.ge [sflag:s7], $0x2800  }
0x67: {  	[sflag:s7] =	ssyncset.done $0x0  }
0x68: {  	[sflag:s7] =	ssyncadd.s32 $0xFFFFD800  }
0x69: {  	[hbm4b:s12+s3] =	stream.linear.scatter [tilespmem:s6], [sflag:$0x2], $0x2800, $0x38;
	[tilespmem:$0x2850] =	vst v63  }
0x6a: {  	_ =	swait.ge [sflag:s4], $0x2800  }
0x6b: {  	[sflag:s4] =	ssyncset.done $0x0  }
0x6c: {  	[sflag:s4] =	ssyncadd.s32 $0xFFFFD800  }
0x6d: {  	[tilespmem:s3], [sflag:$0x2] =	stream.linear.gather [hbm4b:s13+s3], $0x50, $0x38;
	[tilespmem:$0x2850] =	vst v63  }
0x6e: {  	_ =	swait.ge [sflag:s4], $0x50  }
0x6f: {  	[sflag:s4] =	ssyncset.done $0x0  }
0x70: {  	[sflag:s4] =	ssyncadd.s32 $0xFFFFFFB0  }
0x71: {  	[tilespmem:s6], [sflag:$0x1] =	stream.indirect.gather [hbm4b:s2+s6], $0x80, s3, s6, $0xb8;
	[tilespmem:$0x2850] =	vst v63  }
0x72: {  	_ =	swait.ge [sflag:s7], $0x2800  }
0x73: {  	[sflag:s7] =	ssyncset.done $0x0  }
0x74: {  	[sflag:s7] =	ssyncadd.s32 $0xFFFFD800  }
0x75: {  	[hbm4b:s14+s3] =	stream.linear.scatter [tilespmem:s6], [sflag:$0x2], $0x2800, $0x38;
	[tilespmem:$0x2850] =	vst v63  }
0x76: {  	_ =	swait.ge [sflag:s4], $0x2800  }
0x77: {  	[sflag:s4] =	ssyncset.done $0x0  }
0x78: {  	[sflag:s4] =	ssyncadd.s32 $0xFFFFD800  }
0x79: {  	[tilespmem:s3], [sflag:$0x2] =	stream.linear.gather [hbm4b:s15+s3], $0x50, $0x38;
	[tilespmem:$0x2850] =	vst v63  }
0x7a: {  	_ =	swait.ge [sflag:s4], $0x50  }
0x7b: {  	[sflag:s4] =	ssyncset.done $0x0  }
0x7c: {  	[sflag:s4] =	ssyncadd.s32 $0xFFFFFFB0  }
0x7d: {  	[tilespmem:s6], [sflag:$0x1] =	stream.indirect.gather [hbm4b:s2+s6], $0x80, s3, s6, $0xb8;
	[tilespmem:$0x2850] =	vst v63  }
0x7e: {  	_ =	swait.ge [sflag:s7], $0x2800  }
.Ltmp2:
0x7f: {  	[sflag:s7] =	ssyncset.done $0x0;
	(pc) =	sbr.rel @p0 .LBB2_2-.Ltmp2, $4  }
0x80: {  	[sflag:s7] =	ssyncadd.s32 $0xFFFFD800  }
0x81: {  	[hbm4b:s16+s3] =	stream.linear.scatter [tilespmem:s6], [sflag:$0x2], $0x2800, $0x38;
	[tilespmem:$0x2850] =	vst v63  }
0x82: {  	_ =	swait.ge [sflag:s4], $0x2800  }
0x83: {  	[sflag:s4] =	ssyncset.done $0x0  }
.LBB2_3:
0x84: {  	[sflag:s4] =	ssyncadd.s32 $0xFFFFD800  }
.LBB2_4:
0x85: {  	_ =	sfence.sel $0x180000  }
0x86: {  	[bflag:$0x0] =	sbarrier.arrive $0xFFFF  }
0x87: {  	p0 =	sne.s32 s0, $0x0;
	_ =	strace $0x9000004A  }
0x88: {  	s0 =	sadd.s32 @!p0 $0x100000, s1;
	[bflag:$0x2] =	sbarrier.arrive $0xFFFF  }
0x89: {  	[sflag:s0] =	ssyncadd.tile.s32 @!p0 $0x1;
	_ =	shalt  }
.Lfunc_end2:
_tile_overlayer_lowered:
.L_overlay_start_2:
0x8a: {  	(tag) =	ssettag $0x2  }
0x8b: {  	s0 =	rddreg [dreg:$0x0];
	s2 =	stileid.u32  }
0x8c: {  	s1 =	rddreg [dreg:$0x1];
	p0 =	sne.s32 s2, $0x0  }
0x8d: {  	s3 =	rddreg [dreg:$0x2];
	[bflag:$0x3] =	sbarrier.arrive $0xFFFF;
	s2 =	simm.s32 @!p0 $0x1C02  }
0x8e: {  	[timem:s3], [sflag:s2] =	dma.local @!p0 [hbm:s0], s1  }
0x8f: {  	s0 =	simm.s32 @!p0 $0x2  }
0x90: {  	_ =	swait.ge @!p0 [sflag:s0], s1  }
0x91: {  	s1 =	ssub.s32 @!p0 $0x0, s1;
	[sflag:s0] =	ssyncset.done @!p0 $0x0  }
0x92: {  	[sflag:s0] =	ssyncadd.s32 @!p0 s1  }
0x93: {  	[bflag:$0x3] =	sbarrier.arrive $0xFFFF  }
0x94: {  	_ =	shalt  }

// kernel: kernel.21.cloned.1.call-start
scs
__scs_entry_jumppad:
0x0: {  	(pc) =	sbr.rel $0x88, $3  }
0x1: {  	(tag) =	ssettag $0x0;
	lr =	simm.s32 $0x1  }
0x2: {  	[smem:$0x3F93] =	sst lr;
	_ =	strace $0xD0000000  }
0x3: {  	_ = 	snop  }
0x4: {  	_ = 	snop  }
0x5: {  	_ = 	snop  }
0x6: {  	_ = 	snop  }
0x7: {  	_ = 	snop  }
__scs_overlays_trampoline_lowered:
0x8: {  	[smem:$0x3FA2] =	sst s0  }
0x9: {  	[smem:$0x3FA3] =	sst s1  }
0xa: {  	[smem:$0x3FA4] =	sst s2  }
0xb: {  	[smem:$0x3FA5] =	sst s3  }
0xc: {  	[smem:$0x3FA6] =	sst s4  }
0xd: {  	[smem:$0x3FA7] =	sst s5  }
0xe: {  	[smem:$0x3FA8] =	sst s6  }
0xf: {  	[smem:$0x3FA9] =	sst s7  }
0x10: {  	[smem:$0x3FAA] =	sst s8  }
0x11: {  	[smem:$0x3FAB] =	sst s9;
	s0 =	simm.s32 @!p0 $0x0  }
0x12: {  	s1 =	sld [smem:$0x3F91];
	s0 =	simm.s32 @p0 $0x1  }
0x13: {  	[smem:$0x3FAC] =	sst s0;
	s0 =	simm.s32 @!p1 $0x0  }
0x14: {  	s2 =	sld [smem:$0x3F90];
	s0 =	simm.s32 @p1 $0x1  }
0x15: {  	[smem:$0x3FAD] =	sst s0;
	s0 =	simm.s32 @!p2 $0x0  }
0x16: {  	s3 =	sld [smem:$0x3FDB];
	s0 =	simm.s32 @p2 $0x1  }
0x17: {  	s4 =	simm.s32 $0x1BF5;
	[smem:$0x3FAF] =	sst s0  }
0x18: {  	s0 =	sld [smem:$0x3F92];
	_ =	swait.ge [sflag:s4], $0x0  }
0x19: {  	s7 =	sld [smem:$0x3F93]  }
0x1a: {  	s8 =	sadd.s32 $0xFFFFE003, lr  }
0x1b: {  	s9 =	sadd.s32 $0xFFFFFEF7, lr;
	s5 =	simm.s32 $0xFFFFFFFF;
	p2 =	slt.u32 s8, $0xFFFFF086  }
0x1c: {  	p1 =	slt.u32 s9, $0xF7A;
	s5 =	simm.s32 @!p2 $0x0  }
0x1d: {  	s5 =	simm.s32 @p1 $0x1;
	p0 =	seq.s32 s7, s2  }
0x1e: {  	s7 =	smul.u32 @!p0 $0xF7A, s2;
	p2 =	seq.s32 @!p0 s5, $0x0  }
0x1f: {  	s9 =	smul.u32 $0xF7A, s1;
	s8 =	simm.s32 @!p0 $0x1BF5;
	p2 =	por !p2, p0  }
0x20: {  	[sflag:s8] =	ssyncset.s32 @!p0 $0xFFFFF086;
	s6 =	sadd.s32 @!p0 s3, s7;
	s7 =	simm.s32 @!p0 $0x108  }
0x21: {  	s3 =	sadd.s32 s3, s9;
	s6 =	sadd.s32 @!p0 $0x88, s6;
	s7 =	simm.s32 @p2 $0x1082  }
0x22: {  	[simem:s7], [sflag:s8] =	dma.local @!p0 [hbm:s6], $0xF7A  }
0x23: {  	s9 =	sor.u32 $0xD0000000, s2;
	s6 =	simm.s32 $0x108;
	_ =	swait.ge @!p0 [sflag:s8], $0x0  }
0x24: {  	s3 =	sadd.s32 $0x88, s3;
	s6 =	simm.s32 @!p1 $0x1082;
	[sflag:s4] =	ssyncset.s32 $0xFFFFF086  }
0x25: {  	[simem:s6], [sflag:s4] =	dma.local [hbm:s3], $0xF7A  }
0x26: {  	[smem:$0x3F93] =	sst s1;
	(tag) =	ssettag s2;
	_ =	strace s9  }
0x27: {  	s1 =	sld [smem:$0x3FA3]  }
0x28: {  	s2 =	sld [smem:$0x3FA4]  }
0x29: {  	s4 =	sld [smem:$0x3FA6]  }
0x2a: {  	p0 =	seq.s32 s5, $0x0;
	s5 =	sld [smem:$0x3FA7]  }
0x2b: {  	s6 =	sld [smem:$0x3FA8]  }
0x2c: {  	s7 =	sld [smem:$0x3FA9]  }
0x2d: {  	s3 =	simm.s32 $0x108;
	s8 =	sld [smem:$0x3FAA]  }
0x2e: {  	s3 =	simm.s32 @!p0 $0x1082;
	s9 =	sld [smem:$0x3FAB]  }
0x2f: {  	lr =	sadd.s32 s0, s3;
	s0 =	sld [smem:$0x3FA2]  }
0x30: {  	s3 =	sld [smem:$0x3FA5]  }
0x31: {  	[smem:$0x3FAE] =	sst s10  }
0x32: {  	s10 =	sld [smem:$0x3FAC];
	_ =	sdelay $0x3  }
0x33: {  	p0 =	seq.s32 s10, $0x1;
	s10 =	sld [smem:$0x3FAE];
	_ =	sdelay $0x3  }
0x34: {  	[smem:$0x3FAE] =	sst s10  }
0x35: {  	s10 =	sld [smem:$0x3FAD];
	_ =	sdelay $0x3  }
0x36: {  	p1 =	seq.s32 s10, $0x1;
	s10 =	sld [smem:$0x3FAE];
	_ =	sdelay $0x3  }
0x37: {  	[smem:$0x3FAE] =	sst s10  }
0x38: {  	s10 =	sld [smem:$0x3FAF]  }
0x39: {  	_ = 	snop;
	(pc) =	sbr.ind lr, $3  }
0x3a: {  	_ = 	snop  }
0x3b: {  	_ = 	snop  }
0x3c: {  	p2 =	seq.s32 s10, $0x1;
	s10 =	sld [smem:$0x3FAE]  }
0x3d: {  	_ =	shalt  }
0x3e: {  	_ =	shalt  }
0x3f: {  	_ =	shalt  }
0x40: {  	_ =	shalt  }
0x41: {  	_ =	shalt  }
0x42: {  	_ =	shalt  }
0x43: {  	_ =	shalt  }
0x44: {  	_ =	shalt  }
0x45: {  	_ =	shalt  }
0x46: {  	_ =	shalt  }
0x47: {  	_ =	shalt  }
0x48: {  	_ =	shalt  }
0x49: {  	_ =	shalt  }
0x4a: {  	_ =	shalt  }
0x4b: {  	_ =	shalt  }
0x4c: {  	_ =	shalt  }
0x4d: {  	_ =	shalt  }
0x4e: {  	_ =	shalt  }
0x4f: {  	_ =	shalt  }
0x50: {  	_ =	shalt  }
0x51: {  	_ =	shalt  }
0x52: {  	_ =	shalt  }
0x53: {  	_ =	shalt  }
0x54: {  	_ =	shalt  }
0x55: {  	_ =	shalt  }
0x56: {  	_ =	shalt  }
0x57: {  	_ =	shalt  }
0x58: {  	_ =	shalt  }
0x59: {  	_ =	shalt  }
0x5a: {  	_ =	shalt  }
0x5b: {  	_ =	shalt  }
0x5c: {  	_ =	shalt  }
0x5d: {  	_ =	shalt  }
0x5e: {  	_ =	shalt  }
0x5f: {  	_ =	shalt  }
0x60: {  	_ =	shalt  }
0x61: {  	_ =	shalt  }
0x62: {  	_ =	shalt  }
0x63: {  	_ =	shalt  }
0x64: {  	_ =	shalt  }
0x65: {  	_ =	shalt  }
0x66: {  	_ =	shalt  }
0x67: {  	_ =	shalt  }
0x68: {  	_ =	shalt  }
0x69: {  	_ =	shalt  }
0x6a: {  	_ =	shalt  }
0x6b: {  	_ =	shalt  }
0x6c: {  	_ =	shalt  }
0x6d: {  	_ =	shalt  }
0x6e: {  	_ =	shalt  }
0x6f: {  	_ =	shalt  }
0x70: {  	_ =	shalt  }
0x71: {  	_ =	shalt  }
0x72: {  	_ =	shalt  }
0x73: {  	_ =	shalt  }
0x74: {  	_ =	shalt  }
0x75: {  	_ =	shalt  }
0x76: {  	_ =	shalt  }
0x77: {  	_ =	shalt  }
0x78: {  	_ =	shalt  }
0x79: {  	_ =	shalt  }
0x7a: {  	_ =	shalt  }
0x7b: {  	_ =	shalt  }
0x7c: {  	_ =	shalt  }
0x7d: {  	_ =	shalt  }
0x7e: {  	_ =	shalt  }
0x7f: {  	_ =	shalt  }
0x80: {  	_ =	shalt  }
0x81: {  	_ =	shalt  }
0x82: {  	_ =	shalt  }
0x83: {  	_ =	shalt  }
0x84: {  	_ =	shalt  }
0x85: {  	_ =	shalt  }
0x86: {  	_ =	shalt  }
0x87: {  	_ =	shalt  }
.Lfunc_end0:
.L_simem_size_0:
called_computation.2_lowered:
.L_overlay_start_0:
0x88: {  	s2 =	sld [smem:$0x3FD9]  }
0x89: {  	s3 =	sld [smem:$0x3FFE];
	_ =	sdelay $0x1  }
0x8a: {  	s1 =	srdreg.scid  }
0x8b: {  	s0 =	sand.u32 $0x1, s1  }
0x8c: {  	s14 =	sshll.u32 s0, $0xA;
	s2 =	sadd.s32 s3, s2  }
0x8d: {  	s2 =	sadd.s32 s2, s14  }
0x8e: {  	[smem:$0x3FBA] =	sst s2  }
0x8f: {  	_ = 	snop  }
0x90: {  	s2 =	sld [smem:$0x3FD0];
	_ =	sdelay $0x2  }
0x91: {  	s15 =	simm.s32 $0xB;
	s4 =	simm.s32 $0x10  }
0x92: {  	[smem:s4], [sflag:s15] =	dma.local [hbm:s2], $0x1  }
0x93: {  	_ =	swait.eq [sflag:s15], $0x1  }
0x94: {  	[sflag:s15] =	ssyncset.done $0x0  }
0x95: {  	[sflag:s15] =	ssyncadd.s32 $0xFFFFFFFF  }
0x96: {  	s16 =	sld [smem:$0x11];
	(tm) =	ssettm $0x1  }
0x97: {  	s17 =	sld [smem:$0x3FFB];
	_ =	sdelay $0x3  }
0x98: {  	_ =	strace s17  }
0x99: {  	s3 =	sld [smem:$0x3FFC];
	_ =	sdelay $0x3  }
0x9a: {  	_ =	strace s3  }
0x9b: {  	s3 =	sld [smem:$0x3FFD];
	_ =	sdelay $0x3  }
0x9c: {  	_ =	strace s3  }
0x9d: {  	_ =	strace $0x8FFFFFFF  }
0x9e: {  	s18 =	sld [smem:$0x3FDB];
	_ =	sdelay $0x1  }
0x9f: {  	s19 =	simm.s32 $_scs_section_size  }
0xa0: {  	s5 =	simm.s32 $_size__tile_overlayer_lowered;
	s6 =	simm.s32 $_tile_overlayer_lowered  }
0xa1: {  	s22 =	simm.s32 $0x1BFF;
	s21 =	sshll.u32 s6, $0x1;
	s3 =	sadd.s32 s19, s18  }
0xa2: {  	s7 =	simm.s32 $0x0;
	s20 =	sshll.u32 s5, $0x1;
	s5 =	sadd.s32 s21, s3  }
0xa3: {  	[timem:s7], [sflag:s22] =	dma.local [hbm:s5], s20  }
0xa4: {  	_ =	swait.ge [sflag:s22], s20  }
0xa5: {  	s4 =	ssub.s32 $0x0, s20;
	[sflag:s22] =	ssyncset.done $0x0  }
0xa6: {  	[sflag:s22] =	ssyncadd.s32 s4;
	_ =	sdelay $0x1  }
0xa7: {  	s23 =	simm.s32 $0x1B8B  }
0xa8: {  	_ =	swait.ge [sflag:s23], $0x1  }
0xa9: {  	[sflag:s23] =	ssyncset.done $0x0  }
0xaa: {  	s25 =	simm.s32 $0x1B8E;
	s24 =	sld [smem:$0x3FFE];
	[sflag:s23] =	ssyncadd.s32 $0xFFFFFFFF  }
0xab: {  	s26 =	simm.s32 $execute0_lowered;
	[smem:$0x3FD2] =	sst s25  }
0xac: {  	s5 =	sshll.u32 s26, $0x1;
	_ =	strace $0x8000004C;
	[dreg:$0x1] =	wrdreg $0xFFFFFFFF  }
0xad: {  	s28 =	simm.s32 $_size_execute0_lowered;
	s3 =	sadd.s32 s3, s5;
	[dreg:$0x0] =	wrdreg $0x0  }
0xae: {  	s5 =	sshll.u32 s28, $0x1;
	[dreg:$0x2] =	wrdreg s3  }
0xaf: {  	[dreg:$0x3] =	wrdreg s5  }
0xb0: {  	[dreg:$0x4] =	wrdreg $0xC0  }
0xb1: {  	_ =	task [dreg:s7], $0x5FFFF  }
0xb2: {  	[dreg:$0x1] =	wrdreg $0xFFFFFFFF  }
0xb3: {  	[dreg:$0x0] =	wrdreg $0x60  }
0xb4: {  	[dreg:$0x2] =	wrdreg s24  }
0xb5: {  	[dreg:$0x3] =	wrdreg s16  }
0xb6: {  	[dreg:$0x4] =	wrdreg $0x78A00  }
0xb7: {  	[dreg:$0x5] =	wrdreg $0x9  }
0xb8: {  	_ =	task.clear_ibuf [dreg:s7], $0x6FFFF;
	_ =	strace $0x9000004C  }
0xb9: {  	s29 =	simm.s32 $0x9;
	_ =	strace $0x8000004E  }
0xba: {  	_ =	swait.ge [sflag:s29], $0x1  }
0xbb: {  	[sflag:s29] =	ssyncadd.s32 $0xFFFFFFFF  }
0xbc: {  	_ =	strace $0x9000004E  }
0xbd: {  	_ =	sfence  }
0xbe: {  	s30 =	sld [smem:$0x0];
	_ =	sdelay $0x2  }
0xbf: {  	s31 =	sshll.u32 s1, $0xD;
	s1 =	sshrl.u32 s1, $0x2  }
0xc0: {  	s3 =	sand.u32 $0x4000, s31;
	s1 =	sadd.s32 s1, s30  }
0xc1: {  	s0 =	sor.u32 s3, s0;
	s1 =	sshll.u32 s1, $0x11  }
0xc2: {  	s0 =	sor.u32 s1, s0  }
0xc3: {  	s0 =	sadd.s32 $0x8F2B, s0  }
0xc4: {  	[sflag:s0] =	ssyncadd.remote.s32 $0x1  }
0xc5: {  	_ =	sfence.sel $0xFFFF  }
0xc6: {  	[dreg:$0x0] =	wrdreg $0xFFFFFFFF;
	(pc) =	sbr.abs _section_cstart, $3  }
0xc7: {  	[dreg:$0x1] =	wrdreg $0xFFFFFFFF  }
0xc8: {  	_ =	task.clear_ibuf [dreg:s7], $0x2FFFF;
	_ =	strace $0x9FFFFFFF  }
0xc9: {  	(tm) =	ssettm $0x7FFFFFFF  }
tec
execute0_lowered:
.L_overlay_start_1:
0x0: {  	(tag) =	ssettag $0x1  }
0x1: {  	s0 =	rddreg [dreg:$0x0]  }
0x2: {  	s2 =	rddreg [dreg:$0x1]  }
0x3: {  	s3 =	rddreg [dreg:$0x2];
	s5 =	simm.s32 $0x0;
	s4 =	stileid.u32  }
0x4: {  	s1 =	srdreg.scid;
	s17 =	simm.s32 $0x9;
	s18 =	simm.s32 $0x28  }
0x5: {  	s19 =	simm.s32 $0xA0;
	s28 =	simm.s32 $0x1;
	s29 =	simm.s32 $0x2  }
0x6: {  	s30 =	simm.s32 $0x3;
	s31 =	simm.s32 $0x4;
	s20 =	simm.s32 $0x7  }
0x7: {  	[smem:$0x7FF] =	sst s5;
	s8 =	smul.u32 $0x13880, s4;
	s1 =	sand.u32 $0x1, s1  }
0x8: {  	s5 =	sadd.s32 $0x6A00, s0;
	s6 =	sadd.s32 $0x2DC00, s0;
	s7 =	sadd.s32 $0x5B1800, s0  }
0x9: {  	s12 =	sshll.u32 s4, $0x1;
	s23 =	sshll.u32 s4, $0x6;
	_ =	strace $0x8000004D  }
0xa: {  	s9 =	smul.u32 $0x138800, s1;
	s11 =	ssub.s32 $0x2, s1;
	s1 =	sor.u32 s1, s12  }
0xb: {  	s10 =	sshrl.u32 s8, $0x3;
	s21 =	sshrl.u32 s11, $0x1;
	s22 =	sadd.s32 s8, s3  }
0xc: {  	s13 =	smul.u32 $0x27100, s1;
	s10 =	sadd.s32 s10, s0;
	s9 =	sadd.s32 s8, s9  }
0xd: {  	s8 =	smul.u32 $0x4E20, s1;
	s16 =	sshrl.u32 s22, $0x3;
	s22 =	simm.s32 $0x50  }
0xe: {  	s9 =	sshrl.u32 s9, $0x3;
	s10 =	sadd.s32 $0x54E00, s10;
	s25 =	sadd.s32 s7, s13  }
0xf: {  	s0 =	sadd.s32 s9, s0;
	s9 =	ssub.s32 s11, s21;
	[dreg:$0x4] =	wrdreg s10  }
0x10: {  	s10 =	sor.u32 $0x1C09, s23;
	s11 =	smul.u32 $0x2710, s1;
	s24 =	sshrl.u32 s8, $0x3  }
0x11: {  	[dreg:$0x6] =	wrdreg s25;
	s23 =	simm.s32 $0x3CA0;
	s1 =	sadd.s32 s2, s24  }
0x12: {  	s25 =	simm.s32 $0x50A0;
	s0 =	sadd.s32 $0xCF800, s0;
	[dreg:$0x5] =	wrdreg s1  }
0x13: {  	s21 =	simm.s32 $0x8;
	s26 =	smax.u32 s9, $0x1;
	[dreg:$0x7] =	wrdreg s0  }
0x14: {  	s24 =	simm.s32 $0x78;
	s9 =	simm.s32 $0x0;
	[dreg:$0x8] =	wrdreg s26  }
0x15: {  	s26 =	simm.s32 $0x64A0;
	s0 =	simm.s32 $0x5;
	s1 =	simm.s32 $0x6  }
.LBB2_1:
0x16: {  	s4 =	rddreg [dreg:$0x4]  }
0x17: {  	[spmem:s16], [sflag:s10] =	dma.local [hbm:s4], $0x2710  }
0x18: {  	_ =	swait.ge [sflag:s17], $0x2710  }
0x19: {  	[sflag:s17] =	ssyncset.done $0x0  }
0x1a: {  	[sflag:s17] =	ssyncadd.s32 $0xFFFFD8F0  }
0x1b: {  	[bflag:$0x0] =	sbarrier.arrive $0xFFFF  }
0x1c: {  	s4 =	simm.s32 $0x0;
	s12 =	rddreg [dreg:$0x5]  }
0x1d: {  	[tilespmem:s4], [sflag:$0x9] =	stream.linear.gather [hbm4b:s12+s4], $0x50, $0x38;
	[tilespmem:$0x1B120] =	vst v63  }
0x1e: {  	_ =	swait.ge [sflag:s17], $0x50  }
0x1f: {  	[sflag:s17] =	ssyncset.done $0x0  }
0x20: {  	[sflag:s17] =	ssyncadd.s32 $0xFFFFFFB0  }
0x21: {  	[tilespmem:s19], [sflag:$0x1] =	stream.indirect.gather [hbm4b:s5+s18], $0x80, s4, s18, $0xb8;
	[tilespmem:$0x1B120] =	vst v63  }
0x22: {  	s14 =	simm.s32 $0x14A0  }
0x23: {  	[tilespmem:s14], [sflag:$0x2] =	stream.indirect.gather [hbm4b:s6+s18], $0x80, s18, s18, $0xb8;
	[tilespmem:$0x1B120] =	vst v63  }
0x24: {  	s13 =	simm.s32 $0x28A0;
	s12 =	simm.s32 $0x0;
	s15 =	rddreg [dreg:$0x6]  }
0x25: {  	[tilespmem:s13], [sflag:$0x3] =	stream.linear.gather [hbm4b:s15+s4], $0x1400, $0x38;
	[tilespmem:$0x1B120] =	vst v63  }
.LBB2_2:
0x26: {  	s13 =	sshllo.u32 s12, $0x1  }
0x27: {  	p0 =	seq.s32 s12, $0x0;
	s14 =	smul.u32 $0x50, s13  }
0x28: {  	s15 =	simm.s32 @!p0 $0x8  }
0x29: {  	_ =	swait.ge @!p0 [sflag:s15], $0x1400;
	s14 =	sadd.s32 s8, s14  }
0x2a: {  	s4 =	simm.s32 $0x0;
	[sflag:s15] =	ssyncset.done @!p0 $0x0;
	s14 =	sshrl.u32 s14, $0x3  }
0x2b: {  	s13 =	smul.u32 $0x28, s13;
	[sflag:s15] =	ssyncadd.s32 @!p0 $0xFFFFEC00;
	s14 =	sadd.s32 s2, s14  }
0x2c: {  	[tilespmem:s22], [sflag:$0x9] =	stream.linear.gather [hbm4b:s14+s4], $0x50, $0x38;
	[tilespmem:$0x1B120] =	vst v63  }
0x2d: {  	_ =	swait.ge [sflag:s17], $0x50  }
0x2e: {  	s13 =	sadd.s32 s11, s13;
	[sflag:s17] =	ssyncset.done $0x0  }
0x2f: {  	s13 =	sshll.u32 s13, $0x4;
	[sflag:s17] =	ssyncadd.s32 $0xFFFFFFB0  }
0x30: {  	[tilespmem:s23], [sflag:$0x4] =	stream.indirect.gather [hbm4b:s5+s18], $0x80, s22, s18, $0xb8;
	[tilespmem:$0x1B120] =	vst v63  }
0x31: {  	s13 =	sand.u32 $0x1FFFFF80, s13  }
0x32: {  	[tilespmem:s25], [sflag:$0x5] =	stream.indirect.gather [hbm4b:s6+s18], $0x80, s24, s18, $0xb8;
	[tilespmem:$0x1B120] =	vst v63  }
0x33: {  	s13 =	sadd.s32 s7, s13  }
0x34: {  	[tilespmem:s26], [sflag:$0x6] =	stream.linear.gather [hbm4b:s13+s4], $0x1400, $0x38;
	[tilespmem:$0x1B120] =	vst v63  }
0x35: {  	_ =	swait.ge [sflag:s28], $0x1400  }
0x36: {  	[sflag:s28] =	ssyncset.done $0x0  }
0x37: {  	[sflag:s28] =	ssyncadd.s32 $0xFFFFEC00  }
0x38: {  	_ =	swait.ge [sflag:s29], $0x1400  }
0x39: {  	[sflag:s29] =	ssyncset.done $0x0  }
0x3a: {  	[sflag:s29] =	ssyncadd.s32 $0xFFFFEC00  }
0x3b: {  	_ =	swait.ge [sflag:s30], $0x1400  }
0x3c: {  	[sflag:s30] =	ssyncset.done $0x0  }
0x3d: {  	s13 =	simm.s32 $0x0;
	[sflag:s30] =	ssyncadd.s32 $0xFFFFEC00  }
0x3e: {  	v4 =	vld [tilespmem:s13+$0x28A0]  }
0x3f: {  	v5 =	vld [tilespmem:s13+$0x28B0]  }
0x40: {  	v3 =	vld [tilespmem:s13+$0x28C0]  }
0x41: {  	v2 =	vld [tilespmem:s13+$0x28D0]  }
0x42: {  	v1 =	vld [tilespmem:s13+$0x28E0]  }
0x43: {  	v0 =	vld [tilespmem:s13+$0x28F0]  }
0x44: {  	v12 =	vld [tilespmem:s13+$0x14A0]  }
0x45: {  	v17 =	vld [tilespmem:s13+$0x14B0]  }
0x46: {  	v11 =	vld [tilespmem:s13+$0x14C0]  }
0x47: {  	v10 =	vld [tilespmem:s13+$0x14D0]  }
0x48: {  	v9 =	vld [tilespmem:s13+$0x14E0]  }
0x49: {  	v8 =	vld [tilespmem:s13+$0x14F0]  }
0x4a: {  	v7 =	vld [tilespmem:s13+$0x1500]  }
0x4b: {  	v6 =	vld [tilespmem:s13+$0x1510]  }
0x4c: {  	v18 =	vld [tilespmem:s13+$0xA0]  }
0x4d: {  	v19 =	vld [tilespmem:s13+$0xB0]  }
0x4e: {  	v16 =	vld [tilespmem:s13+$0xC0]  }
0x4f: {  	v15 =	vld [tilespmem:s13+$0xD0]  }
0x50: {  	v14 =	vld [tilespmem:s13+$0xE0]  }
0x51: {  	v13 =	vld [tilespmem:s13+$0xF0];
	v18 =	vadd.f32 v12, v18  }
0x52: {  	s15 =	simm.s32 $0x200;
	s14 =	sshll.u32 s12, $0x1;
	v17 =	vadd.f32 v17, v19;
	v12 =	vld [tilespmem:s13+$0x100]  }
.LBB2_3:
0x53: {  	p0 =	sne.s32 s15, $0x4E00;
	v4 =	vadd.f32 v4, v18;
	v11 =	vadd.f32 v11, v16;
	v16 =	vld [tilespmem:s13+$0x110]  }
0x54: {  	v5 =	vadd.f32 v5, v17;
	v10 =	vadd.f32 v10, v15;
	v15 =	vld [tilespmem:s13+$0x2900]  }
0x55: {  	s4 =	sshra.s32 s15, $0x2;
	v17 =	vmax.f32 v4, $0.0e+00;
	v3 =	vadd.f32 v3, v11;
	v9 =	vadd.f32 v9, v14;
	v11 =	vld [tilespmem:s13+$0x2910]  }
0x56: {  	v4 =	vld [tilespmem:s4+$0x28A0];
	[tilespmem:s13+$0xA0] =	vst v17;
	v14 =	vmax.f32 v5, $0.0e+00;
	v2 =	vadd.f32 v2, v10;
	v8 =	vadd.f32 v8, v13  }
0x57: {  	v5 =	vld [tilespmem:s4+$0x28B0];
	[tilespmem:s13+$0xB0] =	vst v14;
	v10 =	vmax.f32 v3, $0.0e+00;
	v1 =	vadd.f32 v1, v9;
	v7 =	vadd.f32 v7, v12  }
0x58: {  	v3 =	vld [tilespmem:s4+$0x28C0];
	[tilespmem:s13+$0xC0] =	vst v10;
	v9 =	vmax.f32 v2, $0.0e+00;
	v0 =	vadd.f32 v0, v8;
	v6 =	vadd.f32 v6, v16  }
0x59: {  	v2 =	vld [tilespmem:s4+$0x28D0];
	[tilespmem:s13+$0xD0] =	vst v9;
	v8 =	vmax.f32 v1, $0.0e+00;
	v7 =	vadd.f32 v15, v7  }
0x5a: {  	v1 =	vld [tilespmem:s4+$0x28E0];
	[tilespmem:s13+$0xE0] =	vst v8;
	v8 =	vmax.f32 v0, $0.0e+00;
	v6 =	vadd.f32 v11, v6  }
0x5b: {  	v0 =	vld [tilespmem:s4+$0x28F0];
	[tilespmem:s13+$0xF0] =	vst v8;
	v7 =	vmax.f32 v7, $0.0e+00  }
0x5c: {  	v12 =	vld [tilespmem:s4+$0x14A0];
	[tilespmem:s13+$0x100] =	vst v7;
	v6 =	vmax.f32 v6, $0.0e+00  }
0x5d: {  	v17 =	vld [tilespmem:s4+$0x14B0];
	[tilespmem:s13+$0x110] =	vst v6;
	s13 =	smov.u32 s4  }
0x5e: {  	v11 =	vld [tilespmem:s13+$0x14C0]  }
0x5f: {  	v10 =	vld [tilespmem:s13+$0x14D0]  }
0x60: {  	v9 =	vld [tilespmem:s13+$0x14E0]  }
0x61: {  	v8 =	vld [tilespmem:s13+$0x14F0]  }
0x62: {  	v7 =	vld [tilespmem:s13+$0x1500]  }
0x63: {  	v6 =	vld [tilespmem:s13+$0x1510]  }
0x64: {  	v13 =	vld [tilespmem:s13+$0xA0]  }
0x65: {  	v19 =	vld [tilespmem:s13+$0xB0]  }
.Ltmp0:
0x66: {  	v16 =	vld [tilespmem:s13+$0xC0];
	(pc) =	sbr.rel @p0 .LBB2_3-.Ltmp0, $4  }
0x67: {  	v15 =	vld [tilespmem:s13+$0xD0]  }
0x68: {  	v14 =	vld [tilespmem:s13+$0xE0]  }
0x69: {  	v18 =	vadd.f32 v12, v13;
	v13 =	vld [tilespmem:s13+$0xF0]  }
0x6a: {  	s15 =	sadd.s32 $0x200, s15;
	v17 =	vadd.f32 v17, v19;
	v12 =	vld [tilespmem:s13+$0x100]  }
0x6b: {  	v4 =	vadd.f32 v4, v18;
	v11 =	vadd.f32 v11, v16;
	v16 =	vld [tilespmem:s13+$0x110]  }
0x6c: {  	v5 =	vadd.f32 v5, v17;
	v10 =	vadd.f32 v10, v15;
	v15 =	vld [tilespmem:s13+$0x2900]  }
0x6d: {  	v4 =	vmax.f32 v4, $0.0e+00;
	v3 =	vadd.f32 v3, v11;
	v9 =	vadd.f32 v9, v14;
	v11 =	vld [tilespmem:s13+$0x2910]  }
0x6e: {  	[tilespmem:s13+$0xA0] =	vst v4;
	v4 =	vmax.f32 v5, $0.0e+00;
	v2 =	vadd.f32 v2, v10;
	v5 =	vadd.f32 v8, v13  }
0x6f: {  	[tilespmem:s13+$0xB0] =	vst v4;
	v3 =	vmax.f32 v3, $0.0e+00;
	v1 =	vadd.f32 v1, v9;
	v4 =	vadd.f32 v7, v12  }
0x70: {  	[tilespmem:s13+$0xC0] =	vst v3;
	v2 =	vmax.f32 v2, $0.0e+00;
	v0 =	vadd.f32 v0, v5;
	v3 =	vadd.f32 v6, v16  }
0x71: {  	[tilespmem:s13+$0xD0] =	vst v2;
	v1 =	vmax.f32 v1, $0.0e+00;
	v2 =	vadd.f32 v15, v4  }
0x72: {  	[tilespmem:s13+$0xE0] =	vst v1;
	v0 =	vmax.f32 v0, $0.0e+00;
	v1 =	vadd.f32 v11, v3  }
0x73: {  	p0 =	seq.s32 s12, $0x7C;
	[tilespmem:s13+$0xF0] =	vst v0;
	v0 =	vmax.f32 v2, $0.0e+00  }
0x74: {  	s4 =	sadd.s32 @!p0 $0x2, s14;
	[tilespmem:s13+$0x100] =	vst v0;
	v0 =	vmax.f32 v1, $0.0e+00  }
0x75: {  	s14 =	simm.s32 @!p0 $0x7;
	[tilespmem:s13+$0x110] =	vst v0;
	s13 =	smul.u32 @!p0 $0x50, s4  }
0x76: {  	[spmem:s3] =	stream.indirect.scatter.add.f32 [tilespmem:s19], [sflag:$0x7], $0x80, s18, s18, $0xb8;
	[tilespmem:$0x1B120] =	vst v63  }
0x77: {  	_ =	swait.ge @!p0 [sflag:s14], $0x1400;
	s13 =	sadd.s32 @!p0 s8, s13  }
0x78: {  	[sflag:s14] =	ssyncset.done @!p0 $0x0;
	s13 =	sshrl.u32 @!p0 s13, $0x3  }
0x79: {  	[sflag:s14] =	ssyncadd.s32 @!p0 $0xFFFFEC00;
	s13 =	sadd.s32 @!p0 s2, s13;
	s14 =	simm.s32 @!p0 $0x0  }
0x7a: {  	[tilespmem:s14], [sflag:$0x9] =	stream.linear.gather @!p0 [hbm4b:s13+s14], $0x50, $0x38;
	[tilespmem:$0x1B120] =	vst v63  }
0x7b: {  	s4 =	smul.u32 @!p0 $0x28, s4;
	s13 =	simm.s32 @!p0 $0x9  }
0x7c: {  	_ =	swait.ge @!p0 [sflag:s13], $0x50  }
0x7d: {  	s15 =	simm.s32 @!p0 $0xA0;
	s4 =	sadd.s32 @!p0 s11, s4;
	[sflag:s13] =	ssyncset.done @!p0 $0x0  }
0x7e: {  	s4 =	sshll.u32 @!p0 s4, $0x4;
	[sflag:s13] =	ssyncadd.s32 @!p0 $0xFFFFFFB0;
	s13 =	simm.s32 @!p0 $0x28  }
0x7f: {  	[tilespmem:s15], [sflag:$0x1] =	stream.indirect.gather @!p0 [hbm4b:s5+s13], $0x80, s14, s13, $0xb8;
	[tilespmem:$0x1B120] =	vst v63  }
0x80: {  	s4 =	sand.u32 @!p0 $0x1FFFFF00, s4;
	s15 =	simm.s32 @!p0 $0x14A0  }
0x81: {  	[tilespmem:s15], [sflag:$0x2] =	stream.indirect.gather @!p0 [hbm4b:s6+s13], $0x80, s13, s13, $0xb8;
	[tilespmem:$0x1B120] =	vst v63  }
0x82: {  	s4 =	sadd.s32 @!p0 s7, s4;
	s13 =	simm.s32 @!p0 $0x28A0  }
0x83: {  	[tilespmem:s13], [sflag:$0x3] =	stream.linear.gather @!p0 [hbm4b:s4+s14], $0x1400, $0x38;
	[tilespmem:$0x1B120] =	vst v63  }
0x84: {  	_ =	swait.ge [sflag:s31], $0x1400  }
0x85: {  	[sflag:s31] =	ssyncset.done $0x0  }
0x86: {  	[sflag:s31] =	ssyncadd.s32 $0xFFFFEC00  }
0x87: {  	_ =	swait.ge [sflag:s0], $0x1400  }
0x88: {  	[sflag:s0] =	ssyncset.done $0x0  }
0x89: {  	[sflag:s0] =	ssyncadd.s32 $0xFFFFEC00  }
0x8a: {  	_ =	swait.ge [sflag:s1], $0x1400  }
0x8b: {  	[sflag:s1] =	ssyncset.done $0x0  }
0x8c: {  	s13 =	simm.s32 $0x0;
	[sflag:s1] =	ssyncadd.s32 $0xFFFFEC00  }
0x8d: {  	v4 =	vld [tilespmem:s13+$0x64A0]  }
0x8e: {  	v5 =	vld [tilespmem:s13+$0x64B0]  }
0x8f: {  	v3 =	vld [tilespmem:s13+$0x64C0]  }
0x90: {  	v2 =	vld [tilespmem:s13+$0x64D0]  }
0x91: {  	v1 =	vld [tilespmem:s13+$0x64E0]  }
0x92: {  	v0 =	vld [tilespmem:s13+$0x64F0]  }
0x93: {  	v12 =	vld [tilespmem:s13+$0x50A0]  }
0x94: {  	v17 =	vld [tilespmem:s13+$0x50B0]  }
0x95: {  	v11 =	vld [tilespmem:s13+$0x50C0]  }
0x96: {  	v10 =	vld [tilespmem:s13+$0x50D0]  }
0x97: {  	v9 =	vld [tilespmem:s13+$0x50E0]  }
0x98: {  	v8 =	vld [tilespmem:s13+$0x50F0]  }
0x99: {  	v7 =	vld [tilespmem:s13+$0x5100]  }
0x9a: {  	v6 =	vld [tilespmem:s13+$0x5110]  }
0x9b: {  	v18 =	vld [tilespmem:s13+$0x3CA0]  }
0x9c: {  	v19 =	vld [tilespmem:s13+$0x3CB0]  }
0x9d: {  	v16 =	vld [tilespmem:s13+$0x3CC0]  }
0x9e: {  	v15 =	vld [tilespmem:s13+$0x3CD0]  }
0x9f: {  	v14 =	vld [tilespmem:s13+$0x3CE0]  }
0xa0: {  	v13 =	vld [tilespmem:s13+$0x3CF0];
	v18 =	vadd.f32 v12, v18  }
0xa1: {  	s14 =	simm.s32 $0x200;
	v17 =	vadd.f32 v17, v19;
	v12 =	vld [tilespmem:s13+$0x3D00]  }
.LBB2_5:
0xa2: {  	p0 =	sne.s32 s14, $0x4E00;
	v4 =	vadd.f32 v4, v18;
	v11 =	vadd.f32 v11, v16;
	v16 =	vld [tilespmem:s13+$0x3D10]  }
0xa3: {  	v5 =	vadd.f32 v5, v17;
	v10 =	vadd.f32 v10, v15;
	v15 =	vld [tilespmem:s13+$0x6500]  }
0xa4: {  	s4 =	sshra.s32 s14, $0x2;
	v17 =	vmax.f32 v4, $0.0e+00;
	v3 =	vadd.f32 v3, v11;
	v9 =	vadd.f32 v9, v14;
	v11 =	vld [tilespmem:s13+$0x6510]  }
0xa5: {  	v4 =	vld [tilespmem:s4+$0x64A0];
	[tilespmem:s13+$0x3CA0] =	vst v17;
	v14 =	vmax.f32 v5, $0.0e+00;
	v2 =	vadd.f32 v2, v10;
	v8 =	vadd.f32 v8, v13  }
0xa6: {  	v5 =	vld [tilespmem:s4+$0x64B0];
	[tilespmem:s13+$0x3CB0] =	vst v14;
	v10 =	vmax.f32 v3, $0.0e+00;
	v1 =	vadd.f32 v1, v9;
	v7 =	vadd.f32 v7, v12  }
0xa7: {  	v3 =	vld [tilespmem:s4+$0x64C0];
	[tilespmem:s13+$0x3CC0] =	vst v10;
	v9 =	vmax.f32 v2, $0.0e+00;
	v0 =	vadd.f32 v0, v8;
	v6 =	vadd.f32 v6, v16  }
0xa8: {  	v2 =	vld [tilespmem:s4+$0x64D0];
	[tilespmem:s13+$0x3CD0] =	vst v9;
	v8 =	vmax.f32 v1, $0.0e+00;
	v7 =	vadd.f32 v15, v7  }
0xa9: {  	v1 =	vld [tilespmem:s4+$0x64E0];
	[tilespmem:s13+$0x3CE0] =	vst v8;
	v8 =	vmax.f32 v0, $0.0e+00;
	v6 =	vadd.f32 v11, v6  }
0xaa: {  	v0 =	vld [tilespmem:s4+$0x64F0];
	[tilespmem:s13+$0x3CF0] =	vst v8;
	v7 =	vmax.f32 v7, $0.0e+00  }
0xab: {  	v12 =	vld [tilespmem:s4+$0x50A0];
	[tilespmem:s13+$0x3D00] =	vst v7;
	v6 =	vmax.f32 v6, $0.0e+00  }
0xac: {  	v17 =	vld [tilespmem:s4+$0x50B0];
	[tilespmem:s13+$0x3D10] =	vst v6;
	s13 =	smov.u32 s4  }
0xad: {  	v11 =	vld [tilespmem:s13+$0x50C0]  }
0xae: {  	v10 =	vld [tilespmem:s13+$0x50D0]  }
0xaf: {  	v9 =	vld [tilespmem:s13+$0x50E0]  }
0xb0: {  	v8 =	vld [tilespmem:s13+$0x50F0]  }
0xb1: {  	v7 =	vld [tilespmem:s13+$0x5100]  }
0xb2: {  	v6 =	vld [tilespmem:s13+$0x5110]  }
0xb3: {  	v13 =	vld [tilespmem:s13+$0x3CA0]  }
0xb4: {  	v19 =	vld [tilespmem:s13+$0x3CB0]  }
.Ltmp1:
0xb5: {  	v16 =	vld [tilespmem:s13+$0x3CC0];
	(pc) =	sbr.rel @p0 .LBB2_5-.Ltmp1, $4  }
0xb6: {  	v15 =	vld [tilespmem:s13+$0x3CD0]  }
0xb7: {  	v14 =	vld [tilespmem:s13+$0x3CE0]  }
0xb8: {  	v18 =	vadd.f32 v12, v13;
	v13 =	vld [tilespmem:s13+$0x3CF0]  }
0xb9: {  	s14 =	sadd.s32 $0x200, s14;
	v17 =	vadd.f32 v17, v19;
	v12 =	vld [tilespmem:s13+$0x3D00]  }
0xba: {  	v4 =	vadd.f32 v4, v18;
	v11 =	vadd.f32 v11, v16;
	v53 =	vld [tilespmem:s13+$0x3D10]  }
0xbb: {  	v54 =	vld [tilespmem:s13+$0x6500];
	v5 =	vadd.f32 v5, v17;
	v10 =	vadd.f32 v10, v15  }
0xbc: {  	v55 =	vld [tilespmem:s13+$0x6510];
	v4 =	vmax.f32 v4, $0.0e+00;
	v3 =	vadd.f32 v3, v11;
	v9 =	vadd.f32 v9, v14  }
0xbd: {  	[tilespmem:s13+$0x3CA0] =	vst v4;
	v56 =	vmax.f32 v5, $0.0e+00;
	v2 =	vadd.f32 v2, v10;
	v57 =	vadd.f32 v8, v13  }
0xbe: {  	[tilespmem:s13+$0x3CB0] =	vst v56;
	v3 =	vmax.f32 v3, $0.0e+00;
	v1 =	vadd.f32 v1, v9;
	v58 =	vadd.f32 v7, v12  }
0xbf: {  	s12 =	sadd.s32 $0x1, s12;
	[tilespmem:s13+$0x3CC0] =	vst v3;
	v2 =	vmax.f32 v2, $0.0e+00;
	v0 =	vadd.f32 v0, v57;
	v59 =	vadd.f32 v6, v53  }
0xc0: {  	p0 =	sne.s32 s12, $0x7D;
	[tilespmem:s13+$0x3CD0] =	vst v2;
	v1 =	vmax.f32 v1, $0.0e+00;
	v60 =	vadd.f32 v54, v58  }
.Ltmp2:
0xc1: {  	[tilespmem:s13+$0x3CE0] =	vst v1;
	v0 =	vmax.f32 v0, $0.0e+00;
	v61 =	vadd.f32 v55, v59;
	(pc) =	sbr.rel @p0 .LBB2_2-.Ltmp2, $4  }
0xc2: {  	[tilespmem:s13+$0x3CF0] =	vst v0;
	v62 =	vmax.f32 v60, $0.0e+00  }
0xc3: {  	[tilespmem:s13+$0x3D00] =	vst v62;
	v63 =	vmax.f32 v61, $0.0e+00  }
0xc4: {  	[tilespmem:s13+$0x3D10] =	vst v63  }
0xc5: {  	[spmem:s3] =	stream.indirect.scatter.add.f32 [tilespmem:s23], [sflag:$0x8], $0x80, s24, s18, $0xb8;
	[tilespmem:$0x1B120] =	vst v63  }
0xc6: {  	_ =	swait.ge [sflag:s20], $0x1400  }
0xc7: {  	[sflag:s20] =	ssyncset.done $0x0  }
0xc8: {  	[sflag:s20] =	ssyncadd.s32 $0xFFFFEC00  }
0xc9: {  	_ =	swait.ge [sflag:s21], $0x1400  }
0xca: {  	[sflag:s21] =	ssyncset.done $0x0  }
0xcb: {  	[sflag:s21] =	ssyncadd.s32 $0xFFFFEC00  }
0xcc: {  	[bflag:$0x0] =	sbarrier.arrive $0xFFFF  }
0xcd: {  	s4 =	rddreg [dreg:$0x7]  }
0xce: {  	[hbm:s4], [sflag:s10] =	dma.local [spmem:s16], $0x2710  }
0xcf: {  	_ =	swait.ge [sflag:s17], $0x2710  }
0xd0: {  	s9 =	sadd.s32 $0x1, s9;
	s15 =	rddreg [dreg:$0x8]  }
0xd1: {  	p0 =	sne.s32 s9, s15  }
.Ltmp3:
0xd2: {  	_ = 	snop;
	(pc) =	sbr.rel @p0 .LBB2_1-.Ltmp3, $3  }
0xd3: {  	_ =	sdelay $0x1  }
0xd4: {  	[sflag:s17] =	ssyncset.done $0x0  }
0xd5: {  	[sflag:s17] =	ssyncadd.s32 $0xFFFFD8F0  }
0xd6: {  	_ =	sfence.sel $0x180000  }
0xd7: {  	[bflag:$0x0] =	sbarrier.arrive $0xFFFF  }
0xd8: {  	_ =	strace $0x9000004D  }
0xd9: {  	s0 =	stileid.u32;
	[bflag:$0x2] =	sbarrier.arrive $0xFFFF  }
0xda: {  	p0 =	sne.s32 s0, $0x0;
	s0 =	rddreg [dreg:$0x3]  }
0xdb: {  	s0 =	sadd.s32 @!p0 $0x100000, s0  }
0xdc: {  	[sflag:s0] =	ssyncadd.tile.s32 @!p0 $0x1;
	_ =	shalt  }
.Lfunc_end2:
_tile_overlayer_lowered:
.L_overlay_start_2:
0xdd: {  	(tag) =	ssettag $0x2  }
0xde: {  	s0 =	rddreg [dreg:$0x0];
	s2 =	stileid.u32  }
0xdf: {  	s1 =	rddreg [dreg:$0x1];
	p0 =	sne.s32 s2, $0x0  }
0xe0: {  	s3 =	rddreg [dreg:$0x2];
	[bflag:$0x3] =	sbarrier.arrive $0xFFFF;
	s2 =	simm.s32 @!p0 $0x1C09  }
0xe1: {  	[timem:s3], [sflag:s2] =	dma.local @!p0 [hbm:s0], s1  }
0xe2: {  	s0 =	simm.s32 @!p0 $0x9  }
0xe3: {  	_ =	swait.ge @!p0 [sflag:s0], s1  }
0xe4: {  	s1 =	ssub.s32 @!p0 $0x0, s1;
	[sflag:s0] =	ssyncset.done @!p0 $0x0  }
0xe5: {  	[sflag:s0] =	ssyncadd.s32 @!p0 s1  }
0xe6: {  	[bflag:$0x3] =	sbarrier.arrive $0xFFFF  }
0xe7: {  	_ =	shalt  }

// kernel: kernel.24.cloned.1.call-start
scs
__scs_entry_jumppad:
0x0: {  	(pc) =	sbr.rel $0x88, $3  }
0x1: {  	(tag) =	ssettag $0x0;
	lr =	simm.s32 $0x1  }
0x2: {  	[smem:$0x3F93] =	sst lr;
	_ =	strace $0xD0000000  }
0x3: {  	_ = 	snop  }
0x4: {  	_ = 	snop  }
0x5: {  	_ = 	snop  }
0x6: {  	_ = 	snop  }
0x7: {  	_ = 	snop  }
__scs_overlays_trampoline_lowered:
0x8: {  	[smem:$0x3FA2] =	sst s0  }
0x9: {  	[smem:$0x3FA3] =	sst s1  }
0xa: {  	[smem:$0x3FA4] =	sst s2  }
0xb: {  	[smem:$0x3FA5] =	sst s3  }
0xc: {  	[smem:$0x3FA6] =	sst s4  }
0xd: {  	[smem:$0x3FA7] =	sst s5  }
0xe: {  	[smem:$0x3FA8] =	sst s6  }
0xf: {  	[smem:$0x3FA9] =	sst s7  }
0x10: {  	[smem:$0x3FAA] =	sst s8  }
0x11: {  	[smem:$0x3FAB] =	sst s9;
	s0 =	simm.s32 @!p0 $0x0  }
0x12: {  	s1 =	sld [smem:$0x3F91];
	s0 =	simm.s32 @p0 $0x1  }
0x13: {  	[smem:$0x3FAC] =	sst s0;
	s0 =	simm.s32 @!p1 $0x0  }
0x14: {  	s2 =	sld [smem:$0x3F90];
	s0 =	simm.s32 @p1 $0x1  }
0x15: {  	[smem:$0x3FAD] =	sst s0;
	s0 =	simm.s32 @!p2 $0x0  }
0x16: {  	s3 =	sld [smem:$0x3FDB];
	s0 =	simm.s32 @p2 $0x1  }
0x17: {  	s4 =	simm.s32 $0x1BF5;
	[smem:$0x3FAF] =	sst s0  }
0x18: {  	s0 =	sld [smem:$0x3F92];
	_ =	swait.ge [sflag:s4], $0x0  }
0x19: {  	s7 =	sld [smem:$0x3F93]  }
0x1a: {  	s8 =	sadd.s32 $0xFFFFE003, lr  }
0x1b: {  	s9 =	sadd.s32 $0xFFFFFEF7, lr;
	s5 =	simm.s32 $0xFFFFFFFF;
	p2 =	slt.u32 s8, $0xFFFFF086  }
0x1c: {  	p1 =	slt.u32 s9, $0xF7A;
	s5 =	simm.s32 @!p2 $0x0  }
0x1d: {  	s5 =	simm.s32 @p1 $0x1;
	p0 =	seq.s32 s7, s2  }
0x1e: {  	s7 =	smul.u32 @!p0 $0xF7A, s2;
	p2 =	seq.s32 @!p0 s5, $0x0  }
0x1f: {  	s9 =	smul.u32 $0xF7A, s1;
	s8 =	simm.s32 @!p0 $0x1BF5;
	p2 =	por !p2, p0  }
0x20: {  	[sflag:s8] =	ssyncset.s32 @!p0 $0xFFFFF086;
	s6 =	sadd.s32 @!p0 s3, s7;
	s7 =	simm.s32 @!p0 $0x108  }
0x21: {  	s3 =	sadd.s32 s3, s9;
	s6 =	sadd.s32 @!p0 $0x88, s6;
	s7 =	simm.s32 @p2 $0x1082  }
0x22: {  	[simem:s7], [sflag:s8] =	dma.local @!p0 [hbm:s6], $0xF7A  }
0x23: {  	s9 =	sor.u32 $0xD0000000, s2;
	s6 =	simm.s32 $0x108;
	_ =	swait.ge @!p0 [sflag:s8], $0x0  }
0x24: {  	s3 =	sadd.s32 $0x88, s3;
	s6 =	simm.s32 @!p1 $0x1082;
	[sflag:s4] =	ssyncset.s32 $0xFFFFF086  }
0x25: {  	[simem:s6], [sflag:s4] =	dma.local [hbm:s3], $0xF7A  }
0x26: {  	[smem:$0x3F93] =	sst s1;
	(tag) =	ssettag s2;
	_ =	strace s9  }
0x27: {  	s1 =	sld [smem:$0x3FA3]  }
0x28: {  	s2 =	sld [smem:$0x3FA4]  }
0x29: {  	s4 =	sld [smem:$0x3FA6]  }
0x2a: {  	p0 =	seq.s32 s5, $0x0;
	s5 =	sld [smem:$0x3FA7]  }
0x2b: {  	s6 =	sld [smem:$0x3FA8]  }
0x2c: {  	s7 =	sld [smem:$0x3FA9]  }
0x2d: {  	s3 =	simm.s32 $0x108;
	s8 =	sld [smem:$0x3FAA]  }
0x2e: {  	s3 =	simm.s32 @!p0 $0x1082;
	s9 =	sld [smem:$0x3FAB]  }
0x2f: {  	lr =	sadd.s32 s0, s3;
	s0 =	sld [smem:$0x3FA2]  }
0x30: {  	s3 =	sld [smem:$0x3FA5]  }
0x31: {  	[smem:$0x3FAE] =	sst s10  }
0x32: {  	s10 =	sld [smem:$0x3FAC];
	_ =	sdelay $0x3  }
0x33: {  	p0 =	seq.s32 s10, $0x1;
	s10 =	sld [smem:$0x3FAE];
	_ =	sdelay $0x3  }
0x34: {  	[smem:$0x3FAE] =	sst s10  }
0x35: {  	s10 =	sld [smem:$0x3FAD];
	_ =	sdelay $0x3  }
0x36: {  	p1 =	seq.s32 s10, $0x1;
	s10 =	sld [smem:$0x3FAE];
	_ =	sdelay $0x3  }
0x37: {  	[smem:$0x3FAE] =	sst s10  }
0x38: {  	s10 =	sld [smem:$0x3FAF]  }
0x39: {  	_ = 	snop;
	(pc) =	sbr.ind lr, $3  }
0x3a: {  	_ = 	snop  }
0x3b: {  	_ = 	snop  }
0x3c: {  	p2 =	seq.s32 s10, $0x1;
	s10 =	sld [smem:$0x3FAE]  }
0x3d: {  	_ =	shalt  }
0x3e: {  	_ =	shalt  }
0x3f: {  	_ =	shalt  }
0x40: {  	_ =	shalt  }
0x41: {  	_ =	shalt  }
0x42: {  	_ =	shalt  }
0x43: {  	_ =	shalt  }
0x44: {  	_ =	shalt  }
0x45: {  	_ =	shalt  }
0x46: {  	_ =	shalt  }
0x47: {  	_ =	shalt  }
0x48: {  	_ =	shalt  }
0x49: {  	_ =	shalt  }
0x4a: {  	_ =	shalt  }
0x4b: {  	_ =	shalt  }
0x4c: {  	_ =	shalt  }
0x4d: {  	_ =	shalt  }
0x4e: {  	_ =	shalt  }
0x4f: {  	_ =	shalt  }
0x50: {  	_ =	shalt  }
0x51: {  	_ =	shalt  }
0x52: {  	_ =	shalt  }
0x53: {  	_ =	shalt  }
0x54: {  	_ =	shalt  }
0x55: {  	_ =	shalt  }
0x56: {  	_ =	shalt  }
0x57: {  	_ =	shalt  }
0x58: {  	_ =	shalt  }
0x59: {  	_ =	shalt  }
0x5a: {  	_ =	shalt  }
0x5b: {  	_ =	shalt  }
0x5c: {  	_ =	shalt  }
0x5d: {  	_ =	shalt  }
0x5e: {  	_ =	shalt  }
0x5f: {  	_ =	shalt  }
0x60: {  	_ =	shalt  }
0x61: {  	_ =	shalt  }
0x62: {  	_ =	shalt  }
0x63: {  	_ =	shalt  }
0x64: {  	_ =	shalt  }
0x65: {  	_ =	shalt  }
0x66: {  	_ =	shalt  }
0x67: {  	_ =	shalt  }
0x68: {  	_ =	shalt  }
0x69: {  	_ =	shalt  }
0x6a: {  	_ =	shalt  }
0x6b: {  	_ =	shalt  }
0x6c: {  	_ =	shalt  }
0x6d: {  	_ =	shalt  }
0x6e: {  	_ =	shalt  }
0x6f: {  	_ =	shalt  }
0x70: {  	_ =	shalt  }
0x71: {  	_ =	shalt  }
0x72: {  	_ =	shalt  }
0x73: {  	_ =	shalt  }
0x74: {  	_ =	shalt  }
0x75: {  	_ =	shalt  }
0x76: {  	_ =	shalt  }
0x77: {  	_ =	shalt  }
0x78: {  	_ =	shalt  }
0x79: {  	_ =	shalt  }
0x7a: {  	_ =	shalt  }
0x7b: {  	_ =	shalt  }
0x7c: {  	_ =	shalt  }
0x7d: {  	_ =	shalt  }
0x7e: {  	_ =	shalt  }
0x7f: {  	_ =	shalt  }
0x80: {  	_ =	shalt  }
0x81: {  	_ =	shalt  }
0x82: {  	_ =	shalt  }
0x83: {  	_ =	shalt  }
0x84: {  	_ =	shalt  }
0x85: {  	_ =	shalt  }
0x86: {  	_ =	shalt  }
0x87: {  	_ =	shalt  }
.Lfunc_end0:
.L_simem_size_0:
called_computation.3_lowered:
.L_overlay_start_0:
0x88: {  	s2 =	sld [smem:$0x3FD9]  }
0x89: {  	s3 =	sld [smem:$0x3FFE];
	_ =	sdelay $0x1  }
0x8a: {  	s1 =	srdreg.scid  }
0x8b: {  	s0 =	sand.u32 $0x1, s1  }
0x8c: {  	s14 =	sshll.u32 s0, $0xA;
	s2 =	sadd.s32 s3, s2  }
0x8d: {  	s2 =	sadd.s32 s2, s14  }
0x8e: {  	[smem:$0x3FBA] =	sst s2  }
0x8f: {  	_ = 	snop  }
0x90: {  	s2 =	sld [smem:$0x3FD0];
	_ =	sdelay $0x2  }
0x91: {  	s15 =	simm.s32 $0xB;
	s4 =	simm.s32 $0x10  }
0x92: {  	[smem:s4], [sflag:s15] =	dma.local [hbm:s2], $0x1  }
0x93: {  	_ =	swait.eq [sflag:s15], $0x1  }
0x94: {  	[sflag:s15] =	ssyncset.done $0x0  }
0x95: {  	[sflag:s15] =	ssyncadd.s32 $0xFFFFFFFF  }
0x96: {  	s16 =	sld [smem:$0x11];
	(tm) =	ssettm $0x1  }
0x97: {  	s17 =	sld [smem:$0x3FFB];
	_ =	sdelay $0x3  }
0x98: {  	_ =	strace s17  }
0x99: {  	s3 =	sld [smem:$0x3FFC];
	_ =	sdelay $0x3  }
0x9a: {  	_ =	strace s3  }
0x9b: {  	s3 =	sld [smem:$0x3FFD];
	_ =	sdelay $0x3  }
0x9c: {  	_ =	strace s3  }
0x9d: {  	_ =	strace $0x8FFFFFFF  }
0x9e: {  	s18 =	sld [smem:$0x3FDB];
	_ =	sdelay $0x1  }
0x9f: {  	s19 =	simm.s32 $_scs_section_size  }
0xa0: {  	s5 =	simm.s32 $_size__tile_overlayer_lowered;
	s6 =	simm.s32 $_tile_overlayer_lowered  }
0xa1: {  	s22 =	simm.s32 $0x1BFF;
	s21 =	sshll.u32 s6, $0x1;
	s3 =	sadd.s32 s19, s18  }
0xa2: {  	s7 =	simm.s32 $0x0;
	s20 =	sshll.u32 s5, $0x1;
	s5 =	sadd.s32 s21, s3  }
0xa3: {  	[timem:s7], [sflag:s22] =	dma.local [hbm:s5], s20  }
0xa4: {  	_ =	swait.ge [sflag:s22], s20  }
0xa5: {  	s4 =	ssub.s32 $0x0, s20;
	[sflag:s22] =	ssyncset.done $0x0  }
0xa6: {  	[sflag:s22] =	ssyncadd.s32 s4;
	_ =	sdelay $0x1  }
0xa7: {  	s23 =	simm.s32 $0x1B8B  }
0xa8: {  	_ =	swait.ge [sflag:s23], $0x1  }
0xa9: {  	[sflag:s23] =	ssyncset.done $0x0  }
0xaa: {  	s25 =	simm.s32 $0x1B8E;
	s24 =	sld [smem:$0x3FFE];
	[sflag:s23] =	ssyncadd.s32 $0xFFFFFFFF  }
0xab: {  	s26 =	simm.s32 $execute0_lowered;
	[smem:$0x3FD2] =	sst s25  }
0xac: {  	s5 =	sshll.u32 s26, $0x1;
	_ =	strace $0x8000004F;
	[dreg:$0x1] =	wrdreg $0xFFFFFFFF  }
0xad: {  	s28 =	simm.s32 $_size_execute0_lowered;
	s3 =	sadd.s32 s3, s5;
	[dreg:$0x0] =	wrdreg $0x0  }
0xae: {  	s5 =	sshll.u32 s28, $0x1;
	[dreg:$0x2] =	wrdreg s3  }
0xaf: {  	[dreg:$0x3] =	wrdreg s5  }
0xb0: {  	[dreg:$0x4] =	wrdreg $0xC0  }
0xb1: {  	_ =	task [dreg:s7], $0x5FFFF  }
0xb2: {  	[dreg:$0x1] =	wrdreg $0xFFFFFFFF  }
0xb3: {  	[dreg:$0x0] =	wrdreg $0x60  }
0xb4: {  	[dreg:$0x2] =	wrdreg s24  }
0xb5: {  	[dreg:$0x3] =	wrdreg s16  }
0xb6: {  	[dreg:$0x4] =	wrdreg $0x78A00  }
0xb7: {  	[dreg:$0x5] =	wrdreg $0x9  }
0xb8: {  	_ =	task.clear_ibuf [dreg:s7], $0x6FFFF;
	_ =	strace $0x9000004F  }
0xb9: {  	s29 =	simm.s32 $0x9;
	_ =	strace $0x80000051  }
0xba: {  	_ =	swait.ge [sflag:s29], $0x1  }
0xbb: {  	[sflag:s29] =	ssyncadd.s32 $0xFFFFFFFF  }
0xbc: {  	_ =	strace $0x90000051  }
0xbd: {  	_ =	sfence  }
0xbe: {  	s30 =	sld [smem:$0x0];
	_ =	sdelay $0x2  }
0xbf: {  	s31 =	sshll.u32 s1, $0xD;
	s1 =	sshrl.u32 s1, $0x2  }
0xc0: {  	s3 =	sand.u32 $0x4000, s31;
	s1 =	sadd.s32 s1, s30  }
0xc1: {  	s0 =	sor.u32 s3, s0;
	s1 =	sshll.u32 s1, $0x11  }
0xc2: {  	s0 =	sor.u32 s1, s0  }
0xc3: {  	s0 =	sadd.s32 $0x8F2B, s0  }
0xc4: {  	[sflag:s0] =	ssyncadd.remote.s32 $0x1  }
0xc5: {  	_ =	sfence.sel $0xFFFF  }
0xc6: {  	[dreg:$0x0] =	wrdreg $0xFFFFFFFF;
	(pc) =	sbr.abs _section_cstart, $3  }
0xc7: {  	[dreg:$0x1] =	wrdreg $0xFFFFFFFF  }
0xc8: {  	_ =	task.clear_ibuf [dreg:s7], $0x2FFFF;
	_ =	strace $0x9FFFFFFF  }
0xc9: {  	(tm) =	ssettm $0x7FFFFFFF  }
tec
execute0_lowered:
.L_overlay_start_1:
0x0: {  	(tag) =	ssettag $0x1  }
0x1: {  	s0 =	rddreg [dreg:$0x0]  }
0x2: {  	s2 =	rddreg [dreg:$0x1]  }
0x3: {  	s3 =	rddreg [dreg:$0x2];
	s5 =	simm.s32 $0x0;
	s4 =	stileid.u32  }
0x4: {  	s1 =	srdreg.scid;
	s17 =	simm.s32 $0x9;
	s18 =	simm.s32 $0x28  }
0x5: {  	s19 =	simm.s32 $0xA0;
	s28 =	simm.s32 $0x1;
	s29 =	simm.s32 $0x2  }
0x6: {  	s30 =	simm.s32 $0x3;
	s31 =	simm.s32 $0x4;
	s20 =	simm.s32 $0x7  }
0x7: {  	[smem:$0x7FF] =	sst s5;
	s8 =	smul.u32 $0x13880, s4;
	s1 =	sand.u32 $0x1, s1  }
0x8: {  	s5 =	sadd.s32 $0x6A00, s0;
	s6 =	sadd.s32 $0x2DC00, s0;
	s7 =	sadd.s32 $0x5B1800, s0  }
0x9: {  	s12 =	sshll.u32 s4, $0x1;
	s23 =	sshll.u32 s4, $0x6;
	_ =	strace $0x80000050  }
0xa: {  	s9 =	smul.u32 $0x138800, s1;
	s11 =	ssub.s32 $0x2, s1;
	s1 =	sor.u32 s1, s12  }
0xb: {  	s10 =	sshrl.u32 s8, $0x3;
	s21 =	sshrl.u32 s11, $0x1;
	s22 =	sadd.s32 s8, s3  }
0xc: {  	s13 =	smul.u32 $0x27100, s1;
	s10 =	sadd.s32 s10, s0;
	s9 =	sadd.s32 s8, s9  }
0xd: {  	s8 =	smul.u32 $0x4E20, s1;
	s16 =	sshrl.u32 s22, $0x3;
	s22 =	simm.s32 $0x50  }
0xe: {  	s9 =	sshrl.u32 s9, $0x3;
	s10 =	sadd.s32 $0x54E00, s10;
	s25 =	sadd.s32 s7, s13  }
0xf: {  	s0 =	sadd.s32 s9, s0;
	s9 =	ssub.s32 s11, s21;
	[dreg:$0x4] =	wrdreg s10  }
0x10: {  	s10 =	sor.u32 $0x1C09, s23;
	s11 =	smul.u32 $0x2710, s1;
	s24 =	sshrl.u32 s8, $0x3  }
0x11: {  	[dreg:$0x6] =	wrdreg s25;
	s23 =	simm.s32 $0x3CA0;
	s1 =	sadd.s32 s2, s24  }
0x12: {  	s25 =	simm.s32 $0x50A0;
	s0 =	sadd.s32 $0xCF800, s0;
	[dreg:$0x5] =	wrdreg s1  }
0x13: {  	s21 =	simm.s32 $0x8;
	s26 =	smax.u32 s9, $0x1;
	[dreg:$0x7] =	wrdreg s0  }
0x14: {  	s24 =	simm.s32 $0x78;
	s9 =	simm.s32 $0x0;
	[dreg:$0x8] =	wrdreg s26  }
0x15: {  	s26 =	simm.s32 $0x64A0;
	s0 =	simm.s32 $0x5;
	s1 =	simm.s32 $0x6  }
.LBB2_1:
0x16: {  	s4 =	rddreg [dreg:$0x4]  }
0x17: {  	[spmem:s16], [sflag:s10] =	dma.local [hbm:s4], $0x2710  }
0x18: {  	_ =	swait.ge [sflag:s17], $0x2710  }
0x19: {  	[sflag:s17] =	ssyncset.done $0x0  }
0x1a: {  	[sflag:s17] =	ssyncadd.s32 $0xFFFFD8F0  }
0x1b: {  	[bflag:$0x0] =	sbarrier.arrive $0xFFFF  }
0x1c: {  	s4 =	simm.s32 $0x0;
	s12 =	rddreg [dreg:$0x5]  }
0x1d: {  	[tilespmem:s4], [sflag:$0x9] =	stream.linear.gather [hbm4b:s12+s4], $0x50, $0x38;
	[tilespmem:$0x1B120] =	vst v63  }
0x1e: {  	_ =	swait.ge [sflag:s17], $0x50  }
0x1f: {  	[sflag:s17] =	ssyncset.done $0x0  }
0x20: {  	[sflag:s17] =	ssyncadd.s32 $0xFFFFFFB0  }
0x21: {  	[tilespmem:s19], [sflag:$0x1] =	stream.indirect.gather [hbm4b:s5+s18], $0x80, s4, s18, $0xb8;
	[tilespmem:$0x1B120] =	vst v63  }
0x22: {  	s14 =	simm.s32 $0x14A0  }
0x23: {  	[tilespmem:s14], [sflag:$0x2] =	stream.indirect.gather [hbm4b:s6+s18], $0x80, s18, s18, $0xb8;
	[tilespmem:$0x1B120] =	vst v63  }
0x24: {  	s13 =	simm.s32 $0x28A0;
	s12 =	simm.s32 $0x0;
	s15 =	rddreg [dreg:$0x6]  }
0x25: {  	[tilespmem:s13], [sflag:$0x3] =	stream.linear.gather [hbm4b:s15+s4], $0x1400, $0x38;
	[tilespmem:$0x1B120] =	vst v63  }
.LBB2_2:
0x26: {  	s13 =	sshllo.u32 s12, $0x1  }
0x27: {  	p0 =	seq.s32 s12, $0x0;
	s14 =	smul.u32 $0x50, s13  }
0x28: {  	s15 =	simm.s32 @!p0 $0x8  }
0x29: {  	_ =	swait.ge @!p0 [sflag:s15], $0x1400;
	s14 =	sadd.s32 s8, s14  }
0x2a: {  	s4 =	simm.s32 $0x0;
	[sflag:s15] =	ssyncset.done @!p0 $0x0;
	s14 =	sshrl.u32 s14, $0x3  }
0x2b: {  	s13 =	smul.u32 $0x28, s13;
	[sflag:s15] =	ssyncadd.s32 @!p0 $0xFFFFEC00;
	s14 =	sadd.s32 s2, s14  }
0x2c: {  	[tilespmem:s22], [sflag:$0x9] =	stream.linear.gather [hbm4b:s14+s4], $0x50, $0x38;
	[tilespmem:$0x1B120] =	vst v63  }
0x2d: {  	_ =	swait.ge [sflag:s17], $0x50  }
0x2e: {  	s13 =	sadd.s32 s11, s13;
	[sflag:s17] =	ssyncset.done $0x0  }
0x2f: {  	s13 =	sshll.u32 s13, $0x4;
	[sflag:s17] =	ssyncadd.s32 $0xFFFFFFB0  }
0x30: {  	[tilespmem:s23], [sflag:$0x4] =	stream.indirect.gather [hbm4b:s5+s18], $0x80, s22, s18, $0xb8;
	[tilespmem:$0x1B120] =	vst v63  }
0x31: {  	s13 =	sand.u32 $0x1FFFFF80, s13  }
0x32: {  	[tilespmem:s25], [sflag:$0x5] =	stream.indirect.gather [hbm4b:s6+s18], $0x80, s24, s18, $0xb8;
	[tilespmem:$0x1B120] =	vst v63  }
0x33: {  	s13 =	sadd.s32 s7, s13  }
0x34: {  	[tilespmem:s26], [sflag:$0x6] =	stream.linear.gather [hbm4b:s13+s4], $0x1400, $0x38;
	[tilespmem:$0x1B120] =	vst v63  }
0x35: {  	_ =	swait.ge [sflag:s28], $0x1400  }
0x36: {  	[sflag:s28] =	ssyncset.done $0x0  }
0x37: {  	[sflag:s28] =	ssyncadd.s32 $0xFFFFEC00  }
0x38: {  	_ =	swait.ge [sflag:s29], $0x1400  }
0x39: {  	[sflag:s29] =	ssyncset.done $0x0  }
0x3a: {  	[sflag:s29] =	ssyncadd.s32 $0xFFFFEC00  }
0x3b: {  	_ =	swait.ge [sflag:s30], $0x1400  }
0x3c: {  	[sflag:s30] =	ssyncset.done $0x0  }
0x3d: {  	s13 =	simm.s32 $0x0;
	[sflag:s30] =	ssyncadd.s32 $0xFFFFEC00  }
0x3e: {  	v4 =	vld [tilespmem:s13+$0x28A0]  }
0x3f: {  	v5 =	vld [tilespmem:s13+$0x28B0]  }
0x40: {  	v3 =	vld [tilespmem:s13+$0x28C0]  }
0x41: {  	v2 =	vld [tilespmem:s13+$0x28D0]  }
0x42: {  	v1 =	vld [tilespmem:s13+$0x28E0]  }
0x43: {  	v0 =	vld [tilespmem:s13+$0x28F0]  }
0x44: {  	v12 =	vld [tilespmem:s13+$0x14A0]  }
0x45: {  	v17 =	vld [tilespmem:s13+$0x14B0]  }
0x46: {  	v11 =	vld [tilespmem:s13+$0x14C0]  }
0x47: {  	v10 =	vld [tilespmem:s13+$0x14D0]  }
0x48: {  	v9 =	vld [tilespmem:s13+$0x14E0]  }
0x49: {  	v8 =	vld [tilespmem:s13+$0x14F0]  }
0x4a: {  	v7 =	vld [tilespmem:s13+$0x1500]  }
0x4b: {  	v6 =	vld [tilespmem:s13+$0x1510]  }
0x4c: {  	v18 =	vld [tilespmem:s13+$0xA0]  }
0x4d: {  	v19 =	vld [tilespmem:s13+$0xB0]  }
0x4e: {  	v16 =	vld [tilespmem:s13+$0xC0]  }
0x4f: {  	v15 =	vld [tilespmem:s13+$0xD0]  }
0x50: {  	v14 =	vld [tilespmem:s13+$0xE0]  }
0x51: {  	v13 =	vld [tilespmem:s13+$0xF0];
	v18 =	vadd.f32 v12, v18  }
0x52: {  	s15 =	simm.s32 $0x200;
	s14 =	sshll.u32 s12, $0x1;
	v17 =	vadd.f32 v17, v19;
	v12 =	vld [tilespmem:s13+$0x100]  }
.LBB2_3:
0x53: {  	p0 =	sne.s32 s15, $0x4E00;
	v4 =	vadd.f32 v4, v18;
	v11 =	vadd.f32 v11, v16;
	v16 =	vld [tilespmem:s13+$0x110]  }
0x54: {  	v5 =	vadd.f32 v5, v17;
	v10 =	vadd.f32 v10, v15;
	v15 =	vld [tilespmem:s13+$0x2900]  }
0x55: {  	s4 =	sshra.s32 s15, $0x2;
	v17 =	vmax.f32 v4, $0.0e+00;
	v3 =	vadd.f32 v3, v11;
	v9 =	vadd.f32 v9, v14;
	v11 =	vld [tilespmem:s13+$0x2910]  }
0x56: {  	v4 =	vld [tilespmem:s4+$0x28A0];
	[tilespmem:s13+$0xA0] =	vst v17;
	v14 =	vmax.f32 v5, $0.0e+00;
	v2 =	vadd.f32 v2, v10;
	v8 =	vadd.f32 v8, v13  }
0x57: {  	v5 =	vld [tilespmem:s4+$0x28B0];
	[tilespmem:s13+$0xB0] =	vst v14;
	v10 =	vmax.f32 v3, $0.0e+00;
	v1 =	vadd.f32 v1, v9;
	v7 =	vadd.f32 v7, v12  }
0x58: {  	v3 =	vld [tilespmem:s4+$0x28C0];
	[tilespmem:s13+$0xC0] =	vst v10;
	v9 =	vmax.f32 v2, $0.0e+00;
	v0 =	vadd.f32 v0, v8;
	v6 =	vadd.f32 v6, v16  }
0x59: {  	v2 =	vld [tilespmem:s4+$0x28D0];
	[tilespmem:s13+$0xD0] =	vst v9;
	v8 =	vmax.f32 v1, $0.0e+00;
	v7 =	vadd.f32 v15, v7  }
0x5a: {  	v1 =	vld [tilespmem:s4+$0x28E0];
	[tilespmem:s13+$0xE0] =	vst v8;
	v8 =	vmax.f32 v0, $0.0e+00;
	v6 =	vadd.f32 v11, v6  }
0x5b: {  	v0 =	vld [tilespmem:s4+$0x28F0];
	[tilespmem:s13+$0xF0] =	vst v8;
	v7 =	vmax.f32 v7, $0.0e+00  }
0x5c: {  	v12 =	vld [tilespmem:s4+$0x14A0];
	[tilespmem:s13+$0x100] =	vst v7;
	v6 =	vmax.f32 v6, $0.0e+00  }
0x5d: {  	v17 =	vld [tilespmem:s4+$0x14B0];
	[tilespmem:s13+$0x110] =	vst v6;
	s13 =	smov.u32 s4  }
0x5e: {  	v11 =	vld [tilespmem:s13+$0x14C0]  }
0x5f: {  	v10 =	vld [tilespmem:s13+$0x14D0]  }
0x60: {  	v9 =	vld [tilespmem:s13+$0x14E0]  }
0x61: {  	v8 =	vld [tilespmem:s13+$0x14F0]  }
0x62: {  	v7 =	vld [tilespmem:s13+$0x1500]  }
0x63: {  	v6 =	vld [tilespmem:s13+$0x1510]  }
0x64: {  	v13 =	vld [tilespmem:s13+$0xA0]  }
0x65: {  	v19 =	vld [tilespmem:s13+$0xB0]  }
.Ltmp0:
0x66: {  	v16 =	vld [tilespmem:s13+$0xC0];
	(pc) =	sbr.rel @p0 .LBB2_3-.Ltmp0, $4  }
0x67: {  	v15 =	vld [tilespmem:s13+$0xD0]  }
0x68: {  	v14 =	vld [tilespmem:s13+$0xE0]  }
0x69: {  	v18 =	vadd.f32 v12, v13;
	v13 =	vld [tilespmem:s13+$0xF0]  }
0x6a: {  	s15 =	sadd.s32 $0x200, s15;
	v17 =	vadd.f32 v17, v19;
	v12 =	vld [tilespmem:s13+$0x100]  }
0x6b: {  	v4 =	vadd.f32 v4, v18;
	v11 =	vadd.f32 v11, v16;
	v16 =	vld [tilespmem:s13+$0x110]  }
0x6c: {  	v5 =	vadd.f32 v5, v17;
	v10 =	vadd.f32 v10, v15;
	v15 =	vld [tilespmem:s13+$0x2900]  }
0x6d: {  	v4 =	vmax.f32 v4, $0.0e+00;
	v3 =	vadd.f32 v3, v11;
	v9 =	vadd.f32 v9, v14;
	v11 =	vld [tilespmem:s13+$0x2910]  }
0x6e: {  	[tilespmem:s13+$0xA0] =	vst v4;
	v4 =	vmax.f32 v5, $0.0e+00;
	v2 =	vadd.f32 v2, v10;
	v5 =	vadd.f32 v8, v13  }
0x6f: {  	[tilespmem:s13+$0xB0] =	vst v4;
	v3 =	vmax.f32 v3, $0.0e+00;
	v1 =	vadd.f32 v1, v9;
	v4 =	vadd.f32 v7, v12  }
0x70: {  	[tilespmem:s13+$0xC0] =	vst v3;
	v2 =	vmax.f32 v2, $0.0e+00;
	v0 =	vadd.f32 v0, v5;
	v3 =	vadd.f32 v6, v16  }
0x71: {  	[tilespmem:s13+$0xD0] =	vst v2;
	v1 =	vmax.f32 v1, $0.0e+00;
	v2 =	vadd.f32 v15, v4  }
0x72: {  	[tilespmem:s13+$0xE0] =	vst v1;
	v0 =	vmax.f32 v0, $0.0e+00;
	v1 =	vadd.f32 v11, v3  }
0x73: {  	p0 =	seq.s32 s12, $0x7C;
	[tilespmem:s13+$0xF0] =	vst v0;
	v0 =	vmax.f32 v2, $0.0e+00  }
0x74: {  	s4 =	sadd.s32 @!p0 $0x2, s14;
	[tilespmem:s13+$0x100] =	vst v0;
	v0 =	vmax.f32 v1, $0.0e+00  }
0x75: {  	s14 =	simm.s32 @!p0 $0x7;
	[tilespmem:s13+$0x110] =	vst v0;
	s13 =	smul.u32 @!p0 $0x50, s4  }
0x76: {  	[spmem:s3] =	stream.indirect.scatter.add.f32 [tilespmem:s19], [sflag:$0x7], $0x80, s18, s18, $0xb8;
	[tilespmem:$0x1B120] =	vst v63  }
0x77: {  	_ =	swait.ge @!p0 [sflag:s14], $0x1400;
	s13 =	sadd.s32 @!p0 s8, s13  }
0x78: {  	[sflag:s14] =	ssyncset.done @!p0 $0x0;
	s13 =	sshrl.u32 @!p0 s13, $0x3  }
0x79: {  	[sflag:s14] =	ssyncadd.s32 @!p0 $0xFFFFEC00;
	s13 =	sadd.s32 @!p0 s2, s13;
	s14 =	simm.s32 @!p0 $0x0  }
0x7a: {  	[tilespmem:s14], [sflag:$0x9] =	stream.linear.gather @!p0 [hbm4b:s13+s14], $0x50, $0x38;
	[tilespmem:$0x1B120] =	vst v63  }
0x7b: {  	s4 =	smul.u32 @!p0 $0x28, s4;
	s13 =	simm.s32 @!p0 $0x9  }
0x7c: {  	_ =	swait.ge @!p0 [sflag:s13], $0x50  }
0x7d: {  	s15 =	simm.s32 @!p0 $0xA0;
	s4 =	sadd.s32 @!p0 s11, s4;
	[sflag:s13] =	ssyncset.done @!p0 $0x0  }
0x7e: {  	s4 =	sshll.u32 @!p0 s4, $0x4;
	[sflag:s13] =	ssyncadd.s32 @!p0 $0xFFFFFFB0;
	s13 =	simm.s32 @!p0 $0x28  }
0x7f: {  	[tilespmem:s15], [sflag:$0x1] =	stream.indirect.gather @!p0 [hbm4b:s5+s13], $0x80, s14, s13, $0xb8;
	[tilespmem:$0x1B120] =	vst v63  }
0x80: {  	s4 =	sand.u32 @!p0 $0x1FFFFF00, s4;
	s15 =	simm.s32 @!p0 $0x14A0  }
0x81: {  	[tilespmem:s15], [sflag:$0x2] =	stream.indirect.gather @!p0 [hbm4b:s6+s13], $0x80, s13, s13, $0xb8;
	[tilespmem:$0x1B120] =	vst v63  }
0x82: {  	s4 =	sadd.s32 @!p0 s7, s4;
	s13 =	simm.s32 @!p0 $0x28A0  }
0x83: {  	[tilespmem:s13], [sflag:$0x3] =	stream.linear.gather @!p0 [hbm4b:s4+s14], $0x1400, $0x38;
	[tilespmem:$0x1B120] =	vst v63  }
0x84: {  	_ =	swait.ge [sflag:s31], $0x1400  }
0x85: {  	[sflag:s31] =	ssyncset.done $0x0  }
0x86: {  	[sflag:s31] =	ssyncadd.s32 $0xFFFFEC00  }
0x87: {  	_ =	swait.ge [sflag:s0], $0x1400  }
0x88: {  	[sflag:s0] =	ssyncset.done $0x0  }
0x89: {  	[sflag:s0] =	ssyncadd.s32 $0xFFFFEC00  }
0x8a: {  	_ =	swait.ge [sflag:s1], $0x1400  }
0x8b: {  	[sflag:s1] =	ssyncset.done $0x0  }
0x8c: {  	s13 =	simm.s32 $0x0;
	[sflag:s1] =	ssyncadd.s32 $0xFFFFEC00  }
0x8d: {  	v4 =	vld [tilespmem:s13+$0x64A0]  }
0x8e: {  	v5 =	vld [tilespmem:s13+$0x64B0]  }
0x8f: {  	v3 =	vld [tilespmem:s13+$0x64C0]  }
0x90: {  	v2 =	vld [tilespmem:s13+$0x64D0]  }
0x91: {  	v1 =	vld [tilespmem:s13+$0x64E0]  }
0x92: {  	v0 =	vld [tilespmem:s13+$0x64F0]  }
0x93: {  	v12 =	vld [tilespmem:s13+$0x50A0]  }
0x94: {  	v17 =	vld [tilespmem:s13+$0x50B0]  }
0x95: {  	v11 =	vld [tilespmem:s13+$0x50C0]  }
0x96: {  	v10 =	vld [tilespmem:s13+$0x50D0]  }
0x97: {  	v9 =	vld [tilespmem:s13+$0x50E0]  }
0x98: {  	v8 =	vld [tilespmem:s13+$0x50F0]  }
0x99: {  	v7 =	vld [tilespmem:s13+$0x5100]  }
0x9a: {  	v6 =	vld [tilespmem:s13+$0x5110]  }
0x9b: {  	v18 =	vld [tilespmem:s13+$0x3CA0]  }
0x9c: {  	v19 =	vld [tilespmem:s13+$0x3CB0]  }
0x9d: {  	v16 =	vld [tilespmem:s13+$0x3CC0]  }
0x9e: {  	v15 =	vld [tilespmem:s13+$0x3CD0]  }
0x9f: {  	v14 =	vld [tilespmem:s13+$0x3CE0]  }
0xa0: {  	v13 =	vld [tilespmem:s13+$0x3CF0];
	v18 =	vadd.f32 v12, v18  }
0xa1: {  	s14 =	simm.s32 $0x200;
	v17 =	vadd.f32 v17, v19;
	v12 =	vld [tilespmem:s13+$0x3D00]  }
.LBB2_5:
0xa2: {  	p0 =	sne.s32 s14, $0x4E00;
	v4 =	vadd.f32 v4, v18;
	v11 =	vadd.f32 v11, v16;
	v16 =	vld [tilespmem:s13+$0x3D10]  }
0xa3: {  	v5 =	vadd.f32 v5, v17;
	v10 =	vadd.f32 v10, v15;
	v15 =	vld [tilespmem:s13+$0x6500]  }
0xa4: {  	s4 =	sshra.s32 s14, $0x2;
	v17 =	vmax.f32 v4, $0.0e+00;
	v3 =	vadd.f32 v3, v11;
	v9 =	vadd.f32 v9, v14;
	v11 =	vld [tilespmem:s13+$0x6510]  }
0xa5: {  	v4 =	vld [tilespmem:s4+$0x64A0];
	[tilespmem:s13+$0x3CA0] =	vst v17;
	v14 =	vmax.f32 v5, $0.0e+00;
	v2 =	vadd.f32 v2, v10;
	v8 =	vadd.f32 v8, v13  }
0xa6: {  	v5 =	vld [tilespmem:s4+$0x64B0];
	[tilespmem:s13+$0x3CB0] =	vst v14;
	v10 =	vmax.f32 v3, $0.0e+00;
	v1 =	vadd.f32 v1, v9;
	v7 =	vadd.f32 v7, v12  }
0xa7: {  	v3 =	vld [tilespmem:s4+$0x64C0];
	[tilespmem:s13+$0x3CC0] =	vst v10;
	v9 =	vmax.f32 v2, $0.0e+00;
	v0 =	vadd.f32 v0, v8;
	v6 =	vadd.f32 v6, v16  }
0xa8: {  	v2 =	vld [tilespmem:s4+$0x64D0];
	[tilespmem:s13+$0x3CD0] =	vst v9;
	v8 =	vmax.f32 v1, $0.0e+00;
	v7 =	vadd.f32 v15, v7  }
0xa9: {  	v1 =	vld [tilespmem:s4+$0x64E0];
	[tilespmem:s13+$0x3CE0] =	vst v8;
	v8 =	vmax.f32 v0, $0.0e+00;
	v6 =	vadd.f32 v11, v6  }
0xaa: {  	v0 =	vld [tilespmem:s4+$0x64F0];
	[tilespmem:s13+$0x3CF0] =	vst v8;
	v7 =	vmax.f32 v7, $0.0e+00  }
0xab: {  	v12 =	vld [tilespmem:s4+$0x50A0];
	[tilespmem:s13+$0x3D00] =	vst v7;
	v6 =	vmax.f32 v6, $0.0e+00  }
0xac: {  	v17 =	vld [tilespmem:s4+$0x50B0];
	[tilespmem:s13+$0x3D10] =	vst v6;
	s13 =	smov.u32 s4  }
0xad: {  	v11 =	vld [tilespmem:s13+$0x50C0]  }
0xae: {  	v10 =	vld [tilespmem:s13+$0x50D0]  }
0xaf: {  	v9 =	vld [tilespmem:s13+$0x50E0]  }
0xb0: {  	v8 =	vld [tilespmem:s13+$0x50F0]  }
0xb1: {  	v7 =	vld [tilespmem:s13+$0x5100]  }
0xb2: {  	v6 =	vld [tilespmem:s13+$0x5110]  }
0xb3: {  	v13 =	vld [tilespmem:s13+$0x3CA0]  }
0xb4: {  	v19 =	vld [tilespmem:s13+$0x3CB0]  }
.Ltmp1:
0xb5: {  	v16 =	vld [tilespmem:s13+$0x3CC0];
	(pc) =	sbr.rel @p0 .LBB2_5-.Ltmp1, $4  }
0xb6: {  	v15 =	vld [tilespmem:s13+$0x3CD0]  }
0xb7: {  	v14 =	vld [tilespmem:s13+$0x3CE0]  }
0xb8: {  	v18 =	vadd.f32 v12, v13;
	v13 =	vld [tilespmem:s13+$0x3CF0]  }
0xb9: {  	s14 =	sadd.s32 $0x200, s14;
	v17 =	vadd.f32 v17, v19;
	v12 =	vld [tilespmem:s13+$0x3D00]  }
0xba: {  	v4 =	vadd.f32 v4, v18;
	v11 =	vadd.f32 v11, v16;
	v53 =	vld [tilespmem:s13+$0x3D10]  }
0xbb: {  	v54 =	vld [tilespmem:s13+$0x6500];
	v5 =	vadd.f32 v5, v17;
	v10 =	vadd.f32 v10, v15  }
0xbc: {  	v55 =	vld [tilespmem:s13+$0x6510];
	v4 =	vmax.f32 v4, $0.0e+00;
	v3 =	vadd.f32 v3, v11;
	v9 =	vadd.f32 v9, v14  }
0xbd: {  	[tilespmem:s13+$0x3CA0] =	vst v4;
	v56 =	vmax.f32 v5, $0.0e+00;
	v2 =	vadd.f32 v2, v10;
	v57 =	vadd.f32 v8, v13  }
0xbe: {  	[tilespmem:s13+$0x3CB0] =	vst v56;
	v3 =	vmax.f32 v3, $0.0e+00;
	v1 =	vadd.f32 v1, v9;
	v58 =	vadd.f32 v7, v12  }
0xbf: {  	s12 =	sadd.s32 $0x1, s12;
	[tilespmem:s13+$0x3CC0] =	vst v3;
	v2 =	vmax.f32 v2, $0.0e+00;
	v0 =	vadd.f32 v0, v57;
	v59 =	vadd.f32 v6, v53  }
0xc0: {  	p0 =	sne.s32 s12, $0x7D;
	[tilespmem:s13+$0x3CD0] =	vst v2;
	v1 =	vmax.f32 v1, $0.0e+00;
	v60 =	vadd.f32 v54, v58  }
.Ltmp2:
0xc1: {  	[tilespmem:s13+$0x3CE0] =	vst v1;
	v0 =	vmax.f32 v0, $0.0e+00;
	v61 =	vadd.f32 v55, v59;
	(pc) =	sbr.rel @p0 .LBB2_2-.Ltmp2, $4  }
0xc2: {  	[tilespmem:s13+$0x3CF0] =	vst v0;
	v62 =	vmax.f32 v60, $0.0e+00  }
0xc3: {  	[tilespmem:s13+$0x3D00] =	vst v62;
	v63 =	vmax.f32 v61, $0.0e+00  }
0xc4: {  	[tilespmem:s13+$0x3D10] =	vst v63  }
0xc5: {  	[spmem:s3] =	stream.indirect.scatter.add.f32 [tilespmem:s23], [sflag:$0x8], $0x80, s24, s18, $0xb8;
	[tilespmem:$0x1B120] =	vst v63  }
0xc6: {  	_ =	swait.ge [sflag:s20], $0x1400  }
0xc7: {  	[sflag:s20] =	ssyncset.done $0x0  }
0xc8: {  	[sflag:s20] =	ssyncadd.s32 $0xFFFFEC00  }
0xc9: {  	_ =	swait.ge [sflag:s21], $0x1400  }
0xca: {  	[sflag:s21] =	ssyncset.done $0x0  }
0xcb: {  	[sflag:s21] =	ssyncadd.s32 $0xFFFFEC00  }
0xcc: {  	[bflag:$0x0] =	sbarrier.arrive $0xFFFF  }
0xcd: {  	s4 =	rddreg [dreg:$0x7]  }
0xce: {  	[hbm:s4], [sflag:s10] =	dma.local [spmem:s16], $0x2710  }
0xcf: {  	_ =	swait.ge [sflag:s17], $0x2710  }
0xd0: {  	s9 =	sadd.s32 $0x1, s9;
	s15 =	rddreg [dreg:$0x8]  }
0xd1: {  	p0 =	sne.s32 s9, s15  }
.Ltmp3:
0xd2: {  	_ = 	snop;
	(pc) =	sbr.rel @p0 .LBB2_1-.Ltmp3, $3  }
0xd3: {  	_ =	sdelay $0x1  }
0xd4: {  	[sflag:s17] =	ssyncset.done $0x0  }
0xd5: {  	[sflag:s17] =	ssyncadd.s32 $0xFFFFD8F0  }
0xd6: {  	_ =	sfence.sel $0x180000  }
0xd7: {  	[bflag:$0x0] =	sbarrier.arrive $0xFFFF  }
0xd8: {  	_ =	strace $0x90000050  }
0xd9: {  	s0 =	stileid.u32;
	[bflag:$0x2] =	sbarrier.arrive $0xFFFF  }
0xda: {  	p0 =	sne.s32 s0, $0x0;
	s0 =	rddreg [dreg:$0x3]  }
0xdb: {  	s0 =	sadd.s32 @!p0 $0x100000, s0  }
0xdc: {  	[sflag:s0] =	ssyncadd.tile.s32 @!p0 $0x1;
	_ =	shalt  }
.Lfunc_end2:
_tile_overlayer_lowered:
.L_overlay_start_2:
0xdd: {  	(tag) =	ssettag $0x2  }
0xde: {  	s0 =	rddreg [dreg:$0x0];
	s2 =	stileid.u32  }
0xdf: {  	s1 =	rddreg [dreg:$0x1];
	p0 =	sne.s32 s2, $0x0  }
0xe0: {  	s3 =	rddreg [dreg:$0x2];
	[bflag:$0x3] =	sbarrier.arrive $0xFFFF;
	s2 =	simm.s32 @!p0 $0x1C09  }
0xe1: {  	[timem:s3], [sflag:s2] =	dma.local @!p0 [hbm:s0], s1  }
0xe2: {  	s0 =	simm.s32 @!p0 $0x9  }
0xe3: {  	_ =	swait.ge @!p0 [sflag:s0], s1  }
0xe4: {  	s1 =	ssub.s32 @!p0 $0x0, s1;
	[sflag:s0] =	ssyncset.done @!p0 $0x0  }
0xe5: {  	[sflag:s0] =	ssyncadd.s32 @!p0 s1  }
0xe6: {  	[bflag:$0x3] =	sbarrier.arrive $0xFFFF  }
0xe7: {  	_ =	shalt  }

// kernel: kernel.27.cloned.1.call-start
scs
__scs_entry_jumppad:
0x0: {  	(pc) =	sbr.rel $0x88, $3  }
0x1: {  	(tag) =	ssettag $0x0;
	lr =	simm.s32 $0x1  }
0x2: {  	[smem:$0x3F93] =	sst lr;
	_ =	strace $0xD0000000  }
0x3: {  	_ = 	snop  }
0x4: {  	_ = 	snop  }
0x5: {  	_ = 	snop  }
0x6: {  	_ = 	snop  }
0x7: {  	_ = 	snop  }
__scs_overlays_trampoline_lowered:
0x8: {  	[smem:$0x3FA2] =	sst s0  }
0x9: {  	[smem:$0x3FA3] =	sst s1  }
0xa: {  	[smem:$0x3FA4] =	sst s2  }
0xb: {  	[smem:$0x3FA5] =	sst s3  }
0xc: {  	[smem:$0x3FA6] =	sst s4  }
0xd: {  	[smem:$0x3FA7] =	sst s5  }
0xe: {  	[smem:$0x3FA8] =	sst s6  }
0xf: {  	[smem:$0x3FA9] =	sst s7  }
0x10: {  	[smem:$0x3FAA] =	sst s8  }
0x11: {  	[smem:$0x3FAB] =	sst s9;
	s0 =	simm.s32 @!p0 $0x0  }
0x12: {  	s1 =	sld [smem:$0x3F91];
	s0 =	simm.s32 @p0 $0x1  }
0x13: {  	[smem:$0x3FAC] =	sst s0;
	s0 =	simm.s32 @!p1 $0x0  }
0x14: {  	s2 =	sld [smem:$0x3F90];
	s0 =	simm.s32 @p1 $0x1  }
0x15: {  	[smem:$0x3FAD] =	sst s0;
	s0 =	simm.s32 @!p2 $0x0  }
0x16: {  	s3 =	sld [smem:$0x3FDB];
	s0 =	simm.s32 @p2 $0x1  }
0x17: {  	s4 =	simm.s32 $0x1BF5;
	[smem:$0x3FAF] =	sst s0  }
0x18: {  	s0 =	sld [smem:$0x3F92];
	_ =	swait.ge [sflag:s4], $0x0  }
0x19: {  	s7 =	sld [smem:$0x3F93]  }
0x1a: {  	s8 =	sadd.s32 $0xFFFFE003, lr  }
0x1b: {  	s9 =	sadd.s32 $0xFFFFFEF7, lr;
	s5 =	simm.s32 $0xFFFFFFFF;
	p2 =	slt.u32 s8, $0xFFFFF086  }
0x1c: {  	p1 =	slt.u32 s9, $0xF7A;
	s5 =	simm.s32 @!p2 $0x0  }
0x1d: {  	s5 =	simm.s32 @p1 $0x1;
	p0 =	seq.s32 s7, s2  }
0x1e: {  	s7 =	smul.u32 @!p0 $0xF7A, s2;
	p2 =	seq.s32 @!p0 s5, $0x0  }
0x1f: {  	s9 =	smul.u32 $0xF7A, s1;
	s8 =	simm.s32 @!p0 $0x1BF5;
	p2 =	por !p2, p0  }
0x20: {  	[sflag:s8] =	ssyncset.s32 @!p0 $0xFFFFF086;
	s6 =	sadd.s32 @!p0 s3, s7;
	s7 =	simm.s32 @!p0 $0x108  }
0x21: {  	s3 =	sadd.s32 s3, s9;
	s6 =	sadd.s32 @!p0 $0x88, s6;
	s7 =	simm.s32 @p2 $0x1082  }
0x22: {  	[simem:s7], [sflag:s8] =	dma.local @!p0 [hbm:s6], $0xF7A  }
0x23: {  	s9 =	sor.u32 $0xD0000000, s2;
	s6 =	simm.s32 $0x108;
	_ =	swait.ge @!p0 [sflag:s8], $0x0  }
0x24: {  	s3 =	sadd.s32 $0x88, s3;
	s6 =	simm.s32 @!p1 $0x1082;
	[sflag:s4] =	ssyncset.s32 $0xFFFFF086  }
0x25: {  	[simem:s6], [sflag:s4] =	dma.local [hbm:s3], $0xF7A  }
0x26: {  	[smem:$0x3F93] =	sst s1;
	(tag) =	ssettag s2;
	_ =	strace s9  }
0x27: {  	s1 =	sld [smem:$0x3FA3]  }
0x28: {  	s2 =	sld [smem:$0x3FA4]  }
0x29: {  	s4 =	sld [smem:$0x3FA6]  }
0x2a: {  	p0 =	seq.s32 s5, $0x0;
	s5 =	sld [smem:$0x3FA7]  }
0x2b: {  	s6 =	sld [smem:$0x3FA8]  }
0x2c: {  	s7 =	sld [smem:$0x3FA9]  }
0x2d: {  	s3 =	simm.s32 $0x108;
	s8 =	sld [smem:$0x3FAA]  }
0x2e: {  	s3 =	simm.s32 @!p0 $0x1082;
	s9 =	sld [smem:$0x3FAB]  }
0x2f: {  	lr =	sadd.s32 s0, s3;
	s0 =	sld [smem:$0x3FA2]  }
0x30: {  	s3 =	sld [smem:$0x3FA5]  }
0x31: {  	[smem:$0x3FAE] =	sst s10  }
0x32: {  	s10 =	sld [smem:$0x3FAC];
	_ =	sdelay $0x3  }
0x33: {  	p0 =	seq.s32 s10, $0x1;
	s10 =	sld [smem:$0x3FAE];
	_ =	sdelay $0x3  }
0x34: {  	[smem:$0x3FAE] =	sst s10  }
0x35: {  	s10 =	sld [smem:$0x3FAD];
	_ =	sdelay $0x3  }
0x36: {  	p1 =	seq.s32 s10, $0x1;
	s10 =	sld [smem:$0x3FAE];
	_ =	sdelay $0x3  }
0x37: {  	[smem:$0x3FAE] =	sst s10  }
0x38: {  	s10 =	sld [smem:$0x3FAF]  }
0x39: {  	_ = 	snop;
	(pc) =	sbr.ind lr, $3  }
0x3a: {  	_ = 	snop  }
0x3b: {  	_ = 	snop  }
0x3c: {  	p2 =	seq.s32 s10, $0x1;
	s10 =	sld [smem:$0x3FAE]  }
0x3d: {  	_ =	shalt  }
0x3e: {  	_ =	shalt  }
0x3f: {  	_ =	shalt  }
0x40: {  	_ =	shalt  }
0x41: {  	_ =	shalt  }
0x42: {  	_ =	shalt  }
0x43: {  	_ =	shalt  }
0x44: {  	_ =	shalt  }
0x45: {  	_ =	shalt  }
0x46: {  	_ =	shalt  }
0x47: {  	_ =	shalt  }
0x48: {  	_ =	shalt  }
0x49: {  	_ =	shalt  }
0x4a: {  	_ =	shalt  }
0x4b: {  	_ =	shalt  }
0x4c: {  	_ =	shalt  }
0x4d: {  	_ =	shalt  }
0x4e: {  	_ =	shalt  }
0x4f: {  	_ =	shalt  }
0x50: {  	_ =	shalt  }
0x51: {  	_ =	shalt  }
0x52: {  	_ =	shalt  }
0x53: {  	_ =	shalt  }
0x54: {  	_ =	shalt  }
0x55: {  	_ =	shalt  }
0x56: {  	_ =	shalt  }
0x57: {  	_ =	shalt  }
0x58: {  	_ =	shalt  }
0x59: {  	_ =	shalt  }
0x5a: {  	_ =	shalt  }
0x5b: {  	_ =	shalt  }
0x5c: {  	_ =	shalt  }
0x5d: {  	_ =	shalt  }
0x5e: {  	_ =	shalt  }
0x5f: {  	_ =	shalt  }
0x60: {  	_ =	shalt  }
0x61: {  	_ =	shalt  }
0x62: {  	_ =	shalt  }
0x63: {  	_ =	shalt  }
0x64: {  	_ =	shalt  }
0x65: {  	_ =	shalt  }
0x66: {  	_ =	shalt  }
0x67: {  	_ =	shalt  }
0x68: {  	_ =	shalt  }
0x69: {  	_ =	shalt  }
0x6a: {  	_ =	shalt  }
0x6b: {  	_ =	shalt  }
0x6c: {  	_ =	shalt  }
0x6d: {  	_ =	shalt  }
0x6e: {  	_ =	shalt  }
0x6f: {  	_ =	shalt  }
0x70: {  	_ =	shalt  }
0x71: {  	_ =	shalt  }
0x72: {  	_ =	shalt  }
0x73: {  	_ =	shalt  }
0x74: {  	_ =	shalt  }
0x75: {  	_ =	shalt  }
0x76: {  	_ =	shalt  }
0x77: {  	_ =	shalt  }
0x78: {  	_ =	shalt  }
0x79: {  	_ =	shalt  }
0x7a: {  	_ =	shalt  }
0x7b: {  	_ =	shalt  }
0x7c: {  	_ =	shalt  }
0x7d: {  	_ =	shalt  }
0x7e: {  	_ =	shalt  }
0x7f: {  	_ =	shalt  }
0x80: {  	_ =	shalt  }
0x81: {  	_ =	shalt  }
0x82: {  	_ =	shalt  }
0x83: {  	_ =	shalt  }
0x84: {  	_ =	shalt  }
0x85: {  	_ =	shalt  }
0x86: {  	_ =	shalt  }
0x87: {  	_ =	shalt  }
.Lfunc_end0:
.L_simem_size_0:
called_computation.4_lowered:
.L_overlay_start_0:
0x88: {  	s2 =	sld [smem:$0x3FD9]  }
0x89: {  	s3 =	sld [smem:$0x3FFE];
	_ =	sdelay $0x1  }
0x8a: {  	s1 =	srdreg.scid  }
0x8b: {  	s0 =	sand.u32 $0x1, s1  }
0x8c: {  	s14 =	sshll.u32 s0, $0xA;
	s2 =	sadd.s32 s3, s2  }
0x8d: {  	s2 =	sadd.s32 s2, s14  }
0x8e: {  	[smem:$0x3FBA] =	sst s2  }
0x8f: {  	_ = 	snop  }
0x90: {  	s2 =	sld [smem:$0x3FD0];
	_ =	sdelay $0x2  }
0x91: {  	s15 =	simm.s32 $0xB;
	s4 =	simm.s32 $0x10  }
0x92: {  	[smem:s4], [sflag:s15] =	dma.local [hbm:s2], $0x1  }
0x93: {  	_ =	swait.eq [sflag:s15], $0x1  }
0x94: {  	[sflag:s15] =	ssyncset.done $0x0  }
0x95: {  	[sflag:s15] =	ssyncadd.s32 $0xFFFFFFFF  }
0x96: {  	s16 =	sld [smem:$0x11];
	(tm) =	ssettm $0x1  }
0x97: {  	s17 =	sld [smem:$0x3FFB];
	_ =	sdelay $0x3  }
0x98: {  	_ =	strace s17  }
0x99: {  	s3 =	sld [smem:$0x3FFC];
	_ =	sdelay $0x3  }
0x9a: {  	_ =	strace s3  }
0x9b: {  	s3 =	sld [smem:$0x3FFD];
	_ =	sdelay $0x3  }
0x9c: {  	_ =	strace s3  }
0x9d: {  	_ =	strace $0x8FFFFFFF  }
0x9e: {  	s18 =	sld [smem:$0x3FDB];
	_ =	sdelay $0x1  }
0x9f: {  	s19 =	simm.s32 $_scs_section_size  }
0xa0: {  	s5 =	simm.s32 $_size__tile_overlayer_lowered;
	s6 =	simm.s32 $_tile_overlayer_lowered  }
0xa1: {  	s22 =	simm.s32 $0x1BFF;
	s21 =	sshll.u32 s6, $0x1;
	s3 =	sadd.s32 s19, s18  }
0xa2: {  	s7 =	simm.s32 $0x0;
	s20 =	sshll.u32 s5, $0x1;
	s5 =	sadd.s32 s21, s3  }
0xa3: {  	[timem:s7], [sflag:s22] =	dma.local [hbm:s5], s20  }
0xa4: {  	_ =	swait.ge [sflag:s22], s20  }
0xa5: {  	s4 =	ssub.s32 $0x0, s20;
	[sflag:s22] =	ssyncset.done $0x0  }
0xa6: {  	[sflag:s22] =	ssyncadd.s32 s4;
	_ =	sdelay $0x1  }
0xa7: {  	s23 =	simm.s32 $0x1B8B  }
0xa8: {  	_ =	swait.ge [sflag:s23], $0x1  }
0xa9: {  	[sflag:s23] =	ssyncset.done $0x0  }
0xaa: {  	s25 =	simm.s32 $0x1B8E;
	s24 =	sld [smem:$0x3FFE];
	[sflag:s23] =	ssyncadd.s32 $0xFFFFFFFF  }
0xab: {  	s26 =	simm.s32 $execute0_lowered;
	[smem:$0x3FD2] =	sst s25  }
0xac: {  	s5 =	sshll.u32 s26, $0x1;
	_ =	strace $0x80000052;
	[dreg:$0x1] =	wrdreg $0xFFFFFFFF  }
0xad: {  	s28 =	simm.s32 $_size_execute0_lowered;
	s3 =	sadd.s32 s3, s5;
	[dreg:$0x0] =	wrdreg $0x0  }
0xae: {  	s5 =	sshll.u32 s28, $0x1;
	[dreg:$0x2] =	wrdreg s3  }
0xaf: {  	[dreg:$0x3] =	wrdreg s5  }
0xb0: {  	[dreg:$0x4] =	wrdreg $0xC0  }
0xb1: {  	_ =	task [dreg:s7], $0x5FFFF  }
0xb2: {  	[dreg:$0x1] =	wrdreg $0xFFFFFFFF  }
0xb3: {  	[dreg:$0x0] =	wrdreg $0x60  }
0xb4: {  	[dreg:$0x2] =	wrdreg s24  }
0xb5: {  	[dreg:$0x3] =	wrdreg s16  }
0xb6: {  	[dreg:$0x4] =	wrdreg $0x9  }
0xb7: {  	_ =	task.clear_ibuf [dreg:s7], $0x5FFFF;
	_ =	strace $0x90000052  }
0xb8: {  	s29 =	simm.s32 $0x9;
	_ =	strace $0x80000054  }
0xb9: {  	_ =	swait.ge [sflag:s29], $0x1  }
0xba: {  	[sflag:s29] =	ssyncadd.s32 $0xFFFFFFFF  }
0xbb: {  	_ =	strace $0x90000054  }
0xbc: {  	_ =	sfence  }
0xbd: {  	s30 =	sld [smem:$0x0];
	_ =	sdelay $0x2  }
0xbe: {  	s31 =	sshll.u32 s1, $0xD;
	s1 =	sshrl.u32 s1, $0x2  }
0xbf: {  	s3 =	sand.u32 $0x4000, s31;
	s1 =	sadd.s32 s1, s30  }
0xc0: {  	s0 =	sor.u32 s3, s0;
	s1 =	sshll.u32 s1, $0x11  }
0xc1: {  	s0 =	sor.u32 s1, s0  }
0xc2: {  	s0 =	sadd.s32 $0x8F2B, s0  }
0xc3: {  	[sflag:s0] =	ssyncadd.remote.s32 $0x1  }
0xc4: {  	_ =	sfence.sel $0xFFFF  }
0xc5: {  	[dreg:$0x0] =	wrdreg $0xFFFFFFFF;
	(pc) =	sbr.abs _section_cstart, $3  }
0xc6: {  	[dreg:$0x1] =	wrdreg $0xFFFFFFFF  }
0xc7: {  	_ =	task.clear_ibuf [dreg:s7], $0x2FFFF;
	_ =	strace $0x9FFFFFFF  }
0xc8: {  	(tm) =	ssettm $0x7FFFFFFF  }
0xc9: {  	_ =	shalt  }
tec
execute0_lowered:
.L_overlay_start_1:
0x0: {  	(tag) =	ssettag $0x1  }
0x1: {  	s0 =	rddreg [dreg:$0x0]  }
0x2: {  	s2 =	rddreg [dreg:$0x1]  }
0x3: {  	s3 =	simm.s32 $0x0;
	s1 =	srdreg.scid;
	s4 =	stileid.u32  }
0x4: {  	s13 =	simm.s32 $0x9;
	s14 =	simm.s32 $0x28;
	s15 =	simm.s32 $0xA0  }
0x5: {  	s18 =	simm.s32 $0x50;
	s19 =	simm.s32 $0x3CA0;
	s20 =	simm.s32 $0x78  }
0x6: {  	s21 =	simm.s32 $0x50A0;
	s22 =	simm.s32 $0x64A0;
	s23 =	simm.s32 $0x1  }
0x7: {  	s28 =	simm.s32 $0x5;
	s29 =	simm.s32 $0x6;
	s30 =	simm.s32 $0x7  }
0x8: {  	s31 =	simm.s32 $0x8;
	s1 =	sand.u32 $0x1, s1;
	s4 =	sshll.u32 s4, $0x1  }
0x9: {  	[smem:$0x7FF] =	sst s3;
	s5 =	sadd.s32 $0x2DC00, s0;
	s9 =	sor.u32 s1, s4  }
0xa: {  	s7 =	sadd.s32 $0x5B1800, s0;
	s8 =	sadd.s32 $0xA3200, s0;
	s6 =	smul.u32 $0x4E20, s9  }
0xb: {  	_ =	strace $0x80000053;
	s24 =	ssub.s32 $0x2, s1;
	s11 =	smul.u32 $0x27100, s9  }
0xc: {  	s4 =	sadd.s32 $0x6A00, s0;
	s1 =	sshrl.u32 s24, $0x1;
	s9 =	smul.u32 $0x2710, s9  }
0xd: {  	s0 =	ssub.s32 s24, s1;
	s24 =	simm.s32 $0x2;
	s26 =	sadd.s32 s7, s11  }
0xe: {  	s10 =	sshrl.u32 s6, $0x3;
	s0 =	smax.u32 s0, $0x1;
	[dreg:$0x4] =	wrdreg s26  }
0xf: {  	s25 =	sadd.s32 s2, s10;
	[dreg:$0x5] =	wrdreg s0;
	s26 =	simm.s32 $0x4  }
0x10: {  	s0 =	simm.s32 $0x0;
	[dreg:$0x3] =	wrdreg s25;
	s25 =	simm.s32 $0x3  }
.LBB2_1:
0x11: {  	s1 =	rddreg [dreg:$0x3]  }
0x12: {  	[tilespmem:s3], [sflag:$0x9] =	stream.linear.gather [hbm4b:s1+s3], $0x50, $0x38;
	[tilespmem:$0x78A0] =	vst v63  }
0x13: {  	_ =	swait.ge [sflag:s13], $0x50  }
0x14: {  	[sflag:s13] =	ssyncset.done $0x0  }
0x15: {  	[sflag:s13] =	ssyncadd.s32 $0xFFFFFFB0  }
0x16: {  	[tilespmem:s15], [sflag:$0x1] =	stream.indirect.gather [hbm4b:s4+s14], $0x80, s3, s14, $0xb8;
	[tilespmem:$0x78A0] =	vst v63  }
0x17: {  	s16 =	simm.s32 $0x14A0  }
0x18: {  	[tilespmem:s16], [sflag:$0x2] =	stream.indirect.gather [hbm4b:s5+s14], $0x80, s14, s14, $0xb8;
	[tilespmem:$0x78A0] =	vst v63  }
0x19: {  	s10 =	simm.s32 $0x28A0;
	s1 =	simm.s32 $0x0;
	s17 =	rddreg [dreg:$0x4]  }
0x1a: {  	[tilespmem:s10], [sflag:$0x3] =	stream.linear.gather [hbm4b:s17+s3], $0x1400, $0x38;
	[tilespmem:$0x78A0] =	vst v63  }
.LBB2_2:
0x1b: {  	s10 =	sshllo.u32 s1, $0x1  }
0x1c: {  	p0 =	seq.s32 s1, $0x0;
	s11 =	smul.u32 $0x50, s10  }
0x1d: {  	s16 =	simm.s32 @!p0 $0x8  }
0x1e: {  	_ =	swait.ge @!p0 [sflag:s16], $0x1400;
	s11 =	sadd.s32 s6, s11  }
0x1f: {  	s17 =	simm.s32 $0x0;
	[sflag:s16] =	ssyncset.done @!p0 $0x0;
	s11 =	sshrl.u32 s11, $0x3  }
0x20: {  	s10 =	smul.u32 $0x28, s10;
	[sflag:s16] =	ssyncadd.s32 @!p0 $0xFFFFEC00;
	s11 =	sadd.s32 s2, s11  }
0x21: {  	[tilespmem:s18], [sflag:$0x9] =	stream.linear.gather [hbm4b:s11+s17], $0x50, $0x38;
	[tilespmem:$0x78A0] =	vst v63  }
0x22: {  	_ =	swait.ge [sflag:s13], $0x50  }
0x23: {  	s10 =	sadd.s32 s9, s10;
	[sflag:s13] =	ssyncset.done $0x0  }
0x24: {  	s10 =	sshll.u32 s10, $0x4;
	[sflag:s13] =	ssyncadd.s32 $0xFFFFFFB0  }
0x25: {  	[tilespmem:s19], [sflag:$0x4] =	stream.indirect.gather [hbm4b:s4+s14], $0x80, s18, s14, $0xb8;
	[tilespmem:$0x78A0] =	vst v63  }
0x26: {  	s16 =	sand.u32 $0x1FFFFF80, s10  }
0x27: {  	[tilespmem:s21], [sflag:$0x5] =	stream.indirect.gather [hbm4b:s5+s14], $0x80, s20, s14, $0xb8;
	[tilespmem:$0x78A0] =	vst v63  }
0x28: {  	s10 =	sadd.s32 s7, s16  }
0x29: {  	[tilespmem:s22], [sflag:$0x6] =	stream.linear.gather [hbm4b:s10+s17], $0x1400, $0x38;
	[tilespmem:$0x78A0] =	vst v63  }
0x2a: {  	_ =	swait.ge [sflag:s23], $0x1400  }
0x2b: {  	[sflag:s23] =	ssyncset.done $0x0  }
0x2c: {  	[sflag:s23] =	ssyncadd.s32 $0xFFFFEC00  }
0x2d: {  	_ =	swait.ge [sflag:s24], $0x1400  }
0x2e: {  	[sflag:s24] =	ssyncset.done $0x0  }
0x2f: {  	[sflag:s24] =	ssyncadd.s32 $0xFFFFEC00  }
0x30: {  	_ =	swait.ge [sflag:s25], $0x1400  }
0x31: {  	[sflag:s25] =	ssyncset.done $0x0  }
0x32: {  	s17 =	simm.s32 $0x0;
	[sflag:s25] =	ssyncadd.s32 $0xFFFFEC00  }
0x33: {  	v4 =	vld [tilespmem:s17+$0x28A0]  }
0x34: {  	v5 =	vld [tilespmem:s17+$0x28B0]  }
0x35: {  	v3 =	vld [tilespmem:s17+$0x28C0]  }
0x36: {  	v2 =	vld [tilespmem:s17+$0x28D0]  }
0x37: {  	v1 =	vld [tilespmem:s17+$0x28E0]  }
0x38: {  	v0 =	vld [tilespmem:s17+$0x28F0]  }
0x39: {  	v12 =	vld [tilespmem:s17+$0x14A0]  }
0x3a: {  	v17 =	vld [tilespmem:s17+$0x14B0]  }
0x3b: {  	v11 =	vld [tilespmem:s17+$0x14C0]  }
0x3c: {  	v10 =	vld [tilespmem:s17+$0x14D0]  }
0x3d: {  	v9 =	vld [tilespmem:s17+$0x14E0]  }
0x3e: {  	v8 =	vld [tilespmem:s17+$0x14F0]  }
0x3f: {  	v7 =	vld [tilespmem:s17+$0x1500]  }
0x40: {  	v6 =	vld [tilespmem:s17+$0x1510]  }
0x41: {  	v18 =	vld [tilespmem:s17+$0xA0]  }
0x42: {  	v19 =	vld [tilespmem:s17+$0xB0]  }
0x43: {  	v16 =	vld [tilespmem:s17+$0xC0]  }
0x44: {  	v15 =	vld [tilespmem:s17+$0xD0]  }
0x45: {  	v14 =	vld [tilespmem:s17+$0xE0]  }
0x46: {  	v13 =	vld [tilespmem:s17+$0xF0];
	v18 =	vadd.f32 v12, v18  }
0x47: {  	s11 =	simm.s32 $0x200;
	s10 =	sshll.u32 s1, $0x1;
	v17 =	vadd.f32 v17, v19;
	v12 =	vld [tilespmem:s17+$0x100]  }
.LBB2_3:
0x48: {  	p0 =	sne.s32 s11, $0x4E00;
	v4 =	vadd.f32 v4, v18;
	v11 =	vadd.f32 v11, v16;
	v16 =	vld [tilespmem:s17+$0x110]  }
0x49: {  	v5 =	vadd.f32 v5, v17;
	v10 =	vadd.f32 v10, v15;
	v15 =	vld [tilespmem:s17+$0x2900]  }
0x4a: {  	s12 =	sshra.s32 s11, $0x2;
	v17 =	vmax.f32 v4, $0.0e+00;
	v3 =	vadd.f32 v3, v11;
	v9 =	vadd.f32 v9, v14;
	v11 =	vld [tilespmem:s17+$0x2910]  }
0x4b: {  	v4 =	vld [tilespmem:s12+$0x28A0];
	[tilespmem:s17+$0xA0] =	vst v17;
	v14 =	vmax.f32 v5, $0.0e+00;
	v2 =	vadd.f32 v2, v10;
	v8 =	vadd.f32 v8, v13  }
0x4c: {  	v5 =	vld [tilespmem:s12+$0x28B0];
	[tilespmem:s17+$0xB0] =	vst v14;
	v10 =	vmax.f32 v3, $0.0e+00;
	v1 =	vadd.f32 v1, v9;
	v7 =	vadd.f32 v7, v12  }
0x4d: {  	v3 =	vld [tilespmem:s12+$0x28C0];
	[tilespmem:s17+$0xC0] =	vst v10;
	v9 =	vmax.f32 v2, $0.0e+00;
	v0 =	vadd.f32 v0, v8;
	v6 =	vadd.f32 v6, v16  }
0x4e: {  	v2 =	vld [tilespmem:s12+$0x28D0];
	[tilespmem:s17+$0xD0] =	vst v9;
	v8 =	vmax.f32 v1, $0.0e+00;
	v7 =	vadd.f32 v15, v7  }
0x4f: {  	v1 =	vld [tilespmem:s12+$0x28E0];
	[tilespmem:s17+$0xE0] =	vst v8;
	v8 =	vmax.f32 v0, $0.0e+00;
	v6 =	vadd.f32 v11, v6  }
0x50: {  	v0 =	vld [tilespmem:s12+$0x28F0];
	[tilespmem:s17+$0xF0] =	vst v8;
	v7 =	vmax.f32 v7, $0.0e+00  }
0x51: {  	v12 =	vld [tilespmem:s12+$0x14A0];
	[tilespmem:s17+$0x100] =	vst v7;
	v6 =	vmax.f32 v6, $0.0e+00  }
0x52: {  	v17 =	vld [tilespmem:s12+$0x14B0];
	[tilespmem:s17+$0x110] =	vst v6;
	s17 =	smov.u32 s12  }
0x53: {  	v11 =	vld [tilespmem:s17+$0x14C0]  }
0x54: {  	v10 =	vld [tilespmem:s17+$0x14D0]  }
0x55: {  	v9 =	vld [tilespmem:s17+$0x14E0]  }
0x56: {  	v8 =	vld [tilespmem:s17+$0x14F0]  }
0x57: {  	v7 =	vld [tilespmem:s17+$0x1500]  }
0x58: {  	v6 =	vld [tilespmem:s17+$0x1510]  }
0x59: {  	v13 =	vld [tilespmem:s17+$0xA0]  }
0x5a: {  	v19 =	vld [tilespmem:s17+$0xB0]  }
.Ltmp0:
0x5b: {  	v16 =	vld [tilespmem:s17+$0xC0];
	(pc) =	sbr.rel @p0 .LBB2_3-.Ltmp0, $4  }
0x5c: {  	v15 =	vld [tilespmem:s17+$0xD0]  }
0x5d: {  	v14 =	vld [tilespmem:s17+$0xE0]  }
0x5e: {  	v18 =	vadd.f32 v12, v13;
	v13 =	vld [tilespmem:s17+$0xF0]  }
0x5f: {  	s11 =	sadd.s32 $0x200, s11;
	v17 =	vadd.f32 v17, v19;
	v12 =	vld [tilespmem:s17+$0x100]  }
0x60: {  	v4 =	vadd.f32 v4, v18;
	v11 =	vadd.f32 v11, v16;
	v16 =	vld [tilespmem:s17+$0x110]  }
0x61: {  	v5 =	vadd.f32 v5, v17;
	v10 =	vadd.f32 v10, v15;
	v15 =	vld [tilespmem:s17+$0x2900]  }
0x62: {  	v4 =	vmax.f32 v4, $0.0e+00;
	v3 =	vadd.f32 v3, v11;
	v9 =	vadd.f32 v9, v14;
	v11 =	vld [tilespmem:s17+$0x2910]  }
0x63: {  	[tilespmem:s17+$0xA0] =	vst v4;
	v4 =	vmax.f32 v5, $0.0e+00;
	v2 =	vadd.f32 v2, v10;
	v5 =	vadd.f32 v8, v13  }
0x64: {  	[tilespmem:s17+$0xB0] =	vst v4;
	v3 =	vmax.f32 v3, $0.0e+00;
	v1 =	vadd.f32 v1, v9;
	v4 =	vadd.f32 v7, v12  }
0x65: {  	[tilespmem:s17+$0xC0] =	vst v3;
	v2 =	vmax.f32 v2, $0.0e+00;
	v0 =	vadd.f32 v0, v5;
	v3 =	vadd.f32 v6, v16  }
0x66: {  	s11 =	smul.u32 $0x50, s1;
	[tilespmem:s17+$0xD0] =	vst v2;
	v1 =	vmax.f32 v1, $0.0e+00;
	v2 =	vadd.f32 v15, v4  }
0x67: {  	[tilespmem:s17+$0xE0] =	vst v1;
	v0 =	vmax.f32 v0, $0.0e+00;
	v1 =	vadd.f32 v11, v3  }
0x68: {  	s11 =	sadd.s32 s9, s11;
	[tilespmem:s17+$0xF0] =	vst v0;
	v0 =	vmax.f32 v2, $0.0e+00  }
0x69: {  	p0 =	seq.s32 s1, $0x7C;
	s11 =	sshll.u32 s11, $0x4;
	[tilespmem:s17+$0x100] =	vst v0;
	v0 =	vmax.f32 v1, $0.0e+00  }
0x6a: {  	s10 =	sadd.s32 @!p0 $0x2, s10;
	s11 =	sadd.s32 s8, s11;
	[tilespmem:s17+$0x110] =	vst v0  }
0x6b: {  	[hbm4b:s11+s3] =	stream.linear.scatter [tilespmem:s15], [sflag:$0x7], $0x1400, $0x38;
	[tilespmem:$0x78A0] =	vst v63  }
0x6c: {  	s11 =	smul.u32 @!p0 $0x50, s10  }
0x6d: {  	s12 =	simm.s32 @!p0 $0x7  }
0x6e: {  	_ =	swait.ge @!p0 [sflag:s12], $0x1400;
	s11 =	sadd.s32 @!p0 s6, s11  }
0x6f: {  	[sflag:s12] =	ssyncset.done @!p0 $0x0;
	s11 =	sshrl.u32 @!p0 s11, $0x3  }
0x70: {  	[sflag:s12] =	ssyncadd.s32 @!p0 $0xFFFFEC00;
	s12 =	simm.s32 @!p0 $0x0;
	s11 =	sadd.s32 @!p0 s2, s11  }
0x71: {  	[tilespmem:s12], [sflag:$0x9] =	stream.linear.gather @!p0 [hbm4b:s11+s12], $0x50, $0x38;
	[tilespmem:$0x78A0] =	vst v63  }
0x72: {  	s10 =	smul.u32 @!p0 $0x28, s10;
	s11 =	simm.s32 @!p0 $0x9  }
0x73: {  	_ =	swait.ge @!p0 [sflag:s11], $0x50  }
0x74: {  	s17 =	simm.s32 @!p0 $0xA0;
	s10 =	sadd.s32 @!p0 s9, s10;
	[sflag:s11] =	ssyncset.done @!p0 $0x0  }
0x75: {  	s10 =	sshll.u32 @!p0 s10, $0x4;
	[sflag:s11] =	ssyncadd.s32 @!p0 $0xFFFFFFB0;
	s11 =	simm.s32 @!p0 $0x28  }
0x76: {  	[tilespmem:s17], [sflag:$0x1] =	stream.indirect.gather @!p0 [hbm4b:s4+s11], $0x80, s12, s11, $0xb8;
	[tilespmem:$0x78A0] =	vst v63  }
0x77: {  	s10 =	sand.u32 @!p0 $0x1FFFFF00, s10;
	s17 =	simm.s32 @!p0 $0x14A0  }
0x78: {  	[tilespmem:s17], [sflag:$0x2] =	stream.indirect.gather @!p0 [hbm4b:s5+s11], $0x80, s11, s11, $0xb8;
	[tilespmem:$0x78A0] =	vst v63  }
0x79: {  	s10 =	sadd.s32 @!p0 s7, s10;
	s11 =	simm.s32 @!p0 $0x28A0  }
0x7a: {  	[tilespmem:s11], [sflag:$0x3] =	stream.linear.gather @!p0 [hbm4b:s10+s12], $0x1400, $0x38;
	[tilespmem:$0x78A0] =	vst v63  }
0x7b: {  	_ =	swait.ge [sflag:s26], $0x1400  }
0x7c: {  	[sflag:s26] =	ssyncset.done $0x0  }
0x7d: {  	[sflag:s26] =	ssyncadd.s32 $0xFFFFEC00  }
0x7e: {  	_ =	swait.ge [sflag:s28], $0x1400  }
0x7f: {  	[sflag:s28] =	ssyncset.done $0x0  }
0x80: {  	[sflag:s28] =	ssyncadd.s32 $0xFFFFEC00  }
0x81: {  	_ =	swait.ge [sflag:s29], $0x1400  }
0x82: {  	[sflag:s29] =	ssyncset.done $0x0  }
0x83: {  	s17 =	simm.s32 $0x0;
	[sflag:s29] =	ssyncadd.s32 $0xFFFFEC00  }
0x84: {  	v4 =	vld [tilespmem:s17+$0x64A0]  }
0x85: {  	v5 =	vld [tilespmem:s17+$0x64B0]  }
0x86: {  	v3 =	vld [tilespmem:s17+$0x64C0]  }
0x87: {  	v2 =	vld [tilespmem:s17+$0x64D0]  }
0x88: {  	v1 =	vld [tilespmem:s17+$0x64E0]  }
0x89: {  	v0 =	vld [tilespmem:s17+$0x64F0]  }
0x8a: {  	v12 =	vld [tilespmem:s17+$0x50A0]  }
0x8b: {  	v17 =	vld [tilespmem:s17+$0x50B0]  }
0x8c: {  	v11 =	vld [tilespmem:s17+$0x50C0]  }
0x8d: {  	v10 =	vld [tilespmem:s17+$0x50D0]  }
0x8e: {  	v9 =	vld [tilespmem:s17+$0x50E0]  }
0x8f: {  	v8 =	vld [tilespmem:s17+$0x50F0]  }
0x90: {  	v7 =	vld [tilespmem:s17+$0x5100]  }
0x91: {  	v6 =	vld [tilespmem:s17+$0x5110]  }
0x92: {  	v18 =	vld [tilespmem:s17+$0x3CA0]  }
0x93: {  	v19 =	vld [tilespmem:s17+$0x3CB0]  }
0x94: {  	v16 =	vld [tilespmem:s17+$0x3CC0]  }
0x95: {  	v15 =	vld [tilespmem:s17+$0x3CD0]  }
0x96: {  	v14 =	vld [tilespmem:s17+$0x3CE0]  }
0x97: {  	v13 =	vld [tilespmem:s17+$0x3CF0];
	v18 =	vadd.f32 v12, v18  }
0x98: {  	s10 =	simm.s32 $0x200;
	v17 =	vadd.f32 v17, v19;
	v12 =	vld [tilespmem:s17+$0x3D00]  }
.LBB2_5:
0x99: {  	p0 =	sne.s32 s10, $0x4E00;
	v4 =	vadd.f32 v4, v18;
	v11 =	vadd.f32 v11, v16;
	v16 =	vld [tilespmem:s17+$0x3D10]  }
0x9a: {  	v5 =	vadd.f32 v5, v17;
	v10 =	vadd.f32 v10, v15;
	v15 =	vld [tilespmem:s17+$0x6500]  }
0x9b: {  	s11 =	sshra.s32 s10, $0x2;
	v17 =	vmax.f32 v4, $0.0e+00;
	v3 =	vadd.f32 v3, v11;
	v9 =	vadd.f32 v9, v14;
	v11 =	vld [tilespmem:s17+$0x6510]  }
0x9c: {  	v4 =	vld [tilespmem:s11+$0x64A0];
	[tilespmem:s17+$0x3CA0] =	vst v17;
	v14 =	vmax.f32 v5, $0.0e+00;
	v2 =	vadd.f32 v2, v10;
	v8 =	vadd.f32 v8, v13  }
0x9d: {  	v5 =	vld [tilespmem:s11+$0x64B0];
	[tilespmem:s17+$0x3CB0] =	vst v14;
	v10 =	vmax.f32 v3, $0.0e+00;
	v1 =	vadd.f32 v1, v9;
	v7 =	vadd.f32 v7, v12  }
0x9e: {  	v3 =	vld [tilespmem:s11+$0x64C0];
	[tilespmem:s17+$0x3CC0] =	vst v10;
	v9 =	vmax.f32 v2, $0.0e+00;
	v0 =	vadd.f32 v0, v8;
	v6 =	vadd.f32 v6, v16  }
0x9f: {  	v2 =	vld [tilespmem:s11+$0x64D0];
	[tilespmem:s17+$0x3CD0] =	vst v9;
	v8 =	vmax.f32 v1, $0.0e+00;
	v7 =	vadd.f32 v15, v7  }
0xa0: {  	v1 =	vld [tilespmem:s11+$0x64E0];
	[tilespmem:s17+$0x3CE0] =	vst v8;
	v8 =	vmax.f32 v0, $0.0e+00;
	v6 =	vadd.f32 v11, v6  }
0xa1: {  	v0 =	vld [tilespmem:s11+$0x64F0];
	[tilespmem:s17+$0x3CF0] =	vst v8;
	v7 =	vmax.f32 v7, $0.0e+00  }
0xa2: {  	v12 =	vld [tilespmem:s11+$0x50A0];
	[tilespmem:s17+$0x3D00] =	vst v7;
	v6 =	vmax.f32 v6, $0.0e+00  }
0xa3: {  	v17 =	vld [tilespmem:s11+$0x50B0];
	[tilespmem:s17+$0x3D10] =	vst v6;
	s17 =	smov.u32 s11  }
0xa4: {  	v11 =	vld [tilespmem:s17+$0x50C0]  }
0xa5: {  	v10 =	vld [tilespmem:s17+$0x50D0]  }
0xa6: {  	v9 =	vld [tilespmem:s17+$0x50E0]  }
0xa7: {  	v8 =	vld [tilespmem:s17+$0x50F0]  }
0xa8: {  	v7 =	vld [tilespmem:s17+$0x5100]  }
0xa9: {  	v6 =	vld [tilespmem:s17+$0x5110]  }
0xaa: {  	v13 =	vld [tilespmem:s17+$0x3CA0]  }
0xab: {  	v19 =	vld [tilespmem:s17+$0x3CB0]  }
.Ltmp1:
0xac: {  	v16 =	vld [tilespmem:s17+$0x3CC0];
	(pc) =	sbr.rel @p0 .LBB2_5-.Ltmp1, $4  }
0xad: {  	v15 =	vld [tilespmem:s17+$0x3CD0]  }
0xae: {  	v14 =	vld [tilespmem:s17+$0x3CE0]  }
0xaf: {  	v18 =	vadd.f32 v12, v13;
	v13 =	vld [tilespmem:s17+$0x3CF0]  }
0xb0: {  	s10 =	sadd.s32 $0x200, s10;
	v17 =	vadd.f32 v17, v19;
	v12 =	vld [tilespmem:s17+$0x3D00]  }
0xb1: {  	v4 =	vadd.f32 v4, v18;
	v11 =	vadd.f32 v11, v16;
	v53 =	vld [tilespmem:s17+$0x3D10]  }
0xb2: {  	v54 =	vld [tilespmem:s17+$0x6500];
	v5 =	vadd.f32 v5, v17;
	v10 =	vadd.f32 v10, v15  }
0xb3: {  	v55 =	vld [tilespmem:s17+$0x6510];
	v4 =	vmax.f32 v4, $0.0e+00;
	v3 =	vadd.f32 v3, v11;
	v9 =	vadd.f32 v9, v14  }
0xb4: {  	[tilespmem:s17+$0x3CA0] =	vst v4;
	v56 =	vmax.f32 v5, $0.0e+00;
	v2 =	vadd.f32 v2, v10;
	v57 =	vadd.f32 v8, v13  }
0xb5: {  	[tilespmem:s17+$0x3CB0] =	vst v56;
	v3 =	vmax.f32 v3, $0.0e+00;
	v1 =	vadd.f32 v1, v9;
	v58 =	vadd.f32 v7, v12  }
0xb6: {  	s1 =	sadd.s32 $0x1, s1;
	[tilespmem:s17+$0x3CC0] =	vst v3;
	v2 =	vmax.f32 v2, $0.0e+00;
	v0 =	vadd.f32 v0, v57;
	v59 =	vadd.f32 v6, v53  }
0xb7: {  	p0 =	sne.s32 s1, $0x7D;
	[tilespmem:s17+$0x3CD0] =	vst v2;
	v1 =	vmax.f32 v1, $0.0e+00;
	v60 =	vadd.f32 v54, v58  }
.Ltmp2:
0xb8: {  	[tilespmem:s17+$0x3CE0] =	vst v1;
	v0 =	vmax.f32 v0, $0.0e+00;
	v61 =	vadd.f32 v55, v59;
	(pc) =	sbr.rel @p0 .LBB2_2-.Ltmp2, $4  }
0xb9: {  	[tilespmem:s17+$0x3CF0] =	vst v0;
	v62 =	vmax.f32 v60, $0.0e+00  }
0xba: {  	[tilespmem:s17+$0x3D00] =	vst v62;
	v63 =	vmax.f32 v61, $0.0e+00  }
0xbb: {  	s10 =	sadd.s32 s8, s16;
	[tilespmem:s17+$0x3D10] =	vst v63  }
0xbc: {  	[hbm4b:s10+s3] =	stream.linear.scatter [tilespmem:s19], [sflag:$0x8], $0x1400, $0x38;
	[tilespmem:$0x78A0] =	vst v63  }
0xbd: {  	_ =	swait.ge [sflag:s30], $0x1400  }
0xbe: {  	[sflag:s30] =	ssyncset.done $0x0  }
0xbf: {  	[sflag:s30] =	ssyncadd.s32 $0xFFFFEC00  }
0xc0: {  	_ =	swait.ge [sflag:s31], $0x1400  }
0xc1: {  	s0 =	sadd.s32 $0x1, s0;
	s1 =	rddreg [dreg:$0x5]  }
0xc2: {  	p0 =	sne.s32 s0, s1  }
.Ltmp3:
0xc3: {  	_ = 	snop;
	(pc) =	sbr.rel @p0 .LBB2_1-.Ltmp3, $3  }
0xc4: {  	_ =	sdelay $0x1  }
0xc5: {  	[sflag:s31] =	ssyncset.done $0x0  }
0xc6: {  	[sflag:s31] =	ssyncadd.s32 $0xFFFFEC00  }
0xc7: {  	_ =	sfence.sel $0x180000  }
0xc8: {  	[bflag:$0x0] =	sbarrier.arrive $0xFFFF  }
0xc9: {  	_ =	strace $0x90000053  }
0xca: {  	s0 =	stileid.u32;
	[bflag:$0x2] =	sbarrier.arrive $0xFFFF  }
0xcb: {  	p0 =	sne.s32 s0, $0x0;
	s0 =	rddreg [dreg:$0x2]  }
0xcc: {  	s0 =	sadd.s32 @!p0 $0x100000, s0  }
0xcd: {  	[sflag:s0] =	ssyncadd.tile.s32 @!p0 $0x1;
	_ =	shalt  }
.Lfunc_end2:
_tile_overlayer_lowered:
.L_overlay_start_2:
0xce: {  	(tag) =	ssettag $0x2  }
0xcf: {  	s0 =	rddreg [dreg:$0x0];
	s2 =	stileid.u32  }
0xd0: {  	s1 =	rddreg [dreg:$0x1];
	p0 =	sne.s32 s2, $0x0  }
0xd1: {  	s3 =	rddreg [dreg:$0x2];
	[bflag:$0x3] =	sbarrier.arrive $0xFFFF;
	s2 =	simm.s32 @!p0 $0x1C09  }
0xd2: {  	[timem:s3], [sflag:s2] =	dma.local @!p0 [hbm:s0], s1  }
0xd3: {  	s0 =	simm.s32 @!p0 $0x9  }
0xd4: {  	_ =	swait.ge @!p0 [sflag:s0], s1  }
0xd5: {  	s1 =	ssub.s32 @!p0 $0x0, s1;
	[sflag:s0] =	ssyncset.done @!p0 $0x0  }
0xd6: {  	[sflag:s0] =	ssyncadd.s32 @!p0 s1  }
0xd7: {  	[bflag:$0x3] =	sbarrier.arrive $0xFFFF  }
0xd8: {  	_ =	shalt  }

// kernel: kernel.30.cloned.1.call-start
scs
__scs_entry_jumppad:
0x0: {  	(pc) =	sbr.rel $0x88, $3  }
0x1: {  	(tag) =	ssettag $0x0;
	lr =	simm.s32 $0x1  }
0x2: {  	[smem:$0x3F93] =	sst lr;
	_ =	strace $0xD0000000  }
0x3: {  	_ = 	snop  }
0x4: {  	_ = 	snop  }
0x5: {  	_ = 	snop  }
0x6: {  	_ = 	snop  }
0x7: {  	_ = 	snop  }
__scs_overlays_trampoline_lowered:
0x8: {  	[smem:$0x3FA2] =	sst s0  }
0x9: {  	[smem:$0x3FA3] =	sst s1  }
0xa: {  	[smem:$0x3FA4] =	sst s2  }
0xb: {  	[smem:$0x3FA5] =	sst s3  }
0xc: {  	[smem:$0x3FA6] =	sst s4  }
0xd: {  	[smem:$0x3FA7] =	sst s5  }
0xe: {  	[smem:$0x3FA8] =	sst s6  }
0xf: {  	[smem:$0x3FA9] =	sst s7  }
0x10: {  	[smem:$0x3FAA] =	sst s8  }
0x11: {  	[smem:$0x3FAB] =	sst s9;
	s0 =	simm.s32 @!p0 $0x0  }
0x12: {  	s1 =	sld [smem:$0x3F91];
	s0 =	simm.s32 @p0 $0x1  }
0x13: {  	[smem:$0x3FAC] =	sst s0;
	s0 =	simm.s32 @!p1 $0x0  }
0x14: {  	s2 =	sld [smem:$0x3F90];
	s0 =	simm.s32 @p1 $0x1  }
0x15: {  	[smem:$0x3FAD] =	sst s0;
	s0 =	simm.s32 @!p2 $0x0  }
0x16: {  	s3 =	sld [smem:$0x3FDB];
	s0 =	simm.s32 @p2 $0x1  }
0x17: {  	s4 =	simm.s32 $0x1BF5;
	[smem:$0x3FAF] =	sst s0  }
0x18: {  	s0 =	sld [smem:$0x3F92];
	_ =	swait.ge [sflag:s4], $0x0  }
0x19: {  	s7 =	sld [smem:$0x3F93]  }
0x1a: {  	s8 =	sadd.s32 $0xFFFFE003, lr  }
0x1b: {  	s9 =	sadd.s32 $0xFFFFFEF7, lr;
	s5 =	simm.s32 $0xFFFFFFFF;
	p2 =	slt.u32 s8, $0xFFFFF086  }
0x1c: {  	p1 =	slt.u32 s9, $0xF7A;
	s5 =	simm.s32 @!p2 $0x0  }
0x1d: {  	s5 =	simm.s32 @p1 $0x1;
	p0 =	seq.s32 s7, s2  }
0x1e: {  	s7 =	smul.u32 @!p0 $0xF7A, s2;
	p2 =	seq.s32 @!p0 s5, $0x0  }
0x1f: {  	s9 =	smul.u32 $0xF7A, s1;
	s8 =	simm.s32 @!p0 $0x1BF5;
	p2 =	por !p2, p0  }
0x20: {  	[sflag:s8] =	ssyncset.s32 @!p0 $0xFFFFF086;
	s6 =	sadd.s32 @!p0 s3, s7;
	s7 =	simm.s32 @!p0 $0x108  }
0x21: {  	s3 =	sadd.s32 s3, s9;
	s6 =	sadd.s32 @!p0 $0x88, s6;
	s7 =	simm.s32 @p2 $0x1082  }
0x22: {  	[simem:s7], [sflag:s8] =	dma.local @!p0 [hbm:s6], $0xF7A  }
0x23: {  	s9 =	sor.u32 $0xD0000000, s2;
	s6 =	simm.s32 $0x108;
	_ =	swait.ge @!p0 [sflag:s8], $0x0  }
0x24: {  	s3 =	sadd.s32 $0x88, s3;
	s6 =	simm.s32 @!p1 $0x1082;
	[sflag:s4] =	ssyncset.s32 $0xFFFFF086  }
0x25: {  	[simem:s6], [sflag:s4] =	dma.local [hbm:s3], $0xF7A  }
0x26: {  	[smem:$0x3F93] =	sst s1;
	(tag) =	ssettag s2;
	_ =	strace s9  }
0x27: {  	s1 =	sld [smem:$0x3FA3]  }
0x28: {  	s2 =	sld [smem:$0x3FA4]  }
0x29: {  	s4 =	sld [smem:$0x3FA6]  }
0x2a: {  	p0 =	seq.s32 s5, $0x0;
	s5 =	sld [smem:$0x3FA7]  }
0x2b: {  	s6 =	sld [smem:$0x3FA8]  }
0x2c: {  	s7 =	sld [smem:$0x3FA9]  }
0x2d: {  	s3 =	simm.s32 $0x108;
	s8 =	sld [smem:$0x3FAA]  }
0x2e: {  	s3 =	simm.s32 @!p0 $0x1082;
	s9 =	sld [smem:$0x3FAB]  }
0x2f: {  	lr =	sadd.s32 s0, s3;
	s0 =	sld [smem:$0x3FA2]  }
0x30: {  	s3 =	sld [smem:$0x3FA5]  }
0x31: {  	[smem:$0x3FAE] =	sst s10  }
0x32: {  	s10 =	sld [smem:$0x3FAC];
	_ =	sdelay $0x3  }
0x33: {  	p0 =	seq.s32 s10, $0x1;
	s10 =	sld [smem:$0x3FAE];
	_ =	sdelay $0x3  }
0x34: {  	[smem:$0x3FAE] =	sst s10  }
0x35: {  	s10 =	sld [smem:$0x3FAD];
	_ =	sdelay $0x3  }
0x36: {  	p1 =	seq.s32 s10, $0x1;
	s10 =	sld [smem:$0x3FAE];
	_ =	sdelay $0x3  }
0x37: {  	[smem:$0x3FAE] =	sst s10  }
0x38: {  	s10 =	sld [smem:$0x3FAF]  }
0x39: {  	_ = 	snop;
	(pc) =	sbr.ind lr, $3  }
0x3a: {  	_ = 	snop  }
0x3b: {  	_ = 	snop  }
0x3c: {  	p2 =	seq.s32 s10, $0x1;
	s10 =	sld [smem:$0x3FAE]  }
0x3d: {  	_ =	shalt  }
0x3e: {  	_ =	shalt  }
0x3f: {  	_ =	shalt  }
0x40: {  	_ =	shalt  }
0x41: {  	_ =	shalt  }
0x42: {  	_ =	shalt  }
0x43: {  	_ =	shalt  }
0x44: {  	_ =	shalt  }
0x45: {  	_ =	shalt  }
0x46: {  	_ =	shalt  }
0x47: {  	_ =	shalt  }
0x48: {  	_ =	shalt  }
0x49: {  	_ =	shalt  }
0x4a: {  	_ =	shalt  }
0x4b: {  	_ =	shalt  }
0x4c: {  	_ =	shalt  }
0x4d: {  	_ =	shalt  }
0x4e: {  	_ =	shalt  }
0x4f: {  	_ =	shalt  }
0x50: {  	_ =	shalt  }
0x51: {  	_ =	shalt  }
0x52: {  	_ =	shalt  }
0x53: {  	_ =	shalt  }
0x54: {  	_ =	shalt  }
0x55: {  	_ =	shalt  }
0x56: {  	_ =	shalt  }
0x57: {  	_ =	shalt  }
0x58: {  	_ =	shalt  }
0x59: {  	_ =	shalt  }
0x5a: {  	_ =	shalt  }
0x5b: {  	_ =	shalt  }
0x5c: {  	_ =	shalt  }
0x5d: {  	_ =	shalt  }
0x5e: {  	_ =	shalt  }
0x5f: {  	_ =	shalt  }
0x60: {  	_ =	shalt  }
0x61: {  	_ =	shalt  }
0x62: {  	_ =	shalt  }
0x63: {  	_ =	shalt  }
0x64: {  	_ =	shalt  }
0x65: {  	_ =	shalt  }
0x66: {  	_ =	shalt  }
0x67: {  	_ =	shalt  }
0x68: {  	_ =	shalt  }
0x69: {  	_ =	shalt  }
0x6a: {  	_ =	shalt  }
0x6b: {  	_ =	shalt  }
0x6c: {  	_ =	shalt  }
0x6d: {  	_ =	shalt  }
0x6e: {  	_ =	shalt  }
0x6f: {  	_ =	shalt  }
0x70: {  	_ =	shalt  }
0x71: {  	_ =	shalt  }
0x72: {  	_ =	shalt  }
0x73: {  	_ =	shalt  }
0x74: {  	_ =	shalt  }
0x75: {  	_ =	shalt  }
0x76: {  	_ =	shalt  }
0x77: {  	_ =	shalt  }
0x78: {  	_ =	shalt  }
0x79: {  	_ =	shalt  }
0x7a: {  	_ =	shalt  }
0x7b: {  	_ =	shalt  }
0x7c: {  	_ =	shalt  }
0x7d: {  	_ =	shalt  }
0x7e: {  	_ =	shalt  }
0x7f: {  	_ =	shalt  }
0x80: {  	_ =	shalt  }
0x81: {  	_ =	shalt  }
0x82: {  	_ =	shalt  }
0x83: {  	_ =	shalt  }
0x84: {  	_ =	shalt  }
0x85: {  	_ =	shalt  }
0x86: {  	_ =	shalt  }
0x87: {  	_ =	shalt  }
.Lfunc_end0:
.L_simem_size_0:
called_computation.5_lowered:
.L_overlay_start_0:
0x88: {  	s2 =	sld [smem:$0x3FD9]  }
0x89: {  	s3 =	sld [smem:$0x3FFE];
	_ =	sdelay $0x1  }
0x8a: {  	s1 =	srdreg.scid  }
0x8b: {  	s0 =	sand.u32 $0x1, s1  }
0x8c: {  	s14 =	sshll.u32 s0, $0xA;
	s2 =	sadd.s32 s3, s2  }
0x8d: {  	s2 =	sadd.s32 s2, s14  }
0x8e: {  	[smem:$0x3FBA] =	sst s2  }
0x8f: {  	_ = 	snop  }
0x90: {  	s2 =	sld [smem:$0x3FD0];
	_ =	sdelay $0x2  }
0x91: {  	s15 =	simm.s32 $0xB;
	s4 =	simm.s32 $0x10  }
0x92: {  	[smem:s4], [sflag:s15] =	dma.local [hbm:s2], $0x1  }
0x93: {  	_ =	swait.eq [sflag:s15], $0x1  }
0x94: {  	[sflag:s15] =	ssyncset.done $0x0  }
0x95: {  	[sflag:s15] =	ssyncadd.s32 $0xFFFFFFFF  }
0x96: {  	s16 =	sld [smem:$0x11];
	(tm) =	ssettm $0x1  }
0x97: {  	s17 =	sld [smem:$0x3FFB];
	_ =	sdelay $0x3  }
0x98: {  	_ =	strace s17  }
0x99: {  	s3 =	sld [smem:$0x3FFC];
	_ =	sdelay $0x3  }
0x9a: {  	_ =	strace s3  }
0x9b: {  	s3 =	sld [smem:$0x3FFD];
	_ =	sdelay $0x3  }
0x9c: {  	_ =	strace s3  }
0x9d: {  	_ =	strace $0x8FFFFFFF  }
0x9e: {  	s18 =	sld [smem:$0x3FDB];
	_ =	sdelay $0x1  }
0x9f: {  	s19 =	simm.s32 $_scs_section_size  }
0xa0: {  	s5 =	simm.s32 $_size__tile_overlayer_lowered;
	s6 =	simm.s32 $_tile_overlayer_lowered  }
0xa1: {  	s22 =	simm.s32 $0x1BFF;
	s21 =	sshll.u32 s6, $0x1;
	s3 =	sadd.s32 s19, s18  }
0xa2: {  	s7 =	simm.s32 $0x0;
	s20 =	sshll.u32 s5, $0x1;
	s5 =	sadd.s32 s21, s3  }
0xa3: {  	[timem:s7], [sflag:s22] =	dma.local [hbm:s5], s20  }
0xa4: {  	_ =	swait.ge [sflag:s22], s20  }
0xa5: {  	s4 =	ssub.s32 $0x0, s20;
	[sflag:s22] =	ssyncset.done $0x0  }
0xa6: {  	[sflag:s22] =	ssyncadd.s32 s4;
	_ =	sdelay $0x1  }
0xa7: {  	s23 =	simm.s32 $0x1B8B  }
0xa8: {  	_ =	swait.ge [sflag:s23], $0x1  }
0xa9: {  	[sflag:s23] =	ssyncset.done $0x0  }
0xaa: {  	s25 =	simm.s32 $0x1B8E;
	s24 =	sld [smem:$0x3FFE];
	[sflag:s23] =	ssyncadd.s32 $0xFFFFFFFF  }
0xab: {  	s26 =	simm.s32 $execute0_lowered;
	[smem:$0x3FD2] =	sst s25  }
0xac: {  	s5 =	sshll.u32 s26, $0x1;
	_ =	strace $0x80000055;
	[dreg:$0x1] =	wrdreg $0xFFFFFFFF  }
0xad: {  	s28 =	simm.s32 $_size_execute0_lowered;
	s3 =	sadd.s32 s3, s5;
	[dreg:$0x0] =	wrdreg $0x0  }
0xae: {  	s5 =	sshll.u32 s28, $0x1;
	[dreg:$0x2] =	wrdreg s3  }
0xaf: {  	[dreg:$0x3] =	wrdreg s5  }
0xb0: {  	[dreg:$0x4] =	wrdreg $0xC0  }
0xb1: {  	_ =	task [dreg:s7], $0x5FFFF  }
0xb2: {  	[dreg:$0x1] =	wrdreg $0xFFFFFFFF  }
0xb3: {  	[dreg:$0x0] =	wrdreg $0x60  }
0xb4: {  	[dreg:$0x2] =	wrdreg s24  }
0xb5: {  	[dreg:$0x3] =	wrdreg s16  }
0xb6: {  	[dreg:$0x4] =	wrdreg $0x5A00  }
0xb7: {  	[dreg:$0x5] =	wrdreg $0x9  }
0xb8: {  	_ =	task.clear_ibuf [dreg:s7], $0x6FFFF;
	_ =	strace $0x90000055  }
0xb9: {  	s29 =	simm.s32 $0x9;
	_ =	strace $0x80000057  }
0xba: {  	_ =	swait.ge [sflag:s29], $0x1  }
0xbb: {  	[sflag:s29] =	ssyncadd.s32 $0xFFFFFFFF  }
0xbc: {  	_ =	strace $0x90000057  }
0xbd: {  	_ =	sfence  }
0xbe: {  	s30 =	sld [smem:$0x0];
	_ =	sdelay $0x2  }
0xbf: {  	s31 =	sshll.u32 s1, $0xD;
	s1 =	sshrl.u32 s1, $0x2  }
0xc0: {  	s3 =	sand.u32 $0x4000, s31;
	s1 =	sadd.s32 s1, s30  }
0xc1: {  	s0 =	sor.u32 s3, s0;
	s1 =	sshll.u32 s1, $0x11  }
0xc2: {  	s0 =	sor.u32 s1, s0  }
0xc3: {  	s0 =	sadd.s32 $0x8F2B, s0  }
0xc4: {  	[sflag:s0] =	ssyncadd.remote.s32 $0x1  }
0xc5: {  	_ =	sfence.sel $0xFFFF  }
0xc6: {  	[dreg:$0x0] =	wrdreg $0xFFFFFFFF;
	(pc) =	sbr.abs _section_cstart, $3  }
0xc7: {  	[dreg:$0x1] =	wrdreg $0xFFFFFFFF  }
0xc8: {  	_ =	task.clear_ibuf [dreg:s7], $0x2FFFF;
	_ =	strace $0x9FFFFFFF  }
0xc9: {  	(tm) =	ssettm $0x7FFFFFFF  }
tec
execute0_lowered:
.L_overlay_start_1:
0x0: {  	(tag) =	ssettag $0x1  }
0x1: {  	s0 =	rddreg [dreg:$0x0]  }
0x2: {  	s1 =	rddreg [dreg:$0x1]  }
0x3: {  	s2 =	rddreg [dreg:$0x2];
	s3 =	simm.s32 $0x0  }
0x4: {  	s13 =	stileid.u32;
	s4 =	srdreg.scid;
	s28 =	simm.s32 $0x3  }
0x5: {  	s29 =	simm.s32 $0x2;
	s30 =	simm.s32 $0x78;
	s31 =	simm.s32 $0x4  }
0x6: {  	[smem:$0x7FF] =	sst s3;
	s5 =	smul.u32 $0x2710, s13;
	s4 =	sand.u32 $0x1, s4  }
0x7: {  	s7 =	sadd.s32 $0xA3200, s0;
	s9 =	sshll.u32 s13, $0x1;
	s15 =	smul.u32 $0x9C40, s13  }
0x8: {  	s26 =	sshll.u32 s13, $0x6;
	_ =	strace $0x80000056;
	s6 =	smul.u32 $0x27100, s4  }
0x9: {  	s10 =	ssub.s32 $0x2, s4;
	s9 =	sor.u32 s4, s9;
	s16 =	smul.u32 $0x4E20, s4  }
0xa: {  	s4 =	smul.u32 $0x2710, s4;
	s8 =	sshrl.u32 s5, $0x3;
	s11 =	sshrl.u32 s10, $0x1  }
0xb: {  	s14 =	smul.u32 $0x4E20, s9;
	s6 =	sadd.s32 s5, s6;
	s8 =	sadd.s32 s8, s0  }
0xc: {  	s10 =	ssub.s32 s10, s11;
	s5 =	sadd.s32 s5, s2;
	s6 =	sshrl.u32 s6, $0x3  }
0xd: {  	[dreg:$0x4] =	wrdreg s5;
	s9 =	sshrl.u32 s14, $0x3;
	s8 =	sadd.s32 $0x6A00, s8  }
0xe: {  	s11 =	sadd.s32 s7, s14;
	s12 =	sadd.s32 $0x50, s14;
	s10 =	smax.u32 s10, $0x1  }
0xf: {  	s18 =	sadd.s32 $0xA0, s14;
	s20 =	sadd.s32 $0x4DD0, s14;
	s0 =	sadd.s32 s6, s0  }
0x10: {  	[dreg:$0x5] =	wrdreg s8;
	s6 =	sor.u32 $0x1C05, s26;
	s9 =	sadd.s32 s1, s9  }
0x11: {  	[dreg:$0x7] =	wrdreg s11;
	s17 =	sshrl.u32 s12, $0x3;
	s12 =	sadd.s32 s7, s12  }
0x12: {  	s19 =	sshrl.u32 s18, $0x3;
	s14 =	sadd.s32 s7, s18;
	s21 =	sshrl.u32 s20, $0x3  }
0x13: {  	s18 =	sadd.s32 s16, s15;
	s16 =	sadd.s32 s7, s20;
	[dreg:$0x6] =	wrdreg s9  }
0x14: {  	s0 =	sadd.s32 $0xBA00, s0;
	s11 =	sadd.s32 s1, s17;
	s17 =	smul.u32 $0x4E20, s13  }
0x15: {  	s13 =	sadd.s32 s1, s19;
	s15 =	sadd.s32 s1, s21;
	s22 =	sadd.s32 $0xF0, s18  }
0x16: {  	s25 =	sadd.s32 $0x140, s18;
	s21 =	simm.s32 $0x5;
	[dreg:$0x8] =	wrdreg s0  }
0x17: {  	s23 =	sshrl.u32 s22, $0x3;
	s26 =	sshrl.u32 s25, $0x3;
	s22 =	simm.s32 $0xA0  }
0x18: {  	s25 =	simm.s32 $0x1;
	s0 =	simm.s32 $0x0;
	s4 =	sadd.s32 s4, s17  }
0x19: {  	s17 =	sadd.s32 s23, s1;
	s20 =	sadd.s32 s26, s1;
	s4 =	sshll.u32 s4, $0x1  }
0x1a: {  	s23 =	simm.s32 $0x50;
	s26 =	simm.s32 $0x28;
	s24 =	sadd.s32 s7, s4  }
0x1b: {  	s18 =	sadd.s32 $0xF0, s24;
	s19 =	sadd.s32 $0x140, s24;
	s24 =	simm.s32 $0x320  }
.LBB2_1:
0x1c: {  	s1 =	rddreg [dreg:$0x4]  }
0x1d: {  	s4 =	rddreg [dreg:$0x5];
	s1 =	sshrl.u32 s1, $0x3  }
0x1e: {  	[spmem:s1], [sflag:s6] =	dma.local [hbm:s4], $0x4E2  }
0x1f: {  	_ =	swait.ge [sflag:s21], $0x4E2  }
0x20: {  	[sflag:s21] =	ssyncset.done $0x0  }
0x21: {  	[sflag:s21] =	ssyncadd.s32 $0xFFFFFB1E  }
0x22: {  	[bflag:$0x0] =	sbarrier.arrive $0xFFFF  }
0x23: {  	s5 =	rddreg [dreg:$0x6]  }
0x24: {  	[tilespmem:s3], [sflag:$0x5] =	stream.linear.gather [hbm4b:s5+s3], $0x50, $0x38;
	[tilespmem:$0x2CB0] =	vst v63  }
0x25: {  	_ =	swait.ge [sflag:s21], $0x50  }
0x26: {  	[sflag:s21] =	ssyncset.done $0x0  }
0x27: {  	s7 =	rddreg [dreg:$0x7];
	[sflag:s21] =	ssyncadd.s32 $0xFFFFFFB0  }
0x28: {  	[tilespmem:s22], [sflag:$0x1] =	stream.linear.gather [hbm4b:s7+s3], $0x280, $0x38;
	[tilespmem:$0x2CB0] =	vst v63  }
0x29: {  	_ = 	snop  }
0x2a: {  	[tilespmem:s23], [sflag:$0x5] =	stream.linear.gather [hbm4b:s11+s3], $0x50, $0x38;
	[tilespmem:$0x2CB0] =	vst v63  }
0x2b: {  	_ =	swait.ge [sflag:s21], $0x50  }
0x2c: {  	[sflag:s21] =	ssyncset.done $0x0  }
0x2d: {  	[sflag:s21] =	ssyncadd.s32 $0xFFFFFFB0  }
0x2e: {  	[tilespmem:s24], [sflag:$0x2] =	stream.linear.gather [hbm4b:s12+s3], $0x280, $0x38;
	[tilespmem:$0x2CB0] =	vst v63  }
0x2f: {  	_ =	swait.ge [sflag:s25], $0x280  }
0x30: {  	[sflag:s25] =	ssyncset.done $0x0  }
0x31: {  	[sflag:s25] =	ssyncadd.s32 $0xFFFFFD80  }
0x32: {  	[spmem:s2] =	stream.indirect.scatter.add.f32 [tilespmem:s22], [sflag:$0x3], $0x10, s26, s26, $0xb8;
	[tilespmem:$0x2CB0] =	vst v63  }
0x33: {  	_ =	swait.ge [sflag:s28], $0x280  }
0x34: {  	[sflag:s28] =	ssyncset.done $0x0  }
0x35: {  	[sflag:s28] =	ssyncadd.s32 $0xFFFFFD80  }
0x36: {  	[tilespmem:s3], [sflag:$0x5] =	stream.linear.gather [hbm4b:s13+s3], $0x50, $0x38;
	[tilespmem:$0x2CB0] =	vst v63  }
0x37: {  	_ =	swait.ge [sflag:s21], $0x50  }
0x38: {  	[sflag:s21] =	ssyncset.done $0x0  }
0x39: {  	[sflag:s21] =	ssyncadd.s32 $0xFFFFFFB0  }
0x3a: {  	[tilespmem:s22], [sflag:$0x1] =	stream.linear.gather [hbm4b:s14+s3], $0x280, $0x38;
	[tilespmem:$0x2CB0] =	vst v63  }
0x3b: {  	_ =	swait.ge [sflag:s29], $0x280  }
0x3c: {  	[sflag:s29] =	ssyncset.done $0x0  }
0x3d: {  	[sflag:s29] =	ssyncadd.s32 $0xFFFFFD80  }
0x3e: {  	[spmem:s2] =	stream.indirect.scatter.add.f32 [tilespmem:s24], [sflag:$0x4], $0x10, s30, s26, $0xb8;
	[tilespmem:$0x2CB0] =	vst v63  }
0x3f: {  	_ =	swait.ge [sflag:s31], $0x280  }
0x40: {  	[sflag:s31] =	ssyncset.done $0x0  }
0x41: {  	s8 =	sadd.s32 $0x0, s17;
	[sflag:s31] =	ssyncadd.s32 $0xFFFFFD80  }
0x42: {  	[tilespmem:s23], [sflag:$0x5] =	stream.linear.gather [hbm4b:s8+s3], $0x50, $0x38;
	[tilespmem:$0x2CB0] =	vst v63  }
0x43: {  	_ =	swait.ge [sflag:s21], $0x50  }
0x44: {  	[sflag:s21] =	ssyncset.done $0x0  }
0x45: {  	[sflag:s21] =	ssyncadd.s32 $0xFFFFFFB0  }
0x46: {  	[tilespmem:s24], [sflag:$0x2] =	stream.linear.gather [hbm4b:s18+s3], $0x280, $0x38;
	[tilespmem:$0x2CB0] =	vst v63  }
0x47: {  	_ =	swait.ge [sflag:s25], $0x280  }
0x48: {  	[sflag:s25] =	ssyncset.done $0x0  }
0x49: {  	[sflag:s25] =	ssyncadd.s32 $0xFFFFFD80  }
0x4a: {  	[spmem:s2] =	stream.indirect.scatter.add.f32 [tilespmem:s22], [sflag:$0x3], $0x10, s26, s26, $0xb8;
	[tilespmem:$0x2CB0] =	vst v63  }
0x4b: {  	_ =	swait.ge [sflag:s28], $0x280  }
0x4c: {  	[sflag:s28] =	ssyncset.done $0x0  }
0x4d: {  	s9 =	sadd.s32 $0x0, s20;
	[sflag:s28] =	ssyncadd.s32 $0xFFFFFD80  }
0x4e: {  	[tilespmem:s3], [sflag:$0x5] =	stream.linear.gather [hbm4b:s9+s3], $0x50, $0x38;
	[tilespmem:$0x2CB0] =	vst v63  }
0x4f: {  	_ =	swait.ge [sflag:s21], $0x50  }
0x50: {  	[sflag:s21] =	ssyncset.done $0x0  }
0x51: {  	[sflag:s21] =	ssyncadd.s32 $0xFFFFFFB0  }
0x52: {  	[tilespmem:s22], [sflag:$0x1] =	stream.linear.gather [hbm4b:s19+s3], $0x280, $0x38;
	[tilespmem:$0x2CB0] =	vst v63  }
0x53: {  	_ =	swait.ge [sflag:s29], $0x280  }
0x54: {  	s4 =	simm.s32 $0x14;
	[sflag:s29] =	ssyncset.done $0x0  }
0x55: {  	s5 =	sadd.s32 $0xA0, s18;
	s7 =	sadd.s32 $0xA0, s19;
	[sflag:s29] =	ssyncadd.s32 $0xFFFFFD80  }
.LBB2_2:
0x56: {  	[spmem:s2] =	stream.indirect.scatter.add.f32 [tilespmem:s24], [sflag:$0x4], $0x10, s30, s26, $0xb8;
	[tilespmem:$0x2CB0] =	vst v63  }
0x57: {  	s8 =	smov.u32 s4  }
0x58: {  	p0 =	sne.s32 s4, $0x988;
	s4 =	sadd.s32 $0x14, s4;
	_ =	swait.ge [sflag:s31], $0x280  }
0x59: {  	[sflag:s31] =	ssyncset.done $0x0  }
0x5a: {  	s9 =	sadd.s32 s8, s17;
	[sflag:s31] =	ssyncadd.s32 $0xFFFFFD80  }
0x5b: {  	[tilespmem:s23], [sflag:$0x5] =	stream.linear.gather [hbm4b:s9+s3], $0x50, $0x38;
	[tilespmem:$0x2CB0] =	vst v63  }
0x5c: {  	_ =	swait.ge [sflag:s21], $0x50  }
0x5d: {  	[sflag:s21] =	ssyncset.done $0x0  }
0x5e: {  	[sflag:s21] =	ssyncadd.s32 $0xFFFFFFB0  }
0x5f: {  	[tilespmem:s24], [sflag:$0x2] =	stream.linear.gather [hbm4b:s5+s3], $0x280, $0x38;
	[tilespmem:$0x2CB0] =	vst v63  }
0x60: {  	_ =	swait.ge [sflag:s25], $0x280  }
0x61: {  	[sflag:s25] =	ssyncset.done $0x0  }
0x62: {  	[sflag:s25] =	ssyncadd.s32 $0xFFFFFD80  }
0x63: {  	[spmem:s2] =	stream.indirect.scatter.add.f32 [tilespmem:s22], [sflag:$0x3], $0x10, s26, s26, $0xb8;
	[tilespmem:$0x2CB0] =	vst v63  }
0x64: {  	_ =	swait.ge [sflag:s28], $0x280  }
0x65: {  	[sflag:s28] =	ssyncset.done $0x0  }
0x66: {  	s8 =	sadd.s32 s8, s20;
	[sflag:s28] =	ssyncadd.s32 $0xFFFFFD80  }
0x67: {  	[tilespmem:s3], [sflag:$0x5] =	stream.linear.gather [hbm4b:s8+s3], $0x50, $0x38;
	[tilespmem:$0x2CB0] =	vst v63  }
0x68: {  	_ =	swait.ge [sflag:s21], $0x50  }
0x69: {  	[sflag:s21] =	ssyncset.done $0x0  }
.Ltmp0:
0x6a: {  	[sflag:s21] =	ssyncadd.s32 $0xFFFFFFB0;
	(pc) =	sbr.rel @p0 .LBB2_2-.Ltmp0, $4  }
0x6b: {  	[tilespmem:s22], [sflag:$0x1] =	stream.linear.gather [hbm4b:s7+s3], $0x280, $0x38;
	[tilespmem:$0x2CB0] =	vst v63  }
0x6c: {  	_ =	swait.ge [sflag:s29], $0x280  }
0x6d: {  	[sflag:s29] =	ssyncset.done $0x0  }
0x6e: {  	s5 =	sadd.s32 $0xA0, s5;
	s7 =	sadd.s32 $0xA0, s7;
	[sflag:s29] =	ssyncadd.s32 $0xFFFFFD80  }
0x6f: {  	[spmem:s2] =	stream.indirect.scatter.add.f32 [tilespmem:s24], [sflag:$0x4], $0x10, s30, s26, $0xb8;
	[tilespmem:$0x2CB0] =	vst v63  }
0x70: {  	_ =	swait.ge [sflag:s31], $0x280  }
0x71: {  	[sflag:s31] =	ssyncset.done $0x0  }
0x72: {  	[sflag:s31] =	ssyncadd.s32 $0xFFFFFD80  }
0x73: {  	[tilespmem:s23], [sflag:$0x5] =	stream.linear.gather [hbm4b:s15+s3], $0x50, $0x38;
	[tilespmem:$0x2CB0] =	vst v63  }
0x74: {  	_ =	swait.ge [sflag:s21], $0x50  }
0x75: {  	[sflag:s21] =	ssyncset.done $0x0  }
0x76: {  	[sflag:s21] =	ssyncadd.s32 $0xFFFFFFB0  }
0x77: {  	[tilespmem:s24], [sflag:$0x2] =	stream.linear.gather [hbm4b:s16+s3], $0x280, $0x38;
	[tilespmem:$0x2CB0] =	vst v63  }
0x78: {  	_ =	swait.ge [sflag:s25], $0x280  }
0x79: {  	[sflag:s25] =	ssyncset.done $0x0  }
0x7a: {  	[sflag:s25] =	ssyncadd.s32 $0xFFFFFD80  }
0x7b: {  	[spmem:s2] =	stream.indirect.scatter.add.f32 [tilespmem:s22], [sflag:$0x3], $0x10, s26, s26, $0xb8;
	[tilespmem:$0x2CB0] =	vst v63  }
0x7c: {  	_ =	swait.ge [sflag:s29], $0x280  }
0x7d: {  	[sflag:s29] =	ssyncset.done $0x0  }
0x7e: {  	[sflag:s29] =	ssyncadd.s32 $0xFFFFFD80  }
0x7f: {  	[spmem:s2] =	stream.indirect.scatter.add.f32 [tilespmem:s24], [sflag:$0x4], $0x10, s30, s26, $0xb8;
	[tilespmem:$0x2CB0] =	vst v63  }
0x80: {  	_ =	swait.ge [sflag:s28], $0x280  }
0x81: {  	[sflag:s28] =	ssyncset.done $0x0  }
0x82: {  	[sflag:s28] =	ssyncadd.s32 $0xFFFFFD80  }
0x83: {  	_ =	swait.ge [sflag:s31], $0x280  }
0x84: {  	[sflag:s31] =	ssyncset.done $0x0  }
0x85: {  	s0 =	sadd.s32 $0x1, s0;
	[sflag:s31] =	ssyncadd.s32 $0xFFFFFD80  }
0x86: {  	p0 =	sne.s32 s0, s10;
	[bflag:$0x0] =	sbarrier.arrive $0xFFFF  }
.Ltmp1:
0x87: {  	s4 =	rddreg [dreg:$0x8];
	(pc) =	sbr.rel @p0 .LBB2_1-.Ltmp1, $4  }
0x88: {  	[hbm:s4], [sflag:s6] =	dma.local [spmem:s1], $0x4E2  }
0x89: {  	_ =	swait.ge [sflag:s21], $0x4E2  }
0x8a: {  	[sflag:s21] =	ssyncset.done $0x0  }
0x8b: {  	[sflag:s21] =	ssyncadd.s32 $0xFFFFFB1E  }
0x8c: {  	_ =	sfence.sel $0x180000  }
0x8d: {  	[bflag:$0x0] =	sbarrier.arrive $0xFFFF  }
0x8e: {  	_ =	strace $0x90000056  }
0x8f: {  	s0 =	stileid.u32;
	[bflag:$0x2] =	sbarrier.arrive $0xFFFF  }
0x90: {  	p0 =	sne.s32 s0, $0x0;
	s0 =	rddreg [dreg:$0x3]  }
0x91: {  	s0 =	sadd.s32 @!p0 $0x100000, s0  }
0x92: {  	[sflag:s0] =	ssyncadd.tile.s32 @!p0 $0x1;
	_ =	shalt  }
.Lfunc_end2:
_tile_overlayer_lowered:
.L_overlay_start_2:
0x93: {  	(tag) =	ssettag $0x2  }
0x94: {  	s0 =	rddreg [dreg:$0x0];
	s2 =	stileid.u32  }
0x95: {  	s1 =	rddreg [dreg:$0x1];
	p0 =	sne.s32 s2, $0x0  }
0x96: {  	s3 =	rddreg [dreg:$0x2];
	[bflag:$0x3] =	sbarrier.arrive $0xFFFF;
	s2 =	simm.s32 @!p0 $0x1C05  }
0x97: {  	[timem:s3], [sflag:s2] =	dma.local @!p0 [hbm:s0], s1  }
0x98: {  	s0 =	simm.s32 @!p0 $0x5  }
0x99: {  	_ =	swait.ge @!p0 [sflag:s0], s1  }
0x9a: {  	s1 =	ssub.s32 @!p0 $0x0, s1;
	[sflag:s0] =	ssyncset.done @!p0 $0x0  }
0x9b: {  	[sflag:s0] =	ssyncadd.s32 @!p0 s1  }
0x9c: {  	[bflag:$0x3] =	sbarrier.arrive $0xFFFF  }
0x9d: {  	_ =	shalt  }

</sc_bundles>
